<compile_context>
chip_gen: v7x
topology: tpu7x:2x2x1
jax: 0.10.2.dev20260603
libtpu: 0.0.44.dev20260713+nightly
codegen_flags: <defaults>
</compile_context>

<pallas_src>
import jax
import jax.numpy as jnp
from jax import lax
from jax.experimental import pallas as pl
from jax.experimental.pallas import tpu as pltpu
from jax.experimental.pallas import tpu_sc as plsc

N = 10000
E = 320000
DIM = 128
C = 16
NC = 2
NS = 16
NT = NC * NS
NPAD = 10240
ET = E // NT
GROUPS = ET // 16
K = 40
ROUND = 16
RING = 8
NCH = 256
CAP = NCH * K
ZROW = N
DROW = 0
RBLK = 512
NBLK = NPAD // RBLK
RPT = NPAD // NS

_MESH = plsc.VectorSubcoreMesh(core_axis_name="c", subcore_axis_name="s",
                               num_cores=NC, num_subcores=NS)
_SC_PARAMS = pltpu.CompilerParams(needs_layout_passes=False)


def _edge_scan_body(ei0_hbm, ei1_hbm, assign_hbm,
                    deg_hbm, cc_hbm, cu_hbm, cv_hbm, cnt_hbm,
                    assign_v, e0_v, e1_v, cu_v, cv_v, deg_v, cc_v, cnt_v):
    cid = lax.axis_index("c")
    sid = lax.axis_index("s")
    wid = cid * NS + sid
    base = wid * ET
    pltpu.sync_copy(assign_hbm, assign_v)
    pltpu.sync_copy(ei0_hbm.at[pl.ds(base, ET)], e0_v)
    pltpu.sync_copy(ei1_hbm.at[pl.ds(base, ET)], e1_v)

    zero16 = jnp.zeros((16,), jnp.float32)

    def zero_body(i, _):
        deg_v[pl.ds(i * 16, 16)] = zero16
        return 0

    lax.fori_loop(0, NPAD // 16, zero_body, 0)
    cc_v[...] = zero16

    ones = jnp.ones((16,), jnp.float32)

    def body(g, off):
        u = e0_v[pl.ds(g * 16, 16)]
        v = e1_v[pl.ds(g * 16, 16)]
        a0 = plsc.load_gather(assign_v, [u])
        a1 = plsc.load_gather(assign_v, [v])
        same = a0 == a1
        plsc.addupdate_scatter(deg_v, [v], ones, mask=same)
        plsc.addupdate_scatter(cc_v, [a0], ones, mask=same)
        plsc.store_compressed(cu_v.at[pl.ds(off, 16)], u, mask=same)
        plsc.store_compressed(cv_v.at[pl.ds(off, 16)], v, mask=same)
        return off + jnp.sum(same.astype(jnp.int32))

    m = lax.fori_loop(0, GROUPS, body, 0)

    zrow = jnp.full((16,), ZROW, jnp.int32)
    drow = jnp.full((16,), DROW, jnp.int32)
    for j in range(8):
        cu_v[pl.ds(m + j * 16, 16)] = zrow
        cv_v[pl.ds(m + j * 16, 16)] = drow

    nch = (m + K - 1) // K
    cnt_v[...] = jnp.full((16,), nch, jnp.int32)

    pltpu.sync_copy(deg_v, deg_hbm.at[wid])
    pltpu.sync_copy(cc_v, cc_hbm.at[wid])
    pltpu.sync_copy(cu_v, cu_hbm.at[wid])
    pltpu.sync_copy(cv_v, cv_hbm.at[wid])
    pltpu.sync_copy(cnt_v, cnt_hbm.at[wid])


_edge_scan = pl.kernel(
    _edge_scan_body,
    out_type=(jax.ShapeDtypeStruct((NT, NPAD), jnp.float32),
              jax.ShapeDtypeStruct((NT, C), jnp.float32),
              jax.ShapeDtypeStruct((NT, CAP), jnp.int32),
              jax.ShapeDtypeStruct((NT, CAP), jnp.int32),
              jax.ShapeDtypeStruct((NT, 16), jnp.int32)),
    mesh=_MESH,
    scratch_types=[
        pltpu.VMEM((N,), jnp.int32),
        pltpu.VMEM((ET,), jnp.int32),
        pltpu.VMEM((ET,), jnp.int32),
        pltpu.VMEM((CAP,), jnp.int32),
        pltpu.VMEM((CAP,), jnp.int32),
        pltpu.VMEM((NPAD,), jnp.float32),
        pltpu.VMEM((C,), jnp.float32),
        pltpu.VMEM((16,), jnp.int32),
    ],
    compiler_params=_SC_PARAMS,
)


def _mm_body(x_ref, w_ref, degt_ref, y_ref, dinv_ref):
    i = pl.program_id(0)
    deg = jnp.sum(degt_ref[...], axis=1, keepdims=True) + 1.0
    dinv = lax.rsqrt(deg)
    row = i * RBLK + lax.broadcasted_iota(jnp.int32, (RBLK, 1), 0)
    xm = jnp.where(row < N, x_ref[...], 0.0)
    y_ref[...] = jnp.dot(xm, w_ref[...], preferred_element_type=jnp.float32) * dinv
    dinv_ref[...] = dinv


def _mm(x, w, degt):
    return pl.pallas_call(
        _mm_body,
        grid=(NBLK,),
        in_specs=[pl.BlockSpec((RBLK, DIM), lambda i: (i, 0)),
                  pl.BlockSpec((DIM, DIM), lambda i: (0, 0)),
                  pl.BlockSpec((RBLK, NT), lambda i: (i, 0))],
        out_specs=[pl.BlockSpec((RBLK, DIM), lambda i: (i, 0)),
                   pl.BlockSpec((RBLK, 1), lambda i: (i, 0))],
        out_shape=[jax.ShapeDtypeStruct((NPAD, DIM), jnp.float32),
                   jax.ShapeDtypeStruct((NPAD, 1), jnp.float32)],
    )(x, w, degt)


def _msg_body(cu_hbm, cv_hbm, cnt_hbm, y_hbm, z_hbm, acc_hbm,
              uidx_v, vidx_v, cnt_v, rows_v, acc_sh,
              sem0, sem1, sem2, sem3, sem4, sem5, sem6, sem7,
              sem8, sem9, sem10, sem11, sem12, sem13, sem14, sem15):
    cid = lax.axis_index("c")
    sid = lax.axis_index("s")
    wid = cid * NS + sid
    sems = [sem0, sem1, sem2, sem3, sem4, sem5, sem6, sem7,
            sem8, sem9, sem10, sem11, sem12, sem13, sem14, sem15]
    pltpu.sync_copy(cnt_hbm.at[wid], cnt_v)
    pltpu.sync_copy(z_hbm, acc_sh.at[pl.ds(sid * RPT, RPT)])
    plsc.subcore_barrier()

    nch = jnp.max(cnt_v[...])

    def fire(b, j, buf):
        @pl.when(b + j < nch)
        def _():
            pltpu.async_copy(y_hbm.at[uidx_v.at[j]], rows_v.at[buf], sems[buf])

    def roundfn(r, _):
        b = r * ROUND
        ba = pl.multiple_of(b, ROUND)
        pltpu.sync_copy(cu_hbm.at[wid, pl.ds(ba, ROUND)], uidx_v)
        pltpu.sync_copy(cv_hbm.at[wid, pl.ds(ba, ROUND)], vidx_v)
        for j in range(RING - 1):
            fire(b, j, j)
        for j in range(ROUND):
            jn = j + RING - 1
            if jn < ROUND:
                fire(b, jn, jn % RING)

            @pl.when(b + j < nch)
            def _(j=j):
                pltpu.make_async_copy(y_hbm.at[uidx_v.at[j]],
                                      rows_v.at[j % RING],
                                      sems[j % RING]).wait()
                pltpu.sync_copy(rows_v.at[j % RING], acc_sh.at[vidx_v.at[j]],
                                add=True)

        return 0

    lax.fori_loop(0, (nch + ROUND - 1) // ROUND, roundfn, 0)
    plsc.subcore_barrier()
    pltpu.sync_copy(acc_sh.at[pl.ds(sid * RPT, RPT)],
                    acc_hbm.at[cid, pl.ds(sid * RPT, RPT)])


_msg = pl.kernel(
    _msg_body,
    out_type=jax.ShapeDtypeStruct((NC, NPAD, DIM), jnp.float32),
    mesh=_MESH,
    scratch_types=[
        pltpu.VMEM((ROUND, K), jnp.int32),
        pltpu.VMEM((ROUND, K), jnp.int32),
        pltpu.VMEM((16,), jnp.int32),
        pltpu.VMEM((RING, K, DIM), jnp.float32),
        pltpu.VMEM_SHARED((NPAD, DIM), jnp.float32),
    ] + [pltpu.SemaphoreType.DMA] * 16,
    compiler_params=_SC_PARAMS,
)


def _final_body(acc_ref, y_ref, x_ref, dinv_ref, cc_ref, asg_ref, b_ref, o_ref):
    dinv = dinv_ref[...]
    out = (acc_ref[0] + acc_ref[1] + y_ref[...]) * dinv + b_ref[...]
    hedge = (jnp.sum(cc_ref[...], axis=0, keepdims=True) > 0.0
             ).astype(jnp.float32)
    onehot = (asg_ref[...] == lax.broadcasted_iota(jnp.int32, (1, C), 1)
              ).astype(jnp.float32)
    updf = jnp.sum(onehot * hedge, axis=1, keepdims=True)
    o_ref[...] = jnp.where(updf > 0.0, out, x_ref[...])


def _final(acc2, y, x, dinv_col, cc, asg_col, b2):
    return pl.pallas_call(
        _final_body,
        grid=(NBLK,),
        in_specs=[pl.BlockSpec((NC, RBLK, DIM), lambda i: (0, i, 0)),
                  pl.BlockSpec((RBLK, DIM), lambda i: (i, 0)),
                  pl.BlockSpec((RBLK, DIM), lambda i: (i, 0)),
                  pl.BlockSpec((RBLK, 1), lambda i: (i, 0)),
                  pl.BlockSpec((NT, C), lambda i: (0, 0)),
                  pl.BlockSpec((RBLK, 1), lambda i: (i, 0)),
                  pl.BlockSpec((1, DIM), lambda i: (0, 0))],
        out_specs=pl.BlockSpec((RBLK, DIM), lambda i: (i, 0)),
        out_shape=jax.ShapeDtypeStruct((N, DIM), jnp.float32),
    )(acc2, y, x, dinv_col, cc, asg_col, b2)


def kernel(X, assign, full_ei, W, b):
    assign = assign.astype(jnp.int32)
    ei0 = full_ei[0].astype(jnp.int32)
    ei1 = full_ei[1].astype(jnp.int32)

    deg32, cc32, cu, cv, cnt = _edge_scan(ei0, ei1, assign)
    y, dinv_col = _mm(X, W, deg32.T)

    zeros = jnp.zeros((RPT, DIM), jnp.float32)
    acc2 = _msg(cu.reshape(NT, NCH, K), cv.reshape(NT, NCH, K), cnt, y, zeros)

    asg_col = assign.reshape(N, 1)
    return _final(acc2, y, X, dinv_col, cc32, asg_col, b.reshape(1, DIM))

# --- scband reference (transcript-rebuilt; emitter-appended) ---
"""Pipeline reference for scband-cluster-gcnlayer-66563403153821 (READ-ONLY COPY).

The authoritative reference and input builder live on the scoring server;
editing this copy changes nothing except your own understanding.
"""

import jax, jax.numpy as jnp
import numpy as np


def gcn_conv(x, ei, W, b):
    # PyG GCNConv: add self loops, symmetric normalization, linear (no lin bias), aggregate, add bias
    n = x.shape[0]
    xw = x @ W
    row = jnp.concatenate([ei[0], jnp.arange(n, dtype=ei.dtype)])
    col = jnp.concatenate([ei[1], jnp.arange(n, dtype=ei.dtype)])
    deg = jnp.zeros((n,), dtype=xw.dtype).at[col].add(1.0)
    dinv = jnp.where(deg > 0, 1.0 / jnp.sqrt(deg), 0.0)
    norm = dinv[row] * dinv[col]
    out = jnp.zeros_like(xw).at[col].add(xw[row] * norm[:, None])
    return out + b


def setup_inputs(seed: int = 0) -> dict:
    key = jax.random.key(seed)
    k1, k2, k3, k4, k5 = jax.random.split(key, 5)
    N, E, D, C = 10000, 320000, 128, 16
    X = jax.random.normal(k1, (N, D), dtype=jnp.float32)
    assign = jax.random.randint(k2, (N,), 0, C, dtype=jnp.int64)
    full_ei = jax.random.randint(k3, (2, E), 0, N, dtype=jnp.int64)
    W = jax.random.normal(k4, (D, D), dtype=jnp.float32) * (1.0 / np.sqrt(D))
    b = jax.random.normal(k5, (D,), dtype=jnp.float32) * 0.01
    return {"X": X, "assign": assign, "full_ei": full_ei, "W": W, "b": b}


def reference(X, assign, full_ei, W, b):
    N = assign.shape[0]
    C = 16
    ei0 = full_ei[0]
    ei1 = full_ei[1]
    xw = X @ W
    X_up = X
    for c in range(C):
        mask = assign == c
        emask = mask[ei0] & mask[ei1]
        ew = emask.astype(xw.dtype)
        deg = jnp.zeros((N,), dtype=xw.dtype).at[ei1].add(ew) + mask.astype(xw.dtype)
        dinv = jnp.where(deg > 0, 1.0 / jnp.sqrt(deg), 0.0)
        norm = dinv[ei0] * dinv[ei1] * ew
        out = jnp.zeros_like(xw).at[ei1].add(xw[ei0] * norm[:, None])
        out = out + xw * (dinv * dinv)[:, None]
        out = out + b
        upd = mask & jnp.any(emask)
        X_up = jnp.where(upd[:, None], out, X_up)
    return X_up

if __name__ == "__main__":
    import jax
    _d = setup_inputs()
    print(jax.jit(kernel)(*tuple(_d.values())))

</pallas_src>

<mosaic_0001>
#map = affine_map<(d0, d1) -> (0, 0, 0)>
#map1 = affine_map<(d0, d1) -> (0, 0)>
module attributes {stable_mosaic.version = 14 : i64} {
  func.func @_msg_body(%arg0: i32, %arg1: i32, %arg2: memref<32x256x40xi32, #tpu.memory_space<hbm>>, %arg3: memref<32x256x40xi32, #tpu.memory_space<hbm>>, %arg4: memref<32x16xi32, #tpu.memory_space<hbm>>, %arg5: memref<10240x128xf32, #tpu.memory_space<hbm>>, %arg6: memref<640x128xf32, #tpu.memory_space<hbm>>, %arg7: memref<2x10240x128xf32, #tpu.memory_space<hbm>>, %arg8: memref<16x40xi32, #tpu.memory_space<vmem>>, %arg9: memref<16x40xi32, #tpu.memory_space<vmem>>, %arg10: memref<16xi32, #tpu.memory_space<vmem>>, %arg11: memref<8x40x128xf32, #tpu.memory_space<vmem>>, %arg12: memref<10240x128xf32, #tpu.memory_space<vmem_shared>>, %arg13: memref<!tpu.dma_semaphore, #tpu.memory_space<semaphore_mem>>, %arg14: memref<!tpu.dma_semaphore, #tpu.memory_space<semaphore_mem>>, %arg15: memref<!tpu.dma_semaphore, #tpu.memory_space<semaphore_mem>>, %arg16: memref<!tpu.dma_semaphore, #tpu.memory_space<semaphore_mem>>, %arg17: memref<!tpu.dma_semaphore, #tpu.memory_space<semaphore_mem>>, %arg18: memref<!tpu.dma_semaphore, #tpu.memory_space<semaphore_mem>>, %arg19: memref<!tpu.dma_semaphore, #tpu.memory_space<semaphore_mem>>, %arg20: memref<!tpu.dma_semaphore, #tpu.memory_space<semaphore_mem>>, %arg21: memref<!tpu.dma_semaphore, #tpu.memory_space<semaphore_mem>>, %arg22: memref<!tpu.dma_semaphore, #tpu.memory_space<semaphore_mem>>, %arg23: memref<!tpu.dma_semaphore, #tpu.memory_space<semaphore_mem>>, %arg24: memref<!tpu.dma_semaphore, #tpu.memory_space<semaphore_mem>>, %arg25: memref<!tpu.dma_semaphore, #tpu.memory_space<semaphore_mem>>, %arg26: memref<!tpu.dma_semaphore, #tpu.memory_space<semaphore_mem>>, %arg27: memref<!tpu.dma_semaphore, #tpu.memory_space<semaphore_mem>>, %arg28: memref<!tpu.dma_semaphore, #tpu.memory_space<semaphore_mem>>) attributes {dimension_semantics = [#tpu.dimension_semantics<core_parallel>, #tpu.dimension_semantics<subcore_parallel>], iteration_bounds = array<i64: 2, 16>, scalar_prefetch = 0 : i64, scratch_operands = 21 : i64, tpu.core_type = #tpu.core_type<sc_vector_subcore>, window_params = [{transform_indices = #map}, {transform_indices = #map}, {transform_indices = #map1}, {transform_indices = #map1}, {transform_indices = #map1}, {transform_indices = #map}]} {
    %mul3A = arith.constant 16 : i32
    %mul3A_0 = arith.muli %arg0, %mul3A : i32
    %add3A = arith.addi %mul3A_0, %arg1 : i32
    "tpu.region"() ({
      %run_scoped3A = tpu.sem_alloc : memref<!tpu.dma_semaphore, #tpu.memory_space<semaphore_mem>>
      %dma_start3A = arith.constant 0 : i32
      %dma_start3A_47 = tpu.memref_slice %arg4[%add3A, %dma_start3A] : memref<32x16xi32, #tpu.memory_space<hbm>> -> memref<1x16xi32, #tpu.memory_space<hbm>>
      %dma_start3A_48 = tpu.memref_squeeze %dma_start3A_47 : memref<1x16xi32, #tpu.memory_space<hbm>> -> memref<16xi32, #tpu.memory_space<hbm>>
      %dma_start3A_49 = arith.constant 0 : i32
      %dma_start3A_50 = tpu.memref_slice %arg4[%add3A, %dma_start3A_49] : memref<32x16xi32, #tpu.memory_space<hbm>> -> memref<1x16xi32, #tpu.memory_space<hbm>>
      %dma_start3A_51 = tpu.memref_squeeze %dma_start3A_50 : memref<1x16xi32, #tpu.memory_space<hbm>> -> memref<16xi32, #tpu.memory_space<hbm>>
      tpu.enqueue_dma source(%dma_start3A_51 : memref<16xi32, #tpu.memory_space<hbm>>) target(%arg10 : memref<16xi32, #tpu.memory_space<vmem>>) target_semaphore(%run_scoped3A : memref<!tpu.dma_semaphore, #tpu.memory_space<semaphore_mem>>)
      %dma_wait3A = arith.constant 0 : i32
      %dma_wait3A_52 = tpu.memref_slice %arg4[%add3A, %dma_wait3A] : memref<32x16xi32, #tpu.memory_space<hbm>> -> memref<1x16xi32, #tpu.memory_space<hbm>>
      %dma_wait3A_53 = tpu.memref_squeeze %dma_wait3A_52 : memref<1x16xi32, #tpu.memory_space<hbm>> -> memref<16xi32, #tpu.memory_space<hbm>>
      %dma_wait3A_54 = arith.constant 0 : i32
      %dma_wait3A_55 = tpu.memref_slice %arg4[%add3A, %dma_wait3A_54] : memref<32x16xi32, #tpu.memory_space<hbm>> -> memref<1x16xi32, #tpu.memory_space<hbm>>
      %dma_wait3A_56 = tpu.memref_squeeze %dma_wait3A_55 : memref<1x16xi32, #tpu.memory_space<hbm>> -> memref<16xi32, #tpu.memory_space<hbm>>
      tpu.wait_dma2 semaphore(%run_scoped3A : memref<!tpu.dma_semaphore, #tpu.memory_space<semaphore_mem>>) src(%dma_wait3A_56 : memref<16xi32, #tpu.memory_space<hbm>>) dst(%arg10 : memref<16xi32, #tpu.memory_space<vmem>>)
      tpu.yield
    }) : () -> ()
    %mul3A_1 = arith.constant 640 : i32
    %mul3A_2 = arith.muli %arg1, %mul3A_1 : i32
    "tpu.region"() ({
      %run_scoped3A = tpu.sem_alloc : memref<!tpu.dma_semaphore, #tpu.memory_space<semaphore_mem>>
      %dma_start3A = arith.constant 0 : i32
      %dma_start3A_47 = tpu.memref_slice %arg12[%mul3A_2, %dma_start3A] : memref<10240x128xf32, #tpu.memory_space<vmem_shared>> -> memref<640x128xf32, #tpu.memory_space<vmem_shared>>
      tpu.enqueue_dma source(%arg6 : memref<640x128xf32, #tpu.memory_space<hbm>>) target(%dma_start3A_47 : memref<640x128xf32, #tpu.memory_space<vmem_shared>>) target_semaphore(%run_scoped3A : memref<!tpu.dma_semaphore, #tpu.memory_space<semaphore_mem>>)
      %dma_wait3A = arith.constant 0 : i32
      %dma_wait3A_48 = tpu.memref_slice %arg12[%mul3A_2, %dma_wait3A] : memref<10240x128xf32, #tpu.memory_space<vmem_shared>> -> memref<640x128xf32, #tpu.memory_space<vmem_shared>>
      tpu.wait_dma2 semaphore(%run_scoped3A : memref<!tpu.dma_semaphore, #tpu.memory_space<semaphore_mem>>) src(%arg6 : memref<640x128xf32, #tpu.memory_space<hbm>>) dst(%dma_wait3A_48 : memref<640x128xf32, #tpu.memory_space<vmem_shared>>)
      tpu.yield
    }) : () -> ()
    %barrier3A = arith.constant 0 : index
    tpu.barrier barrier_id(%barrier3A)
    %get3A = arith.constant 0 : index
    %get3A_3 = tpu.vector_load %arg10[%get3A] {strides = array<i32>} : memref<16xi32, #tpu.memory_space<vmem>>, vector<16xi32>,
    %reduce_max3A = arith.constant true
    %reduce_max3A_4 = vector.broadcast %reduce_max3A : i1 to vector<16xi1>
    %reduce_max3A_5 = arith.constant -2147483648 : i32
    %reduce_max3A_6 = vector.broadcast %reduce_max3A_5 : i32 to vector<16xi32>
    %reduce_max3A_7 = arith.xori %get3A_3, %reduce_max3A_6 : vector<16xi32>
    %reduce_max3A_8 = tpu.scan <max>, %reduce_max3A_7 masked %reduce_max3A_4 : vector<16xi32>, vector<16xi1> -> vector<16xi32>
    %reduce_max3A_9 = arith.xori %reduce_max3A_8, %reduce_max3A_6 : vector<16xi32>
    %reduce_max3A_10 = vector.extract %reduce_max3A_9[15] : i32 from vector<16xi32>
    %add3A_11 = arith.constant 16 : i32
    %add3A_12 = arith.addi %reduce_max3A_10, %add3A_11 : i32
    %sub3A = arith.constant 1 : i32
    %sub3A_13 = arith.subi %add3A_12, %sub3A : i32
    %jit3A = arith.constant 16 : i32
    %div3A = arith.divsi %sub3A_13, %jit3A : i32
    %sign3A = arith.constant 0 : i32
    %sign3A_14 = arith.cmpi sgt, %sub3A_13, %sign3A : i32
    %sign3A_15 = arith.extui %sign3A_14 : i1 to i32
    %sign3A_16 = arith.constant 0 : i32
    %sign3A_17 = arith.cmpi slt, %sub3A_13, %sign3A_16 : i32
    %sign3A_18 = arith.extui %sign3A_17 : i1 to i32
    %sign3A_19 = arith.subi %sign3A_15, %sign3A_18 : i32
    %sign3A_20 = arith.constant 0 : i32
    %sign3A_21 = arith.cmpi sgt, %jit3A, %sign3A_20 : i32
    %sign3A_22 = arith.extui %sign3A_21 : i1 to i32
    %sign3A_23 = arith.constant 0 : i32
    %sign3A_24 = arith.cmpi slt, %jit3A, %sign3A_23 : i32
    %sign3A_25 = arith.extui %sign3A_24 : i1 to i32
    %sign3A_26 = arith.subi %sign3A_22, %sign3A_25 : i32
    %ne3A = arith.cmpi ne, %sign3A_19, %sign3A_26 : i32
    %rem3A = arith.remsi %sub3A_13, %jit3A : i32
    %ne3A_27 = arith.constant 0 : i32
    %ne3A_28 = arith.cmpi ne, %rem3A, %ne3A_27 : i32
    %and3A = arith.andi %ne3A, %ne3A_28 : i1
    %sub3A_29 = arith.constant 1 : i32
    %sub3A_30 = arith.subi %div3A, %sub3A_29 : i32
    %select_n3A = arith.select %and3A, %sub3A_30, %div3A : i32
    %while3A = arith.constant 0 : i32
    %while3A_31 = arith.constant 0 : i32
    %while3A_32 = arith.subi %select_n3A, %while3A : i32
    %while3A_33 = arith.addi %while3A, %while3A_32 : i32
    %while3A_34 = arith.constant 1 : i32
    %while3A_35 = arith.divsi %while3A_32, %while3A_34 : i32
    %while3A_36 = arith.muli %while3A_35, %while3A_34 : i32
    %while3A_37 = arith.addi %while3A, %while3A_36 : i32
    %while3A_38 = arith.constant 1 : i32
    %while3A_39 = scf.for %while3A_47 = %while3A to %while3A_37 step %while3A_38 iter_args(%while3A_48 = %while3A_31) -> (i32)  : i32 {
      %mul3A_49 = arith.constant 16 : i32
      %mul3A_50 = arith.muli %while3A_47, %mul3A_49 : i32
      %multiple_of3A = tpu.assume_multiple %mul3A_50, 16 : i32
      "tpu.region"() ({
        %run_scoped3A = tpu.sem_alloc : memref<!tpu.dma_semaphore, #tpu.memory_space<semaphore_mem>>
        %dma_start3A = arith.constant 0 : i32
        %dma_start3A_241 = tpu.memref_slice %arg2[%add3A, %multiple_of3A, %dma_start3A] : memref<32x256x40xi32, #tpu.memory_space<hbm>> -> memref<1x16x40xi32, #tpu.memory_space<hbm>>
        %dma_start3A_242 = tpu.memref_squeeze %dma_start3A_241 : memref<1x16x40xi32, #tpu.memory_space<hbm>> -> memref<16x40xi32, #tpu.memory_space<hbm>>
        %dma_start3A_243 = arith.constant 0 : i32
        %dma_start3A_244 = tpu.memref_slice %arg2[%add3A, %multiple_of3A, %dma_start3A_243] : memref<32x256x40xi32, #tpu.memory_space<hbm>> -> memref<1x16x40xi32, #tpu.memory_space<hbm>>
        %dma_start3A_245 = tpu.memref_squeeze %dma_start3A_244 : memref<1x16x40xi32, #tpu.memory_space<hbm>> -> memref<16x40xi32, #tpu.memory_space<hbm>>
        tpu.enqueue_dma source(%dma_start3A_245 : memref<16x40xi32, #tpu.memory_space<hbm>>) target(%arg8 : memref<16x40xi32, #tpu.memory_space<vmem>>) target_semaphore(%run_scoped3A : memref<!tpu.dma_semaphore, #tpu.memory_space<semaphore_mem>>)
        %dma_wait3A = arith.constant 0 : i32
        %dma_wait3A_246 = tpu.memref_slice %arg2[%add3A, %multiple_of3A, %dma_wait3A] : memref<32x256x40xi32, #tpu.memory_space<hbm>> -> memref<1x16x40xi32, #tpu.memory_space<hbm>>
        %dma_wait3A_247 = tpu.memref_squeeze %dma_wait3A_246 : memref<1x16x40xi32, #tpu.memory_space<hbm>> -> memref<16x40xi32, #tpu.memory_space<hbm>>
        %dma_wait3A_248 = arith.constant 0 : i32
        %dma_wait3A_249 = tpu.memref_slice %arg2[%add3A, %multiple_of3A, %dma_wait3A_248] : memref<32x256x40xi32, #tpu.memory_space<hbm>> -> memref<1x16x40xi32, #tpu.memory_space<hbm>>
        %dma_wait3A_250 = tpu.memref_squeeze %dma_wait3A_249 : memref<1x16x40xi32, #tpu.memory_space<hbm>> -> memref<16x40xi32, #tpu.memory_space<hbm>>
        tpu.wait_dma2 semaphore(%run_scoped3A : memref<!tpu.dma_semaphore, #tpu.memory_space<semaphore_mem>>) src(%dma_wait3A_250 : memref<16x40xi32, #tpu.memory_space<hbm>>) dst(%arg8 : memref<16x40xi32, #tpu.memory_space<vmem>>)
        tpu.yield
      }) : () -> ()
      "tpu.region"() ({
        %run_scoped3A = tpu.sem_alloc : memref<!tpu.dma_semaphore, #tpu.memory_space<semaphore_mem>>
        %dma_start3A = arith.constant 0 : i32
        %dma_start3A_241 = tpu.memref_slice %arg3[%add3A, %multiple_of3A, %dma_start3A] : memref<32x256x40xi32, #tpu.memory_space<hbm>> -> memref<1x16x40xi32, #tpu.memory_space<hbm>>
        %dma_start3A_242 = tpu.memref_squeeze %dma_start3A_241 : memref<1x16x40xi32, #tpu.memory_space<hbm>> -> memref<16x40xi32, #tpu.memory_space<hbm>>
        %dma_start3A_243 = arith.constant 0 : i32
        %dma_start3A_244 = tpu.memref_slice %arg3[%add3A, %multiple_of3A, %dma_start3A_243] : memref<32x256x40xi32, #tpu.memory_space<hbm>> -> memref<1x16x40xi32, #tpu.memory_space<hbm>>
        %dma_start3A_245 = tpu.memref_squeeze %dma_start3A_244 : memref<1x16x40xi32, #tpu.memory_space<hbm>> -> memref<16x40xi32, #tpu.memory_space<hbm>>
        tpu.enqueue_dma source(%dma_start3A_245 : memref<16x40xi32, #tpu.memory_space<hbm>>) target(%arg9 : memref<16x40xi32, #tpu.memory_space<vmem>>) target_semaphore(%run_scoped3A : memref<!tpu.dma_semaphore, #tpu.memory_space<semaphore_mem>>)
        %dma_wait3A = arith.constant 0 : i32
        %dma_wait3A_246 = tpu.memref_slice %arg3[%add3A, %multiple_of3A, %dma_wait3A] : memref<32x256x40xi32, #tpu.memory_space<hbm>> -> memref<1x16x40xi32, #tpu.memory_space<hbm>>
        %dma_wait3A_247 = tpu.memref_squeeze %dma_wait3A_246 : memref<1x16x40xi32, #tpu.memory_space<hbm>> -> memref<16x40xi32, #tpu.memory_space<hbm>>
        %dma_wait3A_248 = arith.constant 0 : i32
        %dma_wait3A_249 = tpu.memref_slice %arg3[%add3A, %multiple_of3A, %dma_wait3A_248] : memref<32x256x40xi32, #tpu.memory_space<hbm>> -> memref<1x16x40xi32, #tpu.memory_space<hbm>>
        %dma_wait3A_250 = tpu.memref_squeeze %dma_wait3A_249 : memref<1x16x40xi32, #tpu.memory_space<hbm>> -> memref<16x40xi32, #tpu.memory_space<hbm>>
        tpu.wait_dma2 semaphore(%run_scoped3A : memref<!tpu.dma_semaphore, #tpu.memory_space<semaphore_mem>>) src(%dma_wait3A_250 : memref<16x40xi32, #tpu.memory_space<hbm>>) dst(%arg9 : memref<16x40xi32, #tpu.memory_space<vmem>>)
        tpu.yield
      }) : () -> ()
      %add3A_51 = arith.constant 0 : i32
      %add3A_52 = arith.addi %mul3A_50, %add3A_51 : i32
      %lt3A = arith.cmpi slt, %add3A_52, %reduce_max3A_10 : i32
      %convert_element_type3A = arith.extui %lt3A : i1 to i32
      %cond3A = arith.constant 0 : i32
      %cond3A_53 = arith.cmpi ne, %convert_element_type3A, %cond3A : i32
      scf.if %cond3A_53 {
        %dma_start3A = arith.constant 0 : i32
        %dma_start3A_241 = arith.constant 0 : i32
        %dma_start3A_242 = arith.constant 0 : i32
        %dma_start3A_243 = arith.constant 0 : i32
        %dma_start3A_244 = tpu.memref_slice %arg11[%dma_start3A_241, %dma_start3A_242, %dma_start3A_243] : memref<8x40x128xf32, #tpu.memory_space<vmem>> -> memref<1x40x128xf32, #tpu.memory_space<vmem>>
        %dma_start3A_245 = tpu.memref_squeeze %dma_start3A_244 : memref<1x40x128xf32, #tpu.memory_space<vmem>> -> memref<40x128xf32, #tpu.memory_space<vmem>>
        %dma_start3A_246 = arith.constant 0 : i32
        %dma_start3A_247 = tpu.memref_slice %arg8[%dma_start3A, %dma_start3A_246] : memref<16x40xi32, #tpu.memory_space<vmem>> -> memref<1x40xi32, #tpu.memory_space<vmem>>
        %dma_start3A_248 = tpu.memref_squeeze %dma_start3A_247 : memref<1x40xi32, #tpu.memory_space<vmem>> -> memref<40xi32, #tpu.memory_space<vmem>>
        %dma_start3A_249 = arith.constant 0 : i32
        %dma_start3A_250 = arith.constant 0 : i32
        %dma_start3A_251 = tpu.memref_slice %arg5[%dma_start3A_249, %dma_start3A_250] : memref<10240x128xf32, #tpu.memory_space<hbm>> -> memref<10240x128xf32, #tpu.memory_space<hbm>>
        tpu.enqueue_indirect_dma source(%dma_start3A_251 : memref<10240x128xf32, #tpu.memory_space<hbm>>) target(%dma_start3A_245 : memref<40x128xf32, #tpu.memory_space<vmem>>) offsets(%dma_start3A_248 : memref<40xi32, #tpu.memory_space<vmem>>) semaphore(%arg13 : memref<!tpu.dma_semaphore, #tpu.memory_space<semaphore_mem>>)
      } else {
      }
      %add3A_54 = arith.constant 1 : i32
      %add3A_55 = arith.addi %mul3A_50, %add3A_54 : i32
      %lt3A_56 = arith.cmpi slt, %add3A_55, %reduce_max3A_10 : i32
      %convert_element_type3A_57 = arith.extui %lt3A_56 : i1 to i32
      %cond3A_58 = arith.constant 0 : i32
      %cond3A_59 = arith.cmpi ne, %convert_element_type3A_57, %cond3A_58 : i32
      scf.if %cond3A_59 {
        %dma_start3A = arith.constant 1 : i32
        %dma_start3A_241 = arith.constant 1 : i32
        %dma_start3A_242 = arith.constant 0 : i32
        %dma_start3A_243 = arith.constant 0 : i32
        %dma_start3A_244 = tpu.memref_slice %arg11[%dma_start3A_241, %dma_start3A_242, %dma_start3A_243] : memref<8x40x128xf32, #tpu.memory_space<vmem>> -> memref<1x40x128xf32, #tpu.memory_space<vmem>>
        %dma_start3A_245 = tpu.memref_squeeze %dma_start3A_244 : memref<1x40x128xf32, #tpu.memory_space<vmem>> -> memref<40x128xf32, #tpu.memory_space<vmem>>
        %dma_start3A_246 = arith.constant 0 : i32
        %dma_start3A_247 = tpu.memref_slice %arg8[%dma_start3A, %dma_start3A_246] : memref<16x40xi32, #tpu.memory_space<vmem>> -> memref<1x40xi32, #tpu.memory_space<vmem>>
        %dma_start3A_248 = tpu.memref_squeeze %dma_start3A_247 : memref<1x40xi32, #tpu.memory_space<vmem>> -> memref<40xi32, #tpu.memory_space<vmem>>
        %dma_start3A_249 = arith.constant 0 : i32
        %dma_start3A_250 = arith.constant 0 : i32
        %dma_start3A_251 = tpu.memref_slice %arg5[%dma_start3A_249, %dma_start3A_250] : memref<10240x128xf32, #tpu.memory_space<hbm>> -> memref<10240x128xf32, #tpu.memory_space<hbm>>
        tpu.enqueue_indirect_dma source(%dma_start3A_251 : memref<10240x128xf32, #tpu.memory_space<hbm>>) target(%dma_start3A_245 : memref<40x128xf32, #tpu.memory_space<vmem>>) offsets(%dma_start3A_248 : memref<40xi32, #tpu.memory_space<vmem>>) semaphore(%arg14 : memref<!tpu.dma_semaphore, #tpu.memory_space<semaphore_mem>>)
      } else {
      }
      %add3A_60 = arith.constant 2 : i32
      %add3A_61 = arith.addi %mul3A_50, %add3A_60 : i32
      %lt3A_62 = arith.cmpi slt, %add3A_61, %reduce_max3A_10 : i32
      %convert_element_type3A_63 = arith.extui %lt3A_62 : i1 to i32
      %cond3A_64 = arith.constant 0 : i32
      %cond3A_65 = arith.cmpi ne, %convert_element_type3A_63, %cond3A_64 : i32
      scf.if %cond3A_65 {
        %dma_start3A = arith.constant 2 : i32
        %dma_start3A_241 = arith.constant 2 : i32
        %dma_start3A_242 = arith.constant 0 : i32
        %dma_start3A_243 = arith.constant 0 : i32
        %dma_start3A_244 = tpu.memref_slice %arg11[%dma_start3A_241, %dma_start3A_242, %dma_start3A_243] : memref<8x40x128xf32, #tpu.memory_space<vmem>> -> memref<1x40x128xf32, #tpu.memory_space<vmem>>
        %dma_start3A_245 = tpu.memref_squeeze %dma_start3A_244 : memref<1x40x128xf32, #tpu.memory_space<vmem>> -> memref<40x128xf32, #tpu.memory_space<vmem>>
        %dma_start3A_246 = arith.constant 0 : i32
        %dma_start3A_247 = tpu.memref_slice %arg8[%dma_start3A, %dma_start3A_246] : memref<16x40xi32, #tpu.memory_space<vmem>> -> memref<1x40xi32, #tpu.memory_space<vmem>>
        %dma_start3A_248 = tpu.memref_squeeze %dma_start3A_247 : memref<1x40xi32, #tpu.memory_space<vmem>> -> memref<40xi32, #tpu.memory_space<vmem>>
        %dma_start3A_249 = arith.constant 0 : i32
        %dma_start3A_250 = arith.constant 0 : i32
        %dma_start3A_251 = tpu.memref_slice %arg5[%dma_start3A_249, %dma_start3A_250] : memref<10240x128xf32, #tpu.memory_space<hbm>> -> memref<10240x128xf32, #tpu.memory_space<hbm>>
        tpu.enqueue_indirect_dma source(%dma_start3A_251 : memref<10240x128xf32, #tpu.memory_space<hbm>>) target(%dma_start3A_245 : memref<40x128xf32, #tpu.memory_space<vmem>>) offsets(%dma_start3A_248 : memref<40xi32, #tpu.memory_space<vmem>>) semaphore(%arg15 : memref<!tpu.dma_semaphore, #tpu.memory_space<semaphore_mem>>)
      } else {
      }
      %add3A_66 = arith.constant 3 : i32
      %add3A_67 = arith.addi %mul3A_50, %add3A_66 : i32
      %lt3A_68 = arith.cmpi slt, %add3A_67, %reduce_max3A_10 : i32
      %convert_element_type3A_69 = arith.extui %lt3A_68 : i1 to i32
      %cond3A_70 = arith.constant 0 : i32
      %cond3A_71 = arith.cmpi ne, %convert_element_type3A_69, %cond3A_70 : i32
      scf.if %cond3A_71 {
        %dma_start3A = arith.constant 3 : i32
        %dma_start3A_241 = arith.constant 3 : i32
        %dma_start3A_242 = arith.constant 0 : i32
        %dma_start3A_243 = arith.constant 0 : i32
        %dma_start3A_244 = tpu.memref_slice %arg11[%dma_start3A_241, %dma_start3A_242, %dma_start3A_243] : memref<8x40x128xf32, #tpu.memory_space<vmem>> -> memref<1x40x128xf32, #tpu.memory_space<vmem>>
        %dma_start3A_245 = tpu.memref_squeeze %dma_start3A_244 : memref<1x40x128xf32, #tpu.memory_space<vmem>> -> memref<40x128xf32, #tpu.memory_space<vmem>>
        %dma_start3A_246 = arith.constant 0 : i32
        %dma_start3A_247 = tpu.memref_slice %arg8[%dma_start3A, %dma_start3A_246] : memref<16x40xi32, #tpu.memory_space<vmem>> -> memref<1x40xi32, #tpu.memory_space<vmem>>
        %dma_start3A_248 = tpu.memref_squeeze %dma_start3A_247 : memref<1x40xi32, #tpu.memory_space<vmem>> -> memref<40xi32, #tpu.memory_space<vmem>>
        %dma_start3A_249 = arith.constant 0 : i32
        %dma_start3A_250 = arith.constant 0 : i32
        %dma_start3A_251 = tpu.memref_slice %arg5[%dma_start3A_249, %dma_start3A_250] : memref<10240x128xf32, #tpu.memory_space<hbm>> -> memref<10240x128xf32, #tpu.memory_space<hbm>>
        tpu.enqueue_indirect_dma source(%dma_start3A_251 : memref<10240x128xf32, #tpu.memory_space<hbm>>) target(%dma_start3A_245 : memref<40x128xf32, #tpu.memory_space<vmem>>) offsets(%dma_start3A_248 : memref<40xi32, #tpu.memory_space<vmem>>) semaphore(%arg16 : memref<!tpu.dma_semaphore, #tpu.memory_space<semaphore_mem>>)
      } else {
      }
      %add3A_72 = arith.constant 4 : i32
      %add3A_73 = arith.addi %mul3A_50, %add3A_72 : i32
      %lt3A_74 = arith.cmpi slt, %add3A_73, %reduce_max3A_10 : i32
      %convert_element_type3A_75 = arith.extui %lt3A_74 : i1 to i32
      %cond3A_76 = arith.constant 0 : i32
      %cond3A_77 = arith.cmpi ne, %convert_element_type3A_75, %cond3A_76 : i32
      scf.if %cond3A_77 {
        %dma_start3A = arith.constant 4 : i32
        %dma_start3A_241 = arith.constant 4 : i32
        %dma_start3A_242 = arith.constant 0 : i32
        %dma_start3A_243 = arith.constant 0 : i32
        %dma_start3A_244 = tpu.memref_slice %arg11[%dma_start3A_241, %dma_start3A_242, %dma_start3A_243] : memref<8x40x128xf32, #tpu.memory_space<vmem>> -> memref<1x40x128xf32, #tpu.memory_space<vmem>>
        %dma_start3A_245 = tpu.memref_squeeze %dma_start3A_244 : memref<1x40x128xf32, #tpu.memory_space<vmem>> -> memref<40x128xf32, #tpu.memory_space<vmem>>
        %dma_start3A_246 = arith.constant 0 : i32
        %dma_start3A_247 = tpu.memref_slice %arg8[%dma_start3A, %dma_start3A_246] : memref<16x40xi32, #tpu.memory_space<vmem>> -> memref<1x40xi32, #tpu.memory_space<vmem>>
        %dma_start3A_248 = tpu.memref_squeeze %dma_start3A_247 : memref<1x40xi32, #tpu.memory_space<vmem>> -> memref<40xi32, #tpu.memory_space<vmem>>
        %dma_start3A_249 = arith.constant 0 : i32
        %dma_start3A_250 = arith.constant 0 : i32
        %dma_start3A_251 = tpu.memref_slice %arg5[%dma_start3A_249, %dma_start3A_250] : memref<10240x128xf32, #tpu.memory_space<hbm>> -> memref<10240x128xf32, #tpu.memory_space<hbm>>
        tpu.enqueue_indirect_dma source(%dma_start3A_251 : memref<10240x128xf32, #tpu.memory_space<hbm>>) target(%dma_start3A_245 : memref<40x128xf32, #tpu.memory_space<vmem>>) offsets(%dma_start3A_248 : memref<40xi32, #tpu.memory_space<vmem>>) semaphore(%arg17 : memref<!tpu.dma_semaphore, #tpu.memory_space<semaphore_mem>>)
      } else {
      }
      %add3A_78 = arith.constant 5 : i32
      %add3A_79 = arith.addi %mul3A_50, %add3A_78 : i32
      %lt3A_80 = arith.cmpi slt, %add3A_79, %reduce_max3A_10 : i32
      %convert_element_type3A_81 = arith.extui %lt3A_80 : i1 to i32
      %cond3A_82 = arith.constant 0 : i32
      %cond3A_83 = arith.cmpi ne, %convert_element_type3A_81, %cond3A_82 : i32
      scf.if %cond3A_83 {
        %dma_start3A = arith.constant 5 : i32
        %dma_start3A_241 = arith.constant 5 : i32
        %dma_start3A_242 = arith.constant 0 : i32
        %dma_start3A_243 = arith.constant 0 : i32
        %dma_start3A_244 = tpu.memref_slice %arg11[%dma_start3A_241, %dma_start3A_242, %dma_start3A_243] : memref<8x40x128xf32, #tpu.memory_space<vmem>> -> memref<1x40x128xf32, #tpu.memory_space<vmem>>
        %dma_start3A_245 = tpu.memref_squeeze %dma_start3A_244 : memref<1x40x128xf32, #tpu.memory_space<vmem>> -> memref<40x128xf32, #tpu.memory_space<vmem>>
        %dma_start3A_246 = arith.constant 0 : i32
        %dma_start3A_247 = tpu.memref_slice %arg8[%dma_start3A, %dma_start3A_246] : memref<16x40xi32, #tpu.memory_space<vmem>> -> memref<1x40xi32, #tpu.memory_space<vmem>>
        %dma_start3A_248 = tpu.memref_squeeze %dma_start3A_247 : memref<1x40xi32, #tpu.memory_space<vmem>> -> memref<40xi32, #tpu.memory_space<vmem>>
        %dma_start3A_249 = arith.constant 0 : i32
        %dma_start3A_250 = arith.constant 0 : i32
        %dma_start3A_251 = tpu.memref_slice %arg5[%dma_start3A_249, %dma_start3A_250] : memref<10240x128xf32, #tpu.memory_space<hbm>> -> memref<10240x128xf32, #tpu.memory_space<hbm>>
        tpu.enqueue_indirect_dma source(%dma_start3A_251 : memref<10240x128xf32, #tpu.memory_space<hbm>>) target(%dma_start3A_245 : memref<40x128xf32, #tpu.memory_space<vmem>>) offsets(%dma_start3A_248 : memref<40xi32, #tpu.memory_space<vmem>>) semaphore(%arg18 : memref<!tpu.dma_semaphore, #tpu.memory_space<semaphore_mem>>)
      } else {
      }
      %add3A_84 = arith.constant 6 : i32
      %add3A_85 = arith.addi %mul3A_50, %add3A_84 : i32
      %lt3A_86 = arith.cmpi slt, %add3A_85, %reduce_max3A_10 : i32
      %convert_element_type3A_87 = arith.extui %lt3A_86 : i1 to i32
      %cond3A_88 = arith.constant 0 : i32
      %cond3A_89 = arith.cmpi ne, %convert_element_type3A_87, %cond3A_88 : i32
      scf.if %cond3A_89 {
        %dma_start3A = arith.constant 6 : i32
        %dma_start3A_241 = arith.constant 6 : i32
        %dma_start3A_242 = arith.constant 0 : i32
        %dma_start3A_243 = arith.constant 0 : i32
        %dma_start3A_244 = tpu.memref_slice %arg11[%dma_start3A_241, %dma_start3A_242, %dma_start3A_243] : memref<8x40x128xf32, #tpu.memory_space<vmem>> -> memref<1x40x128xf32, #tpu.memory_space<vmem>>
        %dma_start3A_245 = tpu.memref_squeeze %dma_start3A_244 : memref<1x40x128xf32, #tpu.memory_space<vmem>> -> memref<40x128xf32, #tpu.memory_space<vmem>>
        %dma_start3A_246 = arith.constant 0 : i32
        %dma_start3A_247 = tpu.memref_slice %arg8[%dma_start3A, %dma_start3A_246] : memref<16x40xi32, #tpu.memory_space<vmem>> -> memref<1x40xi32, #tpu.memory_space<vmem>>
        %dma_start3A_248 = tpu.memref_squeeze %dma_start3A_247 : memref<1x40xi32, #tpu.memory_space<vmem>> -> memref<40xi32, #tpu.memory_space<vmem>>
        %dma_start3A_249 = arith.constant 0 : i32
        %dma_start3A_250 = arith.constant 0 : i32
        %dma_start3A_251 = tpu.memref_slice %arg5[%dma_start3A_249, %dma_start3A_250] : memref<10240x128xf32, #tpu.memory_space<hbm>> -> memref<10240x128xf32, #tpu.memory_space<hbm>>
        tpu.enqueue_indirect_dma source(%dma_start3A_251 : memref<10240x128xf32, #tpu.memory_space<hbm>>) target(%dma_start3A_245 : memref<40x128xf32, #tpu.memory_space<vmem>>) offsets(%dma_start3A_248 : memref<40xi32, #tpu.memory_space<vmem>>) semaphore(%arg19 : memref<!tpu.dma_semaphore, #tpu.memory_space<semaphore_mem>>)
      } else {
      }
      %add3A_90 = arith.constant 7 : i32
      %add3A_91 = arith.addi %mul3A_50, %add3A_90 : i32
      %lt3A_92 = arith.cmpi slt, %add3A_91, %reduce_max3A_10 : i32
      %convert_element_type3A_93 = arith.extui %lt3A_92 : i1 to i32
      %cond3A_94 = arith.constant 0 : i32
      %cond3A_95 = arith.cmpi ne, %convert_element_type3A_93, %cond3A_94 : i32
      scf.if %cond3A_95 {
        %dma_start3A = arith.constant 7 : i32
        %dma_start3A_241 = arith.constant 7 : i32
        %dma_start3A_242 = arith.constant 0 : i32
        %dma_start3A_243 = arith.constant 0 : i32
        %dma_start3A_244 = tpu.memref_slice %arg11[%dma_start3A_241, %dma_start3A_242, %dma_start3A_243] : memref<8x40x128xf32, #tpu.memory_space<vmem>> -> memref<1x40x128xf32, #tpu.memory_space<vmem>>
        %dma_start3A_245 = tpu.memref_squeeze %dma_start3A_244 : memref<1x40x128xf32, #tpu.memory_space<vmem>> -> memref<40x128xf32, #tpu.memory_space<vmem>>
        %dma_start3A_246 = arith.constant 0 : i32
        %dma_start3A_247 = tpu.memref_slice %arg8[%dma_start3A, %dma_start3A_246] : memref<16x40xi32, #tpu.memory_space<vmem>> -> memref<1x40xi32, #tpu.memory_space<vmem>>
        %dma_start3A_248 = tpu.memref_squeeze %dma_start3A_247 : memref<1x40xi32, #tpu.memory_space<vmem>> -> memref<40xi32, #tpu.memory_space<vmem>>
        %dma_start3A_249 = arith.constant 0 : i32
        %dma_start3A_250 = arith.constant 0 : i32
        %dma_start3A_251 = tpu.memref_slice %arg5[%dma_start3A_249, %dma_start3A_250] : memref<10240x128xf32, #tpu.memory_space<hbm>> -> memref<10240x128xf32, #tpu.memory_space<hbm>>
        tpu.enqueue_indirect_dma source(%dma_start3A_251 : memref<10240x128xf32, #tpu.memory_space<hbm>>) target(%dma_start3A_245 : memref<40x128xf32, #tpu.memory_space<vmem>>) offsets(%dma_start3A_248 : memref<40xi32, #tpu.memory_space<vmem>>) semaphore(%arg20 : memref<!tpu.dma_semaphore, #tpu.memory_space<semaphore_mem>>)
      } else {
      }
      %add3A_96 = arith.constant 0 : i32
      %add3A_97 = arith.addi %mul3A_50, %add3A_96 : i32
      %lt3A_98 = arith.cmpi slt, %add3A_97, %reduce_max3A_10 : i32
      %convert_element_type3A_99 = arith.extui %lt3A_98 : i1 to i32
      %cond3A_100 = arith.constant 0 : i32
      %cond3A_101 = arith.cmpi ne, %convert_element_type3A_99, %cond3A_100 : i32
      scf.if %cond3A_101 {
        %dma_wait3A = arith.constant 0 : i32
        %dma_wait3A_241 = arith.constant 0 : i32
        %dma_wait3A_242 = arith.constant 0 : i32
        %dma_wait3A_243 = arith.constant 0 : i32
        %dma_wait3A_244 = tpu.memref_slice %arg11[%dma_wait3A_241, %dma_wait3A_242, %dma_wait3A_243] : memref<8x40x128xf32, #tpu.memory_space<vmem>> -> memref<1x40x128xf32, #tpu.memory_space<vmem>>
        %dma_wait3A_245 = tpu.memref_squeeze %dma_wait3A_244 : memref<1x40x128xf32, #tpu.memory_space<vmem>> -> memref<40x128xf32, #tpu.memory_space<vmem>>
        %dma_wait3A_246 = arith.constant 0 : i32
        %dma_wait3A_247 = tpu.memref_slice %arg8[%dma_wait3A, %dma_wait3A_246] : memref<16x40xi32, #tpu.memory_space<vmem>> -> memref<1x40xi32, #tpu.memory_space<vmem>>
        %dma_wait3A_248 = tpu.memref_squeeze %dma_wait3A_247 : memref<1x40xi32, #tpu.memory_space<vmem>> -> memref<40xi32, #tpu.memory_space<vmem>>
        %dma_wait3A_249 = arith.constant 0 : i32
        %dma_wait3A_250 = arith.constant 0 : i32
        %dma_wait3A_251 = tpu.memref_slice %arg5[%dma_wait3A_249, %dma_wait3A_250] : memref<10240x128xf32, #tpu.memory_space<hbm>> -> memref<10240x128xf32, #tpu.memory_space<hbm>>
        tpu.wait_indirect_dma semaphore(%arg13 : memref<!tpu.dma_semaphore, #tpu.memory_space<semaphore_mem>>) src(%dma_wait3A_251 : memref<10240x128xf32, #tpu.memory_space<hbm>>) dst(%dma_wait3A_245 : memref<40x128xf32, #tpu.memory_space<vmem>>)
        %run_scoped3A = arith.constant 0 : i32
        %run_scoped3A_252 = arith.constant 0 : i32
        "tpu.region"() ({
          %run_scoped3A_253 = tpu.sem_alloc : memref<!tpu.dma_semaphore, #tpu.memory_space<semaphore_mem>>
          %dma_start3A = arith.constant 0 : i32
          %dma_start3A_254 = arith.constant 0 : i32
          %dma_start3A_255 = tpu.memref_slice %arg11[%run_scoped3A, %dma_start3A, %dma_start3A_254] : memref<8x40x128xf32, #tpu.memory_space<vmem>> -> memref<1x40x128xf32, #tpu.memory_space<vmem>>
          %dma_start3A_256 = tpu.memref_squeeze %dma_start3A_255 : memref<1x40x128xf32, #tpu.memory_space<vmem>> -> memref<40x128xf32, #tpu.memory_space<vmem>>
          %dma_start3A_257 = arith.constant 0 : i32
          %dma_start3A_258 = tpu.memref_slice %arg9[%run_scoped3A_252, %dma_start3A_257] : memref<16x40xi32, #tpu.memory_space<vmem>> -> memref<1x40xi32, #tpu.memory_space<vmem>>
          %dma_start3A_259 = tpu.memref_squeeze %dma_start3A_258 : memref<1x40xi32, #tpu.memory_space<vmem>> -> memref<40xi32, #tpu.memory_space<vmem>>
          %dma_start3A_260 = arith.constant 0 : i32
          %dma_start3A_261 = arith.constant 0 : i32
          %dma_start3A_262 = tpu.memref_slice %arg12[%dma_start3A_260, %dma_start3A_261] : memref<10240x128xf32, #tpu.memory_space<vmem_shared>> -> memref<10240x128xf32, #tpu.memory_space<vmem_shared>>
          tpu.enqueue_indirect_dma source(%dma_start3A_256 : memref<40x128xf32, #tpu.memory_space<vmem>>) target(%dma_start3A_262 : memref<10240x128xf32, #tpu.memory_space<vmem_shared>>) offsets(%dma_start3A_259 : memref<40xi32, #tpu.memory_space<vmem>>) semaphore(%run_scoped3A_253 : memref<!tpu.dma_semaphore, #tpu.memory_space<semaphore_mem>>) {add = true}
          %dma_wait3A_263 = arith.constant 0 : i32
          %dma_wait3A_264 = arith.constant 0 : i32
          %dma_wait3A_265 = tpu.memref_slice %arg11[%run_scoped3A, %dma_wait3A_263, %dma_wait3A_264] : memref<8x40x128xf32, #tpu.memory_space<vmem>> -> memref<1x40x128xf32, #tpu.memory_space<vmem>>
          %dma_wait3A_266 = tpu.memref_squeeze %dma_wait3A_265 : memref<1x40x128xf32, #tpu.memory_space<vmem>> -> memref<40x128xf32, #tpu.memory_space<vmem>>
          %dma_wait3A_267 = arith.constant 0 : i32
          %dma_wait3A_268 = tpu.memref_slice %arg9[%run_scoped3A_252, %dma_wait3A_267] : memref<16x40xi32, #tpu.memory_space<vmem>> -> memref<1x40xi32, #tpu.memory_space<vmem>>
          %dma_wait3A_269 = tpu.memref_squeeze %dma_wait3A_268 : memref<1x40xi32, #tpu.memory_space<vmem>> -> memref<40xi32, #tpu.memory_space<vmem>>
          %dma_wait3A_270 = arith.constant 0 : i32
          %dma_wait3A_271 = arith.constant 0 : i32
          %dma_wait3A_272 = tpu.memref_slice %arg12[%dma_wait3A_270, %dma_wait3A_271] : memref<10240x128xf32, #tpu.memory_space<vmem_shared>> -> memref<10240x128xf32, #tpu.memory_space<vmem_shared>>
          tpu.wait_indirect_dma semaphore(%run_scoped3A_253 : memref<!tpu.dma_semaphore, #tpu.memory_space<semaphore_mem>>) src(%dma_wait3A_266 : memref<40x128xf32, #tpu.memory_space<vmem>>) dst(%dma_wait3A_272 : memref<10240x128xf32, #tpu.memory_space<vmem_shared>>)
          tpu.yield
        }) : () -> ()
      } else {
      }
      %add3A_102 = arith.constant 8 : i32
      %add3A_103 = arith.addi %mul3A_50, %add3A_102 : i32
      %lt3A_104 = arith.cmpi slt, %add3A_103, %reduce_max3A_10 : i32
      %convert_element_type3A_105 = arith.extui %lt3A_104 : i1 to i32
      %cond3A_106 = arith.constant 0 : i32
      %cond3A_107 = arith.cmpi ne, %convert_element_type3A_105, %cond3A_106 : i32
      scf.if %cond3A_107 {
        %dma_start3A = arith.constant 8 : i32
        %dma_start3A_241 = arith.constant 0 : i32
        %dma_start3A_242 = arith.constant 0 : i32
        %dma_start3A_243 = arith.constant 0 : i32
        %dma_start3A_244 = tpu.memref_slice %arg11[%dma_start3A_241, %dma_start3A_242, %dma_start3A_243] : memref<8x40x128xf32, #tpu.memory_space<vmem>> -> memref<1x40x128xf32, #tpu.memory_space<vmem>>
        %dma_start3A_245 = tpu.memref_squeeze %dma_start3A_244 : memref<1x40x128xf32, #tpu.memory_space<vmem>> -> memref<40x128xf32, #tpu.memory_space<vmem>>
        %dma_start3A_246 = arith.constant 0 : i32
        %dma_start3A_247 = tpu.memref_slice %arg8[%dma_start3A, %dma_start3A_246] : memref<16x40xi32, #tpu.memory_space<vmem>> -> memref<1x40xi32, #tpu.memory_space<vmem>>
        %dma_start3A_248 = tpu.memref_squeeze %dma_start3A_247 : memref<1x40xi32, #tpu.memory_space<vmem>> -> memref<40xi32, #tpu.memory_space<vmem>>
        %dma_start3A_249 = arith.constant 0 : i32
        %dma_start3A_250 = arith.constant 0 : i32
        %dma_start3A_251 = tpu.memref_slice %arg5[%dma_start3A_249, %dma_start3A_250] : memref<10240x128xf32, #tpu.memory_space<hbm>> -> memref<10240x128xf32, #tpu.memory_space<hbm>>
        tpu.enqueue_indirect_dma source(%dma_start3A_251 : memref<10240x128xf32, #tpu.memory_space<hbm>>) target(%dma_start3A_245 : memref<40x128xf32, #tpu.memory_space<vmem>>) offsets(%dma_start3A_248 : memref<40xi32, #tpu.memory_space<vmem>>) semaphore(%arg13 : memref<!tpu.dma_semaphore, #tpu.memory_space<semaphore_mem>>)
      } else {
      }
      %add3A_108 = arith.constant 1 : i32
      %add3A_109 = arith.addi %mul3A_50, %add3A_108 : i32
      %lt3A_110 = arith.cmpi slt, %add3A_109, %reduce_max3A_10 : i32
      %convert_element_type3A_111 = arith.extui %lt3A_110 : i1 to i32
      %cond3A_112 = arith.constant 0 : i32
      %cond3A_113 = arith.cmpi ne, %convert_element_type3A_111, %cond3A_112 : i32
      scf.if %cond3A_113 {
        %dma_wait3A = arith.constant 1 : i32
        %dma_wait3A_241 = arith.constant 1 : i32
        %dma_wait3A_242 = arith.constant 0 : i32
        %dma_wait3A_243 = arith.constant 0 : i32
        %dma_wait3A_244 = tpu.memref_slice %arg11[%dma_wait3A_241, %dma_wait3A_242, %dma_wait3A_243] : memref<8x40x128xf32, #tpu.memory_space<vmem>> -> memref<1x40x128xf32, #tpu.memory_space<vmem>>
        %dma_wait3A_245 = tpu.memref_squeeze %dma_wait3A_244 : memref<1x40x128xf32, #tpu.memory_space<vmem>> -> memref<40x128xf32, #tpu.memory_space<vmem>>
        %dma_wait3A_246 = arith.constant 0 : i32
        %dma_wait3A_247 = tpu.memref_slice %arg8[%dma_wait3A, %dma_wait3A_246] : memref<16x40xi32, #tpu.memory_space<vmem>> -> memref<1x40xi32, #tpu.memory_space<vmem>>
        %dma_wait3A_248 = tpu.memref_squeeze %dma_wait3A_247 : memref<1x40xi32, #tpu.memory_space<vmem>> -> memref<40xi32, #tpu.memory_space<vmem>>
        %dma_wait3A_249 = arith.constant 0 : i32
        %dma_wait3A_250 = arith.constant 0 : i32
        %dma_wait3A_251 = tpu.memref_slice %arg5[%dma_wait3A_249, %dma_wait3A_250] : memref<10240x128xf32, #tpu.memory_space<hbm>> -> memref<10240x128xf32, #tpu.memory_space<hbm>>
        tpu.wait_indirect_dma semaphore(%arg14 : memref<!tpu.dma_semaphore, #tpu.memory_space<semaphore_mem>>) src(%dma_wait3A_251 : memref<10240x128xf32, #tpu.memory_space<hbm>>) dst(%dma_wait3A_245 : memref<40x128xf32, #tpu.memory_space<vmem>>)
        %run_scoped3A = arith.constant 1 : i32
        %run_scoped3A_252 = arith.constant 1 : i32
        "tpu.region"() ({
          %run_scoped3A_253 = tpu.sem_alloc : memref<!tpu.dma_semaphore, #tpu.memory_space<semaphore_mem>>
          %dma_start3A = arith.constant 0 : i32
          %dma_start3A_254 = arith.constant 0 : i32
          %dma_start3A_255 = tpu.memref_slice %arg11[%run_scoped3A, %dma_start3A, %dma_start3A_254] : memref<8x40x128xf32, #tpu.memory_space<vmem>> -> memref<1x40x128xf32, #tpu.memory_space<vmem>>
          %dma_start3A_256 = tpu.memref_squeeze %dma_start3A_255 : memref<1x40x128xf32, #tpu.memory_space<vmem>> -> memref<40x128xf32, #tpu.memory_space<vmem>>
          %dma_start3A_257 = arith.constant 0 : i32
          %dma_start3A_258 = tpu.memref_slice %arg9[%run_scoped3A_252, %dma_start3A_257] : memref<16x40xi32, #tpu.memory_space<vmem>> -> memref<1x40xi32, #tpu.memory_space<vmem>>
          %dma_start3A_259 = tpu.memref_squeeze %dma_start3A_258 : memref<1x40xi32, #tpu.memory_space<vmem>> -> memref<40xi32, #tpu.memory_space<vmem>>
          %dma_start3A_260 = arith.constant 0 : i32
          %dma_start3A_261 = arith.constant 0 : i32
          %dma_start3A_262 = tpu.memref_slice %arg12[%dma_start3A_260, %dma_start3A_261] : memref<10240x128xf32, #tpu.memory_space<vmem_shared>> -> memref<10240x128xf32, #tpu.memory_space<vmem_shared>>
          tpu.enqueue_indirect_dma source(%dma_start3A_256 : memref<40x128xf32, #tpu.memory_space<vmem>>) target(%dma_start3A_262 : memref<10240x128xf32, #tpu.memory_space<vmem_shared>>) offsets(%dma_start3A_259 : memref<40xi32, #tpu.memory_space<vmem>>) semaphore(%run_scoped3A_253 : memref<!tpu.dma_semaphore, #tpu.memory_space<semaphore_mem>>) {add = true}
          %dma_wait3A_263 = arith.constant 0 : i32
          %dma_wait3A_264 = arith.constant 0 : i32
          %dma_wait3A_265 = tpu.memref_slice %arg11[%run_scoped3A, %dma_wait3A_263, %dma_wait3A_264] : memref<8x40x128xf32, #tpu.memory_space<vmem>> -> memref<1x40x128xf32, #tpu.memory_space<vmem>>
          %dma_wait3A_266 = tpu.memref_squeeze %dma_wait3A_265 : memref<1x40x128xf32, #tpu.memory_space<vmem>> -> memref<40x128xf32, #tpu.memory_space<vmem>>
          %dma_wait3A_267 = arith.constant 0 : i32
          %dma_wait3A_268 = tpu.memref_slice %arg9[%run_scoped3A_252, %dma_wait3A_267] : memref<16x40xi32, #tpu.memory_space<vmem>> -> memref<1x40xi32, #tpu.memory_space<vmem>>
          %dma_wait3A_269 = tpu.memref_squeeze %dma_wait3A_268 : memref<1x40xi32, #tpu.memory_space<vmem>> -> memref<40xi32, #tpu.memory_space<vmem>>
          %dma_wait3A_270 = arith.constant 0 : i32
          %dma_wait3A_271 = arith.constant 0 : i32
          %dma_wait3A_272 = tpu.memref_slice %arg12[%dma_wait3A_270, %dma_wait3A_271] : memref<10240x128xf32, #tpu.memory_space<vmem_shared>> -> memref<10240x128xf32, #tpu.memory_space<vmem_shared>>
          tpu.wait_indirect_dma semaphore(%run_scoped3A_253 : memref<!tpu.dma_semaphore, #tpu.memory_space<semaphore_mem>>) src(%dma_wait3A_266 : memref<40x128xf32, #tpu.memory_space<vmem>>) dst(%dma_wait3A_272 : memref<10240x128xf32, #tpu.memory_space<vmem_shared>>)
          tpu.yield
        }) : () -> ()
      } else {
      }
      %add3A_114 = arith.constant 9 : i32
      %add3A_115 = arith.addi %mul3A_50, %add3A_114 : i32
      %lt3A_116 = arith.cmpi slt, %add3A_115, %reduce_max3A_10 : i32
      %convert_element_type3A_117 = arith.extui %lt3A_116 : i1 to i32
      %cond3A_118 = arith.constant 0 : i32
      %cond3A_119 = arith.cmpi ne, %convert_element_type3A_117, %cond3A_118 : i32
      scf.if %cond3A_119 {
        %dma_start3A = arith.constant 9 : i32
        %dma_start3A_241 = arith.constant 1 : i32
        %dma_start3A_242 = arith.constant 0 : i32
        %dma_start3A_243 = arith.constant 0 : i32
        %dma_start3A_244 = tpu.memref_slice %arg11[%dma_start3A_241, %dma_start3A_242, %dma_start3A_243] : memref<8x40x128xf32, #tpu.memory_space<vmem>> -> memref<1x40x128xf32, #tpu.memory_space<vmem>>
        %dma_start3A_245 = tpu.memref_squeeze %dma_start3A_244 : memref<1x40x128xf32, #tpu.memory_space<vmem>> -> memref<40x128xf32, #tpu.memory_space<vmem>>
        %dma_start3A_246 = arith.constant 0 : i32
        %dma_start3A_247 = tpu.memref_slice %arg8[%dma_start3A, %dma_start3A_246] : memref<16x40xi32, #tpu.memory_space<vmem>> -> memref<1x40xi32, #tpu.memory_space<vmem>>
        %dma_start3A_248 = tpu.memref_squeeze %dma_start3A_247 : memref<1x40xi32, #tpu.memory_space<vmem>> -> memref<40xi32, #tpu.memory_space<vmem>>
        %dma_start3A_249 = arith.constant 0 : i32
        %dma_start3A_250 = arith.constant 0 : i32
        %dma_start3A_251 = tpu.memref_slice %arg5[%dma_start3A_249, %dma_start3A_250] : memref<10240x128xf32, #tpu.memory_space<hbm>> -> memref<10240x128xf32, #tpu.memory_space<hbm>>
        tpu.enqueue_indirect_dma source(%dma_start3A_251 : memref<10240x128xf32, #tpu.memory_space<hbm>>) target(%dma_start3A_245 : memref<40x128xf32, #tpu.memory_space<vmem>>) offsets(%dma_start3A_248 : memref<40xi32, #tpu.memory_space<vmem>>) semaphore(%arg14 : memref<!tpu.dma_semaphore, #tpu.memory_space<semaphore_mem>>)
      } else {
      }
      %add3A_120 = arith.constant 2 : i32
      %add3A_121 = arith.addi %mul3A_50, %add3A_120 : i32
      %lt3A_122 = arith.cmpi slt, %add3A_121, %reduce_max3A_10 : i32
      %convert_element_type3A_123 = arith.extui %lt3A_122 : i1 to i32
      %cond3A_124 = arith.constant 0 : i32
      %cond3A_125 = arith.cmpi ne, %convert_element_type3A_123, %cond3A_124 : i32
      scf.if %cond3A_125 {
        %dma_wait3A = arith.constant 2 : i32
        %dma_wait3A_241 = arith.constant 2 : i32
        %dma_wait3A_242 = arith.constant 0 : i32
        %dma_wait3A_243 = arith.constant 0 : i32
        %dma_wait3A_244 = tpu.memref_slice %arg11[%dma_wait3A_241, %dma_wait3A_242, %dma_wait3A_243] : memref<8x40x128xf32, #tpu.memory_space<vmem>> -> memref<1x40x128xf32, #tpu.memory_space<vmem>>
        %dma_wait3A_245 = tpu.memref_squeeze %dma_wait3A_244 : memref<1x40x128xf32, #tpu.memory_space<vmem>> -> memref<40x128xf32, #tpu.memory_space<vmem>>
        %dma_wait3A_246 = arith.constant 0 : i32
        %dma_wait3A_247 = tpu.memref_slice %arg8[%dma_wait3A, %dma_wait3A_246] : memref<16x40xi32, #tpu.memory_space<vmem>> -> memref<1x40xi32, #tpu.memory_space<vmem>>
        %dma_wait3A_248 = tpu.memref_squeeze %dma_wait3A_247 : memref<1x40xi32, #tpu.memory_space<vmem>> -> memref<40xi32, #tpu.memory_space<vmem>>
        %dma_wait3A_249 = arith.constant 0 : i32
        %dma_wait3A_250 = arith.constant 0 : i32
        %dma_wait3A_251 = tpu.memref_slice %arg5[%dma_wait3A_249, %dma_wait3A_250] : memref<10240x128xf32, #tpu.memory_space<hbm>> -> memref<10240x128xf32, #tpu.memory_space<hbm>>
        tpu.wait_indirect_dma semaphore(%arg15 : memref<!tpu.dma_semaphore, #tpu.memory_space<semaphore_mem>>) src(%dma_wait3A_251 : memref<10240x128xf32, #tpu.memory_space<hbm>>) dst(%dma_wait3A_245 : memref<40x128xf32, #tpu.memory_space<vmem>>)
        %run_scoped3A = arith.constant 2 : i32
        %run_scoped3A_252 = arith.constant 2 : i32
        "tpu.region"() ({
          %run_scoped3A_253 = tpu.sem_alloc : memref<!tpu.dma_semaphore, #tpu.memory_space<semaphore_mem>>
          %dma_start3A = arith.constant 0 : i32
          %dma_start3A_254 = arith.constant 0 : i32
          %dma_start3A_255 = tpu.memref_slice %arg11[%run_scoped3A, %dma_start3A, %dma_start3A_254] : memref<8x40x128xf32, #tpu.memory_space<vmem>> -> memref<1x40x128xf32, #tpu.memory_space<vmem>>
          %dma_start3A_256 = tpu.memref_squeeze %dma_start3A_255 : memref<1x40x128xf32, #tpu.memory_space<vmem>> -> memref<40x128xf32, #tpu.memory_space<vmem>>
          %dma_start3A_257 = arith.constant 0 : i32
          %dma_start3A_258 = tpu.memref_slice %arg9[%run_scoped3A_252, %dma_start3A_257] : memref<16x40xi32, #tpu.memory_space<vmem>> -> memref<1x40xi32, #tpu.memory_space<vmem>>
          %dma_start3A_259 = tpu.memref_squeeze %dma_start3A_258 : memref<1x40xi32, #tpu.memory_space<vmem>> -> memref<40xi32, #tpu.memory_space<vmem>>
          %dma_start3A_260 = arith.constant 0 : i32
          %dma_start3A_261 = arith.constant 0 : i32
          %dma_start3A_262 = tpu.memref_slice %arg12[%dma_start3A_260, %dma_start3A_261] : memref<10240x128xf32, #tpu.memory_space<vmem_shared>> -> memref<10240x128xf32, #tpu.memory_space<vmem_shared>>
          tpu.enqueue_indirect_dma source(%dma_start3A_256 : memref<40x128xf32, #tpu.memory_space<vmem>>) target(%dma_start3A_262 : memref<10240x128xf32, #tpu.memory_space<vmem_shared>>) offsets(%dma_start3A_259 : memref<40xi32, #tpu.memory_space<vmem>>) semaphore(%run_scoped3A_253 : memref<!tpu.dma_semaphore, #tpu.memory_space<semaphore_mem>>) {add = true}
          %dma_wait3A_263 = arith.constant 0 : i32
          %dma_wait3A_264 = arith.constant 0 : i32
          %dma_wait3A_265 = tpu.memref_slice %arg11[%run_scoped3A, %dma_wait3A_263, %dma_wait3A_264] : memref<8x40x128xf32, #tpu.memory_space<vmem>> -> memref<1x40x128xf32, #tpu.memory_space<vmem>>
          %dma_wait3A_266 = tpu.memref_squeeze %dma_wait3A_265 : memref<1x40x128xf32, #tpu.memory_space<vmem>> -> memref<40x128xf32, #tpu.memory_space<vmem>>
          %dma_wait3A_267 = arith.constant 0 : i32
          %dma_wait3A_268 = tpu.memref_slice %arg9[%run_scoped3A_252, %dma_wait3A_267] : memref<16x40xi32, #tpu.memory_space<vmem>> -> memref<1x40xi32, #tpu.memory_space<vmem>>
          %dma_wait3A_269 = tpu.memref_squeeze %dma_wait3A_268 : memref<1x40xi32, #tpu.memory_space<vmem>> -> memref<40xi32, #tpu.memory_space<vmem>>
          %dma_wait3A_270 = arith.constant 0 : i32
          %dma_wait3A_271 = arith.constant 0 : i32
          %dma_wait3A_272 = tpu.memref_slice %arg12[%dma_wait3A_270, %dma_wait3A_271] : memref<10240x128xf32, #tpu.memory_space<vmem_shared>> -> memref<10240x128xf32, #tpu.memory_space<vmem_shared>>
          tpu.wait_indirect_dma semaphore(%run_scoped3A_253 : memref<!tpu.dma_semaphore, #tpu.memory_space<semaphore_mem>>) src(%dma_wait3A_266 : memref<40x128xf32, #tpu.memory_space<vmem>>) dst(%dma_wait3A_272 : memref<10240x128xf32, #tpu.memory_space<vmem_shared>>)
          tpu.yield
        }) : () -> ()
      } else {
      }
      %add3A_126 = arith.constant 10 : i32
      %add3A_127 = arith.addi %mul3A_50, %add3A_126 : i32
      %lt3A_128 = arith.cmpi slt, %add3A_127, %reduce_max3A_10 : i32
      %convert_element_type3A_129 = arith.extui %lt3A_128 : i1 to i32
      %cond3A_130 = arith.constant 0 : i32
      %cond3A_131 = arith.cmpi ne, %convert_element_type3A_129, %cond3A_130 : i32
      scf.if %cond3A_131 {
        %dma_start3A = arith.constant 10 : i32
        %dma_start3A_241 = arith.constant 2 : i32
        %dma_start3A_242 = arith.constant 0 : i32
        %dma_start3A_243 = arith.constant 0 : i32
        %dma_start3A_244 = tpu.memref_slice %arg11[%dma_start3A_241, %dma_start3A_242, %dma_start3A_243] : memref<8x40x128xf32, #tpu.memory_space<vmem>> -> memref<1x40x128xf32, #tpu.memory_space<vmem>>
        %dma_start3A_245 = tpu.memref_squeeze %dma_start3A_244 : memref<1x40x128xf32, #tpu.memory_space<vmem>> -> memref<40x128xf32, #tpu.memory_space<vmem>>
        %dma_start3A_246 = arith.constant 0 : i32
        %dma_start3A_247 = tpu.memref_slice %arg8[%dma_start3A, %dma_start3A_246] : memref<16x40xi32, #tpu.memory_space<vmem>> -> memref<1x40xi32, #tpu.memory_space<vmem>>
        %dma_start3A_248 = tpu.memref_squeeze %dma_start3A_247 : memref<1x40xi32, #tpu.memory_space<vmem>> -> memref<40xi32, #tpu.memory_space<vmem>>
        %dma_start3A_249 = arith.constant 0 : i32
        %dma_start3A_250 = arith.constant 0 : i32
        %dma_start3A_251 = tpu.memref_slice %arg5[%dma_start3A_249, %dma_start3A_250] : memref<10240x128xf32, #tpu.memory_space<hbm>> -> memref<10240x128xf32, #tpu.memory_space<hbm>>
        tpu.enqueue_indirect_dma source(%dma_start3A_251 : memref<10240x128xf32, #tpu.memory_space<hbm>>) target(%dma_start3A_245 : memref<40x128xf32, #tpu.memory_space<vmem>>) offsets(%dma_start3A_248 : memref<40xi32, #tpu.memory_space<vmem>>) semaphore(%arg15 : memref<!tpu.dma_semaphore, #tpu.memory_space<semaphore_mem>>)
      } else {
      }
      %add3A_132 = arith.constant 3 : i32
      %add3A_133 = arith.addi %mul3A_50, %add3A_132 : i32
      %lt3A_134 = arith.cmpi slt, %add3A_133, %reduce_max3A_10 : i32
      %convert_element_type3A_135 = arith.extui %lt3A_134 : i1 to i32
      %cond3A_136 = arith.constant 0 : i32
      %cond3A_137 = arith.cmpi ne, %convert_element_type3A_135, %cond3A_136 : i32
      scf.if %cond3A_137 {
        %dma_wait3A = arith.constant 3 : i32
        %dma_wait3A_241 = arith.constant 3 : i32
        %dma_wait3A_242 = arith.constant 0 : i32
        %dma_wait3A_243 = arith.constant 0 : i32
        %dma_wait3A_244 = tpu.memref_slice %arg11[%dma_wait3A_241, %dma_wait3A_242, %dma_wait3A_243] : memref<8x40x128xf32, #tpu.memory_space<vmem>> -> memref<1x40x128xf32, #tpu.memory_space<vmem>>
        %dma_wait3A_245 = tpu.memref_squeeze %dma_wait3A_244 : memref<1x40x128xf32, #tpu.memory_space<vmem>> -> memref<40x128xf32, #tpu.memory_space<vmem>>
        %dma_wait3A_246 = arith.constant 0 : i32
        %dma_wait3A_247 = tpu.memref_slice %arg8[%dma_wait3A, %dma_wait3A_246] : memref<16x40xi32, #tpu.memory_space<vmem>> -> memref<1x40xi32, #tpu.memory_space<vmem>>
        %dma_wait3A_248 = tpu.memref_squeeze %dma_wait3A_247 : memref<1x40xi32, #tpu.memory_space<vmem>> -> memref<40xi32, #tpu.memory_space<vmem>>
        %dma_wait3A_249 = arith.constant 0 : i32
        %dma_wait3A_250 = arith.constant 0 : i32
        %dma_wait3A_251 = tpu.memref_slice %arg5[%dma_wait3A_249, %dma_wait3A_250] : memref<10240x128xf32, #tpu.memory_space<hbm>> -> memref<10240x128xf32, #tpu.memory_space<hbm>>
        tpu.wait_indirect_dma semaphore(%arg16 : memref<!tpu.dma_semaphore, #tpu.memory_space<semaphore_mem>>) src(%dma_wait3A_251 : memref<10240x128xf32, #tpu.memory_space<hbm>>) dst(%dma_wait3A_245 : memref<40x128xf32, #tpu.memory_space<vmem>>)
        %run_scoped3A = arith.constant 3 : i32
        %run_scoped3A_252 = arith.constant 3 : i32
        "tpu.region"() ({
          %run_scoped3A_253 = tpu.sem_alloc : memref<!tpu.dma_semaphore, #tpu.memory_space<semaphore_mem>>
          %dma_start3A = arith.constant 0 : i32
          %dma_start3A_254 = arith.constant 0 : i32
          %dma_start3A_255 = tpu.memref_slice %arg11[%run_scoped3A, %dma_start3A, %dma_start3A_254] : memref<8x40x128xf32, #tpu.memory_space<vmem>> -> memref<1x40x128xf32, #tpu.memory_space<vmem>>
          %dma_start3A_256 = tpu.memref_squeeze %dma_start3A_255 : memref<1x40x128xf32, #tpu.memory_space<vmem>> -> memref<40x128xf32, #tpu.memory_space<vmem>>
          %dma_start3A_257 = arith.constant 0 : i32
          %dma_start3A_258 = tpu.memref_slice %arg9[%run_scoped3A_252, %dma_start3A_257] : memref<16x40xi32, #tpu.memory_space<vmem>> -> memref<1x40xi32, #tpu.memory_space<vmem>>
          %dma_start3A_259 = tpu.memref_squeeze %dma_start3A_258 : memref<1x40xi32, #tpu.memory_space<vmem>> -> memref<40xi32, #tpu.memory_space<vmem>>
          %dma_start3A_260 = arith.constant 0 : i32
          %dma_start3A_261 = arith.constant 0 : i32
          %dma_start3A_262 = tpu.memref_slice %arg12[%dma_start3A_260, %dma_start3A_261] : memref<10240x128xf32, #tpu.memory_space<vmem_shared>> -> memref<10240x128xf32, #tpu.memory_space<vmem_shared>>
          tpu.enqueue_indirect_dma source(%dma_start3A_256 : memref<40x128xf32, #tpu.memory_space<vmem>>) target(%dma_start3A_262 : memref<10240x128xf32, #tpu.memory_space<vmem_shared>>) offsets(%dma_start3A_259 : memref<40xi32, #tpu.memory_space<vmem>>) semaphore(%run_scoped3A_253 : memref<!tpu.dma_semaphore, #tpu.memory_space<semaphore_mem>>) {add = true}
          %dma_wait3A_263 = arith.constant 0 : i32
          %dma_wait3A_264 = arith.constant 0 : i32
          %dma_wait3A_265 = tpu.memref_slice %arg11[%run_scoped3A, %dma_wait3A_263, %dma_wait3A_264] : memref<8x40x128xf32, #tpu.memory_space<vmem>> -> memref<1x40x128xf32, #tpu.memory_space<vmem>>
          %dma_wait3A_266 = tpu.memref_squeeze %dma_wait3A_265 : memref<1x40x128xf32, #tpu.memory_space<vmem>> -> memref<40x128xf32, #tpu.memory_space<vmem>>
          %dma_wait3A_267 = arith.constant 0 : i32
          %dma_wait3A_268 = tpu.memref_slice %arg9[%run_scoped3A_252, %dma_wait3A_267] : memref<16x40xi32, #tpu.memory_space<vmem>> -> memref<1x40xi32, #tpu.memory_space<vmem>>
          %dma_wait3A_269 = tpu.memref_squeeze %dma_wait3A_268 : memref<1x40xi32, #tpu.memory_space<vmem>> -> memref<40xi32, #tpu.memory_space<vmem>>
          %dma_wait3A_270 = arith.constant 0 : i32
          %dma_wait3A_271 = arith.constant 0 : i32
          %dma_wait3A_272 = tpu.memref_slice %arg12[%dma_wait3A_270, %dma_wait3A_271] : memref<10240x128xf32, #tpu.memory_space<vmem_shared>> -> memref<10240x128xf32, #tpu.memory_space<vmem_shared>>
          tpu.wait_indirect_dma semaphore(%run_scoped3A_253 : memref<!tpu.dma_semaphore, #tpu.memory_space<semaphore_mem>>) src(%dma_wait3A_266 : memref<40x128xf32, #tpu.memory_space<vmem>>) dst(%dma_wait3A_272 : memref<10240x128xf32, #tpu.memory_space<vmem_shared>>)
          tpu.yield
        }) : () -> ()
      } else {
      }
      %add3A_138 = arith.constant 11 : i32
      %add3A_139 = arith.addi %mul3A_50, %add3A_138 : i32
      %lt3A_140 = arith.cmpi slt, %add3A_139, %reduce_max3A_10 : i32
      %convert_element_type3A_141 = arith.extui %lt3A_140 : i1 to i32
      %cond3A_142 = arith.constant 0 : i32
      %cond3A_143 = arith.cmpi ne, %convert_element_type3A_141, %cond3A_142 : i32
      scf.if %cond3A_143 {
        %dma_start3A = arith.constant 11 : i32
        %dma_start3A_241 = arith.constant 3 : i32
        %dma_start3A_242 = arith.constant 0 : i32
        %dma_start3A_243 = arith.constant 0 : i32
        %dma_start3A_244 = tpu.memref_slice %arg11[%dma_start3A_241, %dma_start3A_242, %dma_start3A_243] : memref<8x40x128xf32, #tpu.memory_space<vmem>> -> memref<1x40x128xf32, #tpu.memory_space<vmem>>
        %dma_start3A_245 = tpu.memref_squeeze %dma_start3A_244 : memref<1x40x128xf32, #tpu.memory_space<vmem>> -> memref<40x128xf32, #tpu.memory_space<vmem>>
        %dma_start3A_246 = arith.constant 0 : i32
        %dma_start3A_247 = tpu.memref_slice %arg8[%dma_start3A, %dma_start3A_246] : memref<16x40xi32, #tpu.memory_space<vmem>> -> memref<1x40xi32, #tpu.memory_space<vmem>>
        %dma_start3A_248 = tpu.memref_squeeze %dma_start3A_247 : memref<1x40xi32, #tpu.memory_space<vmem>> -> memref<40xi32, #tpu.memory_space<vmem>>
        %dma_start3A_249 = arith.constant 0 : i32
        %dma_start3A_250 = arith.constant 0 : i32
        %dma_start3A_251 = tpu.memref_slice %arg5[%dma_start3A_249, %dma_start3A_250] : memref<10240x128xf32, #tpu.memory_space<hbm>> -> memref<10240x128xf32, #tpu.memory_space<hbm>>
        tpu.enqueue_indirect_dma source(%dma_start3A_251 : memref<10240x128xf32, #tpu.memory_space<hbm>>) target(%dma_start3A_245 : memref<40x128xf32, #tpu.memory_space<vmem>>) offsets(%dma_start3A_248 : memref<40xi32, #tpu.memory_space<vmem>>) semaphore(%arg16 : memref<!tpu.dma_semaphore, #tpu.memory_space<semaphore_mem>>)
      } else {
      }
      %add3A_144 = arith.constant 4 : i32
      %add3A_145 = arith.addi %mul3A_50, %add3A_144 : i32
      %lt3A_146 = arith.cmpi slt, %add3A_145, %reduce_max3A_10 : i32
      %convert_element_type3A_147 = arith.extui %lt3A_146 : i1 to i32
      %cond3A_148 = arith.constant 0 : i32
      %cond3A_149 = arith.cmpi ne, %convert_element_type3A_147, %cond3A_148 : i32
      scf.if %cond3A_149 {
        %dma_wait3A = arith.constant 4 : i32
        %dma_wait3A_241 = arith.constant 4 : i32
        %dma_wait3A_242 = arith.constant 0 : i32
        %dma_wait3A_243 = arith.constant 0 : i32
        %dma_wait3A_244 = tpu.memref_slice %arg11[%dma_wait3A_241, %dma_wait3A_242, %dma_wait3A_243] : memref<8x40x128xf32, #tpu.memory_space<vmem>> -> memref<1x40x128xf32, #tpu.memory_space<vmem>>
        %dma_wait3A_245 = tpu.memref_squeeze %dma_wait3A_244 : memref<1x40x128xf32, #tpu.memory_space<vmem>> -> memref<40x128xf32, #tpu.memory_space<vmem>>
        %dma_wait3A_246 = arith.constant 0 : i32
        %dma_wait3A_247 = tpu.memref_slice %arg8[%dma_wait3A, %dma_wait3A_246] : memref<16x40xi32, #tpu.memory_space<vmem>> -> memref<1x40xi32, #tpu.memory_space<vmem>>
        %dma_wait3A_248 = tpu.memref_squeeze %dma_wait3A_247 : memref<1x40xi32, #tpu.memory_space<vmem>> -> memref<40xi32, #tpu.memory_space<vmem>>
        %dma_wait3A_249 = arith.constant 0 : i32
        %dma_wait3A_250 = arith.constant 0 : i32
        %dma_wait3A_251 = tpu.memref_slice %arg5[%dma_wait3A_249, %dma_wait3A_250] : memref<10240x128xf32, #tpu.memory_space<hbm>> -> memref<10240x128xf32, #tpu.memory_space<hbm>>
        tpu.wait_indirect_dma semaphore(%arg17 : memref<!tpu.dma_semaphore, #tpu.memory_space<semaphore_mem>>) src(%dma_wait3A_251 : memref<10240x128xf32, #tpu.memory_space<hbm>>) dst(%dma_wait3A_245 : memref<40x128xf32, #tpu.memory_space<vmem>>)
        %run_scoped3A = arith.constant 4 : i32
        %run_scoped3A_252 = arith.constant 4 : i32
        "tpu.region"() ({
          %run_scoped3A_253 = tpu.sem_alloc : memref<!tpu.dma_semaphore, #tpu.memory_space<semaphore_mem>>
          %dma_start3A = arith.constant 0 : i32
          %dma_start3A_254 = arith.constant 0 : i32
          %dma_start3A_255 = tpu.memref_slice %arg11[%run_scoped3A, %dma_start3A, %dma_start3A_254] : memref<8x40x128xf32, #tpu.memory_space<vmem>> -> memref<1x40x128xf32, #tpu.memory_space<vmem>>
          %dma_start3A_256 = tpu.memref_squeeze %dma_start3A_255 : memref<1x40x128xf32, #tpu.memory_space<vmem>> -> memref<40x128xf32, #tpu.memory_space<vmem>>
          %dma_start3A_257 = arith.constant 0 : i32
          %dma_start3A_258 = tpu.memref_slice %arg9[%run_scoped3A_252, %dma_start3A_257] : memref<16x40xi32, #tpu.memory_space<vmem>> -> memref<1x40xi32, #tpu.memory_space<vmem>>
          %dma_start3A_259 = tpu.memref_squeeze %dma_start3A_258 : memref<1x40xi32, #tpu.memory_space<vmem>> -> memref<40xi32, #tpu.memory_space<vmem>>
          %dma_start3A_260 = arith.constant 0 : i32
          %dma_start3A_261 = arith.constant 0 : i32
          %dma_start3A_262 = tpu.memref_slice %arg12[%dma_start3A_260, %dma_start3A_261] : memref<10240x128xf32, #tpu.memory_space<vmem_shared>> -> memref<10240x128xf32, #tpu.memory_space<vmem_shared>>
          tpu.enqueue_indirect_dma source(%dma_start3A_256 : memref<40x128xf32, #tpu.memory_space<vmem>>) target(%dma_start3A_262 : memref<10240x128xf32, #tpu.memory_space<vmem_shared>>) offsets(%dma_start3A_259 : memref<40xi32, #tpu.memory_space<vmem>>) semaphore(%run_scoped3A_253 : memref<!tpu.dma_semaphore, #tpu.memory_space<semaphore_mem>>) {add = true}
          %dma_wait3A_263 = arith.constant 0 : i32
          %dma_wait3A_264 = arith.constant 0 : i32
          %dma_wait3A_265 = tpu.memref_slice %arg11[%run_scoped3A, %dma_wait3A_263, %dma_wait3A_264] : memref<8x40x128xf32, #tpu.memory_space<vmem>> -> memref<1x40x128xf32, #tpu.memory_space<vmem>>
          %dma_wait3A_266 = tpu.memref_squeeze %dma_wait3A_265 : memref<1x40x128xf32, #tpu.memory_space<vmem>> -> memref<40x128xf32, #tpu.memory_space<vmem>>
          %dma_wait3A_267 = arith.constant 0 : i32
          %dma_wait3A_268 = tpu.memref_slice %arg9[%run_scoped3A_252, %dma_wait3A_267] : memref<16x40xi32, #tpu.memory_space<vmem>> -> memref<1x40xi32, #tpu.memory_space<vmem>>
          %dma_wait3A_269 = tpu.memref_squeeze %dma_wait3A_268 : memref<1x40xi32, #tpu.memory_space<vmem>> -> memref<40xi32, #tpu.memory_space<vmem>>
          %dma_wait3A_270 = arith.constant 0 : i32
          %dma_wait3A_271 = arith.constant 0 : i32
          %dma_wait3A_272 = tpu.memref_slice %arg12[%dma_wait3A_270, %dma_wait3A_271] : memref<10240x128xf32, #tpu.memory_space<vmem_shared>> -> memref<10240x128xf32, #tpu.memory_space<vmem_shared>>
          tpu.wait_indirect_dma semaphore(%run_scoped3A_253 : memref<!tpu.dma_semaphore, #tpu.memory_space<semaphore_mem>>) src(%dma_wait3A_266 : memref<40x128xf32, #tpu.memory_space<vmem>>) dst(%dma_wait3A_272 : memref<10240x128xf32, #tpu.memory_space<vmem_shared>>)
          tpu.yield
        }) : () -> ()
      } else {
      }
      %add3A_150 = arith.constant 12 : i32
      %add3A_151 = arith.addi %mul3A_50, %add3A_150 : i32
      %lt3A_152 = arith.cmpi slt, %add3A_151, %reduce_max3A_10 : i32
      %convert_element_type3A_153 = arith.extui %lt3A_152 : i1 to i32
      %cond3A_154 = arith.constant 0 : i32
      %cond3A_155 = arith.cmpi ne, %convert_element_type3A_153, %cond3A_154 : i32
      scf.if %cond3A_155 {
        %dma_start3A = arith.constant 12 : i32
        %dma_start3A_241 = arith.constant 4 : i32
        %dma_start3A_242 = arith.constant 0 : i32
        %dma_start3A_243 = arith.constant 0 : i32
        %dma_start3A_244 = tpu.memref_slice %arg11[%dma_start3A_241, %dma_start3A_242, %dma_start3A_243] : memref<8x40x128xf32, #tpu.memory_space<vmem>> -> memref<1x40x128xf32, #tpu.memory_space<vmem>>
        %dma_start3A_245 = tpu.memref_squeeze %dma_start3A_244 : memref<1x40x128xf32, #tpu.memory_space<vmem>> -> memref<40x128xf32, #tpu.memory_space<vmem>>
        %dma_start3A_246 = arith.constant 0 : i32
        %dma_start3A_247 = tpu.memref_slice %arg8[%dma_start3A, %dma_start3A_246] : memref<16x40xi32, #tpu.memory_space<vmem>> -> memref<1x40xi32, #tpu.memory_space<vmem>>
        %dma_start3A_248 = tpu.memref_squeeze %dma_start3A_247 : memref<1x40xi32, #tpu.memory_space<vmem>> -> memref<40xi32, #tpu.memory_space<vmem>>
        %dma_start3A_249 = arith.constant 0 : i32
        %dma_start3A_250 = arith.constant 0 : i32
        %dma_start3A_251 = tpu.memref_slice %arg5[%dma_start3A_249, %dma_start3A_250] : memref<10240x128xf32, #tpu.memory_space<hbm>> -> memref<10240x128xf32, #tpu.memory_space<hbm>>
        tpu.enqueue_indirect_dma source(%dma_start3A_251 : memref<10240x128xf32, #tpu.memory_space<hbm>>) target(%dma_start3A_245 : memref<40x128xf32, #tpu.memory_space<vmem>>) offsets(%dma_start3A_248 : memref<40xi32, #tpu.memory_space<vmem>>) semaphore(%arg17 : memref<!tpu.dma_semaphore, #tpu.memory_space<semaphore_mem>>)
      } else {
      }
      %add3A_156 = arith.constant 5 : i32
      %add3A_157 = arith.addi %mul3A_50, %add3A_156 : i32
      %lt3A_158 = arith.cmpi slt, %add3A_157, %reduce_max3A_10 : i32
      %convert_element_type3A_159 = arith.extui %lt3A_158 : i1 to i32
      %cond3A_160 = arith.constant 0 : i32
      %cond3A_161 = arith.cmpi ne, %convert_element_type3A_159, %cond3A_160 : i32
      scf.if %cond3A_161 {
        %dma_wait3A = arith.constant 5 : i32
        %dma_wait3A_241 = arith.constant 5 : i32
        %dma_wait3A_242 = arith.constant 0 : i32
        %dma_wait3A_243 = arith.constant 0 : i32
        %dma_wait3A_244 = tpu.memref_slice %arg11[%dma_wait3A_241, %dma_wait3A_242, %dma_wait3A_243] : memref<8x40x128xf32, #tpu.memory_space<vmem>> -> memref<1x40x128xf32, #tpu.memory_space<vmem>>
        %dma_wait3A_245 = tpu.memref_squeeze %dma_wait3A_244 : memref<1x40x128xf32, #tpu.memory_space<vmem>> -> memref<40x128xf32, #tpu.memory_space<vmem>>
        %dma_wait3A_246 = arith.constant 0 : i32
        %dma_wait3A_247 = tpu.memref_slice %arg8[%dma_wait3A, %dma_wait3A_246] : memref<16x40xi32, #tpu.memory_space<vmem>> -> memref<1x40xi32, #tpu.memory_space<vmem>>
        %dma_wait3A_248 = tpu.memref_squeeze %dma_wait3A_247 : memref<1x40xi32, #tpu.memory_space<vmem>> -> memref<40xi32, #tpu.memory_space<vmem>>
        %dma_wait3A_249 = arith.constant 0 : i32
        %dma_wait3A_250 = arith.constant 0 : i32
        %dma_wait3A_251 = tpu.memref_slice %arg5[%dma_wait3A_249, %dma_wait3A_250] : memref<10240x128xf32, #tpu.memory_space<hbm>> -> memref<10240x128xf32, #tpu.memory_space<hbm>>
        tpu.wait_indirect_dma semaphore(%arg18 : memref<!tpu.dma_semaphore, #tpu.memory_space<semaphore_mem>>) src(%dma_wait3A_251 : memref<10240x128xf32, #tpu.memory_space<hbm>>) dst(%dma_wait3A_245 : memref<40x128xf32, #tpu.memory_space<vmem>>)
        %run_scoped3A = arith.constant 5 : i32
        %run_scoped3A_252 = arith.constant 5 : i32
        "tpu.region"() ({
          %run_scoped3A_253 = tpu.sem_alloc : memref<!tpu.dma_semaphore, #tpu.memory_space<semaphore_mem>>
          %dma_start3A = arith.constant 0 : i32
          %dma_start3A_254 = arith.constant 0 : i32
          %dma_start3A_255 = tpu.memref_slice %arg11[%run_scoped3A, %dma_start3A, %dma_start3A_254] : memref<8x40x128xf32, #tpu.memory_space<vmem>> -> memref<1x40x128xf32, #tpu.memory_space<vmem>>
          %dma_start3A_256 = tpu.memref_squeeze %dma_start3A_255 : memref<1x40x128xf32, #tpu.memory_space<vmem>> -> memref<40x128xf32, #tpu.memory_space<vmem>>
          %dma_start3A_257 = arith.constant 0 : i32
          %dma_start3A_258 = tpu.memref_slice %arg9[%run_scoped3A_252, %dma_start3A_257] : memref<16x40xi32, #tpu.memory_space<vmem>> -> memref<1x40xi32, #tpu.memory_space<vmem>>
          %dma_start3A_259 = tpu.memref_squeeze %dma_start3A_258 : memref<1x40xi32, #tpu.memory_space<vmem>> -> memref<40xi32, #tpu.memory_space<vmem>>
          %dma_start3A_260 = arith.constant 0 : i32
          %dma_start3A_261 = arith.constant 0 : i32
          %dma_start3A_262 = tpu.memref_slice %arg12[%dma_start3A_260, %dma_start3A_261] : memref<10240x128xf32, #tpu.memory_space<vmem_shared>> -> memref<10240x128xf32, #tpu.memory_space<vmem_shared>>
          tpu.enqueue_indirect_dma source(%dma_start3A_256 : memref<40x128xf32, #tpu.memory_space<vmem>>) target(%dma_start3A_262 : memref<10240x128xf32, #tpu.memory_space<vmem_shared>>) offsets(%dma_start3A_259 : memref<40xi32, #tpu.memory_space<vmem>>) semaphore(%run_scoped3A_253 : memref<!tpu.dma_semaphore, #tpu.memory_space<semaphore_mem>>) {add = true}
          %dma_wait3A_263 = arith.constant 0 : i32
          %dma_wait3A_264 = arith.constant 0 : i32
          %dma_wait3A_265 = tpu.memref_slice %arg11[%run_scoped3A, %dma_wait3A_263, %dma_wait3A_264] : memref<8x40x128xf32, #tpu.memory_space<vmem>> -> memref<1x40x128xf32, #tpu.memory_space<vmem>>
          %dma_wait3A_266 = tpu.memref_squeeze %dma_wait3A_265 : memref<1x40x128xf32, #tpu.memory_space<vmem>> -> memref<40x128xf32, #tpu.memory_space<vmem>>
          %dma_wait3A_267 = arith.constant 0 : i32
          %dma_wait3A_268 = tpu.memref_slice %arg9[%run_scoped3A_252, %dma_wait3A_267] : memref<16x40xi32, #tpu.memory_space<vmem>> -> memref<1x40xi32, #tpu.memory_space<vmem>>
          %dma_wait3A_269 = tpu.memref_squeeze %dma_wait3A_268 : memref<1x40xi32, #tpu.memory_space<vmem>> -> memref<40xi32, #tpu.memory_space<vmem>>
          %dma_wait3A_270 = arith.constant 0 : i32
          %dma_wait3A_271 = arith.constant 0 : i32
          %dma_wait3A_272 = tpu.memref_slice %arg12[%dma_wait3A_270, %dma_wait3A_271] : memref<10240x128xf32, #tpu.memory_space<vmem_shared>> -> memref<10240x128xf32, #tpu.memory_space<vmem_shared>>
          tpu.wait_indirect_dma semaphore(%run_scoped3A_253 : memref<!tpu.dma_semaphore, #tpu.memory_space<semaphore_mem>>) src(%dma_wait3A_266 : memref<40x128xf32, #tpu.memory_space<vmem>>) dst(%dma_wait3A_272 : memref<10240x128xf32, #tpu.memory_space<vmem_shared>>)
          tpu.yield
        }) : () -> ()
      } else {
      }
      %add3A_162 = arith.constant 13 : i32
      %add3A_163 = arith.addi %mul3A_50, %add3A_162 : i32
      %lt3A_164 = arith.cmpi slt, %add3A_163, %reduce_max3A_10 : i32
      %convert_element_type3A_165 = arith.extui %lt3A_164 : i1 to i32
      %cond3A_166 = arith.constant 0 : i32
      %cond3A_167 = arith.cmpi ne, %convert_element_type3A_165, %cond3A_166 : i32
      scf.if %cond3A_167 {
        %dma_start3A = arith.constant 13 : i32
        %dma_start3A_241 = arith.constant 5 : i32
        %dma_start3A_242 = arith.constant 0 : i32
        %dma_start3A_243 = arith.constant 0 : i32
        %dma_start3A_244 = tpu.memref_slice %arg11[%dma_start3A_241, %dma_start3A_242, %dma_start3A_243] : memref<8x40x128xf32, #tpu.memory_space<vmem>> -> memref<1x40x128xf32, #tpu.memory_space<vmem>>
        %dma_start3A_245 = tpu.memref_squeeze %dma_start3A_244 : memref<1x40x128xf32, #tpu.memory_space<vmem>> -> memref<40x128xf32, #tpu.memory_space<vmem>>
        %dma_start3A_246 = arith.constant 0 : i32
        %dma_start3A_247 = tpu.memref_slice %arg8[%dma_start3A, %dma_start3A_246] : memref<16x40xi32, #tpu.memory_space<vmem>> -> memref<1x40xi32, #tpu.memory_space<vmem>>
        %dma_start3A_248 = tpu.memref_squeeze %dma_start3A_247 : memref<1x40xi32, #tpu.memory_space<vmem>> -> memref<40xi32, #tpu.memory_space<vmem>>
        %dma_start3A_249 = arith.constant 0 : i32
        %dma_start3A_250 = arith.constant 0 : i32
        %dma_start3A_251 = tpu.memref_slice %arg5[%dma_start3A_249, %dma_start3A_250] : memref<10240x128xf32, #tpu.memory_space<hbm>> -> memref<10240x128xf32, #tpu.memory_space<hbm>>
        tpu.enqueue_indirect_dma source(%dma_start3A_251 : memref<10240x128xf32, #tpu.memory_space<hbm>>) target(%dma_start3A_245 : memref<40x128xf32, #tpu.memory_space<vmem>>) offsets(%dma_start3A_248 : memref<40xi32, #tpu.memory_space<vmem>>) semaphore(%arg18 : memref<!tpu.dma_semaphore, #tpu.memory_space<semaphore_mem>>)
      } else {
      }
      %add3A_168 = arith.constant 6 : i32
      %add3A_169 = arith.addi %mul3A_50, %add3A_168 : i32
      %lt3A_170 = arith.cmpi slt, %add3A_169, %reduce_max3A_10 : i32
      %convert_element_type3A_171 = arith.extui %lt3A_170 : i1 to i32
      %cond3A_172 = arith.constant 0 : i32
      %cond3A_173 = arith.cmpi ne, %convert_element_type3A_171, %cond3A_172 : i32
      scf.if %cond3A_173 {
        %dma_wait3A = arith.constant 6 : i32
        %dma_wait3A_241 = arith.constant 6 : i32
        %dma_wait3A_242 = arith.constant 0 : i32
        %dma_wait3A_243 = arith.constant 0 : i32
        %dma_wait3A_244 = tpu.memref_slice %arg11[%dma_wait3A_241, %dma_wait3A_242, %dma_wait3A_243] : memref<8x40x128xf32, #tpu.memory_space<vmem>> -> memref<1x40x128xf32, #tpu.memory_space<vmem>>
        %dma_wait3A_245 = tpu.memref_squeeze %dma_wait3A_244 : memref<1x40x128xf32, #tpu.memory_space<vmem>> -> memref<40x128xf32, #tpu.memory_space<vmem>>
        %dma_wait3A_246 = arith.constant 0 : i32
        %dma_wait3A_247 = tpu.memref_slice %arg8[%dma_wait3A, %dma_wait3A_246] : memref<16x40xi32, #tpu.memory_space<vmem>> -> memref<1x40xi32, #tpu.memory_space<vmem>>
        %dma_wait3A_248 = tpu.memref_squeeze %dma_wait3A_247 : memref<1x40xi32, #tpu.memory_space<vmem>> -> memref<40xi32, #tpu.memory_space<vmem>>
        %dma_wait3A_249 = arith.constant 0 : i32
        %dma_wait3A_250 = arith.constant 0 : i32
        %dma_wait3A_251 = tpu.memref_slice %arg5[%dma_wait3A_249, %dma_wait3A_250] : memref<10240x128xf32, #tpu.memory_space<hbm>> -> memref<10240x128xf32, #tpu.memory_space<hbm>>
        tpu.wait_indirect_dma semaphore(%arg19 : memref<!tpu.dma_semaphore, #tpu.memory_space<semaphore_mem>>) src(%dma_wait3A_251 : memref<10240x128xf32, #tpu.memory_space<hbm>>) dst(%dma_wait3A_245 : memref<40x128xf32, #tpu.memory_space<vmem>>)
        %run_scoped3A = arith.constant 6 : i32
        %run_scoped3A_252 = arith.constant 6 : i32
        "tpu.region"() ({
          %run_scoped3A_253 = tpu.sem_alloc : memref<!tpu.dma_semaphore, #tpu.memory_space<semaphore_mem>>
          %dma_start3A = arith.constant 0 : i32
          %dma_start3A_254 = arith.constant 0 : i32
          %dma_start3A_255 = tpu.memref_slice %arg11[%run_scoped3A, %dma_start3A, %dma_start3A_254] : memref<8x40x128xf32, #tpu.memory_space<vmem>> -> memref<1x40x128xf32, #tpu.memory_space<vmem>>
          %dma_start3A_256 = tpu.memref_squeeze %dma_start3A_255 : memref<1x40x128xf32, #tpu.memory_space<vmem>> -> memref<40x128xf32, #tpu.memory_space<vmem>>
          %dma_start3A_257 = arith.constant 0 : i32
          %dma_start3A_258 = tpu.memref_slice %arg9[%run_scoped3A_252, %dma_start3A_257] : memref<16x40xi32, #tpu.memory_space<vmem>> -> memref<1x40xi32, #tpu.memory_space<vmem>>
          %dma_start3A_259 = tpu.memref_squeeze %dma_start3A_258 : memref<1x40xi32, #tpu.memory_space<vmem>> -> memref<40xi32, #tpu.memory_space<vmem>>
          %dma_start3A_260 = arith.constant 0 : i32
          %dma_start3A_261 = arith.constant 0 : i32
          %dma_start3A_262 = tpu.memref_slice %arg12[%dma_start3A_260, %dma_start3A_261] : memref<10240x128xf32, #tpu.memory_space<vmem_shared>> -> memref<10240x128xf32, #tpu.memory_space<vmem_shared>>
          tpu.enqueue_indirect_dma source(%dma_start3A_256 : memref<40x128xf32, #tpu.memory_space<vmem>>) target(%dma_start3A_262 : memref<10240x128xf32, #tpu.memory_space<vmem_shared>>) offsets(%dma_start3A_259 : memref<40xi32, #tpu.memory_space<vmem>>) semaphore(%run_scoped3A_253 : memref<!tpu.dma_semaphore, #tpu.memory_space<semaphore_mem>>) {add = true}
          %dma_wait3A_263 = arith.constant 0 : i32
          %dma_wait3A_264 = arith.constant 0 : i32
          %dma_wait3A_265 = tpu.memref_slice %arg11[%run_scoped3A, %dma_wait3A_263, %dma_wait3A_264] : memref<8x40x128xf32, #tpu.memory_space<vmem>> -> memref<1x40x128xf32, #tpu.memory_space<vmem>>
          %dma_wait3A_266 = tpu.memref_squeeze %dma_wait3A_265 : memref<1x40x128xf32, #tpu.memory_space<vmem>> -> memref<40x128xf32, #tpu.memory_space<vmem>>
          %dma_wait3A_267 = arith.constant 0 : i32
          %dma_wait3A_268 = tpu.memref_slice %arg9[%run_scoped3A_252, %dma_wait3A_267] : memref<16x40xi32, #tpu.memory_space<vmem>> -> memref<1x40xi32, #tpu.memory_space<vmem>>
          %dma_wait3A_269 = tpu.memref_squeeze %dma_wait3A_268 : memref<1x40xi32, #tpu.memory_space<vmem>> -> memref<40xi32, #tpu.memory_space<vmem>>
          %dma_wait3A_270 = arith.constant 0 : i32
          %dma_wait3A_271 = arith.constant 0 : i32
          %dma_wait3A_272 = tpu.memref_slice %arg12[%dma_wait3A_270, %dma_wait3A_271] : memref<10240x128xf32, #tpu.memory_space<vmem_shared>> -> memref<10240x128xf32, #tpu.memory_space<vmem_shared>>
          tpu.wait_indirect_dma semaphore(%run_scoped3A_253 : memref<!tpu.dma_semaphore, #tpu.memory_space<semaphore_mem>>) src(%dma_wait3A_266 : memref<40x128xf32, #tpu.memory_space<vmem>>) dst(%dma_wait3A_272 : memref<10240x128xf32, #tpu.memory_space<vmem_shared>>)
          tpu.yield
        }) : () -> ()
      } else {
      }
      %add3A_174 = arith.constant 14 : i32
      %add3A_175 = arith.addi %mul3A_50, %add3A_174 : i32
      %lt3A_176 = arith.cmpi slt, %add3A_175, %reduce_max3A_10 : i32
      %convert_element_type3A_177 = arith.extui %lt3A_176 : i1 to i32
      %cond3A_178 = arith.constant 0 : i32
      %cond3A_179 = arith.cmpi ne, %convert_element_type3A_177, %cond3A_178 : i32
      scf.if %cond3A_179 {
        %dma_start3A = arith.constant 14 : i32
        %dma_start3A_241 = arith.constant 6 : i32
        %dma_start3A_242 = arith.constant 0 : i32
        %dma_start3A_243 = arith.constant 0 : i32
        %dma_start3A_244 = tpu.memref_slice %arg11[%dma_start3A_241, %dma_start3A_242, %dma_start3A_243] : memref<8x40x128xf32, #tpu.memory_space<vmem>> -> memref<1x40x128xf32, #tpu.memory_space<vmem>>
        %dma_start3A_245 = tpu.memref_squeeze %dma_start3A_244 : memref<1x40x128xf32, #tpu.memory_space<vmem>> -> memref<40x128xf32, #tpu.memory_space<vmem>>
        %dma_start3A_246 = arith.constant 0 : i32
        %dma_start3A_247 = tpu.memref_slice %arg8[%dma_start3A, %dma_start3A_246] : memref<16x40xi32, #tpu.memory_space<vmem>> -> memref<1x40xi32, #tpu.memory_space<vmem>>
        %dma_start3A_248 = tpu.memref_squeeze %dma_start3A_247 : memref<1x40xi32, #tpu.memory_space<vmem>> -> memref<40xi32, #tpu.memory_space<vmem>>
        %dma_start3A_249 = arith.constant 0 : i32
        %dma_start3A_250 = arith.constant 0 : i32
        %dma_start3A_251 = tpu.memref_slice %arg5[%dma_start3A_249, %dma_start3A_250] : memref<10240x128xf32, #tpu.memory_space<hbm>> -> memref<10240x128xf32, #tpu.memory_space<hbm>>
        tpu.enqueue_indirect_dma source(%dma_start3A_251 : memref<10240x128xf32, #tpu.memory_space<hbm>>) target(%dma_start3A_245 : memref<40x128xf32, #tpu.memory_space<vmem>>) offsets(%dma_start3A_248 : memref<40xi32, #tpu.memory_space<vmem>>) semaphore(%arg19 : memref<!tpu.dma_semaphore, #tpu.memory_space<semaphore_mem>>)
      } else {
      }
      %add3A_180 = arith.constant 7 : i32
      %add3A_181 = arith.addi %mul3A_50, %add3A_180 : i32
      %lt3A_182 = arith.cmpi slt, %add3A_181, %reduce_max3A_10 : i32
      %convert_element_type3A_183 = arith.extui %lt3A_182 : i1 to i32
      %cond3A_184 = arith.constant 0 : i32
      %cond3A_185 = arith.cmpi ne, %convert_element_type3A_183, %cond3A_184 : i32
      scf.if %cond3A_185 {
        %dma_wait3A = arith.constant 7 : i32
        %dma_wait3A_241 = arith.constant 7 : i32
        %dma_wait3A_242 = arith.constant 0 : i32
        %dma_wait3A_243 = arith.constant 0 : i32
        %dma_wait3A_244 = tpu.memref_slice %arg11[%dma_wait3A_241, %dma_wait3A_242, %dma_wait3A_243] : memref<8x40x128xf32, #tpu.memory_space<vmem>> -> memref<1x40x128xf32, #tpu.memory_space<vmem>>
        %dma_wait3A_245 = tpu.memref_squeeze %dma_wait3A_244 : memref<1x40x128xf32, #tpu.memory_space<vmem>> -> memref<40x128xf32, #tpu.memory_space<vmem>>
        %dma_wait3A_246 = arith.constant 0 : i32
        %dma_wait3A_247 = tpu.memref_slice %arg8[%dma_wait3A, %dma_wait3A_246] : memref<16x40xi32, #tpu.memory_space<vmem>> -> memref<1x40xi32, #tpu.memory_space<vmem>>
        %dma_wait3A_248 = tpu.memref_squeeze %dma_wait3A_247 : memref<1x40xi32, #tpu.memory_space<vmem>> -> memref<40xi32, #tpu.memory_space<vmem>>
        %dma_wait3A_249 = arith.constant 0 : i32
        %dma_wait3A_250 = arith.constant 0 : i32
        %dma_wait3A_251 = tpu.memref_slice %arg5[%dma_wait3A_249, %dma_wait3A_250] : memref<10240x128xf32, #tpu.memory_space<hbm>> -> memref<10240x128xf32, #tpu.memory_space<hbm>>
        tpu.wait_indirect_dma semaphore(%arg20 : memref<!tpu.dma_semaphore, #tpu.memory_space<semaphore_mem>>) src(%dma_wait3A_251 : memref<10240x128xf32, #tpu.memory_space<hbm>>) dst(%dma_wait3A_245 : memref<40x128xf32, #tpu.memory_space<vmem>>)
        %run_scoped3A = arith.constant 7 : i32
        %run_scoped3A_252 = arith.constant 7 : i32
        "tpu.region"() ({
          %run_scoped3A_253 = tpu.sem_alloc : memref<!tpu.dma_semaphore, #tpu.memory_space<semaphore_mem>>
          %dma_start3A = arith.constant 0 : i32
          %dma_start3A_254 = arith.constant 0 : i32
          %dma_start3A_255 = tpu.memref_slice %arg11[%run_scoped3A, %dma_start3A, %dma_start3A_254] : memref<8x40x128xf32, #tpu.memory_space<vmem>> -> memref<1x40x128xf32, #tpu.memory_space<vmem>>
          %dma_start3A_256 = tpu.memref_squeeze %dma_start3A_255 : memref<1x40x128xf32, #tpu.memory_space<vmem>> -> memref<40x128xf32, #tpu.memory_space<vmem>>
          %dma_start3A_257 = arith.constant 0 : i32
          %dma_start3A_258 = tpu.memref_slice %arg9[%run_scoped3A_252, %dma_start3A_257] : memref<16x40xi32, #tpu.memory_space<vmem>> -> memref<1x40xi32, #tpu.memory_space<vmem>>
          %dma_start3A_259 = tpu.memref_squeeze %dma_start3A_258 : memref<1x40xi32, #tpu.memory_space<vmem>> -> memref<40xi32, #tpu.memory_space<vmem>>
          %dma_start3A_260 = arith.constant 0 : i32
          %dma_start3A_261 = arith.constant 0 : i32
          %dma_start3A_262 = tpu.memref_slice %arg12[%dma_start3A_260, %dma_start3A_261] : memref<10240x128xf32, #tpu.memory_space<vmem_shared>> -> memref<10240x128xf32, #tpu.memory_space<vmem_shared>>
          tpu.enqueue_indirect_dma source(%dma_start3A_256 : memref<40x128xf32, #tpu.memory_space<vmem>>) target(%dma_start3A_262 : memref<10240x128xf32, #tpu.memory_space<vmem_shared>>) offsets(%dma_start3A_259 : memref<40xi32, #tpu.memory_space<vmem>>) semaphore(%run_scoped3A_253 : memref<!tpu.dma_semaphore, #tpu.memory_space<semaphore_mem>>) {add = true}
          %dma_wait3A_263 = arith.constant 0 : i32
          %dma_wait3A_264 = arith.constant 0 : i32
          %dma_wait3A_265 = tpu.memref_slice %arg11[%run_scoped3A, %dma_wait3A_263, %dma_wait3A_264] : memref<8x40x128xf32, #tpu.memory_space<vmem>> -> memref<1x40x128xf32, #tpu.memory_space<vmem>>
          %dma_wait3A_266 = tpu.memref_squeeze %dma_wait3A_265 : memref<1x40x128xf32, #tpu.memory_space<vmem>> -> memref<40x128xf32, #tpu.memory_space<vmem>>
          %dma_wait3A_267 = arith.constant 0 : i32
          %dma_wait3A_268 = tpu.memref_slice %arg9[%run_scoped3A_252, %dma_wait3A_267] : memref<16x40xi32, #tpu.memory_space<vmem>> -> memref<1x40xi32, #tpu.memory_space<vmem>>
          %dma_wait3A_269 = tpu.memref_squeeze %dma_wait3A_268 : memref<1x40xi32, #tpu.memory_space<vmem>> -> memref<40xi32, #tpu.memory_space<vmem>>
          %dma_wait3A_270 = arith.constant 0 : i32
          %dma_wait3A_271 = arith.constant 0 : i32
          %dma_wait3A_272 = tpu.memref_slice %arg12[%dma_wait3A_270, %dma_wait3A_271] : memref<10240x128xf32, #tpu.memory_space<vmem_shared>> -> memref<10240x128xf32, #tpu.memory_space<vmem_shared>>
          tpu.wait_indirect_dma semaphore(%run_scoped3A_253 : memref<!tpu.dma_semaphore, #tpu.memory_space<semaphore_mem>>) src(%dma_wait3A_266 : memref<40x128xf32, #tpu.memory_space<vmem>>) dst(%dma_wait3A_272 : memref<10240x128xf32, #tpu.memory_space<vmem_shared>>)
          tpu.yield
        }) : () -> ()
      } else {
      }
      %add3A_186 = arith.constant 15 : i32
      %add3A_187 = arith.addi %mul3A_50, %add3A_186 : i32
      %lt3A_188 = arith.cmpi slt, %add3A_187, %reduce_max3A_10 : i32
      %convert_element_type3A_189 = arith.extui %lt3A_188 : i1 to i32
      %cond3A_190 = arith.constant 0 : i32
      %cond3A_191 = arith.cmpi ne, %convert_element_type3A_189, %cond3A_190 : i32
      scf.if %cond3A_191 {
        %dma_start3A = arith.constant 15 : i32
        %dma_start3A_241 = arith.constant 7 : i32
        %dma_start3A_242 = arith.constant 0 : i32
        %dma_start3A_243 = arith.constant 0 : i32
        %dma_start3A_244 = tpu.memref_slice %arg11[%dma_start3A_241, %dma_start3A_242, %dma_start3A_243] : memref<8x40x128xf32, #tpu.memory_space<vmem>> -> memref<1x40x128xf32, #tpu.memory_space<vmem>>
        %dma_start3A_245 = tpu.memref_squeeze %dma_start3A_244 : memref<1x40x128xf32, #tpu.memory_space<vmem>> -> memref<40x128xf32, #tpu.memory_space<vmem>>
        %dma_start3A_246 = arith.constant 0 : i32
        %dma_start3A_247 = tpu.memref_slice %arg8[%dma_start3A, %dma_start3A_246] : memref<16x40xi32, #tpu.memory_space<vmem>> -> memref<1x40xi32, #tpu.memory_space<vmem>>
        %dma_start3A_248 = tpu.memref_squeeze %dma_start3A_247 : memref<1x40xi32, #tpu.memory_space<vmem>> -> memref<40xi32, #tpu.memory_space<vmem>>
        %dma_start3A_249 = arith.constant 0 : i32
        %dma_start3A_250 = arith.constant 0 : i32
        %dma_start3A_251 = tpu.memref_slice %arg5[%dma_start3A_249, %dma_start3A_250] : memref<10240x128xf32, #tpu.memory_space<hbm>> -> memref<10240x128xf32, #tpu.memory_space<hbm>>
        tpu.enqueue_indirect_dma source(%dma_start3A_251 : memref<10240x128xf32, #tpu.memory_space<hbm>>) target(%dma_start3A_245 : memref<40x128xf32, #tpu.memory_space<vmem>>) offsets(%dma_start3A_248 : memref<40xi32, #tpu.memory_space<vmem>>) semaphore(%arg20 : memref<!tpu.dma_semaphore, #tpu.memory_space<semaphore_mem>>)
      } else {
      }
      %add3A_192 = arith.constant 8 : i32
      %add3A_193 = arith.addi %mul3A_50, %add3A_192 : i32
      %lt3A_194 = arith.cmpi slt, %add3A_193, %reduce_max3A_10 : i32
      %convert_element_type3A_195 = arith.extui %lt3A_194 : i1 to i32
      %cond3A_196 = arith.constant 0 : i32
      %cond3A_197 = arith.cmpi ne, %convert_element_type3A_195, %cond3A_196 : i32
      scf.if %cond3A_197 {
        %dma_wait3A = arith.constant 8 : i32
        %dma_wait3A_241 = arith.constant 0 : i32
        %dma_wait3A_242 = arith.constant 0 : i32
        %dma_wait3A_243 = arith.constant 0 : i32
        %dma_wait3A_244 = tpu.memref_slice %arg11[%dma_wait3A_241, %dma_wait3A_242, %dma_wait3A_243] : memref<8x40x128xf32, #tpu.memory_space<vmem>> -> memref<1x40x128xf32, #tpu.memory_space<vmem>>
        %dma_wait3A_245 = tpu.memref_squeeze %dma_wait3A_244 : memref<1x40x128xf32, #tpu.memory_space<vmem>> -> memref<40x128xf32, #tpu.memory_space<vmem>>
        %dma_wait3A_246 = arith.constant 0 : i32
        %dma_wait3A_247 = tpu.memref_slice %arg8[%dma_wait3A, %dma_wait3A_246] : memref<16x40xi32, #tpu.memory_space<vmem>> -> memref<1x40xi32, #tpu.memory_space<vmem>>
        %dma_wait3A_248 = tpu.memref_squeeze %dma_wait3A_247 : memref<1x40xi32, #tpu.memory_space<vmem>> -> memref<40xi32, #tpu.memory_space<vmem>>
        %dma_wait3A_249 = arith.constant 0 : i32
        %dma_wait3A_250 = arith.constant 0 : i32
        %dma_wait3A_251 = tpu.memref_slice %arg5[%dma_wait3A_249, %dma_wait3A_250] : memref<10240x128xf32, #tpu.memory_space<hbm>> -> memref<10240x128xf32, #tpu.memory_space<hbm>>
        tpu.wait_indirect_dma semaphore(%arg13 : memref<!tpu.dma_semaphore, #tpu.memory_space<semaphore_mem>>) src(%dma_wait3A_251 : memref<10240x128xf32, #tpu.memory_space<hbm>>) dst(%dma_wait3A_245 : memref<40x128xf32, #tpu.memory_space<vmem>>)
        %run_scoped3A = arith.constant 0 : i32
        %run_scoped3A_252 = arith.constant 8 : i32
        "tpu.region"() ({
          %run_scoped3A_253 = tpu.sem_alloc : memref<!tpu.dma_semaphore, #tpu.memory_space<semaphore_mem>>
          %dma_start3A = arith.constant 0 : i32
          %dma_start3A_254 = arith.constant 0 : i32
          %dma_start3A_255 = tpu.memref_slice %arg11[%run_scoped3A, %dma_start3A, %dma_start3A_254] : memref<8x40x128xf32, #tpu.memory_space<vmem>> -> memref<1x40x128xf32, #tpu.memory_space<vmem>>
          %dma_start3A_256 = tpu.memref_squeeze %dma_start3A_255 : memref<1x40x128xf32, #tpu.memory_space<vmem>> -> memref<40x128xf32, #tpu.memory_space<vmem>>
          %dma_start3A_257 = arith.constant 0 : i32
          %dma_start3A_258 = tpu.memref_slice %arg9[%run_scoped3A_252, %dma_start3A_257] : memref<16x40xi32, #tpu.memory_space<vmem>> -> memref<1x40xi32, #tpu.memory_space<vmem>>
          %dma_start3A_259 = tpu.memref_squeeze %dma_start3A_258 : memref<1x40xi32, #tpu.memory_space<vmem>> -> memref<40xi32, #tpu.memory_space<vmem>>
          %dma_start3A_260 = arith.constant 0 : i32
          %dma_start3A_261 = arith.constant 0 : i32
          %dma_start3A_262 = tpu.memref_slice %arg12[%dma_start3A_260, %dma_start3A_261] : memref<10240x128xf32, #tpu.memory_space<vmem_shared>> -> memref<10240x128xf32, #tpu.memory_space<vmem_shared>>
          tpu.enqueue_indirect_dma source(%dma_start3A_256 : memref<40x128xf32, #tpu.memory_space<vmem>>) target(%dma_start3A_262 : memref<10240x128xf32, #tpu.memory_space<vmem_shared>>) offsets(%dma_start3A_259 : memref<40xi32, #tpu.memory_space<vmem>>) semaphore(%run_scoped3A_253 : memref<!tpu.dma_semaphore, #tpu.memory_space<semaphore_mem>>) {add = true}
          %dma_wait3A_263 = arith.constant 0 : i32
          %dma_wait3A_264 = arith.constant 0 : i32
          %dma_wait3A_265 = tpu.memref_slice %arg11[%run_scoped3A, %dma_wait3A_263, %dma_wait3A_264] : memref<8x40x128xf32, #tpu.memory_space<vmem>> -> memref<1x40x128xf32, #tpu.memory_space<vmem>>
          %dma_wait3A_266 = tpu.memref_squeeze %dma_wait3A_265 : memref<1x40x128xf32, #tpu.memory_space<vmem>> -> memref<40x128xf32, #tpu.memory_space<vmem>>
          %dma_wait3A_267 = arith.constant 0 : i32
          %dma_wait3A_268 = tpu.memref_slice %arg9[%run_scoped3A_252, %dma_wait3A_267] : memref<16x40xi32, #tpu.memory_space<vmem>> -> memref<1x40xi32, #tpu.memory_space<vmem>>
          %dma_wait3A_269 = tpu.memref_squeeze %dma_wait3A_268 : memref<1x40xi32, #tpu.memory_space<vmem>> -> memref<40xi32, #tpu.memory_space<vmem>>
          %dma_wait3A_270 = arith.constant 0 : i32
          %dma_wait3A_271 = arith.constant 0 : i32
          %dma_wait3A_272 = tpu.memref_slice %arg12[%dma_wait3A_270, %dma_wait3A_271] : memref<10240x128xf32, #tpu.memory_space<vmem_shared>> -> memref<10240x128xf32, #tpu.memory_space<vmem_shared>>
          tpu.wait_indirect_dma semaphore(%run_scoped3A_253 : memref<!tpu.dma_semaphore, #tpu.memory_space<semaphore_mem>>) src(%dma_wait3A_266 : memref<40x128xf32, #tpu.memory_space<vmem>>) dst(%dma_wait3A_272 : memref<10240x128xf32, #tpu.memory_space<vmem_shared>>)
          tpu.yield
        }) : () -> ()
      } else {
      }
      %add3A_198 = arith.constant 9 : i32
      %add3A_199 = arith.addi %mul3A_50, %add3A_198 : i32
      %lt3A_200 = arith.cmpi slt, %add3A_199, %reduce_max3A_10 : i32
      %convert_element_type3A_201 = arith.extui %lt3A_200 : i1 to i32
      %cond3A_202 = arith.constant 0 : i32
      %cond3A_203 = arith.cmpi ne, %convert_element_type3A_201, %cond3A_202 : i32
      scf.if %cond3A_203 {
        %dma_wait3A = arith.constant 9 : i32
        %dma_wait3A_241 = arith.constant 1 : i32
        %dma_wait3A_242 = arith.constant 0 : i32
        %dma_wait3A_243 = arith.constant 0 : i32
        %dma_wait3A_244 = tpu.memref_slice %arg11[%dma_wait3A_241, %dma_wait3A_242, %dma_wait3A_243] : memref<8x40x128xf32, #tpu.memory_space<vmem>> -> memref<1x40x128xf32, #tpu.memory_space<vmem>>
        %dma_wait3A_245 = tpu.memref_squeeze %dma_wait3A_244 : memref<1x40x128xf32, #tpu.memory_space<vmem>> -> memref<40x128xf32, #tpu.memory_space<vmem>>
        %dma_wait3A_246 = arith.constant 0 : i32
        %dma_wait3A_247 = tpu.memref_slice %arg8[%dma_wait3A, %dma_wait3A_246] : memref<16x40xi32, #tpu.memory_space<vmem>> -> memref<1x40xi32, #tpu.memory_space<vmem>>
        %dma_wait3A_248 = tpu.memref_squeeze %dma_wait3A_247 : memref<1x40xi32, #tpu.memory_space<vmem>> -> memref<40xi32, #tpu.memory_space<vmem>>
        %dma_wait3A_249 = arith.constant 0 : i32
        %dma_wait3A_250 = arith.constant 0 : i32
        %dma_wait3A_251 = tpu.memref_slice %arg5[%dma_wait3A_249, %dma_wait3A_250] : memref<10240x128xf32, #tpu.memory_space<hbm>> -> memref<10240x128xf32, #tpu.memory_space<hbm>>
        tpu.wait_indirect_dma semaphore(%arg14 : memref<!tpu.dma_semaphore, #tpu.memory_space<semaphore_mem>>) src(%dma_wait3A_251 : memref<10240x128xf32, #tpu.memory_space<hbm>>) dst(%dma_wait3A_245 : memref<40x128xf32, #tpu.memory_space<vmem>>)
        %run_scoped3A = arith.constant 1 : i32
        %run_scoped3A_252 = arith.constant 9 : i32
        "tpu.region"() ({
          %run_scoped3A_253 = tpu.sem_alloc : memref<!tpu.dma_semaphore, #tpu.memory_space<semaphore_mem>>
          %dma_start3A = arith.constant 0 : i32
          %dma_start3A_254 = arith.constant 0 : i32
          %dma_start3A_255 = tpu.memref_slice %arg11[%run_scoped3A, %dma_start3A, %dma_start3A_254] : memref<8x40x128xf32, #tpu.memory_space<vmem>> -> memref<1x40x128xf32, #tpu.memory_space<vmem>>
          %dma_start3A_256 = tpu.memref_squeeze %dma_start3A_255 : memref<1x40x128xf32, #tpu.memory_space<vmem>> -> memref<40x128xf32, #tpu.memory_space<vmem>>
          %dma_start3A_257 = arith.constant 0 : i32
          %dma_start3A_258 = tpu.memref_slice %arg9[%run_scoped3A_252, %dma_start3A_257] : memref<16x40xi32, #tpu.memory_space<vmem>> -> memref<1x40xi32, #tpu.memory_space<vmem>>
          %dma_start3A_259 = tpu.memref_squeeze %dma_start3A_258 : memref<1x40xi32, #tpu.memory_space<vmem>> -> memref<40xi32, #tpu.memory_space<vmem>>
          %dma_start3A_260 = arith.constant 0 : i32
          %dma_start3A_261 = arith.constant 0 : i32
          %dma_start3A_262 = tpu.memref_slice %arg12[%dma_start3A_260, %dma_start3A_261] : memref<10240x128xf32, #tpu.memory_space<vmem_shared>> -> memref<10240x128xf32, #tpu.memory_space<vmem_shared>>
          tpu.enqueue_indirect_dma source(%dma_start3A_256 : memref<40x128xf32, #tpu.memory_space<vmem>>) target(%dma_start3A_262 : memref<10240x128xf32, #tpu.memory_space<vmem_shared>>) offsets(%dma_start3A_259 : memref<40xi32, #tpu.memory_space<vmem>>) semaphore(%run_scoped3A_253 : memref<!tpu.dma_semaphore, #tpu.memory_space<semaphore_mem>>) {add = true}
          %dma_wait3A_263 = arith.constant 0 : i32
          %dma_wait3A_264 = arith.constant 0 : i32
          %dma_wait3A_265 = tpu.memref_slice %arg11[%run_scoped3A, %dma_wait3A_263, %dma_wait3A_264] : memref<8x40x128xf32, #tpu.memory_space<vmem>> -> memref<1x40x128xf32, #tpu.memory_space<vmem>>
          %dma_wait3A_266 = tpu.memref_squeeze %dma_wait3A_265 : memref<1x40x128xf32, #tpu.memory_space<vmem>> -> memref<40x128xf32, #tpu.memory_space<vmem>>
          %dma_wait3A_267 = arith.constant 0 : i32
          %dma_wait3A_268 = tpu.memref_slice %arg9[%run_scoped3A_252, %dma_wait3A_267] : memref<16x40xi32, #tpu.memory_space<vmem>> -> memref<1x40xi32, #tpu.memory_space<vmem>>
          %dma_wait3A_269 = tpu.memref_squeeze %dma_wait3A_268 : memref<1x40xi32, #tpu.memory_space<vmem>> -> memref<40xi32, #tpu.memory_space<vmem>>
          %dma_wait3A_270 = arith.constant 0 : i32
          %dma_wait3A_271 = arith.constant 0 : i32
          %dma_wait3A_272 = tpu.memref_slice %arg12[%dma_wait3A_270, %dma_wait3A_271] : memref<10240x128xf32, #tpu.memory_space<vmem_shared>> -> memref<10240x128xf32, #tpu.memory_space<vmem_shared>>
          tpu.wait_indirect_dma semaphore(%run_scoped3A_253 : memref<!tpu.dma_semaphore, #tpu.memory_space<semaphore_mem>>) src(%dma_wait3A_266 : memref<40x128xf32, #tpu.memory_space<vmem>>) dst(%dma_wait3A_272 : memref<10240x128xf32, #tpu.memory_space<vmem_shared>>)
          tpu.yield
        }) : () -> ()
      } else {
      }
      %add3A_204 = arith.constant 10 : i32
      %add3A_205 = arith.addi %mul3A_50, %add3A_204 : i32
      %lt3A_206 = arith.cmpi slt, %add3A_205, %reduce_max3A_10 : i32
      %convert_element_type3A_207 = arith.extui %lt3A_206 : i1 to i32
      %cond3A_208 = arith.constant 0 : i32
      %cond3A_209 = arith.cmpi ne, %convert_element_type3A_207, %cond3A_208 : i32
      scf.if %cond3A_209 {
        %dma_wait3A = arith.constant 10 : i32
        %dma_wait3A_241 = arith.constant 2 : i32
        %dma_wait3A_242 = arith.constant 0 : i32
        %dma_wait3A_243 = arith.constant 0 : i32
        %dma_wait3A_244 = tpu.memref_slice %arg11[%dma_wait3A_241, %dma_wait3A_242, %dma_wait3A_243] : memref<8x40x128xf32, #tpu.memory_space<vmem>> -> memref<1x40x128xf32, #tpu.memory_space<vmem>>
        %dma_wait3A_245 = tpu.memref_squeeze %dma_wait3A_244 : memref<1x40x128xf32, #tpu.memory_space<vmem>> -> memref<40x128xf32, #tpu.memory_space<vmem>>
        %dma_wait3A_246 = arith.constant 0 : i32
        %dma_wait3A_247 = tpu.memref_slice %arg8[%dma_wait3A, %dma_wait3A_246] : memref<16x40xi32, #tpu.memory_space<vmem>> -> memref<1x40xi32, #tpu.memory_space<vmem>>
        %dma_wait3A_248 = tpu.memref_squeeze %dma_wait3A_247 : memref<1x40xi32, #tpu.memory_space<vmem>> -> memref<40xi32, #tpu.memory_space<vmem>>
        %dma_wait3A_249 = arith.constant 0 : i32
        %dma_wait3A_250 = arith.constant 0 : i32
        %dma_wait3A_251 = tpu.memref_slice %arg5[%dma_wait3A_249, %dma_wait3A_250] : memref<10240x128xf32, #tpu.memory_space<hbm>> -> memref<10240x128xf32, #tpu.memory_space<hbm>>
        tpu.wait_indirect_dma semaphore(%arg15 : memref<!tpu.dma_semaphore, #tpu.memory_space<semaphore_mem>>) src(%dma_wait3A_251 : memref<10240x128xf32, #tpu.memory_space<hbm>>) dst(%dma_wait3A_245 : memref<40x128xf32, #tpu.memory_space<vmem>>)
        %run_scoped3A = arith.constant 2 : i32
        %run_scoped3A_252 = arith.constant 10 : i32
        "tpu.region"() ({
          %run_scoped3A_253 = tpu.sem_alloc : memref<!tpu.dma_semaphore, #tpu.memory_space<semaphore_mem>>
          %dma_start3A = arith.constant 0 : i32
          %dma_start3A_254 = arith.constant 0 : i32
          %dma_start3A_255 = tpu.memref_slice %arg11[%run_scoped3A, %dma_start3A, %dma_start3A_254] : memref<8x40x128xf32, #tpu.memory_space<vmem>> -> memref<1x40x128xf32, #tpu.memory_space<vmem>>
          %dma_start3A_256 = tpu.memref_squeeze %dma_start3A_255 : memref<1x40x128xf32, #tpu.memory_space<vmem>> -> memref<40x128xf32, #tpu.memory_space<vmem>>
          %dma_start3A_257 = arith.constant 0 : i32
          %dma_start3A_258 = tpu.memref_slice %arg9[%run_scoped3A_252, %dma_start3A_257] : memref<16x40xi32, #tpu.memory_space<vmem>> -> memref<1x40xi32, #tpu.memory_space<vmem>>
          %dma_start3A_259 = tpu.memref_squeeze %dma_start3A_258 : memref<1x40xi32, #tpu.memory_space<vmem>> -> memref<40xi32, #tpu.memory_space<vmem>>
          %dma_start3A_260 = arith.constant 0 : i32
          %dma_start3A_261 = arith.constant 0 : i32
          %dma_start3A_262 = tpu.memref_slice %arg12[%dma_start3A_260, %dma_start3A_261] : memref<10240x128xf32, #tpu.memory_space<vmem_shared>> -> memref<10240x128xf32, #tpu.memory_space<vmem_shared>>
          tpu.enqueue_indirect_dma source(%dma_start3A_256 : memref<40x128xf32, #tpu.memory_space<vmem>>) target(%dma_start3A_262 : memref<10240x128xf32, #tpu.memory_space<vmem_shared>>) offsets(%dma_start3A_259 : memref<40xi32, #tpu.memory_space<vmem>>) semaphore(%run_scoped3A_253 : memref<!tpu.dma_semaphore, #tpu.memory_space<semaphore_mem>>) {add = true}
          %dma_wait3A_263 = arith.constant 0 : i32
          %dma_wait3A_264 = arith.constant 0 : i32
          %dma_wait3A_265 = tpu.memref_slice %arg11[%run_scoped3A, %dma_wait3A_263, %dma_wait3A_264] : memref<8x40x128xf32, #tpu.memory_space<vmem>> -> memref<1x40x128xf32, #tpu.memory_space<vmem>>
          %dma_wait3A_266 = tpu.memref_squeeze %dma_wait3A_265 : memref<1x40x128xf32, #tpu.memory_space<vmem>> -> memref<40x128xf32, #tpu.memory_space<vmem>>
          %dma_wait3A_267 = arith.constant 0 : i32
          %dma_wait3A_268 = tpu.memref_slice %arg9[%run_scoped3A_252, %dma_wait3A_267] : memref<16x40xi32, #tpu.memory_space<vmem>> -> memref<1x40xi32, #tpu.memory_space<vmem>>
          %dma_wait3A_269 = tpu.memref_squeeze %dma_wait3A_268 : memref<1x40xi32, #tpu.memory_space<vmem>> -> memref<40xi32, #tpu.memory_space<vmem>>
          %dma_wait3A_270 = arith.constant 0 : i32
          %dma_wait3A_271 = arith.constant 0 : i32
          %dma_wait3A_272 = tpu.memref_slice %arg12[%dma_wait3A_270, %dma_wait3A_271] : memref<10240x128xf32, #tpu.memory_space<vmem_shared>> -> memref<10240x128xf32, #tpu.memory_space<vmem_shared>>
          tpu.wait_indirect_dma semaphore(%run_scoped3A_253 : memref<!tpu.dma_semaphore, #tpu.memory_space<semaphore_mem>>) src(%dma_wait3A_266 : memref<40x128xf32, #tpu.memory_space<vmem>>) dst(%dma_wait3A_272 : memref<10240x128xf32, #tpu.memory_space<vmem_shared>>)
          tpu.yield
        }) : () -> ()
      } else {
      }
      %add3A_210 = arith.constant 11 : i32
      %add3A_211 = arith.addi %mul3A_50, %add3A_210 : i32
      %lt3A_212 = arith.cmpi slt, %add3A_211, %reduce_max3A_10 : i32
      %convert_element_type3A_213 = arith.extui %lt3A_212 : i1 to i32
      %cond3A_214 = arith.constant 0 : i32
      %cond3A_215 = arith.cmpi ne, %convert_element_type3A_213, %cond3A_214 : i32
      scf.if %cond3A_215 {
        %dma_wait3A = arith.constant 11 : i32
        %dma_wait3A_241 = arith.constant 3 : i32
        %dma_wait3A_242 = arith.constant 0 : i32
        %dma_wait3A_243 = arith.constant 0 : i32
        %dma_wait3A_244 = tpu.memref_slice %arg11[%dma_wait3A_241, %dma_wait3A_242, %dma_wait3A_243] : memref<8x40x128xf32, #tpu.memory_space<vmem>> -> memref<1x40x128xf32, #tpu.memory_space<vmem>>
        %dma_wait3A_245 = tpu.memref_squeeze %dma_wait3A_244 : memref<1x40x128xf32, #tpu.memory_space<vmem>> -> memref<40x128xf32, #tpu.memory_space<vmem>>
        %dma_wait3A_246 = arith.constant 0 : i32
        %dma_wait3A_247 = tpu.memref_slice %arg8[%dma_wait3A, %dma_wait3A_246] : memref<16x40xi32, #tpu.memory_space<vmem>> -> memref<1x40xi32, #tpu.memory_space<vmem>>
        %dma_wait3A_248 = tpu.memref_squeeze %dma_wait3A_247 : memref<1x40xi32, #tpu.memory_space<vmem>> -> memref<40xi32, #tpu.memory_space<vmem>>
        %dma_wait3A_249 = arith.constant 0 : i32
        %dma_wait3A_250 = arith.constant 0 : i32
        %dma_wait3A_251 = tpu.memref_slice %arg5[%dma_wait3A_249, %dma_wait3A_250] : memref<10240x128xf32, #tpu.memory_space<hbm>> -> memref<10240x128xf32, #tpu.memory_space<hbm>>
        tpu.wait_indirect_dma semaphore(%arg16 : memref<!tpu.dma_semaphore, #tpu.memory_space<semaphore_mem>>) src(%dma_wait3A_251 : memref<10240x128xf32, #tpu.memory_space<hbm>>) dst(%dma_wait3A_245 : memref<40x128xf32, #tpu.memory_space<vmem>>)
        %run_scoped3A = arith.constant 3 : i32
        %run_scoped3A_252 = arith.constant 11 : i32
        "tpu.region"() ({
          %run_scoped3A_253 = tpu.sem_alloc : memref<!tpu.dma_semaphore, #tpu.memory_space<semaphore_mem>>
          %dma_start3A = arith.constant 0 : i32
          %dma_start3A_254 = arith.constant 0 : i32
          %dma_start3A_255 = tpu.memref_slice %arg11[%run_scoped3A, %dma_start3A, %dma_start3A_254] : memref<8x40x128xf32, #tpu.memory_space<vmem>> -> memref<1x40x128xf32, #tpu.memory_space<vmem>>
          %dma_start3A_256 = tpu.memref_squeeze %dma_start3A_255 : memref<1x40x128xf32, #tpu.memory_space<vmem>> -> memref<40x128xf32, #tpu.memory_space<vmem>>
          %dma_start3A_257 = arith.constant 0 : i32
          %dma_start3A_258 = tpu.memref_slice %arg9[%run_scoped3A_252, %dma_start3A_257] : memref<16x40xi32, #tpu.memory_space<vmem>> -> memref<1x40xi32, #tpu.memory_space<vmem>>
          %dma_start3A_259 = tpu.memref_squeeze %dma_start3A_258 : memref<1x40xi32, #tpu.memory_space<vmem>> -> memref<40xi32, #tpu.memory_space<vmem>>
          %dma_start3A_260 = arith.constant 0 : i32
          %dma_start3A_261 = arith.constant 0 : i32
          %dma_start3A_262 = tpu.memref_slice %arg12[%dma_start3A_260, %dma_start3A_261] : memref<10240x128xf32, #tpu.memory_space<vmem_shared>> -> memref<10240x128xf32, #tpu.memory_space<vmem_shared>>
          tpu.enqueue_indirect_dma source(%dma_start3A_256 : memref<40x128xf32, #tpu.memory_space<vmem>>) target(%dma_start3A_262 : memref<10240x128xf32, #tpu.memory_space<vmem_shared>>) offsets(%dma_start3A_259 : memref<40xi32, #tpu.memory_space<vmem>>) semaphore(%run_scoped3A_253 : memref<!tpu.dma_semaphore, #tpu.memory_space<semaphore_mem>>) {add = true}
          %dma_wait3A_263 = arith.constant 0 : i32
          %dma_wait3A_264 = arith.constant 0 : i32
          %dma_wait3A_265 = tpu.memref_slice %arg11[%run_scoped3A, %dma_wait3A_263, %dma_wait3A_264] : memref<8x40x128xf32, #tpu.memory_space<vmem>> -> memref<1x40x128xf32, #tpu.memory_space<vmem>>
          %dma_wait3A_266 = tpu.memref_squeeze %dma_wait3A_265 : memref<1x40x128xf32, #tpu.memory_space<vmem>> -> memref<40x128xf32, #tpu.memory_space<vmem>>
          %dma_wait3A_267 = arith.constant 0 : i32
          %dma_wait3A_268 = tpu.memref_slice %arg9[%run_scoped3A_252, %dma_wait3A_267] : memref<16x40xi32, #tpu.memory_space<vmem>> -> memref<1x40xi32, #tpu.memory_space<vmem>>
          %dma_wait3A_269 = tpu.memref_squeeze %dma_wait3A_268 : memref<1x40xi32, #tpu.memory_space<vmem>> -> memref<40xi32, #tpu.memory_space<vmem>>
          %dma_wait3A_270 = arith.constant 0 : i32
          %dma_wait3A_271 = arith.constant 0 : i32
          %dma_wait3A_272 = tpu.memref_slice %arg12[%dma_wait3A_270, %dma_wait3A_271] : memref<10240x128xf32, #tpu.memory_space<vmem_shared>> -> memref<10240x128xf32, #tpu.memory_space<vmem_shared>>
          tpu.wait_indirect_dma semaphore(%run_scoped3A_253 : memref<!tpu.dma_semaphore, #tpu.memory_space<semaphore_mem>>) src(%dma_wait3A_266 : memref<40x128xf32, #tpu.memory_space<vmem>>) dst(%dma_wait3A_272 : memref<10240x128xf32, #tpu.memory_space<vmem_shared>>)
          tpu.yield
        }) : () -> ()
      } else {
      }
      %add3A_216 = arith.constant 12 : i32
      %add3A_217 = arith.addi %mul3A_50, %add3A_216 : i32
      %lt3A_218 = arith.cmpi slt, %add3A_217, %reduce_max3A_10 : i32
      %convert_element_type3A_219 = arith.extui %lt3A_218 : i1 to i32
      %cond3A_220 = arith.constant 0 : i32
      %cond3A_221 = arith.cmpi ne, %convert_element_type3A_219, %cond3A_220 : i32
      scf.if %cond3A_221 {
        %dma_wait3A = arith.constant 12 : i32
        %dma_wait3A_241 = arith.constant 4 : i32
        %dma_wait3A_242 = arith.constant 0 : i32
        %dma_wait3A_243 = arith.constant 0 : i32
        %dma_wait3A_244 = tpu.memref_slice %arg11[%dma_wait3A_241, %dma_wait3A_242, %dma_wait3A_243] : memref<8x40x128xf32, #tpu.memory_space<vmem>> -> memref<1x40x128xf32, #tpu.memory_space<vmem>>
        %dma_wait3A_245 = tpu.memref_squeeze %dma_wait3A_244 : memref<1x40x128xf32, #tpu.memory_space<vmem>> -> memref<40x128xf32, #tpu.memory_space<vmem>>
        %dma_wait3A_246 = arith.constant 0 : i32
        %dma_wait3A_247 = tpu.memref_slice %arg8[%dma_wait3A, %dma_wait3A_246] : memref<16x40xi32, #tpu.memory_space<vmem>> -> memref<1x40xi32, #tpu.memory_space<vmem>>
        %dma_wait3A_248 = tpu.memref_squeeze %dma_wait3A_247 : memref<1x40xi32, #tpu.memory_space<vmem>> -> memref<40xi32, #tpu.memory_space<vmem>>
        %dma_wait3A_249 = arith.constant 0 : i32
        %dma_wait3A_250 = arith.constant 0 : i32
        %dma_wait3A_251 = tpu.memref_slice %arg5[%dma_wait3A_249, %dma_wait3A_250] : memref<10240x128xf32, #tpu.memory_space<hbm>> -> memref<10240x128xf32, #tpu.memory_space<hbm>>
        tpu.wait_indirect_dma semaphore(%arg17 : memref<!tpu.dma_semaphore, #tpu.memory_space<semaphore_mem>>) src(%dma_wait3A_251 : memref<10240x128xf32, #tpu.memory_space<hbm>>) dst(%dma_wait3A_245 : memref<40x128xf32, #tpu.memory_space<vmem>>)
        %run_scoped3A = arith.constant 4 : i32
        %run_scoped3A_252 = arith.constant 12 : i32
        "tpu.region"() ({
          %run_scoped3A_253 = tpu.sem_alloc : memref<!tpu.dma_semaphore, #tpu.memory_space<semaphore_mem>>
          %dma_start3A = arith.constant 0 : i32
          %dma_start3A_254 = arith.constant 0 : i32
          %dma_start3A_255 = tpu.memref_slice %arg11[%run_scoped3A, %dma_start3A, %dma_start3A_254] : memref<8x40x128xf32, #tpu.memory_space<vmem>> -> memref<1x40x128xf32, #tpu.memory_space<vmem>>
          %dma_start3A_256 = tpu.memref_squeeze %dma_start3A_255 : memref<1x40x128xf32, #tpu.memory_space<vmem>> -> memref<40x128xf32, #tpu.memory_space<vmem>>
          %dma_start3A_257 = arith.constant 0 : i32
          %dma_start3A_258 = tpu.memref_slice %arg9[%run_scoped3A_252, %dma_start3A_257] : memref<16x40xi32, #tpu.memory_space<vmem>> -> memref<1x40xi32, #tpu.memory_space<vmem>>
          %dma_start3A_259 = tpu.memref_squeeze %dma_start3A_258 : memref<1x40xi32, #tpu.memory_space<vmem>> -> memref<40xi32, #tpu.memory_space<vmem>>
          %dma_start3A_260 = arith.constant 0 : i32
          %dma_start3A_261 = arith.constant 0 : i32
          %dma_start3A_262 = tpu.memref_slice %arg12[%dma_start3A_260, %dma_start3A_261] : memref<10240x128xf32, #tpu.memory_space<vmem_shared>> -> memref<10240x128xf32, #tpu.memory_space<vmem_shared>>
          tpu.enqueue_indirect_dma source(%dma_start3A_256 : memref<40x128xf32, #tpu.memory_space<vmem>>) target(%dma_start3A_262 : memref<10240x128xf32, #tpu.memory_space<vmem_shared>>) offsets(%dma_start3A_259 : memref<40xi32, #tpu.memory_space<vmem>>) semaphore(%run_scoped3A_253 : memref<!tpu.dma_semaphore, #tpu.memory_space<semaphore_mem>>) {add = true}
          %dma_wait3A_263 = arith.constant 0 : i32
          %dma_wait3A_264 = arith.constant 0 : i32
          %dma_wait3A_265 = tpu.memref_slice %arg11[%run_scoped3A, %dma_wait3A_263, %dma_wait3A_264] : memref<8x40x128xf32, #tpu.memory_space<vmem>> -> memref<1x40x128xf32, #tpu.memory_space<vmem>>
          %dma_wait3A_266 = tpu.memref_squeeze %dma_wait3A_265 : memref<1x40x128xf32, #tpu.memory_space<vmem>> -> memref<40x128xf32, #tpu.memory_space<vmem>>
          %dma_wait3A_267 = arith.constant 0 : i32
          %dma_wait3A_268 = tpu.memref_slice %arg9[%run_scoped3A_252, %dma_wait3A_267] : memref<16x40xi32, #tpu.memory_space<vmem>> -> memref<1x40xi32, #tpu.memory_space<vmem>>
          %dma_wait3A_269 = tpu.memref_squeeze %dma_wait3A_268 : memref<1x40xi32, #tpu.memory_space<vmem>> -> memref<40xi32, #tpu.memory_space<vmem>>
          %dma_wait3A_270 = arith.constant 0 : i32
          %dma_wait3A_271 = arith.constant 0 : i32
          %dma_wait3A_272 = tpu.memref_slice %arg12[%dma_wait3A_270, %dma_wait3A_271] : memref<10240x128xf32, #tpu.memory_space<vmem_shared>> -> memref<10240x128xf32, #tpu.memory_space<vmem_shared>>
          tpu.wait_indirect_dma semaphore(%run_scoped3A_253 : memref<!tpu.dma_semaphore, #tpu.memory_space<semaphore_mem>>) src(%dma_wait3A_266 : memref<40x128xf32, #tpu.memory_space<vmem>>) dst(%dma_wait3A_272 : memref<10240x128xf32, #tpu.memory_space<vmem_shared>>)
          tpu.yield
        }) : () -> ()
      } else {
      }
      %add3A_222 = arith.constant 13 : i32
      %add3A_223 = arith.addi %mul3A_50, %add3A_222 : i32
      %lt3A_224 = arith.cmpi slt, %add3A_223, %reduce_max3A_10 : i32
      %convert_element_type3A_225 = arith.extui %lt3A_224 : i1 to i32
      %cond3A_226 = arith.constant 0 : i32
      %cond3A_227 = arith.cmpi ne, %convert_element_type3A_225, %cond3A_226 : i32
      scf.if %cond3A_227 {
        %dma_wait3A = arith.constant 13 : i32
        %dma_wait3A_241 = arith.constant 5 : i32
        %dma_wait3A_242 = arith.constant 0 : i32
        %dma_wait3A_243 = arith.constant 0 : i32
        %dma_wait3A_244 = tpu.memref_slice %arg11[%dma_wait3A_241, %dma_wait3A_242, %dma_wait3A_243] : memref<8x40x128xf32, #tpu.memory_space<vmem>> -> memref<1x40x128xf32, #tpu.memory_space<vmem>>
        %dma_wait3A_245 = tpu.memref_squeeze %dma_wait3A_244 : memref<1x40x128xf32, #tpu.memory_space<vmem>> -> memref<40x128xf32, #tpu.memory_space<vmem>>
        %dma_wait3A_246 = arith.constant 0 : i32
        %dma_wait3A_247 = tpu.memref_slice %arg8[%dma_wait3A, %dma_wait3A_246] : memref<16x40xi32, #tpu.memory_space<vmem>> -> memref<1x40xi32, #tpu.memory_space<vmem>>
        %dma_wait3A_248 = tpu.memref_squeeze %dma_wait3A_247 : memref<1x40xi32, #tpu.memory_space<vmem>> -> memref<40xi32, #tpu.memory_space<vmem>>
        %dma_wait3A_249 = arith.constant 0 : i32
        %dma_wait3A_250 = arith.constant 0 : i32
        %dma_wait3A_251 = tpu.memref_slice %arg5[%dma_wait3A_249, %dma_wait3A_250] : memref<10240x128xf32, #tpu.memory_space<hbm>> -> memref<10240x128xf32, #tpu.memory_space<hbm>>
        tpu.wait_indirect_dma semaphore(%arg18 : memref<!tpu.dma_semaphore, #tpu.memory_space<semaphore_mem>>) src(%dma_wait3A_251 : memref<10240x128xf32, #tpu.memory_space<hbm>>) dst(%dma_wait3A_245 : memref<40x128xf32, #tpu.memory_space<vmem>>)
        %run_scoped3A = arith.constant 5 : i32
        %run_scoped3A_252 = arith.constant 13 : i32
        "tpu.region"() ({
          %run_scoped3A_253 = tpu.sem_alloc : memref<!tpu.dma_semaphore, #tpu.memory_space<semaphore_mem>>
          %dma_start3A = arith.constant 0 : i32
          %dma_start3A_254 = arith.constant 0 : i32
          %dma_start3A_255 = tpu.memref_slice %arg11[%run_scoped3A, %dma_start3A, %dma_start3A_254] : memref<8x40x128xf32, #tpu.memory_space<vmem>> -> memref<1x40x128xf32, #tpu.memory_space<vmem>>
          %dma_start3A_256 = tpu.memref_squeeze %dma_start3A_255 : memref<1x40x128xf32, #tpu.memory_space<vmem>> -> memref<40x128xf32, #tpu.memory_space<vmem>>
          %dma_start3A_257 = arith.constant 0 : i32
          %dma_start3A_258 = tpu.memref_slice %arg9[%run_scoped3A_252, %dma_start3A_257] : memref<16x40xi32, #tpu.memory_space<vmem>> -> memref<1x40xi32, #tpu.memory_space<vmem>>
          %dma_start3A_259 = tpu.memref_squeeze %dma_start3A_258 : memref<1x40xi32, #tpu.memory_space<vmem>> -> memref<40xi32, #tpu.memory_space<vmem>>
          %dma_start3A_260 = arith.constant 0 : i32
          %dma_start3A_261 = arith.constant 0 : i32
          %dma_start3A_262 = tpu.memref_slice %arg12[%dma_start3A_260, %dma_start3A_261] : memref<10240x128xf32, #tpu.memory_space<vmem_shared>> -> memref<10240x128xf32, #tpu.memory_space<vmem_shared>>
          tpu.enqueue_indirect_dma source(%dma_start3A_256 : memref<40x128xf32, #tpu.memory_space<vmem>>) target(%dma_start3A_262 : memref<10240x128xf32, #tpu.memory_space<vmem_shared>>) offsets(%dma_start3A_259 : memref<40xi32, #tpu.memory_space<vmem>>) semaphore(%run_scoped3A_253 : memref<!tpu.dma_semaphore, #tpu.memory_space<semaphore_mem>>) {add = true}
          %dma_wait3A_263 = arith.constant 0 : i32
          %dma_wait3A_264 = arith.constant 0 : i32
          %dma_wait3A_265 = tpu.memref_slice %arg11[%run_scoped3A, %dma_wait3A_263, %dma_wait3A_264] : memref<8x40x128xf32, #tpu.memory_space<vmem>> -> memref<1x40x128xf32, #tpu.memory_space<vmem>>
          %dma_wait3A_266 = tpu.memref_squeeze %dma_wait3A_265 : memref<1x40x128xf32, #tpu.memory_space<vmem>> -> memref<40x128xf32, #tpu.memory_space<vmem>>
          %dma_wait3A_267 = arith.constant 0 : i32
          %dma_wait3A_268 = tpu.memref_slice %arg9[%run_scoped3A_252, %dma_wait3A_267] : memref<16x40xi32, #tpu.memory_space<vmem>> -> memref<1x40xi32, #tpu.memory_space<vmem>>
          %dma_wait3A_269 = tpu.memref_squeeze %dma_wait3A_268 : memref<1x40xi32, #tpu.memory_space<vmem>> -> memref<40xi32, #tpu.memory_space<vmem>>
          %dma_wait3A_270 = arith.constant 0 : i32
          %dma_wait3A_271 = arith.constant 0 : i32
          %dma_wait3A_272 = tpu.memref_slice %arg12[%dma_wait3A_270, %dma_wait3A_271] : memref<10240x128xf32, #tpu.memory_space<vmem_shared>> -> memref<10240x128xf32, #tpu.memory_space<vmem_shared>>
          tpu.wait_indirect_dma semaphore(%run_scoped3A_253 : memref<!tpu.dma_semaphore, #tpu.memory_space<semaphore_mem>>) src(%dma_wait3A_266 : memref<40x128xf32, #tpu.memory_space<vmem>>) dst(%dma_wait3A_272 : memref<10240x128xf32, #tpu.memory_space<vmem_shared>>)
          tpu.yield
        }) : () -> ()
      } else {
      }
      %add3A_228 = arith.constant 14 : i32
      %add3A_229 = arith.addi %mul3A_50, %add3A_228 : i32
      %lt3A_230 = arith.cmpi slt, %add3A_229, %reduce_max3A_10 : i32
      %convert_element_type3A_231 = arith.extui %lt3A_230 : i1 to i32
      %cond3A_232 = arith.constant 0 : i32
      %cond3A_233 = arith.cmpi ne, %convert_element_type3A_231, %cond3A_232 : i32
      scf.if %cond3A_233 {
        %dma_wait3A = arith.constant 14 : i32
        %dma_wait3A_241 = arith.constant 6 : i32
        %dma_wait3A_242 = arith.constant 0 : i32
        %dma_wait3A_243 = arith.constant 0 : i32
        %dma_wait3A_244 = tpu.memref_slice %arg11[%dma_wait3A_241, %dma_wait3A_242, %dma_wait3A_243] : memref<8x40x128xf32, #tpu.memory_space<vmem>> -> memref<1x40x128xf32, #tpu.memory_space<vmem>>
        %dma_wait3A_245 = tpu.memref_squeeze %dma_wait3A_244 : memref<1x40x128xf32, #tpu.memory_space<vmem>> -> memref<40x128xf32, #tpu.memory_space<vmem>>
        %dma_wait3A_246 = arith.constant 0 : i32
        %dma_wait3A_247 = tpu.memref_slice %arg8[%dma_wait3A, %dma_wait3A_246] : memref<16x40xi32, #tpu.memory_space<vmem>> -> memref<1x40xi32, #tpu.memory_space<vmem>>
        %dma_wait3A_248 = tpu.memref_squeeze %dma_wait3A_247 : memref<1x40xi32, #tpu.memory_space<vmem>> -> memref<40xi32, #tpu.memory_space<vmem>>
        %dma_wait3A_249 = arith.constant 0 : i32
        %dma_wait3A_250 = arith.constant 0 : i32
        %dma_wait3A_251 = tpu.memref_slice %arg5[%dma_wait3A_249, %dma_wait3A_250] : memref<10240x128xf32, #tpu.memory_space<hbm>> -> memref<10240x128xf32, #tpu.memory_space<hbm>>
        tpu.wait_indirect_dma semaphore(%arg19 : memref<!tpu.dma_semaphore, #tpu.memory_space<semaphore_mem>>) src(%dma_wait3A_251 : memref<10240x128xf32, #tpu.memory_space<hbm>>) dst(%dma_wait3A_245 : memref<40x128xf32, #tpu.memory_space<vmem>>)
        %run_scoped3A = arith.constant 6 : i32
        %run_scoped3A_252 = arith.constant 14 : i32
        "tpu.region"() ({
          %run_scoped3A_253 = tpu.sem_alloc : memref<!tpu.dma_semaphore, #tpu.memory_space<semaphore_mem>>
          %dma_start3A = arith.constant 0 : i32
          %dma_start3A_254 = arith.constant 0 : i32
          %dma_start3A_255 = tpu.memref_slice %arg11[%run_scoped3A, %dma_start3A, %dma_start3A_254] : memref<8x40x128xf32, #tpu.memory_space<vmem>> -> memref<1x40x128xf32, #tpu.memory_space<vmem>>
          %dma_start3A_256 = tpu.memref_squeeze %dma_start3A_255 : memref<1x40x128xf32, #tpu.memory_space<vmem>> -> memref<40x128xf32, #tpu.memory_space<vmem>>
          %dma_start3A_257 = arith.constant 0 : i32
          %dma_start3A_258 = tpu.memref_slice %arg9[%run_scoped3A_252, %dma_start3A_257] : memref<16x40xi32, #tpu.memory_space<vmem>> -> memref<1x40xi32, #tpu.memory_space<vmem>>
          %dma_start3A_259 = tpu.memref_squeeze %dma_start3A_258 : memref<1x40xi32, #tpu.memory_space<vmem>> -> memref<40xi32, #tpu.memory_space<vmem>>
          %dma_start3A_260 = arith.constant 0 : i32
          %dma_start3A_261 = arith.constant 0 : i32
          %dma_start3A_262 = tpu.memref_slice %arg12[%dma_start3A_260, %dma_start3A_261] : memref<10240x128xf32, #tpu.memory_space<vmem_shared>> -> memref<10240x128xf32, #tpu.memory_space<vmem_shared>>
          tpu.enqueue_indirect_dma source(%dma_start3A_256 : memref<40x128xf32, #tpu.memory_space<vmem>>) target(%dma_start3A_262 : memref<10240x128xf32, #tpu.memory_space<vmem_shared>>) offsets(%dma_start3A_259 : memref<40xi32, #tpu.memory_space<vmem>>) semaphore(%run_scoped3A_253 : memref<!tpu.dma_semaphore, #tpu.memory_space<semaphore_mem>>) {add = true}
          %dma_wait3A_263 = arith.constant 0 : i32
          %dma_wait3A_264 = arith.constant 0 : i32
          %dma_wait3A_265 = tpu.memref_slice %arg11[%run_scoped3A, %dma_wait3A_263, %dma_wait3A_264] : memref<8x40x128xf32, #tpu.memory_space<vmem>> -> memref<1x40x128xf32, #tpu.memory_space<vmem>>
          %dma_wait3A_266 = tpu.memref_squeeze %dma_wait3A_265 : memref<1x40x128xf32, #tpu.memory_space<vmem>> -> memref<40x128xf32, #tpu.memory_space<vmem>>
          %dma_wait3A_267 = arith.constant 0 : i32
          %dma_wait3A_268 = tpu.memref_slice %arg9[%run_scoped3A_252, %dma_wait3A_267] : memref<16x40xi32, #tpu.memory_space<vmem>> -> memref<1x40xi32, #tpu.memory_space<vmem>>
          %dma_wait3A_269 = tpu.memref_squeeze %dma_wait3A_268 : memref<1x40xi32, #tpu.memory_space<vmem>> -> memref<40xi32, #tpu.memory_space<vmem>>
          %dma_wait3A_270 = arith.constant 0 : i32
          %dma_wait3A_271 = arith.constant 0 : i32
          %dma_wait3A_272 = tpu.memref_slice %arg12[%dma_wait3A_270, %dma_wait3A_271] : memref<10240x128xf32, #tpu.memory_space<vmem_shared>> -> memref<10240x128xf32, #tpu.memory_space<vmem_shared>>
          tpu.wait_indirect_dma semaphore(%run_scoped3A_253 : memref<!tpu.dma_semaphore, #tpu.memory_space<semaphore_mem>>) src(%dma_wait3A_266 : memref<40x128xf32, #tpu.memory_space<vmem>>) dst(%dma_wait3A_272 : memref<10240x128xf32, #tpu.memory_space<vmem_shared>>)
          tpu.yield
        }) : () -> ()
      } else {
      }
      %add3A_234 = arith.constant 15 : i32
      %add3A_235 = arith.addi %mul3A_50, %add3A_234 : i32
      %lt3A_236 = arith.cmpi slt, %add3A_235, %reduce_max3A_10 : i32
      %convert_element_type3A_237 = arith.extui %lt3A_236 : i1 to i32
      %cond3A_238 = arith.constant 0 : i32
      %cond3A_239 = arith.cmpi ne, %convert_element_type3A_237, %cond3A_238 : i32
      scf.if %cond3A_239 {
        %dma_wait3A = arith.constant 15 : i32
        %dma_wait3A_241 = arith.constant 7 : i32
        %dma_wait3A_242 = arith.constant 0 : i32
        %dma_wait3A_243 = arith.constant 0 : i32
        %dma_wait3A_244 = tpu.memref_slice %arg11[%dma_wait3A_241, %dma_wait3A_242, %dma_wait3A_243] : memref<8x40x128xf32, #tpu.memory_space<vmem>> -> memref<1x40x128xf32, #tpu.memory_space<vmem>>
        %dma_wait3A_245 = tpu.memref_squeeze %dma_wait3A_244 : memref<1x40x128xf32, #tpu.memory_space<vmem>> -> memref<40x128xf32, #tpu.memory_space<vmem>>
        %dma_wait3A_246 = arith.constant 0 : i32
        %dma_wait3A_247 = tpu.memref_slice %arg8[%dma_wait3A, %dma_wait3A_246] : memref<16x40xi32, #tpu.memory_space<vmem>> -> memref<1x40xi32, #tpu.memory_space<vmem>>
        %dma_wait3A_248 = tpu.memref_squeeze %dma_wait3A_247 : memref<1x40xi32, #tpu.memory_space<vmem>> -> memref<40xi32, #tpu.memory_space<vmem>>
        %dma_wait3A_249 = arith.constant 0 : i32
        %dma_wait3A_250 = arith.constant 0 : i32
        %dma_wait3A_251 = tpu.memref_slice %arg5[%dma_wait3A_249, %dma_wait3A_250] : memref<10240x128xf32, #tpu.memory_space<hbm>> -> memref<10240x128xf32, #tpu.memory_space<hbm>>
        tpu.wait_indirect_dma semaphore(%arg20 : memref<!tpu.dma_semaphore, #tpu.memory_space<semaphore_mem>>) src(%dma_wait3A_251 : memref<10240x128xf32, #tpu.memory_space<hbm>>) dst(%dma_wait3A_245 : memref<40x128xf32, #tpu.memory_space<vmem>>)
        %run_scoped3A = arith.constant 7 : i32
        %run_scoped3A_252 = arith.constant 15 : i32
        "tpu.region"() ({
          %run_scoped3A_253 = tpu.sem_alloc : memref<!tpu.dma_semaphore, #tpu.memory_space<semaphore_mem>>
          %dma_start3A = arith.constant 0 : i32
          %dma_start3A_254 = arith.constant 0 : i32
          %dma_start3A_255 = tpu.memref_slice %arg11[%run_scoped3A, %dma_start3A, %dma_start3A_254] : memref<8x40x128xf32, #tpu.memory_space<vmem>> -> memref<1x40x128xf32, #tpu.memory_space<vmem>>
          %dma_start3A_256 = tpu.memref_squeeze %dma_start3A_255 : memref<1x40x128xf32, #tpu.memory_space<vmem>> -> memref<40x128xf32, #tpu.memory_space<vmem>>
          %dma_start3A_257 = arith.constant 0 : i32
          %dma_start3A_258 = tpu.memref_slice %arg9[%run_scoped3A_252, %dma_start3A_257] : memref<16x40xi32, #tpu.memory_space<vmem>> -> memref<1x40xi32, #tpu.memory_space<vmem>>
          %dma_start3A_259 = tpu.memref_squeeze %dma_start3A_258 : memref<1x40xi32, #tpu.memory_space<vmem>> -> memref<40xi32, #tpu.memory_space<vmem>>
          %dma_start3A_260 = arith.constant 0 : i32
          %dma_start3A_261 = arith.constant 0 : i32
          %dma_start3A_262 = tpu.memref_slice %arg12[%dma_start3A_260, %dma_start3A_261] : memref<10240x128xf32, #tpu.memory_space<vmem_shared>> -> memref<10240x128xf32, #tpu.memory_space<vmem_shared>>
          tpu.enqueue_indirect_dma source(%dma_start3A_256 : memref<40x128xf32, #tpu.memory_space<vmem>>) target(%dma_start3A_262 : memref<10240x128xf32, #tpu.memory_space<vmem_shared>>) offsets(%dma_start3A_259 : memref<40xi32, #tpu.memory_space<vmem>>) semaphore(%run_scoped3A_253 : memref<!tpu.dma_semaphore, #tpu.memory_space<semaphore_mem>>) {add = true}
          %dma_wait3A_263 = arith.constant 0 : i32
          %dma_wait3A_264 = arith.constant 0 : i32
          %dma_wait3A_265 = tpu.memref_slice %arg11[%run_scoped3A, %dma_wait3A_263, %dma_wait3A_264] : memref<8x40x128xf32, #tpu.memory_space<vmem>> -> memref<1x40x128xf32, #tpu.memory_space<vmem>>
          %dma_wait3A_266 = tpu.memref_squeeze %dma_wait3A_265 : memref<1x40x128xf32, #tpu.memory_space<vmem>> -> memref<40x128xf32, #tpu.memory_space<vmem>>
          %dma_wait3A_267 = arith.constant 0 : i32
          %dma_wait3A_268 = tpu.memref_slice %arg9[%run_scoped3A_252, %dma_wait3A_267] : memref<16x40xi32, #tpu.memory_space<vmem>> -> memref<1x40xi32, #tpu.memory_space<vmem>>
          %dma_wait3A_269 = tpu.memref_squeeze %dma_wait3A_268 : memref<1x40xi32, #tpu.memory_space<vmem>> -> memref<40xi32, #tpu.memory_space<vmem>>
          %dma_wait3A_270 = arith.constant 0 : i32
          %dma_wait3A_271 = arith.constant 0 : i32
          %dma_wait3A_272 = tpu.memref_slice %arg12[%dma_wait3A_270, %dma_wait3A_271] : memref<10240x128xf32, #tpu.memory_space<vmem_shared>> -> memref<10240x128xf32, #tpu.memory_space<vmem_shared>>
          tpu.wait_indirect_dma semaphore(%run_scoped3A_253 : memref<!tpu.dma_semaphore, #tpu.memory_space<semaphore_mem>>) src(%dma_wait3A_266 : memref<40x128xf32, #tpu.memory_space<vmem>>) dst(%dma_wait3A_272 : memref<10240x128xf32, #tpu.memory_space<vmem_shared>>)
          tpu.yield
        }) : () -> ()
      } else {
      }
      %while3A_240 = arith.constant 0 : i32
      scf.yield %while3A_240 : i32
    }
    %while3A_40 = arith.constant 1 : i32
    %while3A_41 = scf.for %while3A_47 = %while3A_37 to %while3A_33 step %while3A_40 iter_args(%while3A_48 = %while3A_39) -> (i32)  : i32 {
      %mul3A_49 = arith.constant 16 : i32
      %mul3A_50 = arith.muli %while3A_47, %mul3A_49 : i32
      %multiple_of3A = tpu.assume_multiple %mul3A_50, 16 : i32
      "tpu.region"() ({
        %run_scoped3A = tpu.sem_alloc : memref<!tpu.dma_semaphore, #tpu.memory_space<semaphore_mem>>
        %dma_start3A = arith.constant 0 : i32
        %dma_start3A_241 = tpu.memref_slice %arg2[%add3A, %multiple_of3A, %dma_start3A] : memref<32x256x40xi32, #tpu.memory_space<hbm>> -> memref<1x16x40xi32, #tpu.memory_space<hbm>>
        %dma_start3A_242 = tpu.memref_squeeze %dma_start3A_241 : memref<1x16x40xi32, #tpu.memory_space<hbm>> -> memref<16x40xi32, #tpu.memory_space<hbm>>
        %dma_start3A_243 = arith.constant 0 : i32
        %dma_start3A_244 = tpu.memref_slice %arg2[%add3A, %multiple_of3A, %dma_start3A_243] : memref<32x256x40xi32, #tpu.memory_space<hbm>> -> memref<1x16x40xi32, #tpu.memory_space<hbm>>
        %dma_start3A_245 = tpu.memref_squeeze %dma_start3A_244 : memref<1x16x40xi32, #tpu.memory_space<hbm>> -> memref<16x40xi32, #tpu.memory_space<hbm>>
        tpu.enqueue_dma source(%dma_start3A_245 : memref<16x40xi32, #tpu.memory_space<hbm>>) target(%arg8 : memref<16x40xi32, #tpu.memory_space<vmem>>) target_semaphore(%run_scoped3A : memref<!tpu.dma_semaphore, #tpu.memory_space<semaphore_mem>>)
        %dma_wait3A = arith.constant 0 : i32
        %dma_wait3A_246 = tpu.memref_slice %arg2[%add3A, %multiple_of3A, %dma_wait3A] : memref<32x256x40xi32, #tpu.memory_space<hbm>> -> memref<1x16x40xi32, #tpu.memory_space<hbm>>
        %dma_wait3A_247 = tpu.memref_squeeze %dma_wait3A_246 : memref<1x16x40xi32, #tpu.memory_space<hbm>> -> memref<16x40xi32, #tpu.memory_space<hbm>>
        %dma_wait3A_248 = arith.constant 0 : i32
        %dma_wait3A_249 = tpu.memref_slice %arg2[%add3A, %multiple_of3A, %dma_wait3A_248] : memref<32x256x40xi32, #tpu.memory_space<hbm>> -> memref<1x16x40xi32, #tpu.memory_space<hbm>>
        %dma_wait3A_250 = tpu.memref_squeeze %dma_wait3A_249 : memref<1x16x40xi32, #tpu.memory_space<hbm>> -> memref<16x40xi32, #tpu.memory_space<hbm>>
        tpu.wait_dma2 semaphore(%run_scoped3A : memref<!tpu.dma_semaphore, #tpu.memory_space<semaphore_mem>>) src(%dma_wait3A_250 : memref<16x40xi32, #tpu.memory_space<hbm>>) dst(%arg8 : memref<16x40xi32, #tpu.memory_space<vmem>>)
        tpu.yield
      }) : () -> ()
      "tpu.region"() ({
        %run_scoped3A = tpu.sem_alloc : memref<!tpu.dma_semaphore, #tpu.memory_space<semaphore_mem>>
        %dma_start3A = arith.constant 0 : i32
        %dma_start3A_241 = tpu.memref_slice %arg3[%add3A, %multiple_of3A, %dma_start3A] : memref<32x256x40xi32, #tpu.memory_space<hbm>> -> memref<1x16x40xi32, #tpu.memory_space<hbm>>
        %dma_start3A_242 = tpu.memref_squeeze %dma_start3A_241 : memref<1x16x40xi32, #tpu.memory_space<hbm>> -> memref<16x40xi32, #tpu.memory_space<hbm>>
        %dma_start3A_243 = arith.constant 0 : i32
        %dma_start3A_244 = tpu.memref_slice %arg3[%add3A, %multiple_of3A, %dma_start3A_243] : memref<32x256x40xi32, #tpu.memory_space<hbm>> -> memref<1x16x40xi32, #tpu.memory_space<hbm>>
        %dma_start3A_245 = tpu.memref_squeeze %dma_start3A_244 : memref<1x16x40xi32, #tpu.memory_space<hbm>> -> memref<16x40xi32, #tpu.memory_space<hbm>>
        tpu.enqueue_dma source(%dma_start3A_245 : memref<16x40xi32, #tpu.memory_space<hbm>>) target(%arg9 : memref<16x40xi32, #tpu.memory_space<vmem>>) target_semaphore(%run_scoped3A : memref<!tpu.dma_semaphore, #tpu.memory_space<semaphore_mem>>)
        %dma_wait3A = arith.constant 0 : i32
        %dma_wait3A_246 = tpu.memref_slice %arg3[%add3A, %multiple_of3A, %dma_wait3A] : memref<32x256x40xi32, #tpu.memory_space<hbm>> -> memref<1x16x40xi32, #tpu.memory_space<hbm>>
        %dma_wait3A_247 = tpu.memref_squeeze %dma_wait3A_246 : memref<1x16x40xi32, #tpu.memory_space<hbm>> -> memref<16x40xi32, #tpu.memory_space<hbm>>
        %dma_wait3A_248 = arith.constant 0 : i32
        %dma_wait3A_249 = tpu.memref_slice %arg3[%add3A, %multiple_of3A, %dma_wait3A_248] : memref<32x256x40xi32, #tpu.memory_space<hbm>> -> memref<1x16x40xi32, #tpu.memory_space<hbm>>
        %dma_wait3A_250 = tpu.memref_squeeze %dma_wait3A_249 : memref<1x16x40xi32, #tpu.memory_space<hbm>> -> memref<16x40xi32, #tpu.memory_space<hbm>>
        tpu.wait_dma2 semaphore(%run_scoped3A : memref<!tpu.dma_semaphore, #tpu.memory_space<semaphore_mem>>) src(%dma_wait3A_250 : memref<16x40xi32, #tpu.memory_space<hbm>>) dst(%arg9 : memref<16x40xi32, #tpu.memory_space<vmem>>)
        tpu.yield
      }) : () -> ()
      %add3A_51 = arith.constant 0 : i32
      %add3A_52 = arith.addi %mul3A_50, %add3A_51 : i32
      %lt3A = arith.cmpi slt, %add3A_52, %reduce_max3A_10 : i32
      %convert_element_type3A = arith.extui %lt3A : i1 to i32
      %cond3A = arith.constant 0 : i32
      %cond3A_53 = arith.cmpi ne, %convert_element_type3A, %cond3A : i32
      scf.if %cond3A_53 {
        %dma_start3A = arith.constant 0 : i32
        %dma_start3A_241 = arith.constant 0 : i32
        %dma_start3A_242 = arith.constant 0 : i32
        %dma_start3A_243 = arith.constant 0 : i32
        %dma_start3A_244 = tpu.memref_slice %arg11[%dma_start3A_241, %dma_start3A_242, %dma_start3A_243] : memref<8x40x128xf32, #tpu.memory_space<vmem>> -> memref<1x40x128xf32, #tpu.memory_space<vmem>>
        %dma_start3A_245 = tpu.memref_squeeze %dma_start3A_244 : memref<1x40x128xf32, #tpu.memory_space<vmem>> -> memref<40x128xf32, #tpu.memory_space<vmem>>
        %dma_start3A_246 = arith.constant 0 : i32
        %dma_start3A_247 = tpu.memref_slice %arg8[%dma_start3A, %dma_start3A_246] : memref<16x40xi32, #tpu.memory_space<vmem>> -> memref<1x40xi32, #tpu.memory_space<vmem>>
        %dma_start3A_248 = tpu.memref_squeeze %dma_start3A_247 : memref<1x40xi32, #tpu.memory_space<vmem>> -> memref<40xi32, #tpu.memory_space<vmem>>
        %dma_start3A_249 = arith.constant 0 : i32
        %dma_start3A_250 = arith.constant 0 : i32
        %dma_start3A_251 = tpu.memref_slice %arg5[%dma_start3A_249, %dma_start3A_250] : memref<10240x128xf32, #tpu.memory_space<hbm>> -> memref<10240x128xf32, #tpu.memory_space<hbm>>
        tpu.enqueue_indirect_dma source(%dma_start3A_251 : memref<10240x128xf32, #tpu.memory_space<hbm>>) target(%dma_start3A_245 : memref<40x128xf32, #tpu.memory_space<vmem>>) offsets(%dma_start3A_248 : memref<40xi32, #tpu.memory_space<vmem>>) semaphore(%arg13 : memref<!tpu.dma_semaphore, #tpu.memory_space<semaphore_mem>>)
      } else {
      }
      %add3A_54 = arith.constant 1 : i32
      %add3A_55 = arith.addi %mul3A_50, %add3A_54 : i32
      %lt3A_56 = arith.cmpi slt, %add3A_55, %reduce_max3A_10 : i32
      %convert_element_type3A_57 = arith.extui %lt3A_56 : i1 to i32
      %cond3A_58 = arith.constant 0 : i32
      %cond3A_59 = arith.cmpi ne, %convert_element_type3A_57, %cond3A_58 : i32
      scf.if %cond3A_59 {
        %dma_start3A = arith.constant 1 : i32
        %dma_start3A_241 = arith.constant 1 : i32
        %dma_start3A_242 = arith.constant 0 : i32
        %dma_start3A_243 = arith.constant 0 : i32
        %dma_start3A_244 = tpu.memref_slice %arg11[%dma_start3A_241, %dma_start3A_242, %dma_start3A_243] : memref<8x40x128xf32, #tpu.memory_space<vmem>> -> memref<1x40x128xf32, #tpu.memory_space<vmem>>
        %dma_start3A_245 = tpu.memref_squeeze %dma_start3A_244 : memref<1x40x128xf32, #tpu.memory_space<vmem>> -> memref<40x128xf32, #tpu.memory_space<vmem>>
        %dma_start3A_246 = arith.constant 0 : i32
        %dma_start3A_247 = tpu.memref_slice %arg8[%dma_start3A, %dma_start3A_246] : memref<16x40xi32, #tpu.memory_space<vmem>> -> memref<1x40xi32, #tpu.memory_space<vmem>>
        %dma_start3A_248 = tpu.memref_squeeze %dma_start3A_247 : memref<1x40xi32, #tpu.memory_space<vmem>> -> memref<40xi32, #tpu.memory_space<vmem>>
        %dma_start3A_249 = arith.constant 0 : i32
        %dma_start3A_250 = arith.constant 0 : i32
        %dma_start3A_251 = tpu.memref_slice %arg5[%dma_start3A_249, %dma_start3A_250] : memref<10240x128xf32, #tpu.memory_space<hbm>> -> memref<10240x128xf32, #tpu.memory_space<hbm>>
        tpu.enqueue_indirect_dma source(%dma_start3A_251 : memref<10240x128xf32, #tpu.memory_space<hbm>>) target(%dma_start3A_245 : memref<40x128xf32, #tpu.memory_space<vmem>>) offsets(%dma_start3A_248 : memref<40xi32, #tpu.memory_space<vmem>>) semaphore(%arg14 : memref<!tpu.dma_semaphore, #tpu.memory_space<semaphore_mem>>)
      } else {
      }
      %add3A_60 = arith.constant 2 : i32
      %add3A_61 = arith.addi %mul3A_50, %add3A_60 : i32
      %lt3A_62 = arith.cmpi slt, %add3A_61, %reduce_max3A_10 : i32
      %convert_element_type3A_63 = arith.extui %lt3A_62 : i1 to i32
      %cond3A_64 = arith.constant 0 : i32
      %cond3A_65 = arith.cmpi ne, %convert_element_type3A_63, %cond3A_64 : i32
      scf.if %cond3A_65 {
        %dma_start3A = arith.constant 2 : i32
        %dma_start3A_241 = arith.constant 2 : i32
        %dma_start3A_242 = arith.constant 0 : i32
        %dma_start3A_243 = arith.constant 0 : i32
        %dma_start3A_244 = tpu.memref_slice %arg11[%dma_start3A_241, %dma_start3A_242, %dma_start3A_243] : memref<8x40x128xf32, #tpu.memory_space<vmem>> -> memref<1x40x128xf32, #tpu.memory_space<vmem>>
        %dma_start3A_245 = tpu.memref_squeeze %dma_start3A_244 : memref<1x40x128xf32, #tpu.memory_space<vmem>> -> memref<40x128xf32, #tpu.memory_space<vmem>>
        %dma_start3A_246 = arith.constant 0 : i32
        %dma_start3A_247 = tpu.memref_slice %arg8[%dma_start3A, %dma_start3A_246] : memref<16x40xi32, #tpu.memory_space<vmem>> -> memref<1x40xi32, #tpu.memory_space<vmem>>
        %dma_start3A_248 = tpu.memref_squeeze %dma_start3A_247 : memref<1x40xi32, #tpu.memory_space<vmem>> -> memref<40xi32, #tpu.memory_space<vmem>>
        %dma_start3A_249 = arith.constant 0 : i32
        %dma_start3A_250 = arith.constant 0 : i32
        %dma_start3A_251 = tpu.memref_slice %arg5[%dma_start3A_249, %dma_start3A_250] : memref<10240x128xf32, #tpu.memory_space<hbm>> -> memref<10240x128xf32, #tpu.memory_space<hbm>>
        tpu.enqueue_indirect_dma source(%dma_start3A_251 : memref<10240x128xf32, #tpu.memory_space<hbm>>) target(%dma_start3A_245 : memref<40x128xf32, #tpu.memory_space<vmem>>) offsets(%dma_start3A_248 : memref<40xi32, #tpu.memory_space<vmem>>) semaphore(%arg15 : memref<!tpu.dma_semaphore, #tpu.memory_space<semaphore_mem>>)
      } else {
      }
      %add3A_66 = arith.constant 3 : i32
      %add3A_67 = arith.addi %mul3A_50, %add3A_66 : i32
      %lt3A_68 = arith.cmpi slt, %add3A_67, %reduce_max3A_10 : i32
      %convert_element_type3A_69 = arith.extui %lt3A_68 : i1 to i32
      %cond3A_70 = arith.constant 0 : i32
      %cond3A_71 = arith.cmpi ne, %convert_element_type3A_69, %cond3A_70 : i32
      scf.if %cond3A_71 {
        %dma_start3A = arith.constant 3 : i32
        %dma_start3A_241 = arith.constant 3 : i32
        %dma_start3A_242 = arith.constant 0 : i32
        %dma_start3A_243 = arith.constant 0 : i32
        %dma_start3A_244 = tpu.memref_slice %arg11[%dma_start3A_241, %dma_start3A_242, %dma_start3A_243] : memref<8x40x128xf32, #tpu.memory_space<vmem>> -> memref<1x40x128xf32, #tpu.memory_space<vmem>>
        %dma_start3A_245 = tpu.memref_squeeze %dma_start3A_244 : memref<1x40x128xf32, #tpu.memory_space<vmem>> -> memref<40x128xf32, #tpu.memory_space<vmem>>
        %dma_start3A_246 = arith.constant 0 : i32
        %dma_start3A_247 = tpu.memref_slice %arg8[%dma_start3A, %dma_start3A_246] : memref<16x40xi32, #tpu.memory_space<vmem>> -> memref<1x40xi32, #tpu.memory_space<vmem>>
        %dma_start3A_248 = tpu.memref_squeeze %dma_start3A_247 : memref<1x40xi32, #tpu.memory_space<vmem>> -> memref<40xi32, #tpu.memory_space<vmem>>
        %dma_start3A_249 = arith.constant 0 : i32
        %dma_start3A_250 = arith.constant 0 : i32
        %dma_start3A_251 = tpu.memref_slice %arg5[%dma_start3A_249, %dma_start3A_250] : memref<10240x128xf32, #tpu.memory_space<hbm>> -> memref<10240x128xf32, #tpu.memory_space<hbm>>
        tpu.enqueue_indirect_dma source(%dma_start3A_251 : memref<10240x128xf32, #tpu.memory_space<hbm>>) target(%dma_start3A_245 : memref<40x128xf32, #tpu.memory_space<vmem>>) offsets(%dma_start3A_248 : memref<40xi32, #tpu.memory_space<vmem>>) semaphore(%arg16 : memref<!tpu.dma_semaphore, #tpu.memory_space<semaphore_mem>>)
      } else {
      }
      %add3A_72 = arith.constant 4 : i32
      %add3A_73 = arith.addi %mul3A_50, %add3A_72 : i32
      %lt3A_74 = arith.cmpi slt, %add3A_73, %reduce_max3A_10 : i32
      %convert_element_type3A_75 = arith.extui %lt3A_74 : i1 to i32
      %cond3A_76 = arith.constant 0 : i32
      %cond3A_77 = arith.cmpi ne, %convert_element_type3A_75, %cond3A_76 : i32
      scf.if %cond3A_77 {
        %dma_start3A = arith.constant 4 : i32
        %dma_start3A_241 = arith.constant 4 : i32
        %dma_start3A_242 = arith.constant 0 : i32
        %dma_start3A_243 = arith.constant 0 : i32
        %dma_start3A_244 = tpu.memref_slice %arg11[%dma_start3A_241, %dma_start3A_242, %dma_start3A_243] : memref<8x40x128xf32, #tpu.memory_space<vmem>> -> memref<1x40x128xf32, #tpu.memory_space<vmem>>
        %dma_start3A_245 = tpu.memref_squeeze %dma_start3A_244 : memref<1x40x128xf32, #tpu.memory_space<vmem>> -> memref<40x128xf32, #tpu.memory_space<vmem>>
        %dma_start3A_246 = arith.constant 0 : i32
        %dma_start3A_247 = tpu.memref_slice %arg8[%dma_start3A, %dma_start3A_246] : memref<16x40xi32, #tpu.memory_space<vmem>> -> memref<1x40xi32, #tpu.memory_space<vmem>>
        %dma_start3A_248 = tpu.memref_squeeze %dma_start3A_247 : memref<1x40xi32, #tpu.memory_space<vmem>> -> memref<40xi32, #tpu.memory_space<vmem>>
        %dma_start3A_249 = arith.constant 0 : i32
        %dma_start3A_250 = arith.constant 0 : i32
        %dma_start3A_251 = tpu.memref_slice %arg5[%dma_start3A_249, %dma_start3A_250] : memref<10240x128xf32, #tpu.memory_space<hbm>> -> memref<10240x128xf32, #tpu.memory_space<hbm>>
        tpu.enqueue_indirect_dma source(%dma_start3A_251 : memref<10240x128xf32, #tpu.memory_space<hbm>>) target(%dma_start3A_245 : memref<40x128xf32, #tpu.memory_space<vmem>>) offsets(%dma_start3A_248 : memref<40xi32, #tpu.memory_space<vmem>>) semaphore(%arg17 : memref<!tpu.dma_semaphore, #tpu.memory_space<semaphore_mem>>)
      } else {
      }
      %add3A_78 = arith.constant 5 : i32
      %add3A_79 = arith.addi %mul3A_50, %add3A_78 : i32
      %lt3A_80 = arith.cmpi slt, %add3A_79, %reduce_max3A_10 : i32
      %convert_element_type3A_81 = arith.extui %lt3A_80 : i1 to i32
      %cond3A_82 = arith.constant 0 : i32
      %cond3A_83 = arith.cmpi ne, %convert_element_type3A_81, %cond3A_82 : i32
      scf.if %cond3A_83 {
        %dma_start3A = arith.constant 5 : i32
        %dma_start3A_241 = arith.constant 5 : i32
        %dma_start3A_242 = arith.constant 0 : i32
        %dma_start3A_243 = arith.constant 0 : i32
        %dma_start3A_244 = tpu.memref_slice %arg11[%dma_start3A_241, %dma_start3A_242, %dma_start3A_243] : memref<8x40x128xf32, #tpu.memory_space<vmem>> -> memref<1x40x128xf32, #tpu.memory_space<vmem>>
        %dma_start3A_245 = tpu.memref_squeeze %dma_start3A_244 : memref<1x40x128xf32, #tpu.memory_space<vmem>> -> memref<40x128xf32, #tpu.memory_space<vmem>>
        %dma_start3A_246 = arith.constant 0 : i32
        %dma_start3A_247 = tpu.memref_slice %arg8[%dma_start3A, %dma_start3A_246] : memref<16x40xi32, #tpu.memory_space<vmem>> -> memref<1x40xi32, #tpu.memory_space<vmem>>
        %dma_start3A_248 = tpu.memref_squeeze %dma_start3A_247 : memref<1x40xi32, #tpu.memory_space<vmem>> -> memref<40xi32, #tpu.memory_space<vmem>>
        %dma_start3A_249 = arith.constant 0 : i32
        %dma_start3A_250 = arith.constant 0 : i32
        %dma_start3A_251 = tpu.memref_slice %arg5[%dma_start3A_249, %dma_start3A_250] : memref<10240x128xf32, #tpu.memory_space<hbm>> -> memref<10240x128xf32, #tpu.memory_space<hbm>>
        tpu.enqueue_indirect_dma source(%dma_start3A_251 : memref<10240x128xf32, #tpu.memory_space<hbm>>) target(%dma_start3A_245 : memref<40x128xf32, #tpu.memory_space<vmem>>) offsets(%dma_start3A_248 : memref<40xi32, #tpu.memory_space<vmem>>) semaphore(%arg18 : memref<!tpu.dma_semaphore, #tpu.memory_space<semaphore_mem>>)
      } else {
      }
      %add3A_84 = arith.constant 6 : i32
      %add3A_85 = arith.addi %mul3A_50, %add3A_84 : i32
      %lt3A_86 = arith.cmpi slt, %add3A_85, %reduce_max3A_10 : i32
      %convert_element_type3A_87 = arith.extui %lt3A_86 : i1 to i32
      %cond3A_88 = arith.constant 0 : i32
      %cond3A_89 = arith.cmpi ne, %convert_element_type3A_87, %cond3A_88 : i32
      scf.if %cond3A_89 {
        %dma_start3A = arith.constant 6 : i32
        %dma_start3A_241 = arith.constant 6 : i32
        %dma_start3A_242 = arith.constant 0 : i32
        %dma_start3A_243 = arith.constant 0 : i32
        %dma_start3A_244 = tpu.memref_slice %arg11[%dma_start3A_241, %dma_start3A_242, %dma_start3A_243] : memref<8x40x128xf32, #tpu.memory_space<vmem>> -> memref<1x40x128xf32, #tpu.memory_space<vmem>>
        %dma_start3A_245 = tpu.memref_squeeze %dma_start3A_244 : memref<1x40x128xf32, #tpu.memory_space<vmem>> -> memref<40x128xf32, #tpu.memory_space<vmem>>
        %dma_start3A_246 = arith.constant 0 : i32
        %dma_start3A_247 = tpu.memref_slice %arg8[%dma_start3A, %dma_start3A_246] : memref<16x40xi32, #tpu.memory_space<vmem>> -> memref<1x40xi32, #tpu.memory_space<vmem>>
        %dma_start3A_248 = tpu.memref_squeeze %dma_start3A_247 : memref<1x40xi32, #tpu.memory_space<vmem>> -> memref<40xi32, #tpu.memory_space<vmem>>
        %dma_start3A_249 = arith.constant 0 : i32
        %dma_start3A_250 = arith.constant 0 : i32
        %dma_start3A_251 = tpu.memref_slice %arg5[%dma_start3A_249, %dma_start3A_250] : memref<10240x128xf32, #tpu.memory_space<hbm>> -> memref<10240x128xf32, #tpu.memory_space<hbm>>
        tpu.enqueue_indirect_dma source(%dma_start3A_251 : memref<10240x128xf32, #tpu.memory_space<hbm>>) target(%dma_start3A_245 : memref<40x128xf32, #tpu.memory_space<vmem>>) offsets(%dma_start3A_248 : memref<40xi32, #tpu.memory_space<vmem>>) semaphore(%arg19 : memref<!tpu.dma_semaphore, #tpu.memory_space<semaphore_mem>>)
      } else {
      }
      %add3A_90 = arith.constant 7 : i32
      %add3A_91 = arith.addi %mul3A_50, %add3A_90 : i32
      %lt3A_92 = arith.cmpi slt, %add3A_91, %reduce_max3A_10 : i32
      %convert_element_type3A_93 = arith.extui %lt3A_92 : i1 to i32
      %cond3A_94 = arith.constant 0 : i32
      %cond3A_95 = arith.cmpi ne, %convert_element_type3A_93, %cond3A_94 : i32
      scf.if %cond3A_95 {
        %dma_start3A = arith.constant 7 : i32
        %dma_start3A_241 = arith.constant 7 : i32
        %dma_start3A_242 = arith.constant 0 : i32
        %dma_start3A_243 = arith.constant 0 : i32
        %dma_start3A_244 = tpu.memref_slice %arg11[%dma_start3A_241, %dma_start3A_242, %dma_start3A_243] : memref<8x40x128xf32, #tpu.memory_space<vmem>> -> memref<1x40x128xf32, #tpu.memory_space<vmem>>
        %dma_start3A_245 = tpu.memref_squeeze %dma_start3A_244 : memref<1x40x128xf32, #tpu.memory_space<vmem>> -> memref<40x128xf32, #tpu.memory_space<vmem>>
        %dma_start3A_246 = arith.constant 0 : i32
        %dma_start3A_247 = tpu.memref_slice %arg8[%dma_start3A, %dma_start3A_246] : memref<16x40xi32, #tpu.memory_space<vmem>> -> memref<1x40xi32, #tpu.memory_space<vmem>>
        %dma_start3A_248 = tpu.memref_squeeze %dma_start3A_247 : memref<1x40xi32, #tpu.memory_space<vmem>> -> memref<40xi32, #tpu.memory_space<vmem>>
        %dma_start3A_249 = arith.constant 0 : i32
        %dma_start3A_250 = arith.constant 0 : i32
        %dma_start3A_251 = tpu.memref_slice %arg5[%dma_start3A_249, %dma_start3A_250] : memref<10240x128xf32, #tpu.memory_space<hbm>> -> memref<10240x128xf32, #tpu.memory_space<hbm>>
        tpu.enqueue_indirect_dma source(%dma_start3A_251 : memref<10240x128xf32, #tpu.memory_space<hbm>>) target(%dma_start3A_245 : memref<40x128xf32, #tpu.memory_space<vmem>>) offsets(%dma_start3A_248 : memref<40xi32, #tpu.memory_space<vmem>>) semaphore(%arg20 : memref<!tpu.dma_semaphore, #tpu.memory_space<semaphore_mem>>)
      } else {
      }
      %add3A_96 = arith.constant 0 : i32
      %add3A_97 = arith.addi %mul3A_50, %add3A_96 : i32
      %lt3A_98 = arith.cmpi slt, %add3A_97, %reduce_max3A_10 : i32
      %convert_element_type3A_99 = arith.extui %lt3A_98 : i1 to i32
      %cond3A_100 = arith.constant 0 : i32
      %cond3A_101 = arith.cmpi ne, %convert_element_type3A_99, %cond3A_100 : i32
      scf.if %cond3A_101 {
        %dma_wait3A = arith.constant 0 : i32
        %dma_wait3A_241 = arith.constant 0 : i32
        %dma_wait3A_242 = arith.constant 0 : i32
        %dma_wait3A_243 = arith.constant 0 : i32
        %dma_wait3A_244 = tpu.memref_slice %arg11[%dma_wait3A_241, %dma_wait3A_242, %dma_wait3A_243] : memref<8x40x128xf32, #tpu.memory_space<vmem>> -> memref<1x40x128xf32, #tpu.memory_space<vmem>>
        %dma_wait3A_245 = tpu.memref_squeeze %dma_wait3A_244 : memref<1x40x128xf32, #tpu.memory_space<vmem>> -> memref<40x128xf32, #tpu.memory_space<vmem>>
        %dma_wait3A_246 = arith.constant 0 : i32
        %dma_wait3A_247 = tpu.memref_slice %arg8[%dma_wait3A, %dma_wait3A_246] : memref<16x40xi32, #tpu.memory_space<vmem>> -> memref<1x40xi32, #tpu.memory_space<vmem>>
        %dma_wait3A_248 = tpu.memref_squeeze %dma_wait3A_247 : memref<1x40xi32, #tpu.memory_space<vmem>> -> memref<40xi32, #tpu.memory_space<vmem>>
        %dma_wait3A_249 = arith.constant 0 : i32
        %dma_wait3A_250 = arith.constant 0 : i32
        %dma_wait3A_251 = tpu.memref_slice %arg5[%dma_wait3A_249, %dma_wait3A_250] : memref<10240x128xf32, #tpu.memory_space<hbm>> -> memref<10240x128xf32, #tpu.memory_space<hbm>>
        tpu.wait_indirect_dma semaphore(%arg13 : memref<!tpu.dma_semaphore, #tpu.memory_space<semaphore_mem>>) src(%dma_wait3A_251 : memref<10240x128xf32, #tpu.memory_space<hbm>>) dst(%dma_wait3A_245 : memref<40x128xf32, #tpu.memory_space<vmem>>)
        %run_scoped3A = arith.constant 0 : i32
        %run_scoped3A_252 = arith.constant 0 : i32
        "tpu.region"() ({
          %run_scoped3A_253 = tpu.sem_alloc : memref<!tpu.dma_semaphore, #tpu.memory_space<semaphore_mem>>
          %dma_start3A = arith.constant 0 : i32
          %dma_start3A_254 = arith.constant 0 : i32
          %dma_start3A_255 = tpu.memref_slice %arg11[%run_scoped3A, %dma_start3A, %dma_start3A_254] : memref<8x40x128xf32, #tpu.memory_space<vmem>> -> memref<1x40x128xf32, #tpu.memory_space<vmem>>
          %dma_start3A_256 = tpu.memref_squeeze %dma_start3A_255 : memref<1x40x128xf32, #tpu.memory_space<vmem>> -> memref<40x128xf32, #tpu.memory_space<vmem>>
          %dma_start3A_257 = arith.constant 0 : i32
          %dma_start3A_258 = tpu.memref_slice %arg9[%run_scoped3A_252, %dma_start3A_257] : memref<16x40xi32, #tpu.memory_space<vmem>> -> memref<1x40xi32, #tpu.memory_space<vmem>>
          %dma_start3A_259 = tpu.memref_squeeze %dma_start3A_258 : memref<1x40xi32, #tpu.memory_space<vmem>> -> memref<40xi32, #tpu.memory_space<vmem>>
          %dma_start3A_260 = arith.constant 0 : i32
          %dma_start3A_261 = arith.constant 0 : i32
          %dma_start3A_262 = tpu.memref_slice %arg12[%dma_start3A_260, %dma_start3A_261] : memref<10240x128xf32, #tpu.memory_space<vmem_shared>> -> memref<10240x128xf32, #tpu.memory_space<vmem_shared>>
          tpu.enqueue_indirect_dma source(%dma_start3A_256 : memref<40x128xf32, #tpu.memory_space<vmem>>) target(%dma_start3A_262 : memref<10240x128xf32, #tpu.memory_space<vmem_shared>>) offsets(%dma_start3A_259 : memref<40xi32, #tpu.memory_space<vmem>>) semaphore(%run_scoped3A_253 : memref<!tpu.dma_semaphore, #tpu.memory_space<semaphore_mem>>) {add = true}
          %dma_wait3A_263 = arith.constant 0 : i32
          %dma_wait3A_264 = arith.constant 0 : i32
          %dma_wait3A_265 = tpu.memref_slice %arg11[%run_scoped3A, %dma_wait3A_263, %dma_wait3A_264] : memref<8x40x128xf32, #tpu.memory_space<vmem>> -> memref<1x40x128xf32, #tpu.memory_space<vmem>>
          %dma_wait3A_266 = tpu.memref_squeeze %dma_wait3A_265 : memref<1x40x128xf32, #tpu.memory_space<vmem>> -> memref<40x128xf32, #tpu.memory_space<vmem>>
          %dma_wait3A_267 = arith.constant 0 : i32
          %dma_wait3A_268 = tpu.memref_slice %arg9[%run_scoped3A_252, %dma_wait3A_267] : memref<16x40xi32, #tpu.memory_space<vmem>> -> memref<1x40xi32, #tpu.memory_space<vmem>>
          %dma_wait3A_269 = tpu.memref_squeeze %dma_wait3A_268 : memref<1x40xi32, #tpu.memory_space<vmem>> -> memref<40xi32, #tpu.memory_space<vmem>>
          %dma_wait3A_270 = arith.constant 0 : i32
          %dma_wait3A_271 = arith.constant 0 : i32
          %dma_wait3A_272 = tpu.memref_slice %arg12[%dma_wait3A_270, %dma_wait3A_271] : memref<10240x128xf32, #tpu.memory_space<vmem_shared>> -> memref<10240x128xf32, #tpu.memory_space<vmem_shared>>
          tpu.wait_indirect_dma semaphore(%run_scoped3A_253 : memref<!tpu.dma_semaphore, #tpu.memory_space<semaphore_mem>>) src(%dma_wait3A_266 : memref<40x128xf32, #tpu.memory_space<vmem>>) dst(%dma_wait3A_272 : memref<10240x128xf32, #tpu.memory_space<vmem_shared>>)
          tpu.yield
        }) : () -> ()
      } else {
      }
      %add3A_102 = arith.constant 8 : i32
      %add3A_103 = arith.addi %mul3A_50, %add3A_102 : i32
      %lt3A_104 = arith.cmpi slt, %add3A_103, %reduce_max3A_10 : i32
      %convert_element_type3A_105 = arith.extui %lt3A_104 : i1 to i32
      %cond3A_106 = arith.constant 0 : i32
      %cond3A_107 = arith.cmpi ne, %convert_element_type3A_105, %cond3A_106 : i32
      scf.if %cond3A_107 {
        %dma_start3A = arith.constant 8 : i32
        %dma_start3A_241 = arith.constant 0 : i32
        %dma_start3A_242 = arith.constant 0 : i32
        %dma_start3A_243 = arith.constant 0 : i32
        %dma_start3A_244 = tpu.memref_slice %arg11[%dma_start3A_241, %dma_start3A_242, %dma_start3A_243] : memref<8x40x128xf32, #tpu.memory_space<vmem>> -> memref<1x40x128xf32, #tpu.memory_space<vmem>>
        %dma_start3A_245 = tpu.memref_squeeze %dma_start3A_244 : memref<1x40x128xf32, #tpu.memory_space<vmem>> -> memref<40x128xf32, #tpu.memory_space<vmem>>
        %dma_start3A_246 = arith.constant 0 : i32
        %dma_start3A_247 = tpu.memref_slice %arg8[%dma_start3A, %dma_start3A_246] : memref<16x40xi32, #tpu.memory_space<vmem>> -> memref<1x40xi32, #tpu.memory_space<vmem>>
        %dma_start3A_248 = tpu.memref_squeeze %dma_start3A_247 : memref<1x40xi32, #tpu.memory_space<vmem>> -> memref<40xi32, #tpu.memory_space<vmem>>
        %dma_start3A_249 = arith.constant 0 : i32
        %dma_start3A_250 = arith.constant 0 : i32
        %dma_start3A_251 = tpu.memref_slice %arg5[%dma_start3A_249, %dma_start3A_250] : memref<10240x128xf32, #tpu.memory_space<hbm>> -> memref<10240x128xf32, #tpu.memory_space<hbm>>
        tpu.enqueue_indirect_dma source(%dma_start3A_251 : memref<10240x128xf32, #tpu.memory_space<hbm>>) target(%dma_start3A_245 : memref<40x128xf32, #tpu.memory_space<vmem>>) offsets(%dma_start3A_248 : memref<40xi32, #tpu.memory_space<vmem>>) semaphore(%arg13 : memref<!tpu.dma_semaphore, #tpu.memory_space<semaphore_mem>>)
      } else {
      }
      %add3A_108 = arith.constant 1 : i32
      %add3A_109 = arith.addi %mul3A_50, %add3A_108 : i32
      %lt3A_110 = arith.cmpi slt, %add3A_109, %reduce_max3A_10 : i32
      %convert_element_type3A_111 = arith.extui %lt3A_110 : i1 to i32
      %cond3A_112 = arith.constant 0 : i32
      %cond3A_113 = arith.cmpi ne, %convert_element_type3A_111, %cond3A_112 : i32
      scf.if %cond3A_113 {
        %dma_wait3A = arith.constant 1 : i32
        %dma_wait3A_241 = arith.constant 1 : i32
        %dma_wait3A_242 = arith.constant 0 : i32
        %dma_wait3A_243 = arith.constant 0 : i32
        %dma_wait3A_244 = tpu.memref_slice %arg11[%dma_wait3A_241, %dma_wait3A_242, %dma_wait3A_243] : memref<8x40x128xf32, #tpu.memory_space<vmem>> -> memref<1x40x128xf32, #tpu.memory_space<vmem>>
        %dma_wait3A_245 = tpu.memref_squeeze %dma_wait3A_244 : memref<1x40x128xf32, #tpu.memory_space<vmem>> -> memref<40x128xf32, #tpu.memory_space<vmem>>
        %dma_wait3A_246 = arith.constant 0 : i32
        %dma_wait3A_247 = tpu.memref_slice %arg8[%dma_wait3A, %dma_wait3A_246] : memref<16x40xi32, #tpu.memory_space<vmem>> -> memref<1x40xi32, #tpu.memory_space<vmem>>
        %dma_wait3A_248 = tpu.memref_squeeze %dma_wait3A_247 : memref<1x40xi32, #tpu.memory_space<vmem>> -> memref<40xi32, #tpu.memory_space<vmem>>
        %dma_wait3A_249 = arith.constant 0 : i32
        %dma_wait3A_250 = arith.constant 0 : i32
        %dma_wait3A_251 = tpu.memref_slice %arg5[%dma_wait3A_249, %dma_wait3A_250] : memref<10240x128xf32, #tpu.memory_space<hbm>> -> memref<10240x128xf32, #tpu.memory_space<hbm>>
        tpu.wait_indirect_dma semaphore(%arg14 : memref<!tpu.dma_semaphore, #tpu.memory_space<semaphore_mem>>) src(%dma_wait3A_251 : memref<10240x128xf32, #tpu.memory_space<hbm>>) dst(%dma_wait3A_245 : memref<40x128xf32, #tpu.memory_space<vmem>>)
        %run_scoped3A = arith.constant 1 : i32
        %run_scoped3A_252 = arith.constant 1 : i32
        "tpu.region"() ({
          %run_scoped3A_253 = tpu.sem_alloc : memref<!tpu.dma_semaphore, #tpu.memory_space<semaphore_mem>>
          %dma_start3A = arith.constant 0 : i32
          %dma_start3A_254 = arith.constant 0 : i32
          %dma_start3A_255 = tpu.memref_slice %arg11[%run_scoped3A, %dma_start3A, %dma_start3A_254] : memref<8x40x128xf32, #tpu.memory_space<vmem>> -> memref<1x40x128xf32, #tpu.memory_space<vmem>>
          %dma_start3A_256 = tpu.memref_squeeze %dma_start3A_255 : memref<1x40x128xf32, #tpu.memory_space<vmem>> -> memref<40x128xf32, #tpu.memory_space<vmem>>
          %dma_start3A_257 = arith.constant 0 : i32
          %dma_start3A_258 = tpu.memref_slice %arg9[%run_scoped3A_252, %dma_start3A_257] : memref<16x40xi32, #tpu.memory_space<vmem>> -> memref<1x40xi32, #tpu.memory_space<vmem>>
          %dma_start3A_259 = tpu.memref_squeeze %dma_start3A_258 : memref<1x40xi32, #tpu.memory_space<vmem>> -> memref<40xi32, #tpu.memory_space<vmem>>
          %dma_start3A_260 = arith.constant 0 : i32
          %dma_start3A_261 = arith.constant 0 : i32
          %dma_start3A_262 = tpu.memref_slice %arg12[%dma_start3A_260, %dma_start3A_261] : memref<10240x128xf32, #tpu.memory_space<vmem_shared>> -> memref<10240x128xf32, #tpu.memory_space<vmem_shared>>
          tpu.enqueue_indirect_dma source(%dma_start3A_256 : memref<40x128xf32, #tpu.memory_space<vmem>>) target(%dma_start3A_262 : memref<10240x128xf32, #tpu.memory_space<vmem_shared>>) offsets(%dma_start3A_259 : memref<40xi32, #tpu.memory_space<vmem>>) semaphore(%run_scoped3A_253 : memref<!tpu.dma_semaphore, #tpu.memory_space<semaphore_mem>>) {add = true}
          %dma_wait3A_263 = arith.constant 0 : i32
          %dma_wait3A_264 = arith.constant 0 : i32
          %dma_wait3A_265 = tpu.memref_slice %arg11[%run_scoped3A, %dma_wait3A_263, %dma_wait3A_264] : memref<8x40x128xf32, #tpu.memory_space<vmem>> -> memref<1x40x128xf32, #tpu.memory_space<vmem>>
          %dma_wait3A_266 = tpu.memref_squeeze %dma_wait3A_265 : memref<1x40x128xf32, #tpu.memory_space<vmem>> -> memref<40x128xf32, #tpu.memory_space<vmem>>
          %dma_wait3A_267 = arith.constant 0 : i32
          %dma_wait3A_268 = tpu.memref_slice %arg9[%run_scoped3A_252, %dma_wait3A_267] : memref<16x40xi32, #tpu.memory_space<vmem>> -> memref<1x40xi32, #tpu.memory_space<vmem>>
          %dma_wait3A_269 = tpu.memref_squeeze %dma_wait3A_268 : memref<1x40xi32, #tpu.memory_space<vmem>> -> memref<40xi32, #tpu.memory_space<vmem>>
          %dma_wait3A_270 = arith.constant 0 : i32
          %dma_wait3A_271 = arith.constant 0 : i32
          %dma_wait3A_272 = tpu.memref_slice %arg12[%dma_wait3A_270, %dma_wait3A_271] : memref<10240x128xf32, #tpu.memory_space<vmem_shared>> -> memref<10240x128xf32, #tpu.memory_space<vmem_shared>>
          tpu.wait_indirect_dma semaphore(%run_scoped3A_253 : memref<!tpu.dma_semaphore, #tpu.memory_space<semaphore_mem>>) src(%dma_wait3A_266 : memref<40x128xf32, #tpu.memory_space<vmem>>) dst(%dma_wait3A_272 : memref<10240x128xf32, #tpu.memory_space<vmem_shared>>)
          tpu.yield
        }) : () -> ()
      } else {
      }
      %add3A_114 = arith.constant 9 : i32
      %add3A_115 = arith.addi %mul3A_50, %add3A_114 : i32
      %lt3A_116 = arith.cmpi slt, %add3A_115, %reduce_max3A_10 : i32
      %convert_element_type3A_117 = arith.extui %lt3A_116 : i1 to i32
      %cond3A_118 = arith.constant 0 : i32
      %cond3A_119 = arith.cmpi ne, %convert_element_type3A_117, %cond3A_118 : i32
      scf.if %cond3A_119 {
        %dma_start3A = arith.constant 9 : i32
        %dma_start3A_241 = arith.constant 1 : i32
        %dma_start3A_242 = arith.constant 0 : i32
        %dma_start3A_243 = arith.constant 0 : i32
        %dma_start3A_244 = tpu.memref_slice %arg11[%dma_start3A_241, %dma_start3A_242, %dma_start3A_243] : memref<8x40x128xf32, #tpu.memory_space<vmem>> -> memref<1x40x128xf32, #tpu.memory_space<vmem>>
        %dma_start3A_245 = tpu.memref_squeeze %dma_start3A_244 : memref<1x40x128xf32, #tpu.memory_space<vmem>> -> memref<40x128xf32, #tpu.memory_space<vmem>>
        %dma_start3A_246 = arith.constant 0 : i32
        %dma_start3A_247 = tpu.memref_slice %arg8[%dma_start3A, %dma_start3A_246] : memref<16x40xi32, #tpu.memory_space<vmem>> -> memref<1x40xi32, #tpu.memory_space<vmem>>
        %dma_start3A_248 = tpu.memref_squeeze %dma_start3A_247 : memref<1x40xi32, #tpu.memory_space<vmem>> -> memref<40xi32, #tpu.memory_space<vmem>>
        %dma_start3A_249 = arith.constant 0 : i32
        %dma_start3A_250 = arith.constant 0 : i32
        %dma_start3A_251 = tpu.memref_slice %arg5[%dma_start3A_249, %dma_start3A_250] : memref<10240x128xf32, #tpu.memory_space<hbm>> -> memref<10240x128xf32, #tpu.memory_space<hbm>>
        tpu.enqueue_indirect_dma source(%dma_start3A_251 : memref<10240x128xf32, #tpu.memory_space<hbm>>) target(%dma_start3A_245 : memref<40x128xf32, #tpu.memory_space<vmem>>) offsets(%dma_start3A_248 : memref<40xi32, #tpu.memory_space<vmem>>) semaphore(%arg14 : memref<!tpu.dma_semaphore, #tpu.memory_space<semaphore_mem>>)
      } else {
      }
      %add3A_120 = arith.constant 2 : i32
      %add3A_121 = arith.addi %mul3A_50, %add3A_120 : i32
      %lt3A_122 = arith.cmpi slt, %add3A_121, %reduce_max3A_10 : i32
      %convert_element_type3A_123 = arith.extui %lt3A_122 : i1 to i32
      %cond3A_124 = arith.constant 0 : i32
      %cond3A_125 = arith.cmpi ne, %convert_element_type3A_123, %cond3A_124 : i32
      scf.if %cond3A_125 {
        %dma_wait3A = arith.constant 2 : i32
        %dma_wait3A_241 = arith.constant 2 : i32
        %dma_wait3A_242 = arith.constant 0 : i32
        %dma_wait3A_243 = arith.constant 0 : i32
        %dma_wait3A_244 = tpu.memref_slice %arg11[%dma_wait3A_241, %dma_wait3A_242, %dma_wait3A_243] : memref<8x40x128xf32, #tpu.memory_space<vmem>> -> memref<1x40x128xf32, #tpu.memory_space<vmem>>
        %dma_wait3A_245 = tpu.memref_squeeze %dma_wait3A_244 : memref<1x40x128xf32, #tpu.memory_space<vmem>> -> memref<40x128xf32, #tpu.memory_space<vmem>>
        %dma_wait3A_246 = arith.constant 0 : i32
        %dma_wait3A_247 = tpu.memref_slice %arg8[%dma_wait3A, %dma_wait3A_246] : memref<16x40xi32, #tpu.memory_space<vmem>> -> memref<1x40xi32, #tpu.memory_space<vmem>>
        %dma_wait3A_248 = tpu.memref_squeeze %dma_wait3A_247 : memref<1x40xi32, #tpu.memory_space<vmem>> -> memref<40xi32, #tpu.memory_space<vmem>>
        %dma_wait3A_249 = arith.constant 0 : i32
        %dma_wait3A_250 = arith.constant 0 : i32
        %dma_wait3A_251 = tpu.memref_slice %arg5[%dma_wait3A_249, %dma_wait3A_250] : memref<10240x128xf32, #tpu.memory_space<hbm>> -> memref<10240x128xf32, #tpu.memory_space<hbm>>
        tpu.wait_indirect_dma semaphore(%arg15 : memref<!tpu.dma_semaphore, #tpu.memory_space<semaphore_mem>>) src(%dma_wait3A_251 : memref<10240x128xf32, #tpu.memory_space<hbm>>) dst(%dma_wait3A_245 : memref<40x128xf32, #tpu.memory_space<vmem>>)
        %run_scoped3A = arith.constant 2 : i32
        %run_scoped3A_252 = arith.constant 2 : i32
        "tpu.region"() ({
          %run_scoped3A_253 = tpu.sem_alloc : memref<!tpu.dma_semaphore, #tpu.memory_space<semaphore_mem>>
          %dma_start3A = arith.constant 0 : i32
          %dma_start3A_254 = arith.constant 0 : i32
          %dma_start3A_255 = tpu.memref_slice %arg11[%run_scoped3A, %dma_start3A, %dma_start3A_254] : memref<8x40x128xf32, #tpu.memory_space<vmem>> -> memref<1x40x128xf32, #tpu.memory_space<vmem>>
          %dma_start3A_256 = tpu.memref_squeeze %dma_start3A_255 : memref<1x40x128xf32, #tpu.memory_space<vmem>> -> memref<40x128xf32, #tpu.memory_space<vmem>>
          %dma_start3A_257 = arith.constant 0 : i32
          %dma_start3A_258 = tpu.memref_slice %arg9[%run_scoped3A_252, %dma_start3A_257] : memref<16x40xi32, #tpu.memory_space<vmem>> -> memref<1x40xi32, #tpu.memory_space<vmem>>
          %dma_start3A_259 = tpu.memref_squeeze %dma_start3A_258 : memref<1x40xi32, #tpu.memory_space<vmem>> -> memref<40xi32, #tpu.memory_space<vmem>>
          %dma_start3A_260 = arith.constant 0 : i32
          %dma_start3A_261 = arith.constant 0 : i32
          %dma_start3A_262 = tpu.memref_slice %arg12[%dma_start3A_260, %dma_start3A_261] : memref<10240x128xf32, #tpu.memory_space<vmem_shared>> -> memref<10240x128xf32, #tpu.memory_space<vmem_shared>>
          tpu.enqueue_indirect_dma source(%dma_start3A_256 : memref<40x128xf32, #tpu.memory_space<vmem>>) target(%dma_start3A_262 : memref<10240x128xf32, #tpu.memory_space<vmem_shared>>) offsets(%dma_start3A_259 : memref<40xi32, #tpu.memory_space<vmem>>) semaphore(%run_scoped3A_253 : memref<!tpu.dma_semaphore, #tpu.memory_space<semaphore_mem>>) {add = true}
          %dma_wait3A_263 = arith.constant 0 : i32
          %dma_wait3A_264 = arith.constant 0 : i32
          %dma_wait3A_265 = tpu.memref_slice %arg11[%run_scoped3A, %dma_wait3A_263, %dma_wait3A_264] : memref<8x40x128xf32, #tpu.memory_space<vmem>> -> memref<1x40x128xf32, #tpu.memory_space<vmem>>
          %dma_wait3A_266 = tpu.memref_squeeze %dma_wait3A_265 : memref<1x40x128xf32, #tpu.memory_space<vmem>> -> memref<40x128xf32, #tpu.memory_space<vmem>>
          %dma_wait3A_267 = arith.constant 0 : i32
          %dma_wait3A_268 = tpu.memref_slice %arg9[%run_scoped3A_252, %dma_wait3A_267] : memref<16x40xi32, #tpu.memory_space<vmem>> -> memref<1x40xi32, #tpu.memory_space<vmem>>
          %dma_wait3A_269 = tpu.memref_squeeze %dma_wait3A_268 : memref<1x40xi32, #tpu.memory_space<vmem>> -> memref<40xi32, #tpu.memory_space<vmem>>
          %dma_wait3A_270 = arith.constant 0 : i32
          %dma_wait3A_271 = arith.constant 0 : i32
          %dma_wait3A_272 = tpu.memref_slice %arg12[%dma_wait3A_270, %dma_wait3A_271] : memref<10240x128xf32, #tpu.memory_space<vmem_shared>> -> memref<10240x128xf32, #tpu.memory_space<vmem_shared>>
          tpu.wait_indirect_dma semaphore(%run_scoped3A_253 : memref<!tpu.dma_semaphore, #tpu.memory_space<semaphore_mem>>) src(%dma_wait3A_266 : memref<40x128xf32, #tpu.memory_space<vmem>>) dst(%dma_wait3A_272 : memref<10240x128xf32, #tpu.memory_space<vmem_shared>>)
          tpu.yield
        }) : () -> ()
      } else {
      }
      %add3A_126 = arith.constant 10 : i32
      %add3A_127 = arith.addi %mul3A_50, %add3A_126 : i32
      %lt3A_128 = arith.cmpi slt, %add3A_127, %reduce_max3A_10 : i32
      %convert_element_type3A_129 = arith.extui %lt3A_128 : i1 to i32
      %cond3A_130 = arith.constant 0 : i32
      %cond3A_131 = arith.cmpi ne, %convert_element_type3A_129, %cond3A_130 : i32
      scf.if %cond3A_131 {
        %dma_start3A = arith.constant 10 : i32
        %dma_start3A_241 = arith.constant 2 : i32
        %dma_start3A_242 = arith.constant 0 : i32
        %dma_start3A_243 = arith.constant 0 : i32
        %dma_start3A_244 = tpu.memref_slice %arg11[%dma_start3A_241, %dma_start3A_242, %dma_start3A_243] : memref<8x40x128xf32, #tpu.memory_space<vmem>> -> memref<1x40x128xf32, #tpu.memory_space<vmem>>
        %dma_start3A_245 = tpu.memref_squeeze %dma_start3A_244 : memref<1x40x128xf32, #tpu.memory_space<vmem>> -> memref<40x128xf32, #tpu.memory_space<vmem>>
        %dma_start3A_246 = arith.constant 0 : i32
        %dma_start3A_247 = tpu.memref_slice %arg8[%dma_start3A, %dma_start3A_246] : memref<16x40xi32, #tpu.memory_space<vmem>> -> memref<1x40xi32, #tpu.memory_space<vmem>>
        %dma_start3A_248 = tpu.memref_squeeze %dma_start3A_247 : memref<1x40xi32, #tpu.memory_space<vmem>> -> memref<40xi32, #tpu.memory_space<vmem>>
        %dma_start3A_249 = arith.constant 0 : i32
        %dma_start3A_250 = arith.constant 0 : i32
        %dma_start3A_251 = tpu.memref_slice %arg5[%dma_start3A_249, %dma_start3A_250] : memref<10240x128xf32, #tpu.memory_space<hbm>> -> memref<10240x128xf32, #tpu.memory_space<hbm>>
        tpu.enqueue_indirect_dma source(%dma_start3A_251 : memref<10240x128xf32, #tpu.memory_space<hbm>>) target(%dma_start3A_245 : memref<40x128xf32, #tpu.memory_space<vmem>>) offsets(%dma_start3A_248 : memref<40xi32, #tpu.memory_space<vmem>>) semaphore(%arg15 : memref<!tpu.dma_semaphore, #tpu.memory_space<semaphore_mem>>)
      } else {
      }
      %add3A_132 = arith.constant 3 : i32
      %add3A_133 = arith.addi %mul3A_50, %add3A_132 : i32
      %lt3A_134 = arith.cmpi slt, %add3A_133, %reduce_max3A_10 : i32
      %convert_element_type3A_135 = arith.extui %lt3A_134 : i1 to i32
      %cond3A_136 = arith.constant 0 : i32
      %cond3A_137 = arith.cmpi ne, %convert_element_type3A_135, %cond3A_136 : i32
      scf.if %cond3A_137 {
        %dma_wait3A = arith.constant 3 : i32
        %dma_wait3A_241 = arith.constant 3 : i32
        %dma_wait3A_242 = arith.constant 0 : i32
        %dma_wait3A_243 = arith.constant 0 : i32
        %dma_wait3A_244 = tpu.memref_slice %arg11[%dma_wait3A_241, %dma_wait3A_242, %dma_wait3A_243] : memref<8x40x128xf32, #tpu.memory_space<vmem>> -> memref<1x40x128xf32, #tpu.memory_space<vmem>>
        %dma_wait3A_245 = tpu.memref_squeeze %dma_wait3A_244 : memref<1x40x128xf32, #tpu.memory_space<vmem>> -> memref<40x128xf32, #tpu.memory_space<vmem>>
        %dma_wait3A_246 = arith.constant 0 : i32
        %dma_wait3A_247 = tpu.memref_slice %arg8[%dma_wait3A, %dma_wait3A_246] : memref<16x40xi32, #tpu.memory_space<vmem>> -> memref<1x40xi32, #tpu.memory_space<vmem>>
        %dma_wait3A_248 = tpu.memref_squeeze %dma_wait3A_247 : memref<1x40xi32, #tpu.memory_space<vmem>> -> memref<40xi32, #tpu.memory_space<vmem>>
        %dma_wait3A_249 = arith.constant 0 : i32
        %dma_wait3A_250 = arith.constant 0 : i32
        %dma_wait3A_251 = tpu.memref_slice %arg5[%dma_wait3A_249, %dma_wait3A_250] : memref<10240x128xf32, #tpu.memory_space<hbm>> -> memref<10240x128xf32, #tpu.memory_space<hbm>>
        tpu.wait_indirect_dma semaphore(%arg16 : memref<!tpu.dma_semaphore, #tpu.memory_space<semaphore_mem>>) src(%dma_wait3A_251 : memref<10240x128xf32, #tpu.memory_space<hbm>>) dst(%dma_wait3A_245 : memref<40x128xf32, #tpu.memory_space<vmem>>)
        %run_scoped3A = arith.constant 3 : i32
        %run_scoped3A_252 = arith.constant 3 : i32
        "tpu.region"() ({
          %run_scoped3A_253 = tpu.sem_alloc : memref<!tpu.dma_semaphore, #tpu.memory_space<semaphore_mem>>
          %dma_start3A = arith.constant 0 : i32
          %dma_start3A_254 = arith.constant 0 : i32
          %dma_start3A_255 = tpu.memref_slice %arg11[%run_scoped3A, %dma_start3A, %dma_start3A_254] : memref<8x40x128xf32, #tpu.memory_space<vmem>> -> memref<1x40x128xf32, #tpu.memory_space<vmem>>
          %dma_start3A_256 = tpu.memref_squeeze %dma_start3A_255 : memref<1x40x128xf32, #tpu.memory_space<vmem>> -> memref<40x128xf32, #tpu.memory_space<vmem>>
          %dma_start3A_257 = arith.constant 0 : i32
          %dma_start3A_258 = tpu.memref_slice %arg9[%run_scoped3A_252, %dma_start3A_257] : memref<16x40xi32, #tpu.memory_space<vmem>> -> memref<1x40xi32, #tpu.memory_space<vmem>>
          %dma_start3A_259 = tpu.memref_squeeze %dma_start3A_258 : memref<1x40xi32, #tpu.memory_space<vmem>> -> memref<40xi32, #tpu.memory_space<vmem>>
          %dma_start3A_260 = arith.constant 0 : i32
          %dma_start3A_261 = arith.constant 0 : i32
          %dma_start3A_262 = tpu.memref_slice %arg12[%dma_start3A_260, %dma_start3A_261] : memref<10240x128xf32, #tpu.memory_space<vmem_shared>> -> memref<10240x128xf32, #tpu.memory_space<vmem_shared>>
          tpu.enqueue_indirect_dma source(%dma_start3A_256 : memref<40x128xf32, #tpu.memory_space<vmem>>) target(%dma_start3A_262 : memref<10240x128xf32, #tpu.memory_space<vmem_shared>>) offsets(%dma_start3A_259 : memref<40xi32, #tpu.memory_space<vmem>>) semaphore(%run_scoped3A_253 : memref<!tpu.dma_semaphore, #tpu.memory_space<semaphore_mem>>) {add = true}
          %dma_wait3A_263 = arith.constant 0 : i32
          %dma_wait3A_264 = arith.constant 0 : i32
          %dma_wait3A_265 = tpu.memref_slice %arg11[%run_scoped3A, %dma_wait3A_263, %dma_wait3A_264] : memref<8x40x128xf32, #tpu.memory_space<vmem>> -> memref<1x40x128xf32, #tpu.memory_space<vmem>>
          %dma_wait3A_266 = tpu.memref_squeeze %dma_wait3A_265 : memref<1x40x128xf32, #tpu.memory_space<vmem>> -> memref<40x128xf32, #tpu.memory_space<vmem>>
          %dma_wait3A_267 = arith.constant 0 : i32
          %dma_wait3A_268 = tpu.memref_slice %arg9[%run_scoped3A_252, %dma_wait3A_267] : memref<16x40xi32, #tpu.memory_space<vmem>> -> memref<1x40xi32, #tpu.memory_space<vmem>>
          %dma_wait3A_269 = tpu.memref_squeeze %dma_wait3A_268 : memref<1x40xi32, #tpu.memory_space<vmem>> -> memref<40xi32, #tpu.memory_space<vmem>>
          %dma_wait3A_270 = arith.constant 0 : i32
          %dma_wait3A_271 = arith.constant 0 : i32
          %dma_wait3A_272 = tpu.memref_slice %arg12[%dma_wait3A_270, %dma_wait3A_271] : memref<10240x128xf32, #tpu.memory_space<vmem_shared>> -> memref<10240x128xf32, #tpu.memory_space<vmem_shared>>
          tpu.wait_indirect_dma semaphore(%run_scoped3A_253 : memref<!tpu.dma_semaphore, #tpu.memory_space<semaphore_mem>>) src(%dma_wait3A_266 : memref<40x128xf32, #tpu.memory_space<vmem>>) dst(%dma_wait3A_272 : memref<10240x128xf32, #tpu.memory_space<vmem_shared>>)
          tpu.yield
        }) : () -> ()
      } else {
      }
      %add3A_138 = arith.constant 11 : i32
      %add3A_139 = arith.addi %mul3A_50, %add3A_138 : i32
      %lt3A_140 = arith.cmpi slt, %add3A_139, %reduce_max3A_10 : i32
      %convert_element_type3A_141 = arith.extui %lt3A_140 : i1 to i32
      %cond3A_142 = arith.constant 0 : i32
      %cond3A_143 = arith.cmpi ne, %convert_element_type3A_141, %cond3A_142 : i32
      scf.if %cond3A_143 {
        %dma_start3A = arith.constant 11 : i32
        %dma_start3A_241 = arith.constant 3 : i32
        %dma_start3A_242 = arith.constant 0 : i32
        %dma_start3A_243 = arith.constant 0 : i32
        %dma_start3A_244 = tpu.memref_slice %arg11[%dma_start3A_241, %dma_start3A_242, %dma_start3A_243] : memref<8x40x128xf32, #tpu.memory_space<vmem>> -> memref<1x40x128xf32, #tpu.memory_space<vmem>>
        %dma_start3A_245 = tpu.memref_squeeze %dma_start3A_244 : memref<1x40x128xf32, #tpu.memory_space<vmem>> -> memref<40x128xf32, #tpu.memory_space<vmem>>
        %dma_start3A_246 = arith.constant 0 : i32
        %dma_start3A_247 = tpu.memref_slice %arg8[%dma_start3A, %dma_start3A_246] : memref<16x40xi32, #tpu.memory_space<vmem>> -> memref<1x40xi32, #tpu.memory_space<vmem>>
        %dma_start3A_248 = tpu.memref_squeeze %dma_start3A_247 : memref<1x40xi32, #tpu.memory_space<vmem>> -> memref<40xi32, #tpu.memory_space<vmem>>
        %dma_start3A_249 = arith.constant 0 : i32
        %dma_start3A_250 = arith.constant 0 : i32
        %dma_start3A_251 = tpu.memref_slice %arg5[%dma_start3A_249, %dma_start3A_250] : memref<10240x128xf32, #tpu.memory_space<hbm>> -> memref<10240x128xf32, #tpu.memory_space<hbm>>
        tpu.enqueue_indirect_dma source(%dma_start3A_251 : memref<10240x128xf32, #tpu.memory_space<hbm>>) target(%dma_start3A_245 : memref<40x128xf32, #tpu.memory_space<vmem>>) offsets(%dma_start3A_248 : memref<40xi32, #tpu.memory_space<vmem>>) semaphore(%arg16 : memref<!tpu.dma_semaphore, #tpu.memory_space<semaphore_mem>>)
      } else {
      }
      %add3A_144 = arith.constant 4 : i32
      %add3A_145 = arith.addi %mul3A_50, %add3A_144 : i32
      %lt3A_146 = arith.cmpi slt, %add3A_145, %reduce_max3A_10 : i32
      %convert_element_type3A_147 = arith.extui %lt3A_146 : i1 to i32
      %cond3A_148 = arith.constant 0 : i32
      %cond3A_149 = arith.cmpi ne, %convert_element_type3A_147, %cond3A_148 : i32
      scf.if %cond3A_149 {
        %dma_wait3A = arith.constant 4 : i32
        %dma_wait3A_241 = arith.constant 4 : i32
        %dma_wait3A_242 = arith.constant 0 : i32
        %dma_wait3A_243 = arith.constant 0 : i32
        %dma_wait3A_244 = tpu.memref_slice %arg11[%dma_wait3A_241, %dma_wait3A_242, %dma_wait3A_243] : memref<8x40x128xf32, #tpu.memory_space<vmem>> -> memref<1x40x128xf32, #tpu.memory_space<vmem>>
        %dma_wait3A_245 = tpu.memref_squeeze %dma_wait3A_244 : memref<1x40x128xf32, #tpu.memory_space<vmem>> -> memref<40x128xf32, #tpu.memory_space<vmem>>
        %dma_wait3A_246 = arith.constant 0 : i32
        %dma_wait3A_247 = tpu.memref_slice %arg8[%dma_wait3A, %dma_wait3A_246] : memref<16x40xi32, #tpu.memory_space<vmem>> -> memref<1x40xi32, #tpu.memory_space<vmem>>
        %dma_wait3A_248 = tpu.memref_squeeze %dma_wait3A_247 : memref<1x40xi32, #tpu.memory_space<vmem>> -> memref<40xi32, #tpu.memory_space<vmem>>
        %dma_wait3A_249 = arith.constant 0 : i32
        %dma_wait3A_250 = arith.constant 0 : i32
        %dma_wait3A_251 = tpu.memref_slice %arg5[%dma_wait3A_249, %dma_wait3A_250] : memref<10240x128xf32, #tpu.memory_space<hbm>> -> memref<10240x128xf32, #tpu.memory_space<hbm>>
        tpu.wait_indirect_dma semaphore(%arg17 : memref<!tpu.dma_semaphore, #tpu.memory_space<semaphore_mem>>) src(%dma_wait3A_251 : memref<10240x128xf32, #tpu.memory_space<hbm>>) dst(%dma_wait3A_245 : memref<40x128xf32, #tpu.memory_space<vmem>>)
        %run_scoped3A = arith.constant 4 : i32
        %run_scoped3A_252 = arith.constant 4 : i32
        "tpu.region"() ({
          %run_scoped3A_253 = tpu.sem_alloc : memref<!tpu.dma_semaphore, #tpu.memory_space<semaphore_mem>>
          %dma_start3A = arith.constant 0 : i32
          %dma_start3A_254 = arith.constant 0 : i32
          %dma_start3A_255 = tpu.memref_slice %arg11[%run_scoped3A, %dma_start3A, %dma_start3A_254] : memref<8x40x128xf32, #tpu.memory_space<vmem>> -> memref<1x40x128xf32, #tpu.memory_space<vmem>>
          %dma_start3A_256 = tpu.memref_squeeze %dma_start3A_255 : memref<1x40x128xf32, #tpu.memory_space<vmem>> -> memref<40x128xf32, #tpu.memory_space<vmem>>
          %dma_start3A_257 = arith.constant 0 : i32
          %dma_start3A_258 = tpu.memref_slice %arg9[%run_scoped3A_252, %dma_start3A_257] : memref<16x40xi32, #tpu.memory_space<vmem>> -> memref<1x40xi32, #tpu.memory_space<vmem>>
          %dma_start3A_259 = tpu.memref_squeeze %dma_start3A_258 : memref<1x40xi32, #tpu.memory_space<vmem>> -> memref<40xi32, #tpu.memory_space<vmem>>
          %dma_start3A_260 = arith.constant 0 : i32
          %dma_start3A_261 = arith.constant 0 : i32
          %dma_start3A_262 = tpu.memref_slice %arg12[%dma_start3A_260, %dma_start3A_261] : memref<10240x128xf32, #tpu.memory_space<vmem_shared>> -> memref<10240x128xf32, #tpu.memory_space<vmem_shared>>
          tpu.enqueue_indirect_dma source(%dma_start3A_256 : memref<40x128xf32, #tpu.memory_space<vmem>>) target(%dma_start3A_262 : memref<10240x128xf32, #tpu.memory_space<vmem_shared>>) offsets(%dma_start3A_259 : memref<40xi32, #tpu.memory_space<vmem>>) semaphore(%run_scoped3A_253 : memref<!tpu.dma_semaphore, #tpu.memory_space<semaphore_mem>>) {add = true}
          %dma_wait3A_263 = arith.constant 0 : i32
          %dma_wait3A_264 = arith.constant 0 : i32
          %dma_wait3A_265 = tpu.memref_slice %arg11[%run_scoped3A, %dma_wait3A_263, %dma_wait3A_264] : memref<8x40x128xf32, #tpu.memory_space<vmem>> -> memref<1x40x128xf32, #tpu.memory_space<vmem>>
          %dma_wait3A_266 = tpu.memref_squeeze %dma_wait3A_265 : memref<1x40x128xf32, #tpu.memory_space<vmem>> -> memref<40x128xf32, #tpu.memory_space<vmem>>
          %dma_wait3A_267 = arith.constant 0 : i32
          %dma_wait3A_268 = tpu.memref_slice %arg9[%run_scoped3A_252, %dma_wait3A_267] : memref<16x40xi32, #tpu.memory_space<vmem>> -> memref<1x40xi32, #tpu.memory_space<vmem>>
          %dma_wait3A_269 = tpu.memref_squeeze %dma_wait3A_268 : memref<1x40xi32, #tpu.memory_space<vmem>> -> memref<40xi32, #tpu.memory_space<vmem>>
          %dma_wait3A_270 = arith.constant 0 : i32
          %dma_wait3A_271 = arith.constant 0 : i32
          %dma_wait3A_272 = tpu.memref_slice %arg12[%dma_wait3A_270, %dma_wait3A_271] : memref<10240x128xf32, #tpu.memory_space<vmem_shared>> -> memref<10240x128xf32, #tpu.memory_space<vmem_shared>>
          tpu.wait_indirect_dma semaphore(%run_scoped3A_253 : memref<!tpu.dma_semaphore, #tpu.memory_space<semaphore_mem>>) src(%dma_wait3A_266 : memref<40x128xf32, #tpu.memory_space<vmem>>) dst(%dma_wait3A_272 : memref<10240x128xf32, #tpu.memory_space<vmem_shared>>)
          tpu.yield
        }) : () -> ()
      } else {
      }
      %add3A_150 = arith.constant 12 : i32
      %add3A_151 = arith.addi %mul3A_50, %add3A_150 : i32
      %lt3A_152 = arith.cmpi slt, %add3A_151, %reduce_max3A_10 : i32
      %convert_element_type3A_153 = arith.extui %lt3A_152 : i1 to i32
      %cond3A_154 = arith.constant 0 : i32
      %cond3A_155 = arith.cmpi ne, %convert_element_type3A_153, %cond3A_154 : i32
      scf.if %cond3A_155 {
        %dma_start3A = arith.constant 12 : i32
        %dma_start3A_241 = arith.constant 4 : i32
        %dma_start3A_242 = arith.constant 0 : i32
        %dma_start3A_243 = arith.constant 0 : i32
        %dma_start3A_244 = tpu.memref_slice %arg11[%dma_start3A_241, %dma_start3A_242, %dma_start3A_243] : memref<8x40x128xf32, #tpu.memory_space<vmem>> -> memref<1x40x128xf32, #tpu.memory_space<vmem>>
        %dma_start3A_245 = tpu.memref_squeeze %dma_start3A_244 : memref<1x40x128xf32, #tpu.memory_space<vmem>> -> memref<40x128xf32, #tpu.memory_space<vmem>>
        %dma_start3A_246 = arith.constant 0 : i32
        %dma_start3A_247 = tpu.memref_slice %arg8[%dma_start3A, %dma_start3A_246] : memref<16x40xi32, #tpu.memory_space<vmem>> -> memref<1x40xi32, #tpu.memory_space<vmem>>
        %dma_start3A_248 = tpu.memref_squeeze %dma_start3A_247 : memref<1x40xi32, #tpu.memory_space<vmem>> -> memref<40xi32, #tpu.memory_space<vmem>>
        %dma_start3A_249 = arith.constant 0 : i32
        %dma_start3A_250 = arith.constant 0 : i32
        %dma_start3A_251 = tpu.memref_slice %arg5[%dma_start3A_249, %dma_start3A_250] : memref<10240x128xf32, #tpu.memory_space<hbm>> -> memref<10240x128xf32, #tpu.memory_space<hbm>>
        tpu.enqueue_indirect_dma source(%dma_start3A_251 : memref<10240x128xf32, #tpu.memory_space<hbm>>) target(%dma_start3A_245 : memref<40x128xf32, #tpu.memory_space<vmem>>) offsets(%dma_start3A_248 : memref<40xi32, #tpu.memory_space<vmem>>) semaphore(%arg17 : memref<!tpu.dma_semaphore, #tpu.memory_space<semaphore_mem>>)
      } else {
      }
      %add3A_156 = arith.constant 5 : i32
      %add3A_157 = arith.addi %mul3A_50, %add3A_156 : i32
      %lt3A_158 = arith.cmpi slt, %add3A_157, %reduce_max3A_10 : i32
      %convert_element_type3A_159 = arith.extui %lt3A_158 : i1 to i32
      %cond3A_160 = arith.constant 0 : i32
      %cond3A_161 = arith.cmpi ne, %convert_element_type3A_159, %cond3A_160 : i32
      scf.if %cond3A_161 {
        %dma_wait3A = arith.constant 5 : i32
        %dma_wait3A_241 = arith.constant 5 : i32
        %dma_wait3A_242 = arith.constant 0 : i32
        %dma_wait3A_243 = arith.constant 0 : i32
        %dma_wait3A_244 = tpu.memref_slice %arg11[%dma_wait3A_241, %dma_wait3A_242, %dma_wait3A_243] : memref<8x40x128xf32, #tpu.memory_space<vmem>> -> memref<1x40x128xf32, #tpu.memory_space<vmem>>
        %dma_wait3A_245 = tpu.memref_squeeze %dma_wait3A_244 : memref<1x40x128xf32, #tpu.memory_space<vmem>> -> memref<40x128xf32, #tpu.memory_space<vmem>>
        %dma_wait3A_246 = arith.constant 0 : i32
        %dma_wait3A_247 = tpu.memref_slice %arg8[%dma_wait3A, %dma_wait3A_246] : memref<16x40xi32, #tpu.memory_space<vmem>> -> memref<1x40xi32, #tpu.memory_space<vmem>>
        %dma_wait3A_248 = tpu.memref_squeeze %dma_wait3A_247 : memref<1x40xi32, #tpu.memory_space<vmem>> -> memref<40xi32, #tpu.memory_space<vmem>>
        %dma_wait3A_249 = arith.constant 0 : i32
        %dma_wait3A_250 = arith.constant 0 : i32
        %dma_wait3A_251 = tpu.memref_slice %arg5[%dma_wait3A_249, %dma_wait3A_250] : memref<10240x128xf32, #tpu.memory_space<hbm>> -> memref<10240x128xf32, #tpu.memory_space<hbm>>
        tpu.wait_indirect_dma semaphore(%arg18 : memref<!tpu.dma_semaphore, #tpu.memory_space<semaphore_mem>>) src(%dma_wait3A_251 : memref<10240x128xf32, #tpu.memory_space<hbm>>) dst(%dma_wait3A_245 : memref<40x128xf32, #tpu.memory_space<vmem>>)
        %run_scoped3A = arith.constant 5 : i32
        %run_scoped3A_252 = arith.constant 5 : i32
        "tpu.region"() ({
          %run_scoped3A_253 = tpu.sem_alloc : memref<!tpu.dma_semaphore, #tpu.memory_space<semaphore_mem>>
          %dma_start3A = arith.constant 0 : i32
          %dma_start3A_254 = arith.constant 0 : i32
          %dma_start3A_255 = tpu.memref_slice %arg11[%run_scoped3A, %dma_start3A, %dma_start3A_254] : memref<8x40x128xf32, #tpu.memory_space<vmem>> -> memref<1x40x128xf32, #tpu.memory_space<vmem>>
          %dma_start3A_256 = tpu.memref_squeeze %dma_start3A_255 : memref<1x40x128xf32, #tpu.memory_space<vmem>> -> memref<40x128xf32, #tpu.memory_space<vmem>>
          %dma_start3A_257 = arith.constant 0 : i32
          %dma_start3A_258 = tpu.memref_slice %arg9[%run_scoped3A_252, %dma_start3A_257] : memref<16x40xi32, #tpu.memory_space<vmem>> -> memref<1x40xi32, #tpu.memory_space<vmem>>
          %dma_start3A_259 = tpu.memref_squeeze %dma_start3A_258 : memref<1x40xi32, #tpu.memory_space<vmem>> -> memref<40xi32, #tpu.memory_space<vmem>>
          %dma_start3A_260 = arith.constant 0 : i32
          %dma_start3A_261 = arith.constant 0 : i32
          %dma_start3A_262 = tpu.memref_slice %arg12[%dma_start3A_260, %dma_start3A_261] : memref<10240x128xf32, #tpu.memory_space<vmem_shared>> -> memref<10240x128xf32, #tpu.memory_space<vmem_shared>>
          tpu.enqueue_indirect_dma source(%dma_start3A_256 : memref<40x128xf32, #tpu.memory_space<vmem>>) target(%dma_start3A_262 : memref<10240x128xf32, #tpu.memory_space<vmem_shared>>) offsets(%dma_start3A_259 : memref<40xi32, #tpu.memory_space<vmem>>) semaphore(%run_scoped3A_253 : memref<!tpu.dma_semaphore, #tpu.memory_space<semaphore_mem>>) {add = true}
          %dma_wait3A_263 = arith.constant 0 : i32
          %dma_wait3A_264 = arith.constant 0 : i32
          %dma_wait3A_265 = tpu.memref_slice %arg11[%run_scoped3A, %dma_wait3A_263, %dma_wait3A_264] : memref<8x40x128xf32, #tpu.memory_space<vmem>> -> memref<1x40x128xf32, #tpu.memory_space<vmem>>
          %dma_wait3A_266 = tpu.memref_squeeze %dma_wait3A_265 : memref<1x40x128xf32, #tpu.memory_space<vmem>> -> memref<40x128xf32, #tpu.memory_space<vmem>>
          %dma_wait3A_267 = arith.constant 0 : i32
          %dma_wait3A_268 = tpu.memref_slice %arg9[%run_scoped3A_252, %dma_wait3A_267] : memref<16x40xi32, #tpu.memory_space<vmem>> -> memref<1x40xi32, #tpu.memory_space<vmem>>
          %dma_wait3A_269 = tpu.memref_squeeze %dma_wait3A_268 : memref<1x40xi32, #tpu.memory_space<vmem>> -> memref<40xi32, #tpu.memory_space<vmem>>
          %dma_wait3A_270 = arith.constant 0 : i32
          %dma_wait3A_271 = arith.constant 0 : i32
          %dma_wait3A_272 = tpu.memref_slice %arg12[%dma_wait3A_270, %dma_wait3A_271] : memref<10240x128xf32, #tpu.memory_space<vmem_shared>> -> memref<10240x128xf32, #tpu.memory_space<vmem_shared>>
          tpu.wait_indirect_dma semaphore(%run_scoped3A_253 : memref<!tpu.dma_semaphore, #tpu.memory_space<semaphore_mem>>) src(%dma_wait3A_266 : memref<40x128xf32, #tpu.memory_space<vmem>>) dst(%dma_wait3A_272 : memref<10240x128xf32, #tpu.memory_space<vmem_shared>>)
          tpu.yield
        }) : () -> ()
      } else {
      }
      %add3A_162 = arith.constant 13 : i32
      %add3A_163 = arith.addi %mul3A_50, %add3A_162 : i32
      %lt3A_164 = arith.cmpi slt, %add3A_163, %reduce_max3A_10 : i32
      %convert_element_type3A_165 = arith.extui %lt3A_164 : i1 to i32
      %cond3A_166 = arith.constant 0 : i32
      %cond3A_167 = arith.cmpi ne, %convert_element_type3A_165, %cond3A_166 : i32
      scf.if %cond3A_167 {
        %dma_start3A = arith.constant 13 : i32
        %dma_start3A_241 = arith.constant 5 : i32
        %dma_start3A_242 = arith.constant 0 : i32
        %dma_start3A_243 = arith.constant 0 : i32
        %dma_start3A_244 = tpu.memref_slice %arg11[%dma_start3A_241, %dma_start3A_242, %dma_start3A_243] : memref<8x40x128xf32, #tpu.memory_space<vmem>> -> memref<1x40x128xf32, #tpu.memory_space<vmem>>
        %dma_start3A_245 = tpu.memref_squeeze %dma_start3A_244 : memref<1x40x128xf32, #tpu.memory_space<vmem>> -> memref<40x128xf32, #tpu.memory_space<vmem>>
        %dma_start3A_246 = arith.constant 0 : i32
        %dma_start3A_247 = tpu.memref_slice %arg8[%dma_start3A, %dma_start3A_246] : memref<16x40xi32, #tpu.memory_space<vmem>> -> memref<1x40xi32, #tpu.memory_space<vmem>>
        %dma_start3A_248 = tpu.memref_squeeze %dma_start3A_247 : memref<1x40xi32, #tpu.memory_space<vmem>> -> memref<40xi32, #tpu.memory_space<vmem>>
        %dma_start3A_249 = arith.constant 0 : i32
        %dma_start3A_250 = arith.constant 0 : i32
        %dma_start3A_251 = tpu.memref_slice %arg5[%dma_start3A_249, %dma_start3A_250] : memref<10240x128xf32, #tpu.memory_space<hbm>> -> memref<10240x128xf32, #tpu.memory_space<hbm>>
        tpu.enqueue_indirect_dma source(%dma_start3A_251 : memref<10240x128xf32, #tpu.memory_space<hbm>>) target(%dma_start3A_245 : memref<40x128xf32, #tpu.memory_space<vmem>>) offsets(%dma_start3A_248 : memref<40xi32, #tpu.memory_space<vmem>>) semaphore(%arg18 : memref<!tpu.dma_semaphore, #tpu.memory_space<semaphore_mem>>)
      } else {
      }
      %add3A_168 = arith.constant 6 : i32
      %add3A_169 = arith.addi %mul3A_50, %add3A_168 : i32
      %lt3A_170 = arith.cmpi slt, %add3A_169, %reduce_max3A_10 : i32
      %convert_element_type3A_171 = arith.extui %lt3A_170 : i1 to i32
      %cond3A_172 = arith.constant 0 : i32
      %cond3A_173 = arith.cmpi ne, %convert_element_type3A_171, %cond3A_172 : i32
      scf.if %cond3A_173 {
        %dma_wait3A = arith.constant 6 : i32
        %dma_wait3A_241 = arith.constant 6 : i32
        %dma_wait3A_242 = arith.constant 0 : i32
        %dma_wait3A_243 = arith.constant 0 : i32
        %dma_wait3A_244 = tpu.memref_slice %arg11[%dma_wait3A_241, %dma_wait3A_242, %dma_wait3A_243] : memref<8x40x128xf32, #tpu.memory_space<vmem>> -> memref<1x40x128xf32, #tpu.memory_space<vmem>>
        %dma_wait3A_245 = tpu.memref_squeeze %dma_wait3A_244 : memref<1x40x128xf32, #tpu.memory_space<vmem>> -> memref<40x128xf32, #tpu.memory_space<vmem>>
        %dma_wait3A_246 = arith.constant 0 : i32
        %dma_wait3A_247 = tpu.memref_slice %arg8[%dma_wait3A, %dma_wait3A_246] : memref<16x40xi32, #tpu.memory_space<vmem>> -> memref<1x40xi32, #tpu.memory_space<vmem>>
        %dma_wait3A_248 = tpu.memref_squeeze %dma_wait3A_247 : memref<1x40xi32, #tpu.memory_space<vmem>> -> memref<40xi32, #tpu.memory_space<vmem>>
        %dma_wait3A_249 = arith.constant 0 : i32
        %dma_wait3A_250 = arith.constant 0 : i32
        %dma_wait3A_251 = tpu.memref_slice %arg5[%dma_wait3A_249, %dma_wait3A_250] : memref<10240x128xf32, #tpu.memory_space<hbm>> -> memref<10240x128xf32, #tpu.memory_space<hbm>>
        tpu.wait_indirect_dma semaphore(%arg19 : memref<!tpu.dma_semaphore, #tpu.memory_space<semaphore_mem>>) src(%dma_wait3A_251 : memref<10240x128xf32, #tpu.memory_space<hbm>>) dst(%dma_wait3A_245 : memref<40x128xf32, #tpu.memory_space<vmem>>)
        %run_scoped3A = arith.constant 6 : i32
        %run_scoped3A_252 = arith.constant 6 : i32
        "tpu.region"() ({
          %run_scoped3A_253 = tpu.sem_alloc : memref<!tpu.dma_semaphore, #tpu.memory_space<semaphore_mem>>
          %dma_start3A = arith.constant 0 : i32
          %dma_start3A_254 = arith.constant 0 : i32
          %dma_start3A_255 = tpu.memref_slice %arg11[%run_scoped3A, %dma_start3A, %dma_start3A_254] : memref<8x40x128xf32, #tpu.memory_space<vmem>> -> memref<1x40x128xf32, #tpu.memory_space<vmem>>
          %dma_start3A_256 = tpu.memref_squeeze %dma_start3A_255 : memref<1x40x128xf32, #tpu.memory_space<vmem>> -> memref<40x128xf32, #tpu.memory_space<vmem>>
          %dma_start3A_257 = arith.constant 0 : i32
          %dma_start3A_258 = tpu.memref_slice %arg9[%run_scoped3A_252, %dma_start3A_257] : memref<16x40xi32, #tpu.memory_space<vmem>> -> memref<1x40xi32, #tpu.memory_space<vmem>>
          %dma_start3A_259 = tpu.memref_squeeze %dma_start3A_258 : memref<1x40xi32, #tpu.memory_space<vmem>> -> memref<40xi32, #tpu.memory_space<vmem>>
          %dma_start3A_260 = arith.constant 0 : i32
          %dma_start3A_261 = arith.constant 0 : i32
          %dma_start3A_262 = tpu.memref_slice %arg12[%dma_start3A_260, %dma_start3A_261] : memref<10240x128xf32, #tpu.memory_space<vmem_shared>> -> memref<10240x128xf32, #tpu.memory_space<vmem_shared>>
          tpu.enqueue_indirect_dma source(%dma_start3A_256 : memref<40x128xf32, #tpu.memory_space<vmem>>) target(%dma_start3A_262 : memref<10240x128xf32, #tpu.memory_space<vmem_shared>>) offsets(%dma_start3A_259 : memref<40xi32, #tpu.memory_space<vmem>>) semaphore(%run_scoped3A_253 : memref<!tpu.dma_semaphore, #tpu.memory_space<semaphore_mem>>) {add = true}
          %dma_wait3A_263 = arith.constant 0 : i32
          %dma_wait3A_264 = arith.constant 0 : i32
          %dma_wait3A_265 = tpu.memref_slice %arg11[%run_scoped3A, %dma_wait3A_263, %dma_wait3A_264] : memref<8x40x128xf32, #tpu.memory_space<vmem>> -> memref<1x40x128xf32, #tpu.memory_space<vmem>>
          %dma_wait3A_266 = tpu.memref_squeeze %dma_wait3A_265 : memref<1x40x128xf32, #tpu.memory_space<vmem>> -> memref<40x128xf32, #tpu.memory_space<vmem>>
          %dma_wait3A_267 = arith.constant 0 : i32
          %dma_wait3A_268 = tpu.memref_slice %arg9[%run_scoped3A_252, %dma_wait3A_267] : memref<16x40xi32, #tpu.memory_space<vmem>> -> memref<1x40xi32, #tpu.memory_space<vmem>>
          %dma_wait3A_269 = tpu.memref_squeeze %dma_wait3A_268 : memref<1x40xi32, #tpu.memory_space<vmem>> -> memref<40xi32, #tpu.memory_space<vmem>>
          %dma_wait3A_270 = arith.constant 0 : i32
          %dma_wait3A_271 = arith.constant 0 : i32
          %dma_wait3A_272 = tpu.memref_slice %arg12[%dma_wait3A_270, %dma_wait3A_271] : memref<10240x128xf32, #tpu.memory_space<vmem_shared>> -> memref<10240x128xf32, #tpu.memory_space<vmem_shared>>
          tpu.wait_indirect_dma semaphore(%run_scoped3A_253 : memref<!tpu.dma_semaphore, #tpu.memory_space<semaphore_mem>>) src(%dma_wait3A_266 : memref<40x128xf32, #tpu.memory_space<vmem>>) dst(%dma_wait3A_272 : memref<10240x128xf32, #tpu.memory_space<vmem_shared>>)
          tpu.yield
        }) : () -> ()
      } else {
      }
      %add3A_174 = arith.constant 14 : i32
      %add3A_175 = arith.addi %mul3A_50, %add3A_174 : i32
      %lt3A_176 = arith.cmpi slt, %add3A_175, %reduce_max3A_10 : i32
      %convert_element_type3A_177 = arith.extui %lt3A_176 : i1 to i32
      %cond3A_178 = arith.constant 0 : i32
      %cond3A_179 = arith.cmpi ne, %convert_element_type3A_177, %cond3A_178 : i32
      scf.if %cond3A_179 {
        %dma_start3A = arith.constant 14 : i32
        %dma_start3A_241 = arith.constant 6 : i32
        %dma_start3A_242 = arith.constant 0 : i32
        %dma_start3A_243 = arith.constant 0 : i32
        %dma_start3A_244 = tpu.memref_slice %arg11[%dma_start3A_241, %dma_start3A_242, %dma_start3A_243] : memref<8x40x128xf32, #tpu.memory_space<vmem>> -> memref<1x40x128xf32, #tpu.memory_space<vmem>>
        %dma_start3A_245 = tpu.memref_squeeze %dma_start3A_244 : memref<1x40x128xf32, #tpu.memory_space<vmem>> -> memref<40x128xf32, #tpu.memory_space<vmem>>
        %dma_start3A_246 = arith.constant 0 : i32
        %dma_start3A_247 = tpu.memref_slice %arg8[%dma_start3A, %dma_start3A_246] : memref<16x40xi32, #tpu.memory_space<vmem>> -> memref<1x40xi32, #tpu.memory_space<vmem>>
        %dma_start3A_248 = tpu.memref_squeeze %dma_start3A_247 : memref<1x40xi32, #tpu.memory_space<vmem>> -> memref<40xi32, #tpu.memory_space<vmem>>
        %dma_start3A_249 = arith.constant 0 : i32
        %dma_start3A_250 = arith.constant 0 : i32
        %dma_start3A_251 = tpu.memref_slice %arg5[%dma_start3A_249, %dma_start3A_250] : memref<10240x128xf32, #tpu.memory_space<hbm>> -> memref<10240x128xf32, #tpu.memory_space<hbm>>
        tpu.enqueue_indirect_dma source(%dma_start3A_251 : memref<10240x128xf32, #tpu.memory_space<hbm>>) target(%dma_start3A_245 : memref<40x128xf32, #tpu.memory_space<vmem>>) offsets(%dma_start3A_248 : memref<40xi32, #tpu.memory_space<vmem>>) semaphore(%arg19 : memref<!tpu.dma_semaphore, #tpu.memory_space<semaphore_mem>>)
      } else {
      }
      %add3A_180 = arith.constant 7 : i32
      %add3A_181 = arith.addi %mul3A_50, %add3A_180 : i32
      %lt3A_182 = arith.cmpi slt, %add3A_181, %reduce_max3A_10 : i32
      %convert_element_type3A_183 = arith.extui %lt3A_182 : i1 to i32
      %cond3A_184 = arith.constant 0 : i32
      %cond3A_185 = arith.cmpi ne, %convert_element_type3A_183, %cond3A_184 : i32
      scf.if %cond3A_185 {
        %dma_wait3A = arith.constant 7 : i32
        %dma_wait3A_241 = arith.constant 7 : i32
        %dma_wait3A_242 = arith.constant 0 : i32
        %dma_wait3A_243 = arith.constant 0 : i32
        %dma_wait3A_244 = tpu.memref_slice %arg11[%dma_wait3A_241, %dma_wait3A_242, %dma_wait3A_243] : memref<8x40x128xf32, #tpu.memory_space<vmem>> -> memref<1x40x128xf32, #tpu.memory_space<vmem>>
        %dma_wait3A_245 = tpu.memref_squeeze %dma_wait3A_244 : memref<1x40x128xf32, #tpu.memory_space<vmem>> -> memref<40x128xf32, #tpu.memory_space<vmem>>
        %dma_wait3A_246 = arith.constant 0 : i32
        %dma_wait3A_247 = tpu.memref_slice %arg8[%dma_wait3A, %dma_wait3A_246] : memref<16x40xi32, #tpu.memory_space<vmem>> -> memref<1x40xi32, #tpu.memory_space<vmem>>
        %dma_wait3A_248 = tpu.memref_squeeze %dma_wait3A_247 : memref<1x40xi32, #tpu.memory_space<vmem>> -> memref<40xi32, #tpu.memory_space<vmem>>
        %dma_wait3A_249 = arith.constant 0 : i32
        %dma_wait3A_250 = arith.constant 0 : i32
        %dma_wait3A_251 = tpu.memref_slice %arg5[%dma_wait3A_249, %dma_wait3A_250] : memref<10240x128xf32, #tpu.memory_space<hbm>> -> memref<10240x128xf32, #tpu.memory_space<hbm>>
        tpu.wait_indirect_dma semaphore(%arg20 : memref<!tpu.dma_semaphore, #tpu.memory_space<semaphore_mem>>) src(%dma_wait3A_251 : memref<10240x128xf32, #tpu.memory_space<hbm>>) dst(%dma_wait3A_245 : memref<40x128xf32, #tpu.memory_space<vmem>>)
        %run_scoped3A = arith.constant 7 : i32
        %run_scoped3A_252 = arith.constant 7 : i32
        "tpu.region"() ({
          %run_scoped3A_253 = tpu.sem_alloc : memref<!tpu.dma_semaphore, #tpu.memory_space<semaphore_mem>>
          %dma_start3A = arith.constant 0 : i32
          %dma_start3A_254 = arith.constant 0 : i32
          %dma_start3A_255 = tpu.memref_slice %arg11[%run_scoped3A, %dma_start3A, %dma_start3A_254] : memref<8x40x128xf32, #tpu.memory_space<vmem>> -> memref<1x40x128xf32, #tpu.memory_space<vmem>>
          %dma_start3A_256 = tpu.memref_squeeze %dma_start3A_255 : memref<1x40x128xf32, #tpu.memory_space<vmem>> -> memref<40x128xf32, #tpu.memory_space<vmem>>
          %dma_start3A_257 = arith.constant 0 : i32
          %dma_start3A_258 = tpu.memref_slice %arg9[%run_scoped3A_252, %dma_start3A_257] : memref<16x40xi32, #tpu.memory_space<vmem>> -> memref<1x40xi32, #tpu.memory_space<vmem>>
          %dma_start3A_259 = tpu.memref_squeeze %dma_start3A_258 : memref<1x40xi32, #tpu.memory_space<vmem>> -> memref<40xi32, #tpu.memory_space<vmem>>
          %dma_start3A_260 = arith.constant 0 : i32
          %dma_start3A_261 = arith.constant 0 : i32
          %dma_start3A_262 = tpu.memref_slice %arg12[%dma_start3A_260, %dma_start3A_261] : memref<10240x128xf32, #tpu.memory_space<vmem_shared>> -> memref<10240x128xf32, #tpu.memory_space<vmem_shared>>
          tpu.enqueue_indirect_dma source(%dma_start3A_256 : memref<40x128xf32, #tpu.memory_space<vmem>>) target(%dma_start3A_262 : memref<10240x128xf32, #tpu.memory_space<vmem_shared>>) offsets(%dma_start3A_259 : memref<40xi32, #tpu.memory_space<vmem>>) semaphore(%run_scoped3A_253 : memref<!tpu.dma_semaphore, #tpu.memory_space<semaphore_mem>>) {add = true}
          %dma_wait3A_263 = arith.constant 0 : i32
          %dma_wait3A_264 = arith.constant 0 : i32
          %dma_wait3A_265 = tpu.memref_slice %arg11[%run_scoped3A, %dma_wait3A_263, %dma_wait3A_264] : memref<8x40x128xf32, #tpu.memory_space<vmem>> -> memref<1x40x128xf32, #tpu.memory_space<vmem>>
          %dma_wait3A_266 = tpu.memref_squeeze %dma_wait3A_265 : memref<1x40x128xf32, #tpu.memory_space<vmem>> -> memref<40x128xf32, #tpu.memory_space<vmem>>
          %dma_wait3A_267 = arith.constant 0 : i32
          %dma_wait3A_268 = tpu.memref_slice %arg9[%run_scoped3A_252, %dma_wait3A_267] : memref<16x40xi32, #tpu.memory_space<vmem>> -> memref<1x40xi32, #tpu.memory_space<vmem>>
          %dma_wait3A_269 = tpu.memref_squeeze %dma_wait3A_268 : memref<1x40xi32, #tpu.memory_space<vmem>> -> memref<40xi32, #tpu.memory_space<vmem>>
          %dma_wait3A_270 = arith.constant 0 : i32
          %dma_wait3A_271 = arith.constant 0 : i32
          %dma_wait3A_272 = tpu.memref_slice %arg12[%dma_wait3A_270, %dma_wait3A_271] : memref<10240x128xf32, #tpu.memory_space<vmem_shared>> -> memref<10240x128xf32, #tpu.memory_space<vmem_shared>>
          tpu.wait_indirect_dma semaphore(%run_scoped3A_253 : memref<!tpu.dma_semaphore, #tpu.memory_space<semaphore_mem>>) src(%dma_wait3A_266 : memref<40x128xf32, #tpu.memory_space<vmem>>) dst(%dma_wait3A_272 : memref<10240x128xf32, #tpu.memory_space<vmem_shared>>)
          tpu.yield
        }) : () -> ()
      } else {
      }
      %add3A_186 = arith.constant 15 : i32
      %add3A_187 = arith.addi %mul3A_50, %add3A_186 : i32
      %lt3A_188 = arith.cmpi slt, %add3A_187, %reduce_max3A_10 : i32
      %convert_element_type3A_189 = arith.extui %lt3A_188 : i1 to i32
      %cond3A_190 = arith.constant 0 : i32
      %cond3A_191 = arith.cmpi ne, %convert_element_type3A_189, %cond3A_190 : i32
      scf.if %cond3A_191 {
        %dma_start3A = arith.constant 15 : i32
        %dma_start3A_241 = arith.constant 7 : i32
        %dma_start3A_242 = arith.constant 0 : i32
        %dma_start3A_243 = arith.constant 0 : i32
        %dma_start3A_244 = tpu.memref_slice %arg11[%dma_start3A_241, %dma_start3A_242, %dma_start3A_243] : memref<8x40x128xf32, #tpu.memory_space<vmem>> -> memref<1x40x128xf32, #tpu.memory_space<vmem>>
        %dma_start3A_245 = tpu.memref_squeeze %dma_start3A_244 : memref<1x40x128xf32, #tpu.memory_space<vmem>> -> memref<40x128xf32, #tpu.memory_space<vmem>>
        %dma_start3A_246 = arith.constant 0 : i32
        %dma_start3A_247 = tpu.memref_slice %arg8[%dma_start3A, %dma_start3A_246] : memref<16x40xi32, #tpu.memory_space<vmem>> -> memref<1x40xi32, #tpu.memory_space<vmem>>
        %dma_start3A_248 = tpu.memref_squeeze %dma_start3A_247 : memref<1x40xi32, #tpu.memory_space<vmem>> -> memref<40xi32, #tpu.memory_space<vmem>>
        %dma_start3A_249 = arith.constant 0 : i32
        %dma_start3A_250 = arith.constant 0 : i32
        %dma_start3A_251 = tpu.memref_slice %arg5[%dma_start3A_249, %dma_start3A_250] : memref<10240x128xf32, #tpu.memory_space<hbm>> -> memref<10240x128xf32, #tpu.memory_space<hbm>>
        tpu.enqueue_indirect_dma source(%dma_start3A_251 : memref<10240x128xf32, #tpu.memory_space<hbm>>) target(%dma_start3A_245 : memref<40x128xf32, #tpu.memory_space<vmem>>) offsets(%dma_start3A_248 : memref<40xi32, #tpu.memory_space<vmem>>) semaphore(%arg20 : memref<!tpu.dma_semaphore, #tpu.memory_space<semaphore_mem>>)
      } else {
      }
      %add3A_192 = arith.constant 8 : i32
      %add3A_193 = arith.addi %mul3A_50, %add3A_192 : i32
      %lt3A_194 = arith.cmpi slt, %add3A_193, %reduce_max3A_10 : i32
      %convert_element_type3A_195 = arith.extui %lt3A_194 : i1 to i32
      %cond3A_196 = arith.constant 0 : i32
      %cond3A_197 = arith.cmpi ne, %convert_element_type3A_195, %cond3A_196 : i32
      scf.if %cond3A_197 {
        %dma_wait3A = arith.constant 8 : i32
        %dma_wait3A_241 = arith.constant 0 : i32
        %dma_wait3A_242 = arith.constant 0 : i32
        %dma_wait3A_243 = arith.constant 0 : i32
        %dma_wait3A_244 = tpu.memref_slice %arg11[%dma_wait3A_241, %dma_wait3A_242, %dma_wait3A_243] : memref<8x40x128xf32, #tpu.memory_space<vmem>> -> memref<1x40x128xf32, #tpu.memory_space<vmem>>
        %dma_wait3A_245 = tpu.memref_squeeze %dma_wait3A_244 : memref<1x40x128xf32, #tpu.memory_space<vmem>> -> memref<40x128xf32, #tpu.memory_space<vmem>>
        %dma_wait3A_246 = arith.constant 0 : i32
        %dma_wait3A_247 = tpu.memref_slice %arg8[%dma_wait3A, %dma_wait3A_246] : memref<16x40xi32, #tpu.memory_space<vmem>> -> memref<1x40xi32, #tpu.memory_space<vmem>>
        %dma_wait3A_248 = tpu.memref_squeeze %dma_wait3A_247 : memref<1x40xi32, #tpu.memory_space<vmem>> -> memref<40xi32, #tpu.memory_space<vmem>>
        %dma_wait3A_249 = arith.constant 0 : i32
        %dma_wait3A_250 = arith.constant 0 : i32
        %dma_wait3A_251 = tpu.memref_slice %arg5[%dma_wait3A_249, %dma_wait3A_250] : memref<10240x128xf32, #tpu.memory_space<hbm>> -> memref<10240x128xf32, #tpu.memory_space<hbm>>
        tpu.wait_indirect_dma semaphore(%arg13 : memref<!tpu.dma_semaphore, #tpu.memory_space<semaphore_mem>>) src(%dma_wait3A_251 : memref<10240x128xf32, #tpu.memory_space<hbm>>) dst(%dma_wait3A_245 : memref<40x128xf32, #tpu.memory_space<vmem>>)
        %run_scoped3A = arith.constant 0 : i32
        %run_scoped3A_252 = arith.constant 8 : i32
        "tpu.region"() ({
          %run_scoped3A_253 = tpu.sem_alloc : memref<!tpu.dma_semaphore, #tpu.memory_space<semaphore_mem>>
          %dma_start3A = arith.constant 0 : i32
          %dma_start3A_254 = arith.constant 0 : i32
          %dma_start3A_255 = tpu.memref_slice %arg11[%run_scoped3A, %dma_start3A, %dma_start3A_254] : memref<8x40x128xf32, #tpu.memory_space<vmem>> -> memref<1x40x128xf32, #tpu.memory_space<vmem>>
          %dma_start3A_256 = tpu.memref_squeeze %dma_start3A_255 : memref<1x40x128xf32, #tpu.memory_space<vmem>> -> memref<40x128xf32, #tpu.memory_space<vmem>>
          %dma_start3A_257 = arith.constant 0 : i32
          %dma_start3A_258 = tpu.memref_slice %arg9[%run_scoped3A_252, %dma_start3A_257] : memref<16x40xi32, #tpu.memory_space<vmem>> -> memref<1x40xi32, #tpu.memory_space<vmem>>
          %dma_start3A_259 = tpu.memref_squeeze %dma_start3A_258 : memref<1x40xi32, #tpu.memory_space<vmem>> -> memref<40xi32, #tpu.memory_space<vmem>>
          %dma_start3A_260 = arith.constant 0 : i32
          %dma_start3A_261 = arith.constant 0 : i32
          %dma_start3A_262 = tpu.memref_slice %arg12[%dma_start3A_260, %dma_start3A_261] : memref<10240x128xf32, #tpu.memory_space<vmem_shared>> -> memref<10240x128xf32, #tpu.memory_space<vmem_shared>>
          tpu.enqueue_indirect_dma source(%dma_start3A_256 : memref<40x128xf32, #tpu.memory_space<vmem>>) target(%dma_start3A_262 : memref<10240x128xf32, #tpu.memory_space<vmem_shared>>) offsets(%dma_start3A_259 : memref<40xi32, #tpu.memory_space<vmem>>) semaphore(%run_scoped3A_253 : memref<!tpu.dma_semaphore, #tpu.memory_space<semaphore_mem>>) {add = true}
          %dma_wait3A_263 = arith.constant 0 : i32
          %dma_wait3A_264 = arith.constant 0 : i32
          %dma_wait3A_265 = tpu.memref_slice %arg11[%run_scoped3A, %dma_wait3A_263, %dma_wait3A_264] : memref<8x40x128xf32, #tpu.memory_space<vmem>> -> memref<1x40x128xf32, #tpu.memory_space<vmem>>
          %dma_wait3A_266 = tpu.memref_squeeze %dma_wait3A_265 : memref<1x40x128xf32, #tpu.memory_space<vmem>> -> memref<40x128xf32, #tpu.memory_space<vmem>>
          %dma_wait3A_267 = arith.constant 0 : i32
          %dma_wait3A_268 = tpu.memref_slice %arg9[%run_scoped3A_252, %dma_wait3A_267] : memref<16x40xi32, #tpu.memory_space<vmem>> -> memref<1x40xi32, #tpu.memory_space<vmem>>
          %dma_wait3A_269 = tpu.memref_squeeze %dma_wait3A_268 : memref<1x40xi32, #tpu.memory_space<vmem>> -> memref<40xi32, #tpu.memory_space<vmem>>
          %dma_wait3A_270 = arith.constant 0 : i32
          %dma_wait3A_271 = arith.constant 0 : i32
          %dma_wait3A_272 = tpu.memref_slice %arg12[%dma_wait3A_270, %dma_wait3A_271] : memref<10240x128xf32, #tpu.memory_space<vmem_shared>> -> memref<10240x128xf32, #tpu.memory_space<vmem_shared>>
          tpu.wait_indirect_dma semaphore(%run_scoped3A_253 : memref<!tpu.dma_semaphore, #tpu.memory_space<semaphore_mem>>) src(%dma_wait3A_266 : memref<40x128xf32, #tpu.memory_space<vmem>>) dst(%dma_wait3A_272 : memref<10240x128xf32, #tpu.memory_space<vmem_shared>>)
          tpu.yield
        }) : () -> ()
      } else {
      }
      %add3A_198 = arith.constant 9 : i32
      %add3A_199 = arith.addi %mul3A_50, %add3A_198 : i32
      %lt3A_200 = arith.cmpi slt, %add3A_199, %reduce_max3A_10 : i32
      %convert_element_type3A_201 = arith.extui %lt3A_200 : i1 to i32
      %cond3A_202 = arith.constant 0 : i32
      %cond3A_203 = arith.cmpi ne, %convert_element_type3A_201, %cond3A_202 : i32
      scf.if %cond3A_203 {
        %dma_wait3A = arith.constant 9 : i32
        %dma_wait3A_241 = arith.constant 1 : i32
        %dma_wait3A_242 = arith.constant 0 : i32
        %dma_wait3A_243 = arith.constant 0 : i32
        %dma_wait3A_244 = tpu.memref_slice %arg11[%dma_wait3A_241, %dma_wait3A_242, %dma_wait3A_243] : memref<8x40x128xf32, #tpu.memory_space<vmem>> -> memref<1x40x128xf32, #tpu.memory_space<vmem>>
        %dma_wait3A_245 = tpu.memref_squeeze %dma_wait3A_244 : memref<1x40x128xf32, #tpu.memory_space<vmem>> -> memref<40x128xf32, #tpu.memory_space<vmem>>
        %dma_wait3A_246 = arith.constant 0 : i32
        %dma_wait3A_247 = tpu.memref_slice %arg8[%dma_wait3A, %dma_wait3A_246] : memref<16x40xi32, #tpu.memory_space<vmem>> -> memref<1x40xi32, #tpu.memory_space<vmem>>
        %dma_wait3A_248 = tpu.memref_squeeze %dma_wait3A_247 : memref<1x40xi32, #tpu.memory_space<vmem>> -> memref<40xi32, #tpu.memory_space<vmem>>
        %dma_wait3A_249 = arith.constant 0 : i32
        %dma_wait3A_250 = arith.constant 0 : i32
        %dma_wait3A_251 = tpu.memref_slice %arg5[%dma_wait3A_249, %dma_wait3A_250] : memref<10240x128xf32, #tpu.memory_space<hbm>> -> memref<10240x128xf32, #tpu.memory_space<hbm>>
        tpu.wait_indirect_dma semaphore(%arg14 : memref<!tpu.dma_semaphore, #tpu.memory_space<semaphore_mem>>) src(%dma_wait3A_251 : memref<10240x128xf32, #tpu.memory_space<hbm>>) dst(%dma_wait3A_245 : memref<40x128xf32, #tpu.memory_space<vmem>>)
        %run_scoped3A = arith.constant 1 : i32
        %run_scoped3A_252 = arith.constant 9 : i32
        "tpu.region"() ({
          %run_scoped3A_253 = tpu.sem_alloc : memref<!tpu.dma_semaphore, #tpu.memory_space<semaphore_mem>>
          %dma_start3A = arith.constant 0 : i32
          %dma_start3A_254 = arith.constant 0 : i32
          %dma_start3A_255 = tpu.memref_slice %arg11[%run_scoped3A, %dma_start3A, %dma_start3A_254] : memref<8x40x128xf32, #tpu.memory_space<vmem>> -> memref<1x40x128xf32, #tpu.memory_space<vmem>>
          %dma_start3A_256 = tpu.memref_squeeze %dma_start3A_255 : memref<1x40x128xf32, #tpu.memory_space<vmem>> -> memref<40x128xf32, #tpu.memory_space<vmem>>
          %dma_start3A_257 = arith.constant 0 : i32
          %dma_start3A_258 = tpu.memref_slice %arg9[%run_scoped3A_252, %dma_start3A_257] : memref<16x40xi32, #tpu.memory_space<vmem>> -> memref<1x40xi32, #tpu.memory_space<vmem>>
          %dma_start3A_259 = tpu.memref_squeeze %dma_start3A_258 : memref<1x40xi32, #tpu.memory_space<vmem>> -> memref<40xi32, #tpu.memory_space<vmem>>
          %dma_start3A_260 = arith.constant 0 : i32
          %dma_start3A_261 = arith.constant 0 : i32
          %dma_start3A_262 = tpu.memref_slice %arg12[%dma_start3A_260, %dma_start3A_261] : memref<10240x128xf32, #tpu.memory_space<vmem_shared>> -> memref<10240x128xf32, #tpu.memory_space<vmem_shared>>
          tpu.enqueue_indirect_dma source(%dma_start3A_256 : memref<40x128xf32, #tpu.memory_space<vmem>>) target(%dma_start3A_262 : memref<10240x128xf32, #tpu.memory_space<vmem_shared>>) offsets(%dma_start3A_259 : memref<40xi32, #tpu.memory_space<vmem>>) semaphore(%run_scoped3A_253 : memref<!tpu.dma_semaphore, #tpu.memory_space<semaphore_mem>>) {add = true}
          %dma_wait3A_263 = arith.constant 0 : i32
          %dma_wait3A_264 = arith.constant 0 : i32
          %dma_wait3A_265 = tpu.memref_slice %arg11[%run_scoped3A, %dma_wait3A_263, %dma_wait3A_264] : memref<8x40x128xf32, #tpu.memory_space<vmem>> -> memref<1x40x128xf32, #tpu.memory_space<vmem>>
          %dma_wait3A_266 = tpu.memref_squeeze %dma_wait3A_265 : memref<1x40x128xf32, #tpu.memory_space<vmem>> -> memref<40x128xf32, #tpu.memory_space<vmem>>
          %dma_wait3A_267 = arith.constant 0 : i32
          %dma_wait3A_268 = tpu.memref_slice %arg9[%run_scoped3A_252, %dma_wait3A_267] : memref<16x40xi32, #tpu.memory_space<vmem>> -> memref<1x40xi32, #tpu.memory_space<vmem>>
          %dma_wait3A_269 = tpu.memref_squeeze %dma_wait3A_268 : memref<1x40xi32, #tpu.memory_space<vmem>> -> memref<40xi32, #tpu.memory_space<vmem>>
          %dma_wait3A_270 = arith.constant 0 : i32
          %dma_wait3A_271 = arith.constant 0 : i32
          %dma_wait3A_272 = tpu.memref_slice %arg12[%dma_wait3A_270, %dma_wait3A_271] : memref<10240x128xf32, #tpu.memory_space<vmem_shared>> -> memref<10240x128xf32, #tpu.memory_space<vmem_shared>>
          tpu.wait_indirect_dma semaphore(%run_scoped3A_253 : memref<!tpu.dma_semaphore, #tpu.memory_space<semaphore_mem>>) src(%dma_wait3A_266 : memref<40x128xf32, #tpu.memory_space<vmem>>) dst(%dma_wait3A_272 : memref<10240x128xf32, #tpu.memory_space<vmem_shared>>)
          tpu.yield
        }) : () -> ()
      } else {
      }
      %add3A_204 = arith.constant 10 : i32
      %add3A_205 = arith.addi %mul3A_50, %add3A_204 : i32
      %lt3A_206 = arith.cmpi slt, %add3A_205, %reduce_max3A_10 : i32
      %convert_element_type3A_207 = arith.extui %lt3A_206 : i1 to i32
      %cond3A_208 = arith.constant 0 : i32
      %cond3A_209 = arith.cmpi ne, %convert_element_type3A_207, %cond3A_208 : i32
      scf.if %cond3A_209 {
        %dma_wait3A = arith.constant 10 : i32
        %dma_wait3A_241 = arith.constant 2 : i32
        %dma_wait3A_242 = arith.constant 0 : i32
        %dma_wait3A_243 = arith.constant 0 : i32
        %dma_wait3A_244 = tpu.memref_slice %arg11[%dma_wait3A_241, %dma_wait3A_242, %dma_wait3A_243] : memref<8x40x128xf32, #tpu.memory_space<vmem>> -> memref<1x40x128xf32, #tpu.memory_space<vmem>>
        %dma_wait3A_245 = tpu.memref_squeeze %dma_wait3A_244 : memref<1x40x128xf32, #tpu.memory_space<vmem>> -> memref<40x128xf32, #tpu.memory_space<vmem>>
        %dma_wait3A_246 = arith.constant 0 : i32
        %dma_wait3A_247 = tpu.memref_slice %arg8[%dma_wait3A, %dma_wait3A_246] : memref<16x40xi32, #tpu.memory_space<vmem>> -> memref<1x40xi32, #tpu.memory_space<vmem>>
        %dma_wait3A_248 = tpu.memref_squeeze %dma_wait3A_247 : memref<1x40xi32, #tpu.memory_space<vmem>> -> memref<40xi32, #tpu.memory_space<vmem>>
        %dma_wait3A_249 = arith.constant 0 : i32
        %dma_wait3A_250 = arith.constant 0 : i32
        %dma_wait3A_251 = tpu.memref_slice %arg5[%dma_wait3A_249, %dma_wait3A_250] : memref<10240x128xf32, #tpu.memory_space<hbm>> -> memref<10240x128xf32, #tpu.memory_space<hbm>>
        tpu.wait_indirect_dma semaphore(%arg15 : memref<!tpu.dma_semaphore, #tpu.memory_space<semaphore_mem>>) src(%dma_wait3A_251 : memref<10240x128xf32, #tpu.memory_space<hbm>>) dst(%dma_wait3A_245 : memref<40x128xf32, #tpu.memory_space<vmem>>)
        %run_scoped3A = arith.constant 2 : i32
        %run_scoped3A_252 = arith.constant 10 : i32
        "tpu.region"() ({
          %run_scoped3A_253 = tpu.sem_alloc : memref<!tpu.dma_semaphore, #tpu.memory_space<semaphore_mem>>
          %dma_start3A = arith.constant 0 : i32
          %dma_start3A_254 = arith.constant 0 : i32
          %dma_start3A_255 = tpu.memref_slice %arg11[%run_scoped3A, %dma_start3A, %dma_start3A_254] : memref<8x40x128xf32, #tpu.memory_space<vmem>> -> memref<1x40x128xf32, #tpu.memory_space<vmem>>
          %dma_start3A_256 = tpu.memref_squeeze %dma_start3A_255 : memref<1x40x128xf32, #tpu.memory_space<vmem>> -> memref<40x128xf32, #tpu.memory_space<vmem>>
          %dma_start3A_257 = arith.constant 0 : i32
          %dma_start3A_258 = tpu.memref_slice %arg9[%run_scoped3A_252, %dma_start3A_257] : memref<16x40xi32, #tpu.memory_space<vmem>> -> memref<1x40xi32, #tpu.memory_space<vmem>>
          %dma_start3A_259 = tpu.memref_squeeze %dma_start3A_258 : memref<1x40xi32, #tpu.memory_space<vmem>> -> memref<40xi32, #tpu.memory_space<vmem>>
          %dma_start3A_260 = arith.constant 0 : i32
          %dma_start3A_261 = arith.constant 0 : i32
          %dma_start3A_262 = tpu.memref_slice %arg12[%dma_start3A_260, %dma_start3A_261] : memref<10240x128xf32, #tpu.memory_space<vmem_shared>> -> memref<10240x128xf32, #tpu.memory_space<vmem_shared>>
          tpu.enqueue_indirect_dma source(%dma_start3A_256 : memref<40x128xf32, #tpu.memory_space<vmem>>) target(%dma_start3A_262 : memref<10240x128xf32, #tpu.memory_space<vmem_shared>>) offsets(%dma_start3A_259 : memref<40xi32, #tpu.memory_space<vmem>>) semaphore(%run_scoped3A_253 : memref<!tpu.dma_semaphore, #tpu.memory_space<semaphore_mem>>) {add = true}
          %dma_wait3A_263 = arith.constant 0 : i32
          %dma_wait3A_264 = arith.constant 0 : i32
          %dma_wait3A_265 = tpu.memref_slice %arg11[%run_scoped3A, %dma_wait3A_263, %dma_wait3A_264] : memref<8x40x128xf32, #tpu.memory_space<vmem>> -> memref<1x40x128xf32, #tpu.memory_space<vmem>>
          %dma_wait3A_266 = tpu.memref_squeeze %dma_wait3A_265 : memref<1x40x128xf32, #tpu.memory_space<vmem>> -> memref<40x128xf32, #tpu.memory_space<vmem>>
          %dma_wait3A_267 = arith.constant 0 : i32
          %dma_wait3A_268 = tpu.memref_slice %arg9[%run_scoped3A_252, %dma_wait3A_267] : memref<16x40xi32, #tpu.memory_space<vmem>> -> memref<1x40xi32, #tpu.memory_space<vmem>>
          %dma_wait3A_269 = tpu.memref_squeeze %dma_wait3A_268 : memref<1x40xi32, #tpu.memory_space<vmem>> -> memref<40xi32, #tpu.memory_space<vmem>>
          %dma_wait3A_270 = arith.constant 0 : i32
          %dma_wait3A_271 = arith.constant 0 : i32
          %dma_wait3A_272 = tpu.memref_slice %arg12[%dma_wait3A_270, %dma_wait3A_271] : memref<10240x128xf32, #tpu.memory_space<vmem_shared>> -> memref<10240x128xf32, #tpu.memory_space<vmem_shared>>
          tpu.wait_indirect_dma semaphore(%run_scoped3A_253 : memref<!tpu.dma_semaphore, #tpu.memory_space<semaphore_mem>>) src(%dma_wait3A_266 : memref<40x128xf32, #tpu.memory_space<vmem>>) dst(%dma_wait3A_272 : memref<10240x128xf32, #tpu.memory_space<vmem_shared>>)
          tpu.yield
        }) : () -> ()
      } else {
      }
      %add3A_210 = arith.constant 11 : i32
      %add3A_211 = arith.addi %mul3A_50, %add3A_210 : i32
      %lt3A_212 = arith.cmpi slt, %add3A_211, %reduce_max3A_10 : i32
      %convert_element_type3A_213 = arith.extui %lt3A_212 : i1 to i32
      %cond3A_214 = arith.constant 0 : i32
      %cond3A_215 = arith.cmpi ne, %convert_element_type3A_213, %cond3A_214 : i32
      scf.if %cond3A_215 {
        %dma_wait3A = arith.constant 11 : i32
        %dma_wait3A_241 = arith.constant 3 : i32
        %dma_wait3A_242 = arith.constant 0 : i32
        %dma_wait3A_243 = arith.constant 0 : i32
        %dma_wait3A_244 = tpu.memref_slice %arg11[%dma_wait3A_241, %dma_wait3A_242, %dma_wait3A_243] : memref<8x40x128xf32, #tpu.memory_space<vmem>> -> memref<1x40x128xf32, #tpu.memory_space<vmem>>
        %dma_wait3A_245 = tpu.memref_squeeze %dma_wait3A_244 : memref<1x40x128xf32, #tpu.memory_space<vmem>> -> memref<40x128xf32, #tpu.memory_space<vmem>>
        %dma_wait3A_246 = arith.constant 0 : i32
        %dma_wait3A_247 = tpu.memref_slice %arg8[%dma_wait3A, %dma_wait3A_246] : memref<16x40xi32, #tpu.memory_space<vmem>> -> memref<1x40xi32, #tpu.memory_space<vmem>>
        %dma_wait3A_248 = tpu.memref_squeeze %dma_wait3A_247 : memref<1x40xi32, #tpu.memory_space<vmem>> -> memref<40xi32, #tpu.memory_space<vmem>>
        %dma_wait3A_249 = arith.constant 0 : i32
        %dma_wait3A_250 = arith.constant 0 : i32
        %dma_wait3A_251 = tpu.memref_slice %arg5[%dma_wait3A_249, %dma_wait3A_250] : memref<10240x128xf32, #tpu.memory_space<hbm>> -> memref<10240x128xf32, #tpu.memory_space<hbm>>
        tpu.wait_indirect_dma semaphore(%arg16 : memref<!tpu.dma_semaphore, #tpu.memory_space<semaphore_mem>>) src(%dma_wait3A_251 : memref<10240x128xf32, #tpu.memory_space<hbm>>) dst(%dma_wait3A_245 : memref<40x128xf32, #tpu.memory_space<vmem>>)
        %run_scoped3A = arith.constant 3 : i32
        %run_scoped3A_252 = arith.constant 11 : i32
        "tpu.region"() ({
          %run_scoped3A_253 = tpu.sem_alloc : memref<!tpu.dma_semaphore, #tpu.memory_space<semaphore_mem>>
          %dma_start3A = arith.constant 0 : i32
          %dma_start3A_254 = arith.constant 0 : i32
          %dma_start3A_255 = tpu.memref_slice %arg11[%run_scoped3A, %dma_start3A, %dma_start3A_254] : memref<8x40x128xf32, #tpu.memory_space<vmem>> -> memref<1x40x128xf32, #tpu.memory_space<vmem>>
          %dma_start3A_256 = tpu.memref_squeeze %dma_start3A_255 : memref<1x40x128xf32, #tpu.memory_space<vmem>> -> memref<40x128xf32, #tpu.memory_space<vmem>>
          %dma_start3A_257 = arith.constant 0 : i32
          %dma_start3A_258 = tpu.memref_slice %arg9[%run_scoped3A_252, %dma_start3A_257] : memref<16x40xi32, #tpu.memory_space<vmem>> -> memref<1x40xi32, #tpu.memory_space<vmem>>
          %dma_start3A_259 = tpu.memref_squeeze %dma_start3A_258 : memref<1x40xi32, #tpu.memory_space<vmem>> -> memref<40xi32, #tpu.memory_space<vmem>>
          %dma_start3A_260 = arith.constant 0 : i32
          %dma_start3A_261 = arith.constant 0 : i32
          %dma_start3A_262 = tpu.memref_slice %arg12[%dma_start3A_260, %dma_start3A_261] : memref<10240x128xf32, #tpu.memory_space<vmem_shared>> -> memref<10240x128xf32, #tpu.memory_space<vmem_shared>>
          tpu.enqueue_indirect_dma source(%dma_start3A_256 : memref<40x128xf32, #tpu.memory_space<vmem>>) target(%dma_start3A_262 : memref<10240x128xf32, #tpu.memory_space<vmem_shared>>) offsets(%dma_start3A_259 : memref<40xi32, #tpu.memory_space<vmem>>) semaphore(%run_scoped3A_253 : memref<!tpu.dma_semaphore, #tpu.memory_space<semaphore_mem>>) {add = true}
          %dma_wait3A_263 = arith.constant 0 : i32
          %dma_wait3A_264 = arith.constant 0 : i32
          %dma_wait3A_265 = tpu.memref_slice %arg11[%run_scoped3A, %dma_wait3A_263, %dma_wait3A_264] : memref<8x40x128xf32, #tpu.memory_space<vmem>> -> memref<1x40x128xf32, #tpu.memory_space<vmem>>
          %dma_wait3A_266 = tpu.memref_squeeze %dma_wait3A_265 : memref<1x40x128xf32, #tpu.memory_space<vmem>> -> memref<40x128xf32, #tpu.memory_space<vmem>>
          %dma_wait3A_267 = arith.constant 0 : i32
          %dma_wait3A_268 = tpu.memref_slice %arg9[%run_scoped3A_252, %dma_wait3A_267] : memref<16x40xi32, #tpu.memory_space<vmem>> -> memref<1x40xi32, #tpu.memory_space<vmem>>
          %dma_wait3A_269 = tpu.memref_squeeze %dma_wait3A_268 : memref<1x40xi32, #tpu.memory_space<vmem>> -> memref<40xi32, #tpu.memory_space<vmem>>
          %dma_wait3A_270 = arith.constant 0 : i32
          %dma_wait3A_271 = arith.constant 0 : i32
          %dma_wait3A_272 = tpu.memref_slice %arg12[%dma_wait3A_270, %dma_wait3A_271] : memref<10240x128xf32, #tpu.memory_space<vmem_shared>> -> memref<10240x128xf32, #tpu.memory_space<vmem_shared>>
          tpu.wait_indirect_dma semaphore(%run_scoped3A_253 : memref<!tpu.dma_semaphore, #tpu.memory_space<semaphore_mem>>) src(%dma_wait3A_266 : memref<40x128xf32, #tpu.memory_space<vmem>>) dst(%dma_wait3A_272 : memref<10240x128xf32, #tpu.memory_space<vmem_shared>>)
          tpu.yield
        }) : () -> ()
      } else {
      }
      %add3A_216 = arith.constant 12 : i32
      %add3A_217 = arith.addi %mul3A_50, %add3A_216 : i32
      %lt3A_218 = arith.cmpi slt, %add3A_217, %reduce_max3A_10 : i32
      %convert_element_type3A_219 = arith.extui %lt3A_218 : i1 to i32
      %cond3A_220 = arith.constant 0 : i32
      %cond3A_221 = arith.cmpi ne, %convert_element_type3A_219, %cond3A_220 : i32
      scf.if %cond3A_221 {
        %dma_wait3A = arith.constant 12 : i32
        %dma_wait3A_241 = arith.constant 4 : i32
        %dma_wait3A_242 = arith.constant 0 : i32
        %dma_wait3A_243 = arith.constant 0 : i32
        %dma_wait3A_244 = tpu.memref_slice %arg11[%dma_wait3A_241, %dma_wait3A_242, %dma_wait3A_243] : memref<8x40x128xf32, #tpu.memory_space<vmem>> -> memref<1x40x128xf32, #tpu.memory_space<vmem>>
        %dma_wait3A_245 = tpu.memref_squeeze %dma_wait3A_244 : memref<1x40x128xf32, #tpu.memory_space<vmem>> -> memref<40x128xf32, #tpu.memory_space<vmem>>
        %dma_wait3A_246 = arith.constant 0 : i32
        %dma_wait3A_247 = tpu.memref_slice %arg8[%dma_wait3A, %dma_wait3A_246] : memref<16x40xi32, #tpu.memory_space<vmem>> -> memref<1x40xi32, #tpu.memory_space<vmem>>
        %dma_wait3A_248 = tpu.memref_squeeze %dma_wait3A_247 : memref<1x40xi32, #tpu.memory_space<vmem>> -> memref<40xi32, #tpu.memory_space<vmem>>
        %dma_wait3A_249 = arith.constant 0 : i32
        %dma_wait3A_250 = arith.constant 0 : i32
        %dma_wait3A_251 = tpu.memref_slice %arg5[%dma_wait3A_249, %dma_wait3A_250] : memref<10240x128xf32, #tpu.memory_space<hbm>> -> memref<10240x128xf32, #tpu.memory_space<hbm>>
        tpu.wait_indirect_dma semaphore(%arg17 : memref<!tpu.dma_semaphore, #tpu.memory_space<semaphore_mem>>) src(%dma_wait3A_251 : memref<10240x128xf32, #tpu.memory_space<hbm>>) dst(%dma_wait3A_245 : memref<40x128xf32, #tpu.memory_space<vmem>>)
        %run_scoped3A = arith.constant 4 : i32
        %run_scoped3A_252 = arith.constant 12 : i32
        "tpu.region"() ({
          %run_scoped3A_253 = tpu.sem_alloc : memref<!tpu.dma_semaphore, #tpu.memory_space<semaphore_mem>>
          %dma_start3A = arith.constant 0 : i32
          %dma_start3A_254 = arith.constant 0 : i32
          %dma_start3A_255 = tpu.memref_slice %arg11[%run_scoped3A, %dma_start3A, %dma_start3A_254] : memref<8x40x128xf32, #tpu.memory_space<vmem>> -> memref<1x40x128xf32, #tpu.memory_space<vmem>>
          %dma_start3A_256 = tpu.memref_squeeze %dma_start3A_255 : memref<1x40x128xf32, #tpu.memory_space<vmem>> -> memref<40x128xf32, #tpu.memory_space<vmem>>
          %dma_start3A_257 = arith.constant 0 : i32
          %dma_start3A_258 = tpu.memref_slice %arg9[%run_scoped3A_252, %dma_start3A_257] : memref<16x40xi32, #tpu.memory_space<vmem>> -> memref<1x40xi32, #tpu.memory_space<vmem>>
          %dma_start3A_259 = tpu.memref_squeeze %dma_start3A_258 : memref<1x40xi32, #tpu.memory_space<vmem>> -> memref<40xi32, #tpu.memory_space<vmem>>
          %dma_start3A_260 = arith.constant 0 : i32
          %dma_start3A_261 = arith.constant 0 : i32
          %dma_start3A_262 = tpu.memref_slice %arg12[%dma_start3A_260, %dma_start3A_261] : memref<10240x128xf32, #tpu.memory_space<vmem_shared>> -> memref<10240x128xf32, #tpu.memory_space<vmem_shared>>
          tpu.enqueue_indirect_dma source(%dma_start3A_256 : memref<40x128xf32, #tpu.memory_space<vmem>>) target(%dma_start3A_262 : memref<10240x128xf32, #tpu.memory_space<vmem_shared>>) offsets(%dma_start3A_259 : memref<40xi32, #tpu.memory_space<vmem>>) semaphore(%run_scoped3A_253 : memref<!tpu.dma_semaphore, #tpu.memory_space<semaphore_mem>>) {add = true}
          %dma_wait3A_263 = arith.constant 0 : i32
          %dma_wait3A_264 = arith.constant 0 : i32
          %dma_wait3A_265 = tpu.memref_slice %arg11[%run_scoped3A, %dma_wait3A_263, %dma_wait3A_264] : memref<8x40x128xf32, #tpu.memory_space<vmem>> -> memref<1x40x128xf32, #tpu.memory_space<vmem>>
          %dma_wait3A_266 = tpu.memref_squeeze %dma_wait3A_265 : memref<1x40x128xf32, #tpu.memory_space<vmem>> -> memref<40x128xf32, #tpu.memory_space<vmem>>
          %dma_wait3A_267 = arith.constant 0 : i32
          %dma_wait3A_268 = tpu.memref_slice %arg9[%run_scoped3A_252, %dma_wait3A_267] : memref<16x40xi32, #tpu.memory_space<vmem>> -> memref<1x40xi32, #tpu.memory_space<vmem>>
          %dma_wait3A_269 = tpu.memref_squeeze %dma_wait3A_268 : memref<1x40xi32, #tpu.memory_space<vmem>> -> memref<40xi32, #tpu.memory_space<vmem>>
          %dma_wait3A_270 = arith.constant 0 : i32
          %dma_wait3A_271 = arith.constant 0 : i32
          %dma_wait3A_272 = tpu.memref_slice %arg12[%dma_wait3A_270, %dma_wait3A_271] : memref<10240x128xf32, #tpu.memory_space<vmem_shared>> -> memref<10240x128xf32, #tpu.memory_space<vmem_shared>>
          tpu.wait_indirect_dma semaphore(%run_scoped3A_253 : memref<!tpu.dma_semaphore, #tpu.memory_space<semaphore_mem>>) src(%dma_wait3A_266 : memref<40x128xf32, #tpu.memory_space<vmem>>) dst(%dma_wait3A_272 : memref<10240x128xf32, #tpu.memory_space<vmem_shared>>)
          tpu.yield
        }) : () -> ()
      } else {
      }
      %add3A_222 = arith.constant 13 : i32
      %add3A_223 = arith.addi %mul3A_50, %add3A_222 : i32
      %lt3A_224 = arith.cmpi slt, %add3A_223, %reduce_max3A_10 : i32
      %convert_element_type3A_225 = arith.extui %lt3A_224 : i1 to i32
      %cond3A_226 = arith.constant 0 : i32
      %cond3A_227 = arith.cmpi ne, %convert_element_type3A_225, %cond3A_226 : i32
      scf.if %cond3A_227 {
        %dma_wait3A = arith.constant 13 : i32
        %dma_wait3A_241 = arith.constant 5 : i32
        %dma_wait3A_242 = arith.constant 0 : i32
        %dma_wait3A_243 = arith.constant 0 : i32
        %dma_wait3A_244 = tpu.memref_slice %arg11[%dma_wait3A_241, %dma_wait3A_242, %dma_wait3A_243] : memref<8x40x128xf32, #tpu.memory_space<vmem>> -> memref<1x40x128xf32, #tpu.memory_space<vmem>>
        %dma_wait3A_245 = tpu.memref_squeeze %dma_wait3A_244 : memref<1x40x128xf32, #tpu.memory_space<vmem>> -> memref<40x128xf32, #tpu.memory_space<vmem>>
        %dma_wait3A_246 = arith.constant 0 : i32
        %dma_wait3A_247 = tpu.memref_slice %arg8[%dma_wait3A, %dma_wait3A_246] : memref<16x40xi32, #tpu.memory_space<vmem>> -> memref<1x40xi32, #tpu.memory_space<vmem>>
        %dma_wait3A_248 = tpu.memref_squeeze %dma_wait3A_247 : memref<1x40xi32, #tpu.memory_space<vmem>> -> memref<40xi32, #tpu.memory_space<vmem>>
        %dma_wait3A_249 = arith.constant 0 : i32
        %dma_wait3A_250 = arith.constant 0 : i32
        %dma_wait3A_251 = tpu.memref_slice %arg5[%dma_wait3A_249, %dma_wait3A_250] : memref<10240x128xf32, #tpu.memory_space<hbm>> -> memref<10240x128xf32, #tpu.memory_space<hbm>>
        tpu.wait_indirect_dma semaphore(%arg18 : memref<!tpu.dma_semaphore, #tpu.memory_space<semaphore_mem>>) src(%dma_wait3A_251 : memref<10240x128xf32, #tpu.memory_space<hbm>>) dst(%dma_wait3A_245 : memref<40x128xf32, #tpu.memory_space<vmem>>)
        %run_scoped3A = arith.constant 5 : i32
        %run_scoped3A_252 = arith.constant 13 : i32
        "tpu.region"() ({
          %run_scoped3A_253 = tpu.sem_alloc : memref<!tpu.dma_semaphore, #tpu.memory_space<semaphore_mem>>
          %dma_start3A = arith.constant 0 : i32
          %dma_start3A_254 = arith.constant 0 : i32
          %dma_start3A_255 = tpu.memref_slice %arg11[%run_scoped3A, %dma_start3A, %dma_start3A_254] : memref<8x40x128xf32, #tpu.memory_space<vmem>> -> memref<1x40x128xf32, #tpu.memory_space<vmem>>
          %dma_start3A_256 = tpu.memref_squeeze %dma_start3A_255 : memref<1x40x128xf32, #tpu.memory_space<vmem>> -> memref<40x128xf32, #tpu.memory_space<vmem>>
          %dma_start3A_257 = arith.constant 0 : i32
          %dma_start3A_258 = tpu.memref_slice %arg9[%run_scoped3A_252, %dma_start3A_257] : memref<16x40xi32, #tpu.memory_space<vmem>> -> memref<1x40xi32, #tpu.memory_space<vmem>>
          %dma_start3A_259 = tpu.memref_squeeze %dma_start3A_258 : memref<1x40xi32, #tpu.memory_space<vmem>> -> memref<40xi32, #tpu.memory_space<vmem>>
          %dma_start3A_260 = arith.constant 0 : i32
          %dma_start3A_261 = arith.constant 0 : i32
          %dma_start3A_262 = tpu.memref_slice %arg12[%dma_start3A_260, %dma_start3A_261] : memref<10240x128xf32, #tpu.memory_space<vmem_shared>> -> memref<10240x128xf32, #tpu.memory_space<vmem_shared>>
          tpu.enqueue_indirect_dma source(%dma_start3A_256 : memref<40x128xf32, #tpu.memory_space<vmem>>) target(%dma_start3A_262 : memref<10240x128xf32, #tpu.memory_space<vmem_shared>>) offsets(%dma_start3A_259 : memref<40xi32, #tpu.memory_space<vmem>>) semaphore(%run_scoped3A_253 : memref<!tpu.dma_semaphore, #tpu.memory_space<semaphore_mem>>) {add = true}
          %dma_wait3A_263 = arith.constant 0 : i32
          %dma_wait3A_264 = arith.constant 0 : i32
          %dma_wait3A_265 = tpu.memref_slice %arg11[%run_scoped3A, %dma_wait3A_263, %dma_wait3A_264] : memref<8x40x128xf32, #tpu.memory_space<vmem>> -> memref<1x40x128xf32, #tpu.memory_space<vmem>>
          %dma_wait3A_266 = tpu.memref_squeeze %dma_wait3A_265 : memref<1x40x128xf32, #tpu.memory_space<vmem>> -> memref<40x128xf32, #tpu.memory_space<vmem>>
          %dma_wait3A_267 = arith.constant 0 : i32
          %dma_wait3A_268 = tpu.memref_slice %arg9[%run_scoped3A_252, %dma_wait3A_267] : memref<16x40xi32, #tpu.memory_space<vmem>> -> memref<1x40xi32, #tpu.memory_space<vmem>>
          %dma_wait3A_269 = tpu.memref_squeeze %dma_wait3A_268 : memref<1x40xi32, #tpu.memory_space<vmem>> -> memref<40xi32, #tpu.memory_space<vmem>>
          %dma_wait3A_270 = arith.constant 0 : i32
          %dma_wait3A_271 = arith.constant 0 : i32
          %dma_wait3A_272 = tpu.memref_slice %arg12[%dma_wait3A_270, %dma_wait3A_271] : memref<10240x128xf32, #tpu.memory_space<vmem_shared>> -> memref<10240x128xf32, #tpu.memory_space<vmem_shared>>
          tpu.wait_indirect_dma semaphore(%run_scoped3A_253 : memref<!tpu.dma_semaphore, #tpu.memory_space<semaphore_mem>>) src(%dma_wait3A_266 : memref<40x128xf32, #tpu.memory_space<vmem>>) dst(%dma_wait3A_272 : memref<10240x128xf32, #tpu.memory_space<vmem_shared>>)
          tpu.yield
        }) : () -> ()
      } else {
      }
      %add3A_228 = arith.constant 14 : i32
      %add3A_229 = arith.addi %mul3A_50, %add3A_228 : i32
      %lt3A_230 = arith.cmpi slt, %add3A_229, %reduce_max3A_10 : i32
      %convert_element_type3A_231 = arith.extui %lt3A_230 : i1 to i32
      %cond3A_232 = arith.constant 0 : i32
      %cond3A_233 = arith.cmpi ne, %convert_element_type3A_231, %cond3A_232 : i32
      scf.if %cond3A_233 {
        %dma_wait3A = arith.constant 14 : i32
        %dma_wait3A_241 = arith.constant 6 : i32
        %dma_wait3A_242 = arith.constant 0 : i32
        %dma_wait3A_243 = arith.constant 0 : i32
        %dma_wait3A_244 = tpu.memref_slice %arg11[%dma_wait3A_241, %dma_wait3A_242, %dma_wait3A_243] : memref<8x40x128xf32, #tpu.memory_space<vmem>> -> memref<1x40x128xf32, #tpu.memory_space<vmem>>
        %dma_wait3A_245 = tpu.memref_squeeze %dma_wait3A_244 : memref<1x40x128xf32, #tpu.memory_space<vmem>> -> memref<40x128xf32, #tpu.memory_space<vmem>>
        %dma_wait3A_246 = arith.constant 0 : i32
        %dma_wait3A_247 = tpu.memref_slice %arg8[%dma_wait3A, %dma_wait3A_246] : memref<16x40xi32, #tpu.memory_space<vmem>> -> memref<1x40xi32, #tpu.memory_space<vmem>>
        %dma_wait3A_248 = tpu.memref_squeeze %dma_wait3A_247 : memref<1x40xi32, #tpu.memory_space<vmem>> -> memref<40xi32, #tpu.memory_space<vmem>>
        %dma_wait3A_249 = arith.constant 0 : i32
        %dma_wait3A_250 = arith.constant 0 : i32
        %dma_wait3A_251 = tpu.memref_slice %arg5[%dma_wait3A_249, %dma_wait3A_250] : memref<10240x128xf32, #tpu.memory_space<hbm>> -> memref<10240x128xf32, #tpu.memory_space<hbm>>
        tpu.wait_indirect_dma semaphore(%arg19 : memref<!tpu.dma_semaphore, #tpu.memory_space<semaphore_mem>>) src(%dma_wait3A_251 : memref<10240x128xf32, #tpu.memory_space<hbm>>) dst(%dma_wait3A_245 : memref<40x128xf32, #tpu.memory_space<vmem>>)
        %run_scoped3A = arith.constant 6 : i32
        %run_scoped3A_252 = arith.constant 14 : i32
        "tpu.region"() ({
          %run_scoped3A_253 = tpu.sem_alloc : memref<!tpu.dma_semaphore, #tpu.memory_space<semaphore_mem>>
          %dma_start3A = arith.constant 0 : i32
          %dma_start3A_254 = arith.constant 0 : i32
          %dma_start3A_255 = tpu.memref_slice %arg11[%run_scoped3A, %dma_start3A, %dma_start3A_254] : memref<8x40x128xf32, #tpu.memory_space<vmem>> -> memref<1x40x128xf32, #tpu.memory_space<vmem>>
          %dma_start3A_256 = tpu.memref_squeeze %dma_start3A_255 : memref<1x40x128xf32, #tpu.memory_space<vmem>> -> memref<40x128xf32, #tpu.memory_space<vmem>>
          %dma_start3A_257 = arith.constant 0 : i32
          %dma_start3A_258 = tpu.memref_slice %arg9[%run_scoped3A_252, %dma_start3A_257] : memref<16x40xi32, #tpu.memory_space<vmem>> -> memref<1x40xi32, #tpu.memory_space<vmem>>
          %dma_start3A_259 = tpu.memref_squeeze %dma_start3A_258 : memref<1x40xi32, #tpu.memory_space<vmem>> -> memref<40xi32, #tpu.memory_space<vmem>>
          %dma_start3A_260 = arith.constant 0 : i32
          %dma_start3A_261 = arith.constant 0 : i32
          %dma_start3A_262 = tpu.memref_slice %arg12[%dma_start3A_260, %dma_start3A_261] : memref<10240x128xf32, #tpu.memory_space<vmem_shared>> -> memref<10240x128xf32, #tpu.memory_space<vmem_shared>>
          tpu.enqueue_indirect_dma source(%dma_start3A_256 : memref<40x128xf32, #tpu.memory_space<vmem>>) target(%dma_start3A_262 : memref<10240x128xf32, #tpu.memory_space<vmem_shared>>) offsets(%dma_start3A_259 : memref<40xi32, #tpu.memory_space<vmem>>) semaphore(%run_scoped3A_253 : memref<!tpu.dma_semaphore, #tpu.memory_space<semaphore_mem>>) {add = true}
          %dma_wait3A_263 = arith.constant 0 : i32
          %dma_wait3A_264 = arith.constant 0 : i32
          %dma_wait3A_265 = tpu.memref_slice %arg11[%run_scoped3A, %dma_wait3A_263, %dma_wait3A_264] : memref<8x40x128xf32, #tpu.memory_space<vmem>> -> memref<1x40x128xf32, #tpu.memory_space<vmem>>
          %dma_wait3A_266 = tpu.memref_squeeze %dma_wait3A_265 : memref<1x40x128xf32, #tpu.memory_space<vmem>> -> memref<40x128xf32, #tpu.memory_space<vmem>>
          %dma_wait3A_267 = arith.constant 0 : i32
          %dma_wait3A_268 = tpu.memref_slice %arg9[%run_scoped3A_252, %dma_wait3A_267] : memref<16x40xi32, #tpu.memory_space<vmem>> -> memref<1x40xi32, #tpu.memory_space<vmem>>
          %dma_wait3A_269 = tpu.memref_squeeze %dma_wait3A_268 : memref<1x40xi32, #tpu.memory_space<vmem>> -> memref<40xi32, #tpu.memory_space<vmem>>
          %dma_wait3A_270 = arith.constant 0 : i32
          %dma_wait3A_271 = arith.constant 0 : i32
          %dma_wait3A_272 = tpu.memref_slice %arg12[%dma_wait3A_270, %dma_wait3A_271] : memref<10240x128xf32, #tpu.memory_space<vmem_shared>> -> memref<10240x128xf32, #tpu.memory_space<vmem_shared>>
          tpu.wait_indirect_dma semaphore(%run_scoped3A_253 : memref<!tpu.dma_semaphore, #tpu.memory_space<semaphore_mem>>) src(%dma_wait3A_266 : memref<40x128xf32, #tpu.memory_space<vmem>>) dst(%dma_wait3A_272 : memref<10240x128xf32, #tpu.memory_space<vmem_shared>>)
          tpu.yield
        }) : () -> ()
      } else {
      }
      %add3A_234 = arith.constant 15 : i32
      %add3A_235 = arith.addi %mul3A_50, %add3A_234 : i32
      %lt3A_236 = arith.cmpi slt, %add3A_235, %reduce_max3A_10 : i32
      %convert_element_type3A_237 = arith.extui %lt3A_236 : i1 to i32
      %cond3A_238 = arith.constant 0 : i32
      %cond3A_239 = arith.cmpi ne, %convert_element_type3A_237, %cond3A_238 : i32
      scf.if %cond3A_239 {
        %dma_wait3A = arith.constant 15 : i32
        %dma_wait3A_241 = arith.constant 7 : i32
        %dma_wait3A_242 = arith.constant 0 : i32
        %dma_wait3A_243 = arith.constant 0 : i32
        %dma_wait3A_244 = tpu.memref_slice %arg11[%dma_wait3A_241, %dma_wait3A_242, %dma_wait3A_243] : memref<8x40x128xf32, #tpu.memory_space<vmem>> -> memref<1x40x128xf32, #tpu.memory_space<vmem>>
        %dma_wait3A_245 = tpu.memref_squeeze %dma_wait3A_244 : memref<1x40x128xf32, #tpu.memory_space<vmem>> -> memref<40x128xf32, #tpu.memory_space<vmem>>
        %dma_wait3A_246 = arith.constant 0 : i32
        %dma_wait3A_247 = tpu.memref_slice %arg8[%dma_wait3A, %dma_wait3A_246] : memref<16x40xi32, #tpu.memory_space<vmem>> -> memref<1x40xi32, #tpu.memory_space<vmem>>
        %dma_wait3A_248 = tpu.memref_squeeze %dma_wait3A_247 : memref<1x40xi32, #tpu.memory_space<vmem>> -> memref<40xi32, #tpu.memory_space<vmem>>
        %dma_wait3A_249 = arith.constant 0 : i32
        %dma_wait3A_250 = arith.constant 0 : i32
        %dma_wait3A_251 = tpu.memref_slice %arg5[%dma_wait3A_249, %dma_wait3A_250] : memref<10240x128xf32, #tpu.memory_space<hbm>> -> memref<10240x128xf32, #tpu.memory_space<hbm>>
        tpu.wait_indirect_dma semaphore(%arg20 : memref<!tpu.dma_semaphore, #tpu.memory_space<semaphore_mem>>) src(%dma_wait3A_251 : memref<10240x128xf32, #tpu.memory_space<hbm>>) dst(%dma_wait3A_245 : memref<40x128xf32, #tpu.memory_space<vmem>>)
        %run_scoped3A = arith.constant 7 : i32
        %run_scoped3A_252 = arith.constant 15 : i32
        "tpu.region"() ({
          %run_scoped3A_253 = tpu.sem_alloc : memref<!tpu.dma_semaphore, #tpu.memory_space<semaphore_mem>>
          %dma_start3A = arith.constant 0 : i32
          %dma_start3A_254 = arith.constant 0 : i32
          %dma_start3A_255 = tpu.memref_slice %arg11[%run_scoped3A, %dma_start3A, %dma_start3A_254] : memref<8x40x128xf32, #tpu.memory_space<vmem>> -> memref<1x40x128xf32, #tpu.memory_space<vmem>>
          %dma_start3A_256 = tpu.memref_squeeze %dma_start3A_255 : memref<1x40x128xf32, #tpu.memory_space<vmem>> -> memref<40x128xf32, #tpu.memory_space<vmem>>
          %dma_start3A_257 = arith.constant 0 : i32
          %dma_start3A_258 = tpu.memref_slice %arg9[%run_scoped3A_252, %dma_start3A_257] : memref<16x40xi32, #tpu.memory_space<vmem>> -> memref<1x40xi32, #tpu.memory_space<vmem>>
          %dma_start3A_259 = tpu.memref_squeeze %dma_start3A_258 : memref<1x40xi32, #tpu.memory_space<vmem>> -> memref<40xi32, #tpu.memory_space<vmem>>
          %dma_start3A_260 = arith.constant 0 : i32
          %dma_start3A_261 = arith.constant 0 : i32
          %dma_start3A_262 = tpu.memref_slice %arg12[%dma_start3A_260, %dma_start3A_261] : memref<10240x128xf32, #tpu.memory_space<vmem_shared>> -> memref<10240x128xf32, #tpu.memory_space<vmem_shared>>
          tpu.enqueue_indirect_dma source(%dma_start3A_256 : memref<40x128xf32, #tpu.memory_space<vmem>>) target(%dma_start3A_262 : memref<10240x128xf32, #tpu.memory_space<vmem_shared>>) offsets(%dma_start3A_259 : memref<40xi32, #tpu.memory_space<vmem>>) semaphore(%run_scoped3A_253 : memref<!tpu.dma_semaphore, #tpu.memory_space<semaphore_mem>>) {add = true}
          %dma_wait3A_263 = arith.constant 0 : i32
          %dma_wait3A_264 = arith.constant 0 : i32
          %dma_wait3A_265 = tpu.memref_slice %arg11[%run_scoped3A, %dma_wait3A_263, %dma_wait3A_264] : memref<8x40x128xf32, #tpu.memory_space<vmem>> -> memref<1x40x128xf32, #tpu.memory_space<vmem>>
          %dma_wait3A_266 = tpu.memref_squeeze %dma_wait3A_265 : memref<1x40x128xf32, #tpu.memory_space<vmem>> -> memref<40x128xf32, #tpu.memory_space<vmem>>
          %dma_wait3A_267 = arith.constant 0 : i32
          %dma_wait3A_268 = tpu.memref_slice %arg9[%run_scoped3A_252, %dma_wait3A_267] : memref<16x40xi32, #tpu.memory_space<vmem>> -> memref<1x40xi32, #tpu.memory_space<vmem>>
          %dma_wait3A_269 = tpu.memref_squeeze %dma_wait3A_268 : memref<1x40xi32, #tpu.memory_space<vmem>> -> memref<40xi32, #tpu.memory_space<vmem>>
          %dma_wait3A_270 = arith.constant 0 : i32
          %dma_wait3A_271 = arith.constant 0 : i32
          %dma_wait3A_272 = tpu.memref_slice %arg12[%dma_wait3A_270, %dma_wait3A_271] : memref<10240x128xf32, #tpu.memory_space<vmem_shared>> -> memref<10240x128xf32, #tpu.memory_space<vmem_shared>>
          tpu.wait_indirect_dma semaphore(%run_scoped3A_253 : memref<!tpu.dma_semaphore, #tpu.memory_space<semaphore_mem>>) src(%dma_wait3A_266 : memref<40x128xf32, #tpu.memory_space<vmem>>) dst(%dma_wait3A_272 : memref<10240x128xf32, #tpu.memory_space<vmem_shared>>)
          tpu.yield
        }) : () -> ()
      } else {
      }
      %while3A_240 = arith.constant 0 : i32
      scf.yield %while3A_240 : i32
    }
    %barrier3A_42 = arith.constant 0 : index
    tpu.barrier barrier_id(%barrier3A_42)
    %mul3A_43 = arith.constant 640 : i32
    %mul3A_44 = arith.muli %arg1, %mul3A_43 : i32
    %mul3A_45 = arith.constant 640 : i32
    %mul3A_46 = arith.muli %arg1, %mul3A_45 : i32
    "tpu.region"() ({
      %run_scoped3A = tpu.sem_alloc : memref<!tpu.dma_semaphore, #tpu.memory_space<semaphore_mem>>
      %dma_start3A = arith.constant 0 : i32
      %dma_start3A_47 = tpu.memref_slice %arg7[%arg0, %mul3A_46, %dma_start3A] : memref<2x10240x128xf32, #tpu.memory_space<hbm>> -> memref<1x640x128xf32, #tpu.memory_space<hbm>>
      %dma_start3A_48 = tpu.memref_squeeze %dma_start3A_47 : memref<1x640x128xf32, #tpu.memory_space<hbm>> -> memref<640x128xf32, #tpu.memory_space<hbm>>
      %dma_start3A_49 = arith.constant 0 : i32
      %dma_start3A_50 = tpu.memref_slice %arg12[%mul3A_44, %dma_start3A_49] : memref<10240x128xf32, #tpu.memory_space<vmem_shared>> -> memref<640x128xf32, #tpu.memory_space<vmem_shared>>
      tpu.enqueue_dma source(%dma_start3A_50 : memref<640x128xf32, #tpu.memory_space<vmem_shared>>) target(%dma_start3A_48 : memref<640x128xf32, #tpu.memory_space<hbm>>) target_semaphore(%run_scoped3A : memref<!tpu.dma_semaphore, #tpu.memory_space<semaphore_mem>>)
      %dma_wait3A = arith.constant 0 : i32
      %dma_wait3A_51 = tpu.memref_slice %arg7[%arg0, %mul3A_46, %dma_wait3A] : memref<2x10240x128xf32, #tpu.memory_space<hbm>> -> memref<1x640x128xf32, #tpu.memory_space<hbm>>
      %dma_wait3A_52 = tpu.memref_squeeze %dma_wait3A_51 : memref<1x640x128xf32, #tpu.memory_space<hbm>> -> memref<640x128xf32, #tpu.memory_space<hbm>>
      %dma_wait3A_53 = arith.constant 0 : i32
      %dma_wait3A_54 = tpu.memref_slice %arg12[%mul3A_44, %dma_wait3A_53] : memref<10240x128xf32, #tpu.memory_space<vmem_shared>> -> memref<640x128xf32, #tpu.memory_space<vmem_shared>>
      tpu.wait_dma2 semaphore(%run_scoped3A : memref<!tpu.dma_semaphore, #tpu.memory_space<semaphore_mem>>) src(%dma_wait3A_54 : memref<640x128xf32, #tpu.memory_space<vmem_shared>>) dst(%dma_wait3A_52 : memref<640x128xf32, #tpu.memory_space<hbm>>)
      tpu.yield
    }) : () -> ()
    return
  }
}

#map = affine_map<(d0, d1) -> (0)>
#map1 = affine_map<(d0, d1) -> (0, 0)>
module attributes {stable_mosaic.version = 14 : i64} {
  func.func @_edge_scan_body(%arg0: i32, %arg1: i32, %arg2: memref<320000xi32, #tpu.memory_space<hbm>>, %arg3: memref<320000xi32, #tpu.memory_space<hbm>>, %arg4: memref<10000xi32, #tpu.memory_space<hbm>>, %arg5: memref<32x10240xf32, #tpu.memory_space<hbm>>, %arg6: memref<32x16xf32, #tpu.memory_space<hbm>>, %arg7: memref<32x10240xi32, #tpu.memory_space<hbm>>, %arg8: memref<32x10240xi32, #tpu.memory_space<hbm>>, %arg9: memref<32x16xi32, #tpu.memory_space<hbm>>, %arg10: memref<10000xi32, #tpu.memory_space<vmem>>, %arg11: memref<10000xi32, #tpu.memory_space<vmem>>, %arg12: memref<10000xi32, #tpu.memory_space<vmem>>, %arg13: memref<10240xi32, #tpu.memory_space<vmem>>, %arg14: memref<10240xi32, #tpu.memory_space<vmem>>, %arg15: memref<10240xf32, #tpu.memory_space<vmem>>, %arg16: memref<16xf32, #tpu.memory_space<vmem>>, %arg17: memref<16xi32, #tpu.memory_space<vmem>>) attributes {dimension_semantics = [#tpu.dimension_semantics<core_parallel>, #tpu.dimension_semantics<subcore_parallel>], iteration_bounds = array<i64: 2, 16>, scalar_prefetch = 0 : i64, scratch_operands = 8 : i64, tpu.core_type = #tpu.core_type<sc_vector_subcore>, window_params = [{transform_indices = #map}, {transform_indices = #map}, {transform_indices = #map}, {transform_indices = #map1}, {transform_indices = #map1}, {transform_indices = #map1}, {transform_indices = #map1}, {transform_indices = #map1}]} {
    %mul3A = arith.constant 16 : i32
    %mul3A_0 = arith.muli %arg0, %mul3A : i32
    %add3A = arith.addi %mul3A_0, %arg1 : i32
    %mul3A_1 = arith.constant 10000 : i32
    %mul3A_2 = arith.muli %add3A, %mul3A_1 : i32
    "tpu.region"() ({
      %run_scoped3A = tpu.sem_alloc : memref<!tpu.dma_semaphore, #tpu.memory_space<semaphore_mem>>
      tpu.enqueue_dma source(%arg4 : memref<10000xi32, #tpu.memory_space<hbm>>) target(%arg10 : memref<10000xi32, #tpu.memory_space<vmem>>) target_semaphore(%run_scoped3A : memref<!tpu.dma_semaphore, #tpu.memory_space<semaphore_mem>>)
      tpu.wait_dma2 semaphore(%run_scoped3A : memref<!tpu.dma_semaphore, #tpu.memory_space<semaphore_mem>>) src(%arg4 : memref<10000xi32, #tpu.memory_space<hbm>>) dst(%arg10 : memref<10000xi32, #tpu.memory_space<vmem>>)
      tpu.yield
    }) : () -> ()
    "tpu.region"() ({
      %run_scoped3A = tpu.sem_alloc : memref<!tpu.dma_semaphore, #tpu.memory_space<semaphore_mem>>
      %dma_start3A = tpu.memref_slice %arg2[%mul3A_2] : memref<320000xi32, #tpu.memory_space<hbm>> -> memref<10000xi32, #tpu.memory_space<hbm>>
      %dma_start3A_111 = tpu.memref_slice %arg2[%mul3A_2] : memref<320000xi32, #tpu.memory_space<hbm>> -> memref<10000xi32, #tpu.memory_space<hbm>>
      tpu.enqueue_dma source(%dma_start3A_111 : memref<10000xi32, #tpu.memory_space<hbm>>) target(%arg11 : memref<10000xi32, #tpu.memory_space<vmem>>) target_semaphore(%run_scoped3A : memref<!tpu.dma_semaphore, #tpu.memory_space<semaphore_mem>>)
      %dma_wait3A = tpu.memref_slice %arg2[%mul3A_2] : memref<320000xi32, #tpu.memory_space<hbm>> -> memref<10000xi32, #tpu.memory_space<hbm>>
      %dma_wait3A_112 = tpu.memref_slice %arg2[%mul3A_2] : memref<320000xi32, #tpu.memory_space<hbm>> -> memref<10000xi32, #tpu.memory_space<hbm>>
      tpu.wait_dma2 semaphore(%run_scoped3A : memref<!tpu.dma_semaphore, #tpu.memory_space<semaphore_mem>>) src(%dma_wait3A_112 : memref<10000xi32, #tpu.memory_space<hbm>>) dst(%arg11 : memref<10000xi32, #tpu.memory_space<vmem>>)
      tpu.yield
    }) : () -> ()
    "tpu.region"() ({
      %run_scoped3A = tpu.sem_alloc : memref<!tpu.dma_semaphore, #tpu.memory_space<semaphore_mem>>
      %dma_start3A = tpu.memref_slice %arg3[%mul3A_2] : memref<320000xi32, #tpu.memory_space<hbm>> -> memref<10000xi32, #tpu.memory_space<hbm>>
      %dma_start3A_111 = tpu.memref_slice %arg3[%mul3A_2] : memref<320000xi32, #tpu.memory_space<hbm>> -> memref<10000xi32, #tpu.memory_space<hbm>>
      tpu.enqueue_dma source(%dma_start3A_111 : memref<10000xi32, #tpu.memory_space<hbm>>) target(%arg12 : memref<10000xi32, #tpu.memory_space<vmem>>) target_semaphore(%run_scoped3A : memref<!tpu.dma_semaphore, #tpu.memory_space<semaphore_mem>>)
      %dma_wait3A = tpu.memref_slice %arg3[%mul3A_2] : memref<320000xi32, #tpu.memory_space<hbm>> -> memref<10000xi32, #tpu.memory_space<hbm>>
      %dma_wait3A_112 = tpu.memref_slice %arg3[%mul3A_2] : memref<320000xi32, #tpu.memory_space<hbm>> -> memref<10000xi32, #tpu.memory_space<hbm>>
      tpu.wait_dma2 semaphore(%run_scoped3A : memref<!tpu.dma_semaphore, #tpu.memory_space<semaphore_mem>>) src(%dma_wait3A_112 : memref<10000xi32, #tpu.memory_space<hbm>>) dst(%arg12 : memref<10000xi32, #tpu.memory_space<vmem>>)
      tpu.yield
    }) : () -> ()
    %broadcast_in_dim3A = arith.constant 0.000000e+00 : f32
    %broadcast_in_dim3A_3 = vector.broadcast %broadcast_in_dim3A : f32 to vector<16xf32>
    %scan3A = arith.constant 0 : i32
    %scan3A_4 = arith.constant 0 : i32
    %scan3A_5 = arith.constant 640 : i32
    %scan3A_6 = arith.addi %scan3A_4, %scan3A_5 : i32
    %scan3A_7 = arith.constant 1 : i32
    %scan3A_8 = scf.for %scan3A_111 = %scan3A_4 to %scan3A_6 step %scan3A_7 iter_args(%scan3A_112 = %scan3A) -> (i32)  : i32 {
      %mul3A_113 = arith.constant 16 : i32
      %mul3A_114 = arith.muli %scan3A_111, %mul3A_113 : i32
      %swap3A_115 = arith.index_cast %mul3A_114 : i32 to index
      %swap3A_116 = tpu.vector_load %arg15[%swap3A_115] {strides = array<i32>} : memref<10240xf32, #tpu.memory_space<vmem>>, vector<16xf32>,
      tpu.vector_store %arg15[%swap3A_115], %broadcast_in_dim3A_3 {strides = array<i32>} : memref<10240xf32, #tpu.memory_space<vmem>>, vector<16xf32>,
      %scan3A_117 = arith.constant 0 : i32
      scf.yield %scan3A_117 : i32
    }
    %scan3A_9 = arith.constant 640 : i32
    %swap3A = arith.constant 0 : index
    %swap3A_10 = tpu.vector_load %arg16[%swap3A] {strides = array<i32>} : memref<16xf32, #tpu.memory_space<vmem>>, vector<16xf32>,
    tpu.vector_store %arg16[%swap3A], %broadcast_in_dim3A_3 {strides = array<i32>} : memref<16xf32, #tpu.memory_space<vmem>>, vector<16xf32>,
    %broadcast_in_dim3A_11 = arith.constant 1.000000e+00 : f32
    %broadcast_in_dim3A_12 = vector.broadcast %broadcast_in_dim3A_11 : f32 to vector<16xf32>
    %scan3A_13 = arith.constant 0 : i32
    %scan3A_14 = arith.constant 0 : i32
    %scan3A_15 = arith.constant 625 : i32
    %scan3A_16 = arith.addi %scan3A_14, %scan3A_15 : i32
    %scan3A_17 = arith.constant 1 : i32
    %scan3A_18 = scf.for %scan3A_111 = %scan3A_14 to %scan3A_16 step %scan3A_17 iter_args(%scan3A_112 = %scan3A_13) -> (i32)  : i32 {
      %mul3A_113 = arith.constant 16 : i32
      %mul3A_114 = arith.muli %scan3A_111, %mul3A_113 : i32
      %get3A = arith.index_cast %mul3A_114 : i32 to index
      %get3A_115 = tpu.vector_load %arg11[%get3A] {strides = array<i32>} : memref<10000xi32, #tpu.memory_space<vmem>>, vector<16xi32>,
      %mul3A_116 = arith.constant 16 : i32
      %mul3A_117 = arith.muli %scan3A_111, %mul3A_116 : i32
      %get3A_118 = arith.index_cast %mul3A_117 : i32 to index
      %get3A_119 = tpu.vector_load %arg12[%get3A_118] {strides = array<i32>} : memref<10000xi32, #tpu.memory_space<vmem>>, vector<16xi32>,
      %gather3A = tpu.vector_load_idx %arg10[%get3A_115] : memref<10000xi32, #tpu.memory_space<vmem>>[vector<16xi32>], vector<16xi32>,
      %gather3A_120 = tpu.vector_load_idx %arg10[%get3A_119] : memref<10000xi32, #tpu.memory_space<vmem>>[vector<16xi32>], vector<16xi32>,
      %eq3A = arith.cmpi eq, %gather3A, %gather3A_120 : vector<16xi32>
      tpu.vector_store_idx %arg15[%get3A_119], %broadcast_in_dim3A_12 masked %eq3A {add = true} : memref<10240xf32, #tpu.memory_space<vmem>>[vector<16xi32>], vector<16xf32>, vector<16xi1>
      tpu.vector_store_idx %arg16[%gather3A], %broadcast_in_dim3A_12 masked %eq3A {add = true} : memref<16xf32, #tpu.memory_space<vmem>>[vector<16xi32>], vector<16xf32>, vector<16xi1>
      %swap3A_121 = arith.index_cast %scan3A_112 : i32 to index
      %swap3A_122 = tpu.vector_load %arg13[%swap3A_121] masked %eq3A {strides = array<i32>} : memref<10240xi32, #tpu.memory_space<vmem>>, vector<16xi32>, vector<16xi1>
      tpu.vector_store %arg13[%swap3A_121], %get3A_115 masked %eq3A {strides = array<i32>} : memref<10240xi32, #tpu.memory_space<vmem>>, vector<16xi32>, vector<16xi1>
      %swap3A_123 = arith.index_cast %scan3A_112 : i32 to index
      %swap3A_124 = tpu.vector_load %arg14[%swap3A_123] masked %eq3A {strides = array<i32>} : memref<10240xi32, #tpu.memory_space<vmem>>, vector<16xi32>, vector<16xi1>
      tpu.vector_store %arg14[%swap3A_123], %get3A_119 masked %eq3A {strides = array<i32>} : memref<10240xi32, #tpu.memory_space<vmem>>, vector<16xi32>, vector<16xi1>
      %convert_element_type3A = arith.extui %eq3A : vector<16xi1> to vector<16xi32>
      %reduce_sum3A = arith.constant true
      %reduce_sum3A_125 = vector.broadcast %reduce_sum3A : i1 to vector<16xi1>
      %reduce_sum3A_126 = tpu.scan <sum>, %convert_element_type3A masked %reduce_sum3A_125 : vector<16xi32>, vector<16xi1> -> vector<16xi32>
      %reduce_sum3A_127 = vector.extract %reduce_sum3A_126[15] : i32 from vector<16xi32>
      %add3A_128 = arith.addi %scan3A_112, %reduce_sum3A_127 : i32
      scf.yield %add3A_128 : i32
    }
    %scan3A_19 = arith.constant 625 : i32
    %broadcast_in_dim3A_20 = arith.constant 10000 : i32
    %broadcast_in_dim3A_21 = vector.broadcast %broadcast_in_dim3A_20 : i32 to vector<16xi32>
    %broadcast_in_dim3A_22 = arith.constant 0 : i32
    %broadcast_in_dim3A_23 = vector.broadcast %broadcast_in_dim3A_22 : i32 to vector<16xi32>
    %add3A_24 = arith.constant 0 : i32
    %add3A_25 = arith.addi %scan3A_18, %add3A_24 : i32
    %swap3A_26 = arith.index_cast %add3A_25 : i32 to index
    %swap3A_27 = tpu.vector_load %arg13[%swap3A_26] {strides = array<i32>} : memref<10240xi32, #tpu.memory_space<vmem>>, vector<16xi32>,
    tpu.vector_store %arg13[%swap3A_26], %broadcast_in_dim3A_21 {strides = array<i32>} : memref<10240xi32, #tpu.memory_space<vmem>>, vector<16xi32>,
    %add3A_28 = arith.constant 0 : i32
    %add3A_29 = arith.addi %scan3A_18, %add3A_28 : i32
    %swap3A_30 = arith.index_cast %add3A_29 : i32 to index
    %swap3A_31 = tpu.vector_load %arg14[%swap3A_30] {strides = array<i32>} : memref<10240xi32, #tpu.memory_space<vmem>>, vector<16xi32>,
    tpu.vector_store %arg14[%swap3A_30], %broadcast_in_dim3A_23 {strides = array<i32>} : memref<10240xi32, #tpu.memory_space<vmem>>, vector<16xi32>,
    %add3A_32 = arith.constant 16 : i32
    %add3A_33 = arith.addi %scan3A_18, %add3A_32 : i32
    %swap3A_34 = arith.index_cast %add3A_33 : i32 to index
    %swap3A_35 = tpu.vector_load %arg13[%swap3A_34] {strides = array<i32>} : memref<10240xi32, #tpu.memory_space<vmem>>, vector<16xi32>,
    tpu.vector_store %arg13[%swap3A_34], %broadcast_in_dim3A_21 {strides = array<i32>} : memref<10240xi32, #tpu.memory_space<vmem>>, vector<16xi32>,
    %add3A_36 = arith.constant 16 : i32
    %add3A_37 = arith.addi %scan3A_18, %add3A_36 : i32
    %swap3A_38 = arith.index_cast %add3A_37 : i32 to index
    %swap3A_39 = tpu.vector_load %arg14[%swap3A_38] {strides = array<i32>} : memref<10240xi32, #tpu.memory_space<vmem>>, vector<16xi32>,
    tpu.vector_store %arg14[%swap3A_38], %broadcast_in_dim3A_23 {strides = array<i32>} : memref<10240xi32, #tpu.memory_space<vmem>>, vector<16xi32>,
    %add3A_40 = arith.constant 32 : i32
    %add3A_41 = arith.addi %scan3A_18, %add3A_40 : i32
    %swap3A_42 = arith.index_cast %add3A_41 : i32 to index
    %swap3A_43 = tpu.vector_load %arg13[%swap3A_42] {strides = array<i32>} : memref<10240xi32, #tpu.memory_space<vmem>>, vector<16xi32>,
    tpu.vector_store %arg13[%swap3A_42], %broadcast_in_dim3A_21 {strides = array<i32>} : memref<10240xi32, #tpu.memory_space<vmem>>, vector<16xi32>,
    %add3A_44 = arith.constant 32 : i32
    %add3A_45 = arith.addi %scan3A_18, %add3A_44 : i32
    %swap3A_46 = arith.index_cast %add3A_45 : i32 to index
    %swap3A_47 = tpu.vector_load %arg14[%swap3A_46] {strides = array<i32>} : memref<10240xi32, #tpu.memory_space<vmem>>, vector<16xi32>,
    tpu.vector_store %arg14[%swap3A_46], %broadcast_in_dim3A_23 {strides = array<i32>} : memref<10240xi32, #tpu.memory_space<vmem>>, vector<16xi32>,
    %add3A_48 = arith.constant 48 : i32
    %add3A_49 = arith.addi %scan3A_18, %add3A_48 : i32
    %swap3A_50 = arith.index_cast %add3A_49 : i32 to index
    %swap3A_51 = tpu.vector_load %arg13[%swap3A_50] {strides = array<i32>} : memref<10240xi32, #tpu.memory_space<vmem>>, vector<16xi32>,
    tpu.vector_store %arg13[%swap3A_50], %broadcast_in_dim3A_21 {strides = array<i32>} : memref<10240xi32, #tpu.memory_space<vmem>>, vector<16xi32>,
    %add3A_52 = arith.constant 48 : i32
    %add3A_53 = arith.addi %scan3A_18, %add3A_52 : i32
    %swap3A_54 = arith.index_cast %add3A_53 : i32 to index
    %swap3A_55 = tpu.vector_load %arg14[%swap3A_54] {strides = array<i32>} : memref<10240xi32, #tpu.memory_space<vmem>>, vector<16xi32>,
    tpu.vector_store %arg14[%swap3A_54], %broadcast_in_dim3A_23 {strides = array<i32>} : memref<10240xi32, #tpu.memory_space<vmem>>, vector<16xi32>,
    %add3A_56 = arith.constant 64 : i32
    %add3A_57 = arith.addi %scan3A_18, %add3A_56 : i32
    %swap3A_58 = arith.index_cast %add3A_57 : i32 to index
    %swap3A_59 = tpu.vector_load %arg13[%swap3A_58] {strides = array<i32>} : memref<10240xi32, #tpu.memory_space<vmem>>, vector<16xi32>,
    tpu.vector_store %arg13[%swap3A_58], %broadcast_in_dim3A_21 {strides = array<i32>} : memref<10240xi32, #tpu.memory_space<vmem>>, vector<16xi32>,
    %add3A_60 = arith.constant 64 : i32
    %add3A_61 = arith.addi %scan3A_18, %add3A_60 : i32
    %swap3A_62 = arith.index_cast %add3A_61 : i32 to index
    %swap3A_63 = tpu.vector_load %arg14[%swap3A_62] {strides = array<i32>} : memref<10240xi32, #tpu.memory_space<vmem>>, vector<16xi32>,
    tpu.vector_store %arg14[%swap3A_62], %broadcast_in_dim3A_23 {strides = array<i32>} : memref<10240xi32, #tpu.memory_space<vmem>>, vector<16xi32>,
    %add3A_64 = arith.constant 80 : i32
    %add3A_65 = arith.addi %scan3A_18, %add3A_64 : i32
    %swap3A_66 = arith.index_cast %add3A_65 : i32 to index
    %swap3A_67 = tpu.vector_load %arg13[%swap3A_66] {strides = array<i32>} : memref<10240xi32, #tpu.memory_space<vmem>>, vector<16xi32>,
    tpu.vector_store %arg13[%swap3A_66], %broadcast_in_dim3A_21 {strides = array<i32>} : memref<10240xi32, #tpu.memory_space<vmem>>, vector<16xi32>,
    %add3A_68 = arith.constant 80 : i32
    %add3A_69 = arith.addi %scan3A_18, %add3A_68 : i32
    %swap3A_70 = arith.index_cast %add3A_69 : i32 to index
    %swap3A_71 = tpu.vector_load %arg14[%swap3A_70] {strides = array<i32>} : memref<10240xi32, #tpu.memory_space<vmem>>, vector<16xi32>,
    tpu.vector_store %arg14[%swap3A_70], %broadcast_in_dim3A_23 {strides = array<i32>} : memref<10240xi32, #tpu.memory_space<vmem>>, vector<16xi32>,
    %add3A_72 = arith.constant 96 : i32
    %add3A_73 = arith.addi %scan3A_18, %add3A_72 : i32
    %swap3A_74 = arith.index_cast %add3A_73 : i32 to index
    %swap3A_75 = tpu.vector_load %arg13[%swap3A_74] {strides = array<i32>} : memref<10240xi32, #tpu.memory_space<vmem>>, vector<16xi32>,
    tpu.vector_store %arg13[%swap3A_74], %broadcast_in_dim3A_21 {strides = array<i32>} : memref<10240xi32, #tpu.memory_space<vmem>>, vector<16xi32>,
    %add3A_76 = arith.constant 96 : i32
    %add3A_77 = arith.addi %scan3A_18, %add3A_76 : i32
    %swap3A_78 = arith.index_cast %add3A_77 : i32 to index
    %swap3A_79 = tpu.vector_load %arg14[%swap3A_78] {strides = array<i32>} : memref<10240xi32, #tpu.memory_space<vmem>>, vector<16xi32>,
    tpu.vector_store %arg14[%swap3A_78], %broadcast_in_dim3A_23 {strides = array<i32>} : memref<10240xi32, #tpu.memory_space<vmem>>, vector<16xi32>,
    %add3A_80 = arith.constant 112 : i32
    %add3A_81 = arith.addi %scan3A_18, %add3A_80 : i32
    %swap3A_82 = arith.index_cast %add3A_81 : i32 to index
    %swap3A_83 = tpu.vector_load %arg13[%swap3A_82] {strides = array<i32>} : memref<10240xi32, #tpu.memory_space<vmem>>, vector<16xi32>,
    tpu.vector_store %arg13[%swap3A_82], %broadcast_in_dim3A_21 {strides = array<i32>} : memref<10240xi32, #tpu.memory_space<vmem>>, vector<16xi32>,
    %add3A_84 = arith.constant 112 : i32
    %add3A_85 = arith.addi %scan3A_18, %add3A_84 : i32
    %swap3A_86 = arith.index_cast %add3A_85 : i32 to index
    %swap3A_87 = tpu.vector_load %arg14[%swap3A_86] {strides = array<i32>} : memref<10240xi32, #tpu.memory_space<vmem>>, vector<16xi32>,
    tpu.vector_store %arg14[%swap3A_86], %broadcast_in_dim3A_23 {strides = array<i32>} : memref<10240xi32, #tpu.memory_space<vmem>>, vector<16xi32>,
    %add3A_88 = arith.constant 40 : i32
    %add3A_89 = arith.addi %scan3A_18, %add3A_88 : i32
    %sub3A = arith.constant 1 : i32
    %sub3A_90 = arith.subi %add3A_89, %sub3A : i32
    %jit3A = arith.constant 40 : i32
    %div3A = arith.divsi %sub3A_90, %jit3A : i32
    %sign3A = arith.constant 0 : i32
    %sign3A_91 = arith.cmpi sgt, %sub3A_90, %sign3A : i32
    %sign3A_92 = arith.extui %sign3A_91 : i1 to i32
    %sign3A_93 = arith.constant 0 : i32
    %sign3A_94 = arith.cmpi slt, %sub3A_90, %sign3A_93 : i32
    %sign3A_95 = arith.extui %sign3A_94 : i1 to i32
    %sign3A_96 = arith.subi %sign3A_92, %sign3A_95 : i32
    %sign3A_97 = arith.constant 0 : i32
    %sign3A_98 = arith.cmpi sgt, %jit3A, %sign3A_97 : i32
    %sign3A_99 = arith.extui %sign3A_98 : i1 to i32
    %sign3A_100 = arith.constant 0 : i32
    %sign3A_101 = arith.cmpi slt, %jit3A, %sign3A_100 : i32
    %sign3A_102 = arith.extui %sign3A_101 : i1 to i32
    %sign3A_103 = arith.subi %sign3A_99, %sign3A_102 : i32
    %ne3A = arith.cmpi ne, %sign3A_96, %sign3A_103 : i32
    %rem3A = arith.remsi %sub3A_90, %jit3A : i32
    %ne3A_104 = arith.constant 0 : i32
    %ne3A_105 = arith.cmpi ne, %rem3A, %ne3A_104 : i32
    %and3A = arith.andi %ne3A, %ne3A_105 : i1
    %sub3A_106 = arith.constant 1 : i32
    %sub3A_107 = arith.subi %div3A, %sub3A_106 : i32
    %select_n3A = arith.select %and3A, %sub3A_107, %div3A : i32
    %broadcast_in_dim3A_108 = vector.broadcast %select_n3A : i32 to vector<16xi32>
    %swap3A_109 = arith.constant 0 : index
    %swap3A_110 = tpu.vector_load %arg17[%swap3A_109] {strides = array<i32>} : memref<16xi32, #tpu.memory_space<vmem>>, vector<16xi32>,
    tpu.vector_store %arg17[%swap3A_109], %broadcast_in_dim3A_108 {strides = array<i32>} : memref<16xi32, #tpu.memory_space<vmem>>, vector<16xi32>,
    "tpu.region"() ({
      %run_scoped3A = tpu.sem_alloc : memref<!tpu.dma_semaphore, #tpu.memory_space<semaphore_mem>>
      %dma_start3A = arith.constant 0 : i32
      %dma_start3A_111 = tpu.memref_slice %arg5[%add3A, %dma_start3A] : memref<32x10240xf32, #tpu.memory_space<hbm>> -> memref<1x10240xf32, #tpu.memory_space<hbm>>
      %dma_start3A_112 = tpu.memref_squeeze %dma_start3A_111 : memref<1x10240xf32, #tpu.memory_space<hbm>> -> memref<10240xf32, #tpu.memory_space<hbm>>
      %dma_start3A_113 = arith.constant 0 : i32
      %dma_start3A_114 = tpu.memref_slice %arg5[%add3A, %dma_start3A_113] : memref<32x10240xf32, #tpu.memory_space<hbm>> -> memref<1x10240xf32, #tpu.memory_space<hbm>>
      %dma_start3A_115 = tpu.memref_squeeze %dma_start3A_114 : memref<1x10240xf32, #tpu.memory_space<hbm>> -> memref<10240xf32, #tpu.memory_space<hbm>>
      tpu.enqueue_dma source(%arg15 : memref<10240xf32, #tpu.memory_space<vmem>>) target(%dma_start3A_115 : memref<10240xf32, #tpu.memory_space<hbm>>) target_semaphore(%run_scoped3A : memref<!tpu.dma_semaphore, #tpu.memory_space<semaphore_mem>>)
      %dma_wait3A = arith.constant 0 : i32
      %dma_wait3A_116 = tpu.memref_slice %arg5[%add3A, %dma_wait3A] : memref<32x10240xf32, #tpu.memory_space<hbm>> -> memref<1x10240xf32, #tpu.memory_space<hbm>>
      %dma_wait3A_117 = tpu.memref_squeeze %dma_wait3A_116 : memref<1x10240xf32, #tpu.memory_space<hbm>> -> memref<10240xf32, #tpu.memory_space<hbm>>
      %dma_wait3A_118 = arith.constant 0 : i32
      %dma_wait3A_119 = tpu.memref_slice %arg5[%add3A, %dma_wait3A_118] : memref<32x10240xf32, #tpu.memory_space<hbm>> -> memref<1x10240xf32, #tpu.memory_space<hbm>>
      %dma_wait3A_120 = tpu.memref_squeeze %dma_wait3A_119 : memref<1x10240xf32, #tpu.memory_space<hbm>> -> memref<10240xf32, #tpu.memory_space<hbm>>
      tpu.wait_dma2 semaphore(%run_scoped3A : memref<!tpu.dma_semaphore, #tpu.memory_space<semaphore_mem>>) src(%arg15 : memref<10240xf32, #tpu.memory_space<vmem>>) dst(%dma_wait3A_120 : memref<10240xf32, #tpu.memory_space<hbm>>)
      tpu.yield
    }) : () -> ()
    "tpu.region"() ({
      %run_scoped3A = tpu.sem_alloc : memref<!tpu.dma_semaphore, #tpu.memory_space<semaphore_mem>>
      %dma_start3A = arith.constant 0 : i32
      %dma_start3A_111 = tpu.memref_slice %arg6[%add3A, %dma_start3A] : memref<32x16xf32, #tpu.memory_space<hbm>> -> memref<1x16xf32, #tpu.memory_space<hbm>>
      %dma_start3A_112 = tpu.memref_squeeze %dma_start3A_111 : memref<1x16xf32, #tpu.memory_space<hbm>> -> memref<16xf32, #tpu.memory_space<hbm>>
      %dma_start3A_113 = arith.constant 0 : i32
      %dma_start3A_114 = tpu.memref_slice %arg6[%add3A, %dma_start3A_113] : memref<32x16xf32, #tpu.memory_space<hbm>> -> memref<1x16xf32, #tpu.memory_space<hbm>>
      %dma_start3A_115 = tpu.memref_squeeze %dma_start3A_114 : memref<1x16xf32, #tpu.memory_space<hbm>> -> memref<16xf32, #tpu.memory_space<hbm>>
      tpu.enqueue_dma source(%arg16 : memref<16xf32, #tpu.memory_space<vmem>>) target(%dma_start3A_115 : memref<16xf32, #tpu.memory_space<hbm>>) target_semaphore(%run_scoped3A : memref<!tpu.dma_semaphore, #tpu.memory_space<semaphore_mem>>)
      %dma_wait3A = arith.constant 0 : i32
      %dma_wait3A_116 = tpu.memref_slice %arg6[%add3A, %dma_wait3A] : memref<32x16xf32, #tpu.memory_space<hbm>> -> memref<1x16xf32, #tpu.memory_space<hbm>>
      %dma_wait3A_117 = tpu.memref_squeeze %dma_wait3A_116 : memref<1x16xf32, #tpu.memory_space<hbm>> -> memref<16xf32, #tpu.memory_space<hbm>>
      %dma_wait3A_118 = arith.constant 0 : i32
      %dma_wait3A_119 = tpu.memref_slice %arg6[%add3A, %dma_wait3A_118] : memref<32x16xf32, #tpu.memory_space<hbm>> -> memref<1x16xf32, #tpu.memory_space<hbm>>
      %dma_wait3A_120 = tpu.memref_squeeze %dma_wait3A_119 : memref<1x16xf32, #tpu.memory_space<hbm>> -> memref<16xf32, #tpu.memory_space<hbm>>
      tpu.wait_dma2 semaphore(%run_scoped3A : memref<!tpu.dma_semaphore, #tpu.memory_space<semaphore_mem>>) src(%arg16 : memref<16xf32, #tpu.memory_space<vmem>>) dst(%dma_wait3A_120 : memref<16xf32, #tpu.memory_space<hbm>>)
      tpu.yield
    }) : () -> ()
    "tpu.region"() ({
      %run_scoped3A = tpu.sem_alloc : memref<!tpu.dma_semaphore, #tpu.memory_space<semaphore_mem>>
      %dma_start3A = arith.constant 0 : i32
      %dma_start3A_111 = tpu.memref_slice %arg7[%add3A, %dma_start3A] : memref<32x10240xi32, #tpu.memory_space<hbm>> -> memref<1x10240xi32, #tpu.memory_space<hbm>>
      %dma_start3A_112 = tpu.memref_squeeze %dma_start3A_111 : memref<1x10240xi32, #tpu.memory_space<hbm>> -> memref<10240xi32, #tpu.memory_space<hbm>>
      %dma_start3A_113 = arith.constant 0 : i32
      %dma_start3A_114 = tpu.memref_slice %arg7[%add3A, %dma_start3A_113] : memref<32x10240xi32, #tpu.memory_space<hbm>> -> memref<1x10240xi32, #tpu.memory_space<hbm>>
      %dma_start3A_115 = tpu.memref_squeeze %dma_start3A_114 : memref<1x10240xi32, #tpu.memory_space<hbm>> -> memref<10240xi32, #tpu.memory_space<hbm>>
      tpu.enqueue_dma source(%arg13 : memref<10240xi32, #tpu.memory_space<vmem>>) target(%dma_start3A_115 : memref<10240xi32, #tpu.memory_space<hbm>>) target_semaphore(%run_scoped3A : memref<!tpu.dma_semaphore, #tpu.memory_space<semaphore_mem>>)
      %dma_wait3A = arith.constant 0 : i32
      %dma_wait3A_116 = tpu.memref_slice %arg7[%add3A, %dma_wait3A] : memref<32x10240xi32, #tpu.memory_space<hbm>> -> memref<1x10240xi32, #tpu.memory_space<hbm>>
      %dma_wait3A_117 = tpu.memref_squeeze %dma_wait3A_116 : memref<1x10240xi32, #tpu.memory_space<hbm>> -> memref<10240xi32, #tpu.memory_space<hbm>>
      %dma_wait3A_118 = arith.constant 0 : i32
      %dma_wait3A_119 = tpu.memref_slice %arg7[%add3A, %dma_wait3A_118] : memref<32x10240xi32, #tpu.memory_space<hbm>> -> memref<1x10240xi32, #tpu.memory_space<hbm>>
      %dma_wait3A_120 = tpu.memref_squeeze %dma_wait3A_119 : memref<1x10240xi32, #tpu.memory_space<hbm>> -> memref<10240xi32, #tpu.memory_space<hbm>>
      tpu.wait_dma2 semaphore(%run_scoped3A : memref<!tpu.dma_semaphore, #tpu.memory_space<semaphore_mem>>) src(%arg13 : memref<10240xi32, #tpu.memory_space<vmem>>) dst(%dma_wait3A_120 : memref<10240xi32, #tpu.memory_space<hbm>>)
      tpu.yield
    }) : () -> ()
    "tpu.region"() ({
      %run_scoped3A = tpu.sem_alloc : memref<!tpu.dma_semaphore, #tpu.memory_space<semaphore_mem>>
      %dma_start3A = arith.constant 0 : i32
      %dma_start3A_111 = tpu.memref_slice %arg8[%add3A, %dma_start3A] : memref<32x10240xi32, #tpu.memory_space<hbm>> -> memref<1x10240xi32, #tpu.memory_space<hbm>>
      %dma_start3A_112 = tpu.memref_squeeze %dma_start3A_111 : memref<1x10240xi32, #tpu.memory_space<hbm>> -> memref<10240xi32, #tpu.memory_space<hbm>>
      %dma_start3A_113 = arith.constant 0 : i32
      %dma_start3A_114 = tpu.memref_slice %arg8[%add3A, %dma_start3A_113] : memref<32x10240xi32, #tpu.memory_space<hbm>> -> memref<1x10240xi32, #tpu.memory_space<hbm>>
      %dma_start3A_115 = tpu.memref_squeeze %dma_start3A_114 : memref<1x10240xi32, #tpu.memory_space<hbm>> -> memref<10240xi32, #tpu.memory_space<hbm>>
      tpu.enqueue_dma source(%arg14 : memref<10240xi32, #tpu.memory_space<vmem>>) target(%dma_start3A_115 : memref<10240xi32, #tpu.memory_space<hbm>>) target_semaphore(%run_scoped3A : memref<!tpu.dma_semaphore, #tpu.memory_space<semaphore_mem>>)
      %dma_wait3A = arith.constant 0 : i32
      %dma_wait3A_116 = tpu.memref_slice %arg8[%add3A, %dma_wait3A] : memref<32x10240xi32, #tpu.memory_space<hbm>> -> memref<1x10240xi32, #tpu.memory_space<hbm>>
      %dma_wait3A_117 = tpu.memref_squeeze %dma_wait3A_116 : memref<1x10240xi32, #tpu.memory_space<hbm>> -> memref<10240xi32, #tpu.memory_space<hbm>>
      %dma_wait3A_118 = arith.constant 0 : i32
      %dma_wait3A_119 = tpu.memref_slice %arg8[%add3A, %dma_wait3A_118] : memref<32x10240xi32, #tpu.memory_space<hbm>> -> memref<1x10240xi32, #tpu.memory_space<hbm>>
      %dma_wait3A_120 = tpu.memref_squeeze %dma_wait3A_119 : memref<1x10240xi32, #tpu.memory_space<hbm>> -> memref<10240xi32, #tpu.memory_space<hbm>>
      tpu.wait_dma2 semaphore(%run_scoped3A : memref<!tpu.dma_semaphore, #tpu.memory_space<semaphore_mem>>) src(%arg14 : memref<10240xi32, #tpu.memory_space<vmem>>) dst(%dma_wait3A_120 : memref<10240xi32, #tpu.memory_space<hbm>>)
      tpu.yield
    }) : () -> ()
    "tpu.region"() ({
      %run_scoped3A = tpu.sem_alloc : memref<!tpu.dma_semaphore, #tpu.memory_space<semaphore_mem>>
      %dma_start3A = arith.constant 0 : i32
      %dma_start3A_111 = tpu.memref_slice %arg9[%add3A, %dma_start3A] : memref<32x16xi32, #tpu.memory_space<hbm>> -> memref<1x16xi32, #tpu.memory_space<hbm>>
      %dma_start3A_112 = tpu.memref_squeeze %dma_start3A_111 : memref<1x16xi32, #tpu.memory_space<hbm>> -> memref<16xi32, #tpu.memory_space<hbm>>
      %dma_start3A_113 = arith.constant 0 : i32
      %dma_start3A_114 = tpu.memref_slice %arg9[%add3A, %dma_start3A_113] : memref<32x16xi32, #tpu.memory_space<hbm>> -> memref<1x16xi32, #tpu.memory_space<hbm>>
      %dma_start3A_115 = tpu.memref_squeeze %dma_start3A_114 : memref<1x16xi32, #tpu.memory_space<hbm>> -> memref<16xi32, #tpu.memory_space<hbm>>
      tpu.enqueue_dma source(%arg17 : memref<16xi32, #tpu.memory_space<vmem>>) target(%dma_start3A_115 : memref<16xi32, #tpu.memory_space<hbm>>) target_semaphore(%run_scoped3A : memref<!tpu.dma_semaphore, #tpu.memory_space<semaphore_mem>>)
      %dma_wait3A = arith.constant 0 : i32
      %dma_wait3A_116 = tpu.memref_slice %arg9[%add3A, %dma_wait3A] : memref<32x16xi32, #tpu.memory_space<hbm>> -> memref<1x16xi32, #tpu.memory_space<hbm>>
      %dma_wait3A_117 = tpu.memref_squeeze %dma_wait3A_116 : memref<1x16xi32, #tpu.memory_space<hbm>> -> memref<16xi32, #tpu.memory_space<hbm>>
      %dma_wait3A_118 = arith.constant 0 : i32
      %dma_wait3A_119 = tpu.memref_slice %arg9[%add3A, %dma_wait3A_118] : memref<32x16xi32, #tpu.memory_space<hbm>> -> memref<1x16xi32, #tpu.memory_space<hbm>>
      %dma_wait3A_120 = tpu.memref_squeeze %dma_wait3A_119 : memref<1x16xi32, #tpu.memory_space<hbm>> -> memref<16xi32, #tpu.memory_space<hbm>>
      tpu.wait_dma2 semaphore(%run_scoped3A : memref<!tpu.dma_semaphore, #tpu.memory_space<semaphore_mem>>) src(%arg17 : memref<16xi32, #tpu.memory_space<vmem>>) dst(%dma_wait3A_120 : memref<16xi32, #tpu.memory_space<hbm>>)
      tpu.yield
    }) : () -> ()
    return
  }
}

module attributes {stable_mosaic.version = 14 : i64} {
  func.func @_mm_body(%arg0: i32, %arg1: memref<512x128xf32, #tpu.memory_space<vmem>>, %arg2: memref<128x128xf32, #tpu.memory_space<vmem>>, %arg3: memref<512x32xf32, #tpu.memory_space<vmem>>, %arg4: memref<512x128xf32, #tpu.memory_space<vmem>>, %arg5: memref<512x1xf32, #tpu.memory_space<vmem>>) attributes {dimension_semantics = [#tpu.dimension_semantics<arbitrary>], iteration_bounds = array<i64: 20>, scalar_prefetch = 0 : i64, scratch_operands = 0 : i64, tpu.core_type = #tpu.core_type<tc>, window_params = [{transform_indices = @transform_0, window_bounds = array<i64: 512, 128>}, {pipeline_mode = #tpu.pipeline_mode<synchronous>, transform_indices = @transform_1, window_bounds = array<i64: 128, 128>}, {transform_indices = @transform_2, window_bounds = array<i64: 512, 32>}, {transform_indices = @transform_3, window_bounds = array<i64: 512, 128>}, {transform_indices = @transform_4, window_bounds = array<i64: 512, 1>}]} {
    %get3A = arith.constant 0 : index
    %get3A_0 = arith.constant 0 : index
    %get3A_1 = vector.load %arg3[%get3A, %get3A_0] : memref<512x32xf32, #tpu.memory_space<vmem>>, vector<512x32xf32>
    %reduce_sum3A = arith.constant dense<0.000000e+00> : vector<512xf32>
    %reduce_sum3A_2 = vector.multi_reduction <add>, %get3A_1, %reduce_sum3A [1] : vector<512x32xf32> to vector<512xf32>
    %broadcast_in_dim3A = vector.shape_cast %reduce_sum3A_2 : vector<512xf32> to vector<512x1xf32>
    %add3A = arith.constant 1.000000e+00 : f32
    %add3A_3 = vector.broadcast %add3A : f32 to vector<512x1xf32>
    %add3A_4 = arith.addf %broadcast_in_dim3A, %add3A_3 : vector<512x1xf32>
    %rsqrt3A = math.rsqrt %add3A_4 : vector<512x1xf32>
    %mul3A = arith.constant 512 : i32
    %mul3A_5 = arith.muli %arg0, %mul3A : i32
    %iota3A = tpu.iota {dimensions = array<i32: 0>} : vector<512x1xi32>
    %add3A_6 = vector.broadcast %mul3A_5 : i32 to vector<512x1xi32>
    %add3A_7 = arith.addi %add3A_6, %iota3A : vector<512x1xi32>
    %lt3A = arith.constant 10000 : i32
    %lt3A_8 = vector.broadcast %lt3A : i32 to vector<512x1xi32>
    %lt3A_9 = arith.cmpi slt, %add3A_7, %lt3A_8 : vector<512x1xi32>
    %get3A_10 = arith.constant 0 : index
    %get3A_11 = arith.constant 0 : index
    %get3A_12 = vector.load %arg1[%get3A_10, %get3A_11] : memref<512x128xf32, #tpu.memory_space<vmem>>, vector<512x128xf32>
    %jit3A = arith.constant 0.000000e+00 : f32
    %broadcast_in_dim3A_13 = vector.shape_cast %lt3A_9 : vector<512x1xi1> to vector<512x1xi1>
    %broadcast_in_dim3A_14 = vector.broadcast %broadcast_in_dim3A_13 : vector<512x1xi1> to vector<512x128xi1>
    %broadcast_in_dim3A_15 = vector.broadcast %jit3A : f32 to vector<512x128xf32>
    %select_n3A = arith.select %broadcast_in_dim3A_14, %get3A_12, %broadcast_in_dim3A_15 : vector<512x128xi1>, vector<512x128xf32>
    %get3A_16 = arith.constant 0 : index
    %get3A_17 = arith.constant 0 : index
    %get3A_18 = vector.load %arg2[%get3A_16, %get3A_17] : memref<128x128xf32, #tpu.memory_space<vmem>>, vector<128x128xf32>
    %dot_general3A = arith.constant dense<0.000000e+00> : vector<512x128xf32>
    %dot_general3A_19 = tpu.matmul %select_n3A, %get3A_18, %dot_general3A {dimension_numbers = #tpu.dot_dimension_numbers<[1], [0], [0], [1], [0, 0, 1, 1], [], []>, transpose_lhs_hint = false} : vector<512x128xf32>, vector<128x128xf32>, vector<512x128xf32> -> vector<512x128xf32>
    %mul3A_20 = vector.broadcast %rsqrt3A : vector<512x1xf32> to vector<512x128xf32>
    %mul3A_21 = arith.mulf %dot_general3A_19, %mul3A_20 : vector<512x128xf32>
    %swap3A = arith.constant 0 : index
    %swap3A_22 = arith.constant 0 : index
    %swap3A_23 = vector.load %arg4[%swap3A, %swap3A_22] : memref<512x128xf32, #tpu.memory_space<vmem>>, vector<512x128xf32>
    tpu.vector_store %arg4[%swap3A, %swap3A_22], %mul3A_21 {strides = array<i32>} : memref<512x128xf32, #tpu.memory_space<vmem>>, vector<512x128xf32>,
    %swap3A_24 = arith.constant 0 : index
    %swap3A_25 = arith.constant 0 : index
    %swap3A_26 = vector.load %arg5[%swap3A_24, %swap3A_25] : memref<512x1xf32, #tpu.memory_space<vmem>>, vector<512x1xf32>
    tpu.vector_store %arg5[%swap3A_24, %swap3A_25], %rsqrt3A {strides = array<i32>} : memref<512x1xf32, #tpu.memory_space<vmem>>, vector<512x1xf32>,
    return
  }
  func.func @transform_0(%arg0: i32) -> (i32, i32) {
    %c0_i32 = arith.constant 0 : i32
    %c0_i32_0 = arith.constant 0 : i32
    return %arg0, %c0_i32 : i32, i32
  }
  func.func @transform_1(%arg0: i32) -> (i32, i32) {
    %c0_i32 = arith.constant 0 : i32
    %c0_i32_0 = arith.constant 0 : i32
    %c0_i32_1 = arith.constant 0 : i32
    return %c0_i32, %c0_i32_0 : i32, i32
  }
  func.func @transform_2(%arg0: i32) -> (i32, i32) {
    %c0_i32 = arith.constant 0 : i32
    %c0_i32_0 = arith.constant 0 : i32
    return %arg0, %c0_i32 : i32, i32
  }
  func.func @transform_3(%arg0: i32) -> (i32, i32) {
    %c0_i32 = arith.constant 0 : i32
    %c0_i32_0 = arith.constant 0 : i32
    return %arg0, %c0_i32 : i32, i32
  }
  func.func @transform_4(%arg0: i32) -> (i32, i32) {
    %c0_i32 = arith.constant 0 : i32
    %c0_i32_0 = arith.constant 0 : i32
    return %arg0, %c0_i32 : i32, i32
  }
}

module attributes {stable_mosaic.version = 14 : i64} {
  func.func @_final_body(%arg0: i32, %arg1: memref<2x512x128xf32, #tpu.memory_space<vmem>>, %arg2: memref<512x128xf32, #tpu.memory_space<vmem>>, %arg3: memref<512x128xf32, #tpu.memory_space<vmem>>, %arg4: memref<512x1xf32, #tpu.memory_space<vmem>>, %arg5: memref<32x16xf32, #tpu.memory_space<vmem>>, %arg6: memref<512x1xi32, #tpu.memory_space<vmem>>, %arg7: memref<1x128xf32, #tpu.memory_space<vmem>>, %arg8: memref<512x128xf32, #tpu.memory_space<vmem>>) attributes {dimension_semantics = [#tpu.dimension_semantics<arbitrary>], iteration_bounds = array<i64: 20>, scalar_prefetch = 0 : i64, scratch_operands = 0 : i64, tpu.core_type = #tpu.core_type<tc>, window_params = [{transform_indices = @transform_0, window_bounds = array<i64: 2, 512, 128>}, {transform_indices = @transform_1, window_bounds = array<i64: 512, 128>}, {transform_indices = @transform_2, window_bounds = array<i64: 512, 128>}, {transform_indices = @transform_3, window_bounds = array<i64: 512, 1>}, {pipeline_mode = #tpu.pipeline_mode<synchronous>, transform_indices = @transform_4, window_bounds = array<i64: 32, 16>}, {transform_indices = @transform_5, window_bounds = array<i64: 512, 1>}, {pipeline_mode = #tpu.pipeline_mode<synchronous>, transform_indices = @transform_6, window_bounds = array<i64: 1, 128>}, {transform_indices = @transform_7, window_bounds = array<i64: 512, 128>}]} {
    %get3A = arith.constant 0 : index
    %get3A_0 = arith.constant 0 : index
    %get3A_1 = vector.load %arg4[%get3A, %get3A_0] : memref<512x1xf32, #tpu.memory_space<vmem>>, vector<512x1xf32>
    %get3A_2 = arith.constant 0 : index
    %get3A_3 = arith.constant 0 : index
    %get3A_4 = arith.constant 0 : index
    %get3A_5 = vector.load %arg1[%get3A_2, %get3A_3, %get3A_4] : memref<2x512x128xf32, #tpu.memory_space<vmem>>, vector<1x512x128xf32>
    %get3A_6 = vector.shape_cast %get3A_5 : vector<1x512x128xf32> to vector<512x128xf32>
    %get3A_7 = arith.constant 1 : index
    %get3A_8 = arith.constant 0 : index
    %get3A_9 = arith.constant 0 : index
    %get3A_10 = vector.load %arg1[%get3A_7, %get3A_8, %get3A_9] : memref<2x512x128xf32, #tpu.memory_space<vmem>>, vector<1x512x128xf32>
    %get3A_11 = vector.shape_cast %get3A_10 : vector<1x512x128xf32> to vector<512x128xf32>
    %add3A = arith.addf %get3A_6, %get3A_11 : vector<512x128xf32>
    %get3A_12 = arith.constant 0 : index
    %get3A_13 = arith.constant 0 : index
    %get3A_14 = vector.load %arg2[%get3A_12, %get3A_13] : memref<512x128xf32, #tpu.memory_space<vmem>>, vector<512x128xf32>
    %add3A_15 = arith.addf %add3A, %get3A_14 : vector<512x128xf32>
    %mul3A = vector.broadcast %get3A_1 : vector<512x1xf32> to vector<512x128xf32>
    %mul3A_16 = arith.mulf %add3A_15, %mul3A : vector<512x128xf32>
    %get3A_17 = arith.constant 0 : index
    %get3A_18 = arith.constant 0 : index
    %get3A_19 = vector.load %arg7[%get3A_17, %get3A_18] : memref<1x128xf32, #tpu.memory_space<vmem>>, vector<1x128xf32>
    %add3A_20 = vector.broadcast %get3A_19 : vector<1x128xf32> to vector<512x128xf32>
    %add3A_21 = arith.addf %mul3A_16, %add3A_20 : vector<512x128xf32>
    %get3A_22 = arith.constant 0 : index
    %get3A_23 = arith.constant 0 : index
    %get3A_24 = vector.load %arg5[%get3A_22, %get3A_23] : memref<32x16xf32, #tpu.memory_space<vmem>>, vector<32x16xf32>
    %reduce_sum3A = arith.constant dense<0.000000e+00> : vector<16xf32>
    %reduce_sum3A_25 = vector.multi_reduction <add>, %get3A_24, %reduce_sum3A [0] : vector<32x16xf32> to vector<16xf32>
    %broadcast_in_dim3A = vector.shape_cast %reduce_sum3A_25 : vector<16xf32> to vector<1x16xf32>
    %gt3A = arith.constant 0.000000e+00 : f32
    %gt3A_26 = vector.broadcast %gt3A : f32 to vector<1x16xf32>
    %gt3A_27 = arith.cmpf ogt, %broadcast_in_dim3A, %gt3A_26 : vector<1x16xf32>
    %convert_element_type3A = arith.extui %gt3A_27 : vector<1x16xi1> to vector<1x16xi32>
    %convert_element_type3A_28 = arith.sitofp %convert_element_type3A : vector<1x16xi32> to vector<1x16xf32>
    %get3A_29 = arith.constant 0 : index
    %get3A_30 = arith.constant 0 : index
    %get3A_31 = vector.load %arg6[%get3A_29, %get3A_30] : memref<512x1xi32, #tpu.memory_space<vmem>>, vector<512x1xi32>
    %iota3A = tpu.iota {dimensions = array<i32: 1>} : vector<1x16xi32>
    %eq3A = vector.broadcast %get3A_31 : vector<512x1xi32> to vector<512x16xi32>
    %eq3A_32 = vector.broadcast %iota3A : vector<1x16xi32> to vector<512x16xi32>
    %eq3A_33 = arith.cmpi eq, %eq3A, %eq3A_32 : vector<512x16xi32>
    %convert_element_type3A_34 = arith.extui %eq3A_33 : vector<512x16xi1> to vector<512x16xi32>
    %convert_element_type3A_35 = arith.sitofp %convert_element_type3A_34 : vector<512x16xi32> to vector<512x16xf32>
    %mul3A_36 = vector.broadcast %convert_element_type3A_28 : vector<1x16xf32> to vector<512x16xf32>
    %mul3A_37 = arith.mulf %convert_element_type3A_35, %mul3A_36 : vector<512x16xf32>
    %reduce_sum3A_38 = arith.constant dense<0.000000e+00> : vector<512xf32>
    %reduce_sum3A_39 = vector.multi_reduction <add>, %mul3A_37, %reduce_sum3A_38 [1] : vector<512x16xf32> to vector<512xf32>
    %broadcast_in_dim3A_40 = vector.shape_cast %reduce_sum3A_39 : vector<512xf32> to vector<512x1xf32>
    %gt3A_41 = arith.constant 0.000000e+00 : f32
    %gt3A_42 = vector.broadcast %gt3A_41 : f32 to vector<512x1xf32>
    %gt3A_43 = arith.cmpf ogt, %broadcast_in_dim3A_40, %gt3A_42 : vector<512x1xf32>
    %get3A_44 = arith.constant 0 : index
    %get3A_45 = arith.constant 0 : index
    %get3A_46 = vector.load %arg3[%get3A_44, %get3A_45] : memref<512x128xf32, #tpu.memory_space<vmem>>, vector<512x128xf32>
    %broadcast_in_dim3A_47 = vector.shape_cast %gt3A_43 : vector<512x1xi1> to vector<512x1xi1>
    %broadcast_in_dim3A_48 = vector.broadcast %broadcast_in_dim3A_47 : vector<512x1xi1> to vector<512x128xi1>
    %select_n3A = arith.select %broadcast_in_dim3A_48, %add3A_21, %get3A_46 : vector<512x128xi1>, vector<512x128xf32>
    %swap3A = arith.constant 0 : index
    %swap3A_49 = arith.constant 0 : index
    %swap3A_50 = vector.load %arg8[%swap3A, %swap3A_49] : memref<512x128xf32, #tpu.memory_space<vmem>>, vector<512x128xf32>
    tpu.vector_store %arg8[%swap3A, %swap3A_49], %select_n3A {strides = array<i32>} : memref<512x128xf32, #tpu.memory_space<vmem>>, vector<512x128xf32>,
    return
  }
  func.func @transform_0(%arg0: i32) -> (i32, i32, i32) {
    %c0_i32 = arith.constant 0 : i32
    %c0_i32_0 = arith.constant 0 : i32
    %c0_i32_1 = arith.constant 0 : i32
    return %c0_i32, %arg0, %c0_i32_0 : i32, i32, i32
  }
  func.func @transform_1(%arg0: i32) -> (i32, i32) {
    %c0_i32 = arith.constant 0 : i32
    %c0_i32_0 = arith.constant 0 : i32
    return %arg0, %c0_i32 : i32, i32
  }
  func.func @transform_2(%arg0: i32) -> (i32, i32) {
    %c0_i32 = arith.constant 0 : i32
    %c0_i32_0 = arith.constant 0 : i32
    return %arg0, %c0_i32 : i32, i32
  }
  func.func @transform_3(%arg0: i32) -> (i32, i32) {
    %c0_i32 = arith.constant 0 : i32
    %c0_i32_0 = arith.constant 0 : i32
    return %arg0, %c0_i32 : i32, i32
  }
  func.func @transform_4(%arg0: i32) -> (i32, i32) {
    %c0_i32 = arith.constant 0 : i32
    %c0_i32_0 = arith.constant 0 : i32
    %c0_i32_1 = arith.constant 0 : i32
    return %c0_i32, %c0_i32_0 : i32, i32
  }
  func.func @transform_5(%arg0: i32) -> (i32, i32) {
    %c0_i32 = arith.constant 0 : i32
    %c0_i32_0 = arith.constant 0 : i32
    return %arg0, %c0_i32 : i32, i32
  }
  func.func @transform_6(%arg0: i32) -> (i32, i32) {
    %c0_i32 = arith.constant 0 : i32
    %c0_i32_0 = arith.constant 0 : i32
    %c0_i32_1 = arith.constant 0 : i32
    return %c0_i32, %c0_i32_0 : i32, i32
  }
  func.func @transform_7(%arg0: i32) -> (i32, i32) {
    %c0_i32 = arith.constant 0 : i32
    %c0_i32_0 = arith.constant 0 : i32
    return %arg0, %c0_i32 : i32, i32
  }
}

</mosaic_0001>

<sc_bundles>
// kernel: kernel.6.cloned.1.call-start
scs
__scs_entry_jumppad:
0x0: {  	(pc) =	sbr.rel $0x88, $3  }
0x1: {  	(tag) =	ssettag $0x0;
	lr =	simm.s32 $0x1  }
0x2: {  	[smem:$0x3F9C] =	sst lr;
	_ =	strace $0xD0000000  }
0x3: {  	_ = 	snop  }
0x4: {  	_ = 	snop  }
0x5: {  	_ = 	snop  }
0x6: {  	_ = 	snop  }
0x7: {  	_ = 	snop  }
__scs_overlays_trampoline_lowered:
0x8: {  	[smem:$0x3FAB] =	sst s0  }
0x9: {  	[smem:$0x3FAC] =	sst s1  }
0xa: {  	[smem:$0x3FAD] =	sst s2  }
0xb: {  	[smem:$0x3FAE] =	sst s3  }
0xc: {  	[smem:$0x3FAF] =	sst s4  }
0xd: {  	[smem:$0x3FB0] =	sst s5  }
0xe: {  	[smem:$0x3FB1] =	sst s6  }
0xf: {  	[smem:$0x3FB2] =	sst s7  }
0x10: {  	[smem:$0x3FB3] =	sst s8  }
0x11: {  	[smem:$0x3FB4] =	sst s9;
	s0 =	simm.s32 @!p0 $0x0  }
0x12: {  	s1 =	sld [smem:$0x3F9A];
	s0 =	simm.s32 @p0 $0x1  }
0x13: {  	[smem:$0x3FB5] =	sst s0;
	s0 =	simm.s32 @!p1 $0x0  }
0x14: {  	s2 =	sld [smem:$0x3F99];
	s0 =	simm.s32 @p1 $0x1  }
0x15: {  	[smem:$0x3FB6] =	sst s0;
	s0 =	simm.s32 @!p2 $0x0  }
0x16: {  	s3 =	sld [smem:$0x3FDB];
	s0 =	simm.s32 @p2 $0x1  }
0x17: {  	s4 =	simm.s32 $0x1BF5;
	[smem:$0x3FB8] =	sst s0  }
0x18: {  	s0 =	sld [smem:$0x3F9B];
	_ =	swait.ge [sflag:s4], $0x0  }
0x19: {  	s7 =	sld [smem:$0x3F9C]  }
0x1a: {  	s8 =	sadd.s32 $0xFFFFE003, lr  }
0x1b: {  	s9 =	sadd.s32 $0xFFFFFEF7, lr;
	s5 =	simm.s32 $0xFFFFFFFF;
	p2 =	slt.u32 s8, $0xFFFFF086  }
0x1c: {  	p1 =	slt.u32 s9, $0xF7A;
	s5 =	simm.s32 @!p2 $0x0  }
0x1d: {  	s5 =	simm.s32 @p1 $0x1;
	p0 =	seq.s32 s7, s2  }
0x1e: {  	s7 =	smul.u32 @!p0 $0xF7A, s2;
	p2 =	seq.s32 @!p0 s5, $0x0  }
0x1f: {  	s9 =	smul.u32 $0xF7A, s1;
	s8 =	simm.s32 @!p0 $0x1BF5;
	p2 =	por !p2, p0  }
0x20: {  	[sflag:s8] =	ssyncset.s32 @!p0 $0xFFFFF086;
	s6 =	sadd.s32 @!p0 s3, s7;
	s7 =	simm.s32 @!p0 $0x108  }
0x21: {  	s3 =	sadd.s32 s3, s9;
	s6 =	sadd.s32 @!p0 $0x88, s6;
	s7 =	simm.s32 @p2 $0x1082  }
0x22: {  	[simem:s7], [sflag:s8] =	dma.local @!p0 [hbm:s6], $0xF7A  }
0x23: {  	s9 =	sor.u32 $0xD0000000, s2;
	s6 =	simm.s32 $0x108;
	_ =	swait.ge @!p0 [sflag:s8], $0x0  }
0x24: {  	s3 =	sadd.s32 $0x88, s3;
	s6 =	simm.s32 @!p1 $0x1082;
	[sflag:s4] =	ssyncset.s32 $0xFFFFF086  }
0x25: {  	[simem:s6], [sflag:s4] =	dma.local [hbm:s3], $0xF7A  }
0x26: {  	[smem:$0x3F9C] =	sst s1;
	(tag) =	ssettag s2;
	_ =	strace s9  }
0x27: {  	s1 =	sld [smem:$0x3FAC]  }
0x28: {  	s2 =	sld [smem:$0x3FAD]  }
0x29: {  	s4 =	sld [smem:$0x3FAF]  }
0x2a: {  	p0 =	seq.s32 s5, $0x0;
	s5 =	sld [smem:$0x3FB0]  }
0x2b: {  	s6 =	sld [smem:$0x3FB1]  }
0x2c: {  	s7 =	sld [smem:$0x3FB2]  }
0x2d: {  	s3 =	simm.s32 $0x108;
	s8 =	sld [smem:$0x3FB3]  }
0x2e: {  	s3 =	simm.s32 @!p0 $0x1082;
	s9 =	sld [smem:$0x3FB4]  }
0x2f: {  	lr =	sadd.s32 s0, s3;
	s0 =	sld [smem:$0x3FAB]  }
0x30: {  	s3 =	sld [smem:$0x3FAE]  }
0x31: {  	[smem:$0x3FB7] =	sst s10  }
0x32: {  	s10 =	sld [smem:$0x3FB5];
	_ =	sdelay $0x3  }
0x33: {  	p0 =	seq.s32 s10, $0x1;
	s10 =	sld [smem:$0x3FB7];
	_ =	sdelay $0x3  }
0x34: {  	[smem:$0x3FB7] =	sst s10  }
0x35: {  	s10 =	sld [smem:$0x3FB6];
	_ =	sdelay $0x3  }
0x36: {  	p1 =	seq.s32 s10, $0x1;
	s10 =	sld [smem:$0x3FB7];
	_ =	sdelay $0x3  }
0x37: {  	[smem:$0x3FB7] =	sst s10  }
0x38: {  	s10 =	sld [smem:$0x3FB8]  }
0x39: {  	_ = 	snop;
	(pc) =	sbr.ind lr, $3  }
0x3a: {  	_ = 	snop  }
0x3b: {  	_ = 	snop  }
0x3c: {  	p2 =	seq.s32 s10, $0x1;
	s10 =	sld [smem:$0x3FB7]  }
0x3d: {  	_ =	shalt  }
0x3e: {  	_ =	shalt  }
0x3f: {  	_ =	shalt  }
0x40: {  	_ =	shalt  }
0x41: {  	_ =	shalt  }
0x42: {  	_ =	shalt  }
0x43: {  	_ =	shalt  }
0x44: {  	_ =	shalt  }
0x45: {  	_ =	shalt  }
0x46: {  	_ =	shalt  }
0x47: {  	_ =	shalt  }
0x48: {  	_ =	shalt  }
0x49: {  	_ =	shalt  }
0x4a: {  	_ =	shalt  }
0x4b: {  	_ =	shalt  }
0x4c: {  	_ =	shalt  }
0x4d: {  	_ =	shalt  }
0x4e: {  	_ =	shalt  }
0x4f: {  	_ =	shalt  }
0x50: {  	_ =	shalt  }
0x51: {  	_ =	shalt  }
0x52: {  	_ =	shalt  }
0x53: {  	_ =	shalt  }
0x54: {  	_ =	shalt  }
0x55: {  	_ =	shalt  }
0x56: {  	_ =	shalt  }
0x57: {  	_ =	shalt  }
0x58: {  	_ =	shalt  }
0x59: {  	_ =	shalt  }
0x5a: {  	_ =	shalt  }
0x5b: {  	_ =	shalt  }
0x5c: {  	_ =	shalt  }
0x5d: {  	_ =	shalt  }
0x5e: {  	_ =	shalt  }
0x5f: {  	_ =	shalt  }
0x60: {  	_ =	shalt  }
0x61: {  	_ =	shalt  }
0x62: {  	_ =	shalt  }
0x63: {  	_ =	shalt  }
0x64: {  	_ =	shalt  }
0x65: {  	_ =	shalt  }
0x66: {  	_ =	shalt  }
0x67: {  	_ =	shalt  }
0x68: {  	_ =	shalt  }
0x69: {  	_ =	shalt  }
0x6a: {  	_ =	shalt  }
0x6b: {  	_ =	shalt  }
0x6c: {  	_ =	shalt  }
0x6d: {  	_ =	shalt  }
0x6e: {  	_ =	shalt  }
0x6f: {  	_ =	shalt  }
0x70: {  	_ =	shalt  }
0x71: {  	_ =	shalt  }
0x72: {  	_ =	shalt  }
0x73: {  	_ =	shalt  }
0x74: {  	_ =	shalt  }
0x75: {  	_ =	shalt  }
0x76: {  	_ =	shalt  }
0x77: {  	_ =	shalt  }
0x78: {  	_ =	shalt  }
0x79: {  	_ =	shalt  }
0x7a: {  	_ =	shalt  }
0x7b: {  	_ =	shalt  }
0x7c: {  	_ =	shalt  }
0x7d: {  	_ =	shalt  }
0x7e: {  	_ =	shalt  }
0x7f: {  	_ =	shalt  }
0x80: {  	_ =	shalt  }
0x81: {  	_ =	shalt  }
0x82: {  	_ =	shalt  }
0x83: {  	_ =	shalt  }
0x84: {  	_ =	shalt  }
0x85: {  	_ =	shalt  }
0x86: {  	_ =	shalt  }
0x87: {  	_ =	shalt  }
.Lfunc_end0:
.L_simem_size_0:
called_computation_lowered:
.L_overlay_start_0:
0x88: {  	s2 =	sld [smem:$0x3FD9]  }
0x89: {  	s3 =	sld [smem:$0x3FFE];
	_ =	sdelay $0x1  }
0x8a: {  	s1 =	srdreg.scid  }
0x8b: {  	s0 =	sand.u32 $0x1, s1  }
0x8c: {  	s17 =	sshll.u32 s0, $0xA;
	s2 =	sadd.s32 s3, s2  }
0x8d: {  	s2 =	sadd.s32 s2, s17  }
0x8e: {  	[smem:$0x3FC3] =	sst s2  }
0x8f: {  	_ = 	snop  }
0x90: {  	s2 =	sld [smem:$0x3FC8]  }
0x91: {  	s18 =	sld [smem:$0x3FD0];
	(tm) =	ssettm $0x1  }
0x92: {  	s4 =	sld [smem:$0x3FFB];
	_ =	sdelay $0x3  }
0x93: {  	_ =	strace s4  }
0x94: {  	s4 =	sld [smem:$0x3FFC];
	_ =	sdelay $0x3  }
0x95: {  	_ =	strace s4  }
0x96: {  	s4 =	sld [smem:$0x3FFD];
	_ =	sdelay $0x3  }
0x97: {  	_ =	strace s4  }
0x98: {  	_ =	strace $0x8FFFFFFF  }
0x99: {  	s19 =	sld [smem:$0x3FDB];
	_ =	sdelay $0x1  }
0x9a: {  	s5 =	simm.s32 $_scs_section_size  }
0x9b: {  	s6 =	simm.s32 $_size__tile_overlayer_lowered;
	s7 =	simm.s32 $_tile_overlayer_lowered  }
0x9c: {  	s22 =	simm.s32 $0x1BFF;
	s21 =	sshll.u32 s7, $0x1;
	s4 =	sadd.s32 s5, s19  }
0x9d: {  	s8 =	simm.s32 $0x0;
	s20 =	sshll.u32 s6, $0x1;
	s6 =	sadd.s32 s21, s4  }
0x9e: {  	[timem:s8], [sflag:s22] =	dma.local [hbm:s6], s20  }
0x9f: {  	_ =	swait.ge [sflag:s22], s20  }
0xa0: {  	s5 =	ssub.s32 $0x0, s20;
	[sflag:s22] =	ssyncset.done $0x0  }
0xa1: {  	[sflag:s22] =	ssyncadd.s32 s5;
	_ =	sdelay $0x1  }
0xa2: {  	s23 =	simm.s32 $0x1B8B  }
0xa3: {  	_ =	swait.ge [sflag:s23], $0x1  }
0xa4: {  	[sflag:s23] =	ssyncset.done $0x0  }
0xa5: {  	s25 =	simm.s32 $0x1B8E;
	s24 =	sld [smem:$0x3FFE];
	[sflag:s23] =	ssyncadd.s32 $0xFFFFFFFF  }
0xa6: {  	s26 =	simm.s32 $execute0_lowered;
	[smem:$0x3FD2] =	sst s25  }
0xa7: {  	s6 =	sshll.u32 s26, $0x1;
	_ =	strace $0x80000046;
	[dreg:$0x1] =	wrdreg $0xFFFFFFFF  }
0xa8: {  	s28 =	simm.s32 $_size_execute0_lowered;
	s4 =	sadd.s32 s4, s6;
	[dreg:$0x0] =	wrdreg $0x0  }
0xa9: {  	s6 =	sshll.u32 s28, $0x1;
	[dreg:$0x2] =	wrdreg s4  }
0xaa: {  	[dreg:$0x3] =	wrdreg s6  }
0xab: {  	[dreg:$0x4] =	wrdreg $0xC0  }
0xac: {  	_ =	task [dreg:s8], $0x5FFFF  }
0xad: {  	[dreg:$0x1] =	wrdreg $0xFFFFFFFF  }
0xae: {  	[dreg:$0x0] =	wrdreg $0x60  }
0xaf: {  	[dreg:$0x2] =	wrdreg s24  }
0xb0: {  	[dreg:$0x3] =	wrdreg s2  }
0xb1: {  	[dreg:$0x4] =	wrdreg s18  }
0xb2: {  	[dreg:$0x5] =	wrdreg $0x9  }
0xb3: {  	_ =	task.clear_ibuf [dreg:s8], $0x6FFFF;
	_ =	strace $0x90000046  }
0xb4: {  	s29 =	simm.s32 $0x9;
	_ =	strace $0x80000048  }
0xb5: {  	_ =	swait.ge [sflag:s29], $0x1  }
0xb6: {  	[sflag:s29] =	ssyncadd.s32 $0xFFFFFFFF  }
0xb7: {  	_ =	strace $0x90000048  }
0xb8: {  	_ =	sfence  }
0xb9: {  	s30 =	sld [smem:$0x0];
	_ =	sdelay $0x2  }
0xba: {  	s31 =	sshll.u32 s1, $0xD;
	s1 =	sshrl.u32 s1, $0x2  }
0xbb: {  	s3 =	sand.u32 $0x4000, s31;
	s1 =	sadd.s32 s1, s30  }
0xbc: {  	s0 =	sor.u32 s3, s0;
	s1 =	sshll.u32 s1, $0x11  }
0xbd: {  	s0 =	sor.u32 s1, s0  }
0xbe: {  	s0 =	sadd.s32 $0x8F2B, s0  }
0xbf: {  	[sflag:s0] =	ssyncadd.remote.s32 $0x1  }
0xc0: {  	_ =	sfence.sel $0xFFFF  }
0xc1: {  	[dreg:$0x0] =	wrdreg $0xFFFFFFFF;
	(pc) =	sbr.abs _section_cstart, $3  }
0xc2: {  	[dreg:$0x1] =	wrdreg $0xFFFFFFFF  }
0xc3: {  	_ =	task.clear_ibuf [dreg:s8], $0x2FFFF;
	_ =	strace $0x9FFFFFFF  }
0xc4: {  	(tm) =	ssettm $0x7FFFFFFF  }
0xc5: {  	_ =	shalt  }
tec
execute0_lowered:
.L_overlay_start_1:
0x0: {  	(tag) =	ssettag $0x1  }
0x1: {  	s4 =	rddreg [dreg:$0x0]  }
0x2: {  	s0 =	srdreg.scid;
	s2 =	rddreg [dreg:$0x1]  }
0x3: {  	s6 =	rddreg [dreg:$0x2];
	s1 =	stileid.u32  }
0x4: {  	s13 =	simm.s32 $0x2780;
	s14 =	simm.s32 $0x4F00;
	s15 =	simm.s32 $0xC680  }
0x5: {  	s16 =	simm.s32 $0xEE80;
	s17 =	simm.s32 $0x80;
	s18 =	simm.s32 $0x400  }
0x6: {  	s19 =	simm.s32 $0x7680;
	s20 =	simm.s32 $0x9E80;
	s21 =	simm.s32 $0xEF00  }
0x7: {  	s22 =	simm.s32 $0x0;
	s5 =	sand.u32 $0x1, s0;
	s10 =	sshll.u32 s1, $0x7  }
0x8: {  	s0 =	rddreg [dreg:$0x3];
	s3 =	sshll.u32 s5, $0x4;
	s10 =	sand.u32 $0x380, s10  }
0x9: {  	s5 =	ssub.s32 $0x2, s5;
	s7 =	sor.u32 s1, s3;
	s3 =	simm.s32 $0x0  }
0xa: {  	s11 =	sshrl.u32 s5, $0x1;
	s8 =	smul.u32 $0x4E2, s7;
	s7 =	sshrl.u32 s7, $0x3  }
0xb: {  	[smem:$0x7FF] =	sst s3;
	s11 =	ssub.s32 s5, s11;
	s9 =	smul.u32 $0x14000, s7  }
0xc: {  	_ =	strace $0x80000047;
	s7 =	sshll.u32 s7, $0xA;
	s11 =	smax.u32 s11, $0x1  }
0xd: {  	s8 =	sadd.s32 s8, s4;
	s7 =	sor.u32 s10, s7;
	s9 =	sor.u32 s10, s9  }
0xe: {  	s7 =	sshrl.u32 s7, $0x3;
	s5 =	sadd.s32 $0x2400, s8;
	s9 =	sshrl.u32 s9, $0x3  }
0xf: {  	s12 =	sadd.s32 s7, s4;
	s31 =	sadd.s32 s9, s4;
	s4 =	sadd.s32 $0xC200, s8  }
0x10: {  	v0 =	vimm.f32 $0.0e+00;
	s6 =	sadd.s32 s6, s9;
	s7 =	sadd.s32 $0x2A200, s12;
	s10 =	sadd.s32 $0x2A000, s12  }
0x11: {  	v1 =	vimm.f32 $1.000000000e+00;
	v2 =	vimm.s32 $0x0;
	v3 =	vimm.s32 $0x2710;
	s12 =	simm.s32 $0x1;
	s8 =	sadd.s32 $0x16000, s31;
	s9 =	sadd.s32 $0x20000, s31  }
.LBB2_1:
0x12: {  	[tilespmem:s3], [sflag:$0x1] =	stream.linear.gather [hbm4b:s2+s3], $0x2780, $0x38;
	[tilespmem:$0xEF80] =	vst v63  }
0x13: {  	_ =	swait.ge [sflag:s12], $0x2780  }
0x14: {  	[sflag:s12] =	ssyncset.done $0x0  }
0x15: {  	[sflag:s12] =	ssyncadd.s32 $0xFFFFD880  }
0x16: {  	[tilespmem:s13], [sflag:$0x1] =	stream.linear.gather [hbm4b:s4+s3], $0x2710, $0x38;
	[tilespmem:$0xEF80] =	vst v63  }
0x17: {  	_ =	swait.ge [sflag:s12], $0x2710  }
0x18: {  	[sflag:s12] =	ssyncset.done $0x0  }
0x19: {  	[sflag:s12] =	ssyncadd.s32 $0xFFFFD8F0  }
0x1a: {  	[tilespmem:s14], [sflag:$0x1] =	stream.linear.gather [hbm4b:s5+s3], $0x2710, $0x38;
	[tilespmem:$0xEF80] =	vst v63  }
0x1b: {  	_ =	swait.ge [sflag:s12], $0x2710  }
0x1c: {  	[sflag:s12] =	ssyncset.done $0x0  }
0x1d: {  	s23 =	simm.s32 $0x40;
	s24 =	simm.s32 $0x0;
	[sflag:s12] =	ssyncadd.s32 $0xFFFFD8F0  }
.LBB2_2:
0x1e: {  	p0 =	sne.s32 s23, $0x9FC0;
	[tilespmem:s24+$0xC680] =	vst v0;
	s24 =	smov.u32 s23;
	s23 =	sadd.s32 $0x40, s23  }
.Ltmp0:
0x1f: {  	(pc) =	sbr.rel @p0 .LBB2_2-.Ltmp0, $2  }
0x20: {  	_ =	sdelay $0x2  }
0x21: {  	s24 =	sshra.s32 s24, $0x2  }
0x22: {  	[tilespmem:s24+$0xC680] =	vst v0  }
0x23: {  	s23 =	simm.s32 $0x0;
	[tilespmem:$0xEE80] =	vst v0  }
0x24: {  	v4 =	vld [tilespmem:s23+$0x2780]  }
0x25: {  	v5 =	vld [tilespmem:s23+$0x4F00];
	_ =	sdelay $0x6  }
0x26: {  	v6 =	vld.idx.msk [tilespmem:v4+s3+$0x0], $0xffff  }
0x27: {  	v7 =	vld.idx.msk [tilespmem:v5+s3+$0x0], $0xffff;
	_ =	sdelay $0x4  }
0x28: {  	vm0 =	veq.s32 v6, v7  }
0x29: {  	v7 =	vsel vm0, $0x1, v2  }
0x2a: {  	(xrf0) =	vadd.scan.msk.s32 $0xffff, v7;
	_ =	sdelay $0x3  }
0x2b: {  	[tilespmem:v5+s15+$0x0] =	vst.idx.add.f32.msk vm0, v1  }
0x2c: {  	s23 =	simm.s32 $0x0;
	[tilespmem:v6+s16+$0x0] =	vst.idx.add.f32.msk vm0, v1  }
0x2d: {  	[tilespmem:s23+$0x7680] =	vst.msk vm0, v4;
	v4, _, _ =	vpop (xrf0)  }
0x2e: {  	s25 =	simm.s32 $0x10;
	[tilespmem:s23+$0x9E80] =	vst.msk vm0, v5;
	(v2sf) =	vpush v4, $0xF  }
0x2f: {  	s24 =	simm.s32 $0x80;
	v4 =	vld [tilespmem:s25+$0x2780]  }
.LBB2_4:
0x30: {  	p0 =	sne.s32 s24, $0x9C00;
	v5 =	vld [tilespmem:s25+$0x4F00];
	_ =	sdelay $0x6  }
0x31: {  	v6 =	vld.idx.msk [tilespmem:v4+s3+$0x0], $0xffff  }
0x32: {  	v7 =	vld.idx.msk [tilespmem:v5+s3+$0x0], $0xffff;
	_ =	sdelay $0x4  }
0x33: {  	s25 =	spop (v2sf)  }
0x34: {  	vm0 =	veq.s32 v6, v7;
	s23 =	sadd.s32 s23, s25  }
0x35: {  	v7 =	vsel vm0, $0x1, v2  }
0x36: {  	(xrf0) =	vadd.scan.msk.s32 $0xffff, v7;
	_ =	sdelay $0x3  }
.Ltmp1:
0x37: {  	[tilespmem:v5+s15+$0x0] =	vst.idx.add.f32.msk vm0, v1;
	(pc) =	sbr.rel @p0 .LBB2_4-.Ltmp1, $4  }
0x38: {  	[tilespmem:v6+s16+$0x0] =	vst.idx.add.f32.msk vm0, v1  }
0x39: {  	[tilespmem:s23+$0x7680] =	vst.msk vm0, v4;
	v4, _, _ =	vpop (xrf0)  }
0x3a: {  	s25 =	sshra.s32 s24, $0x2;
	[tilespmem:s23+$0x9E80] =	vst.msk vm0, v5;
	(v2sf) =	vpush v4, $0xF  }
0x3b: {  	s24 =	sadd.s32 $0x40, s24;
	v4 =	vld [tilespmem:s25+$0x2780]  }
0x3c: {  	_ = 	snop  }
0x3d: {  	v5 =	vld [tilespmem:s25+$0x4F00];
	_ =	sdelay $0x6  }
0x3e: {  	v6 =	vld.idx.msk [tilespmem:v4+s3+$0x0], $0xffff  }
0x3f: {  	v7 =	vld.idx.msk [tilespmem:v5+s3+$0x0], $0xffff;
	_ =	sdelay $0x4  }
0x40: {  	vm0 =	veq.s32 v6, v7  }
0x41: {  	v7 =	vsel vm0, $0x1, v2  }
0x42: {  	(xrf0) =	vadd.scan.msk.s32 $0xffff, v7;
	_ =	sdelay $0x5  }
0x43: {  	v7, _, _ =	vpop (xrf0)  }
0x44: {  	(v2sf) =	vpush v7, $0xF;
	_ =	sdelay $0xc  }
0x45: {  	s24 =	spop (v2sf);
	[tilespmem:v5+s15+$0x0] =	vst.idx.add.f32.msk vm0, v1  }
0x46: {  	s23 =	sadd.s32 s23, s24;
	[tilespmem:v6+s16+$0x0] =	vst.idx.add.f32.msk vm0, v1  }
0x47: {  	[tilespmem:s23+$0x7680] =	vst.msk vm0, v4;
	s30 =	spop (v2sf)  }
0x48: {  	[tilespmem:s23+$0x9E80] =	vst.msk vm0, v5;
	s23 =	sadd.s32 s23, s30  }
0x49: {  	[tilespmem:s23+$0x7680] =	vst v3  }
0x4a: {  	[tilespmem:s23+$0x9E80] =	vst v2;
	s24 =	sadd.s32 $0x27, s23  }
0x4b: {  	[tilespmem:s23+$0x7690] =	vst v3;
	s31 =	smulhi.u32 $0x66666667, s24;
	s26 =	sshra.s32 s24, $0x1F  }
0x4c: {  	[tilespmem:s23+$0x9E90] =	vst v2;
	s26 =	smul.u32 $0x66666667, s26  }
0x4d: {  	[tilespmem:s23+$0x76A0] =	vst v3  }
0x4e: {  	[tilespmem:s23+$0x9EA0] =	vst v2;
	s25 =	sadd.s32 s26, s31  }
0x4f: {  	[tilespmem:s23+$0x76B0] =	vst v3;
	s26 =	sshrl.u32 s25, $0x1F;
	s25 =	sshra.s32 s25, $0x4  }
0x50: {  	[tilespmem:s23+$0x9EB0] =	vst v2;
	s25 =	sadd.s32 s26, s25  }
0x51: {  	[tilespmem:s23+$0x76C0] =	vst v3;
	s26 =	smul.u32 $0xFFFFFFD8, s25  }
0x52: {  	[tilespmem:s23+$0x9EC0] =	vst v2;
	s28 =	ssub.s32 $0xFFFFFFD9, s23  }
0x53: {  	[tilespmem:s23+$0x76D0] =	vst v3;
	p0 =	slt.s32 s24, $0x1;
	p1 =	sne.s32 s26, s28  }
0x54: {  	[tilespmem:s23+$0x9ED0] =	vst v2;
	p0 =	por !p0, !p1  }
0x55: {  	[tilespmem:s23+$0x76E0] =	vst v3;
	s24 =	simm.s32 $0x1;
	p0 =	por !p0, !p0  }
0x56: {  	[tilespmem:s23+$0x9EE0] =	vst v2;
	s24 =	simm.s32 @!p0 $0x0  }
0x57: {  	[tilespmem:s23+$0x76F0] =	vst v3;
	s24 =	ssub.s32 s25, s24  }
0x58: {  	[tilespmem:s23+$0x9EF0] =	vst v2;
	v4 =	vmov s24  }
0x59: {  	[tilespmem:$0xEF00] =	vst v4  }
0x5a: {  	[hbm4b:s6+s17] =	stream.strided.scatter [tilespmem:s15], [sflag:$0x1], $0x2800, s18, s17, $0x38;
	[tilespmem:$0xEF80] =	vst v63  }
0x5b: {  	_ =	swait.ge [sflag:s12], $0x2800  }
0x5c: {  	[sflag:s12] =	ssyncset.done $0x0  }
0x5d: {  	[sflag:s12] =	ssyncadd.s32 $0xFFFFD800  }
0x5e: {  	[hbm4b:s7+s3] =	stream.linear.scatter [tilespmem:s16], [sflag:$0x1], $0x80, $0x38;
	[tilespmem:$0xEF80] =	vst v63  }
0x5f: {  	_ =	swait.ge [sflag:s12], $0x80  }
0x60: {  	[sflag:s12] =	ssyncset.done $0x0  }
0x61: {  	[sflag:s12] =	ssyncadd.s32 $0xFFFFFF80  }
0x62: {  	[hbm4b:s8+s17] =	stream.strided.scatter [tilespmem:s19], [sflag:$0x1], $0x2800, s18, s17, $0x38;
	[tilespmem:$0xEF80] =	vst v63  }
0x63: {  	_ =	swait.ge [sflag:s12], $0x2800  }
0x64: {  	[sflag:s12] =	ssyncset.done $0x0  }
0x65: {  	[sflag:s12] =	ssyncadd.s32 $0xFFFFD800  }
0x66: {  	[hbm4b:s9+s17] =	stream.strided.scatter [tilespmem:s20], [sflag:$0x1], $0x2800, s18, s17, $0x38;
	[tilespmem:$0xEF80] =	vst v63  }
0x67: {  	s22 =	sadd.s32 $0x1, s22;
	_ =	swait.ge [sflag:s12], $0x2800  }
0x68: {  	p0 =	sne.s32 s22, s11;
	[sflag:s12] =	ssyncset.done $0x0  }
.Ltmp2:
0x69: {  	[sflag:s12] =	ssyncadd.s32 $0xFFFFD800;
	(pc) =	sbr.rel @p0 .LBB2_1-.Ltmp2, $4  }
0x6a: {  	[hbm4b:s10+s3] =	stream.linear.scatter [tilespmem:s21], [sflag:$0x1], $0x80, $0x38;
	[tilespmem:$0xEF80] =	vst v63  }
0x6b: {  	_ =	swait.ge [sflag:s12], $0x80  }
0x6c: {  	[sflag:s12] =	ssyncset.done $0x0  }
0x6d: {  	[sflag:s12] =	ssyncadd.s32 $0xFFFFFF80  }
0x6e: {  	_ =	sfence.sel $0x180000  }
0x6f: {  	[bflag:$0x0] =	sbarrier.arrive $0xFFFF  }
0x70: {  	p0 =	sne.s32 s1, $0x0;
	_ =	strace $0x90000047  }
0x71: {  	s0 =	sadd.s32 @!p0 $0x100000, s0;
	[bflag:$0x2] =	sbarrier.arrive $0xFFFF  }
0x72: {  	[sflag:s0] =	ssyncadd.tile.s32 @!p0 $0x1;
	_ =	shalt  }
.Lfunc_end2:
_tile_overlayer_lowered:
.L_overlay_start_2:
0x73: {  	(tag) =	ssettag $0x2  }
0x74: {  	s0 =	rddreg [dreg:$0x0];
	s2 =	stileid.u32  }
0x75: {  	s1 =	rddreg [dreg:$0x1];
	p0 =	sne.s32 s2, $0x0  }
0x76: {  	s3 =	rddreg [dreg:$0x2];
	[bflag:$0x3] =	sbarrier.arrive $0xFFFF;
	s2 =	simm.s32 @!p0 $0x1C01  }
0x77: {  	[timem:s3], [sflag:s2] =	dma.local @!p0 [hbm:s0], s1  }
0x78: {  	s0 =	simm.s32 @!p0 $0x1  }
0x79: {  	_ =	swait.ge @!p0 [sflag:s0], s1  }
0x7a: {  	s1 =	ssub.s32 @!p0 $0x0, s1;
	[sflag:s0] =	ssyncset.done @!p0 $0x0  }
0x7b: {  	[sflag:s0] =	ssyncadd.s32 @!p0 s1  }
0x7c: {  	[bflag:$0x3] =	sbarrier.arrive $0xFFFF  }
0x7d: {  	_ =	shalt  }

// kernel: kernel.9.cloned.1.call-start
scs
__scs_entry_jumppad:
0x0: {  	(pc) =	sbr.rel $0x88, $3  }
0x1: {  	(tag) =	ssettag $0x0;
	lr =	simm.s32 $0x1  }
0x2: {  	[smem:$0x3F9C] =	sst lr;
	_ =	strace $0xD0000000  }
0x3: {  	_ = 	snop  }
0x4: {  	_ = 	snop  }
0x5: {  	_ = 	snop  }
0x6: {  	_ = 	snop  }
0x7: {  	_ = 	snop  }
__scs_overlays_trampoline_lowered:
0x8: {  	[smem:$0x3FAB] =	sst s0  }
0x9: {  	[smem:$0x3FAC] =	sst s1  }
0xa: {  	[smem:$0x3FAD] =	sst s2  }
0xb: {  	[smem:$0x3FAE] =	sst s3  }
0xc: {  	[smem:$0x3FAF] =	sst s4  }
0xd: {  	[smem:$0x3FB0] =	sst s5  }
0xe: {  	[smem:$0x3FB1] =	sst s6  }
0xf: {  	[smem:$0x3FB2] =	sst s7  }
0x10: {  	[smem:$0x3FB3] =	sst s8  }
0x11: {  	[smem:$0x3FB4] =	sst s9;
	s0 =	simm.s32 @!p0 $0x0  }
0x12: {  	s1 =	sld [smem:$0x3F9A];
	s0 =	simm.s32 @p0 $0x1  }
0x13: {  	[smem:$0x3FB5] =	sst s0;
	s0 =	simm.s32 @!p1 $0x0  }
0x14: {  	s2 =	sld [smem:$0x3F99];
	s0 =	simm.s32 @p1 $0x1  }
0x15: {  	[smem:$0x3FB6] =	sst s0;
	s0 =	simm.s32 @!p2 $0x0  }
0x16: {  	s3 =	sld [smem:$0x3FDB];
	s0 =	simm.s32 @p2 $0x1  }
0x17: {  	s4 =	simm.s32 $0x1BF5;
	[smem:$0x3FB8] =	sst s0  }
0x18: {  	s0 =	sld [smem:$0x3F9B];
	_ =	swait.ge [sflag:s4], $0x0  }
0x19: {  	s7 =	sld [smem:$0x3F9C]  }
0x1a: {  	s8 =	sadd.s32 $0xFFFFE003, lr  }
0x1b: {  	s9 =	sadd.s32 $0xFFFFFEF7, lr;
	s5 =	simm.s32 $0xFFFFFFFF;
	p2 =	slt.u32 s8, $0xFFFFF086  }
0x1c: {  	p1 =	slt.u32 s9, $0xF7A;
	s5 =	simm.s32 @!p2 $0x0  }
0x1d: {  	s5 =	simm.s32 @p1 $0x1;
	p0 =	seq.s32 s7, s2  }
0x1e: {  	s7 =	smul.u32 @!p0 $0xF7A, s2;
	p2 =	seq.s32 @!p0 s5, $0x0  }
0x1f: {  	s9 =	smul.u32 $0xF7A, s1;
	s8 =	simm.s32 @!p0 $0x1BF5;
	p2 =	por !p2, p0  }
0x20: {  	[sflag:s8] =	ssyncset.s32 @!p0 $0xFFFFF086;
	s6 =	sadd.s32 @!p0 s3, s7;
	s7 =	simm.s32 @!p0 $0x108  }
0x21: {  	s3 =	sadd.s32 s3, s9;
	s6 =	sadd.s32 @!p0 $0x88, s6;
	s7 =	simm.s32 @p2 $0x1082  }
0x22: {  	[simem:s7], [sflag:s8] =	dma.local @!p0 [hbm:s6], $0xF7A  }
0x23: {  	s9 =	sor.u32 $0xD0000000, s2;
	s6 =	simm.s32 $0x108;
	_ =	swait.ge @!p0 [sflag:s8], $0x0  }
0x24: {  	s3 =	sadd.s32 $0x88, s3;
	s6 =	simm.s32 @!p1 $0x1082;
	[sflag:s4] =	ssyncset.s32 $0xFFFFF086  }
0x25: {  	[simem:s6], [sflag:s4] =	dma.local [hbm:s3], $0xF7A  }
0x26: {  	[smem:$0x3F9C] =	sst s1;
	(tag) =	ssettag s2;
	_ =	strace s9  }
0x27: {  	s1 =	sld [smem:$0x3FAC]  }
0x28: {  	s2 =	sld [smem:$0x3FAD]  }
0x29: {  	s4 =	sld [smem:$0x3FAF]  }
0x2a: {  	p0 =	seq.s32 s5, $0x0;
	s5 =	sld [smem:$0x3FB0]  }
0x2b: {  	s6 =	sld [smem:$0x3FB1]  }
0x2c: {  	s7 =	sld [smem:$0x3FB2]  }
0x2d: {  	s3 =	simm.s32 $0x108;
	s8 =	sld [smem:$0x3FB3]  }
0x2e: {  	s3 =	simm.s32 @!p0 $0x1082;
	s9 =	sld [smem:$0x3FB4]  }
0x2f: {  	lr =	sadd.s32 s0, s3;
	s0 =	sld [smem:$0x3FAB]  }
0x30: {  	s3 =	sld [smem:$0x3FAE]  }
0x31: {  	[smem:$0x3FB7] =	sst s10  }
0x32: {  	s10 =	sld [smem:$0x3FB5];
	_ =	sdelay $0x3  }
0x33: {  	p0 =	seq.s32 s10, $0x1;
	s10 =	sld [smem:$0x3FB7];
	_ =	sdelay $0x3  }
0x34: {  	[smem:$0x3FB7] =	sst s10  }
0x35: {  	s10 =	sld [smem:$0x3FB6];
	_ =	sdelay $0x3  }
0x36: {  	p1 =	seq.s32 s10, $0x1;
	s10 =	sld [smem:$0x3FB7];
	_ =	sdelay $0x3  }
0x37: {  	[smem:$0x3FB7] =	sst s10  }
0x38: {  	s10 =	sld [smem:$0x3FB8]  }
0x39: {  	_ = 	snop;
	(pc) =	sbr.ind lr, $3  }
0x3a: {  	_ = 	snop  }
0x3b: {  	_ = 	snop  }
0x3c: {  	p2 =	seq.s32 s10, $0x1;
	s10 =	sld [smem:$0x3FB7]  }
0x3d: {  	_ =	shalt  }
0x3e: {  	_ =	shalt  }
0x3f: {  	_ =	shalt  }
0x40: {  	_ =	shalt  }
0x41: {  	_ =	shalt  }
0x42: {  	_ =	shalt  }
0x43: {  	_ =	shalt  }
0x44: {  	_ =	shalt  }
0x45: {  	_ =	shalt  }
0x46: {  	_ =	shalt  }
0x47: {  	_ =	shalt  }
0x48: {  	_ =	shalt  }
0x49: {  	_ =	shalt  }
0x4a: {  	_ =	shalt  }
0x4b: {  	_ =	shalt  }
0x4c: {  	_ =	shalt  }
0x4d: {  	_ =	shalt  }
0x4e: {  	_ =	shalt  }
0x4f: {  	_ =	shalt  }
0x50: {  	_ =	shalt  }
0x51: {  	_ =	shalt  }
0x52: {  	_ =	shalt  }
0x53: {  	_ =	shalt  }
0x54: {  	_ =	shalt  }
0x55: {  	_ =	shalt  }
0x56: {  	_ =	shalt  }
0x57: {  	_ =	shalt  }
0x58: {  	_ =	shalt  }
0x59: {  	_ =	shalt  }
0x5a: {  	_ =	shalt  }
0x5b: {  	_ =	shalt  }
0x5c: {  	_ =	shalt  }
0x5d: {  	_ =	shalt  }
0x5e: {  	_ =	shalt  }
0x5f: {  	_ =	shalt  }
0x60: {  	_ =	shalt  }
0x61: {  	_ =	shalt  }
0x62: {  	_ =	shalt  }
0x63: {  	_ =	shalt  }
0x64: {  	_ =	shalt  }
0x65: {  	_ =	shalt  }
0x66: {  	_ =	shalt  }
0x67: {  	_ =	shalt  }
0x68: {  	_ =	shalt  }
0x69: {  	_ =	shalt  }
0x6a: {  	_ =	shalt  }
0x6b: {  	_ =	shalt  }
0x6c: {  	_ =	shalt  }
0x6d: {  	_ =	shalt  }
0x6e: {  	_ =	shalt  }
0x6f: {  	_ =	shalt  }
0x70: {  	_ =	shalt  }
0x71: {  	_ =	shalt  }
0x72: {  	_ =	shalt  }
0x73: {  	_ =	shalt  }
0x74: {  	_ =	shalt  }
0x75: {  	_ =	shalt  }
0x76: {  	_ =	shalt  }
0x77: {  	_ =	shalt  }
0x78: {  	_ =	shalt  }
0x79: {  	_ =	shalt  }
0x7a: {  	_ =	shalt  }
0x7b: {  	_ =	shalt  }
0x7c: {  	_ =	shalt  }
0x7d: {  	_ =	shalt  }
0x7e: {  	_ =	shalt  }
0x7f: {  	_ =	shalt  }
0x80: {  	_ =	shalt  }
0x81: {  	_ =	shalt  }
0x82: {  	_ =	shalt  }
0x83: {  	_ =	shalt  }
0x84: {  	_ =	shalt  }
0x85: {  	_ =	shalt  }
0x86: {  	_ =	shalt  }
0x87: {  	_ =	shalt  }
.Lfunc_end0:
.L_simem_size_0:
called_computation.1_lowered:
.L_overlay_start_0:
0x88: {  	s2 =	sld [smem:$0x3FD9]  }
0x89: {  	s3 =	sld [smem:$0x3FFE];
	_ =	sdelay $0x1  }
0x8a: {  	s1 =	srdreg.scid  }
0x8b: {  	s0 =	sand.u32 $0x1, s1  }
0x8c: {  	s17 =	sshll.u32 s0, $0xA;
	s2 =	sadd.s32 s3, s2  }
0x8d: {  	s2 =	sadd.s32 s2, s17  }
0x8e: {  	[smem:$0x3FC3] =	sst s2  }
0x8f: {  	_ = 	snop  }
0x90: {  	s2 =	sld [smem:$0x3FD0];
	(tm) =	ssettm $0x1  }
0x91: {  	s18 =	sld [smem:$0x3FFB];
	_ =	sdelay $0x3  }
0x92: {  	_ =	strace s18  }
0x93: {  	s3 =	sld [smem:$0x3FFC];
	_ =	sdelay $0x3  }
0x94: {  	_ =	strace s3  }
0x95: {  	s3 =	sld [smem:$0x3FFD];
	_ =	sdelay $0x3  }
0x96: {  	_ =	strace s3  }
0x97: {  	_ =	strace $0x8FFFFFFF  }
0x98: {  	s19 =	sld [smem:$0x3FDB];
	_ =	sdelay $0x1  }
0x99: {  	s4 =	simm.s32 $_scs_section_size  }
0x9a: {  	s5 =	simm.s32 $_size__tile_overlayer_lowered;
	s6 =	simm.s32 $_tile_overlayer_lowered  }
0x9b: {  	s22 =	simm.s32 $0x1BFF;
	s21 =	sshll.u32 s6, $0x1;
	s3 =	sadd.s32 s4, s19  }
0x9c: {  	s7 =	simm.s32 $0x0;
	s20 =	sshll.u32 s5, $0x1;
	s5 =	sadd.s32 s21, s3  }
0x9d: {  	[timem:s7], [sflag:s22] =	dma.local [hbm:s5], s20  }
0x9e: {  	_ =	swait.ge [sflag:s22], s20  }
0x9f: {  	s4 =	ssub.s32 $0x0, s20;
	[sflag:s22] =	ssyncset.done $0x0  }
0xa0: {  	[sflag:s22] =	ssyncadd.s32 s4;
	_ =	sdelay $0x1  }
0xa1: {  	s23 =	simm.s32 $0x1B8B  }
0xa2: {  	_ =	swait.ge [sflag:s23], $0x1  }
0xa3: {  	[sflag:s23] =	ssyncset.done $0x0  }
0xa4: {  	s25 =	simm.s32 $0x1B8E;
	s24 =	sld [smem:$0x3FFE];
	[sflag:s23] =	ssyncadd.s32 $0xFFFFFFFF  }
0xa5: {  	s26 =	simm.s32 $execute0_lowered;
	[smem:$0x3FD2] =	sst s25  }
0xa6: {  	s5 =	sshll.u32 s26, $0x1;
	_ =	strace $0x80000049;
	[dreg:$0x1] =	wrdreg $0xFFFFFFFF  }
0xa7: {  	s28 =	simm.s32 $_size_execute0_lowered;
	s3 =	sadd.s32 s3, s5;
	[dreg:$0x0] =	wrdreg $0x0  }
0xa8: {  	s5 =	sshll.u32 s28, $0x1;
	[dreg:$0x2] =	wrdreg s3  }
0xa9: {  	[dreg:$0x3] =	wrdreg s5  }
0xaa: {  	[dreg:$0x4] =	wrdreg $0xC0  }
0xab: {  	_ =	task [dreg:s7], $0x5FFFF  }
0xac: {  	[dreg:$0x1] =	wrdreg $0xFFFFFFFF  }
0xad: {  	[dreg:$0x0] =	wrdreg $0x60  }
0xae: {  	[dreg:$0x2] =	wrdreg s2  }
0xaf: {  	[dreg:$0x3] =	wrdreg s24  }
0xb0: {  	[dreg:$0x4] =	wrdreg $0xB0800  }
0xb1: {  	[dreg:$0x5] =	wrdreg $0x9  }
0xb2: {  	_ =	task.clear_ibuf [dreg:s7], $0x6FFFF;
	_ =	strace $0x90000049  }
0xb3: {  	s29 =	simm.s32 $0x9;
	_ =	strace $0x8000004B  }
0xb4: {  	_ =	swait.ge [sflag:s29], $0x1  }
0xb5: {  	[sflag:s29] =	ssyncadd.s32 $0xFFFFFFFF  }
0xb6: {  	_ =	strace $0x9000004B  }
0xb7: {  	_ =	sfence  }
0xb8: {  	s30 =	sld [smem:$0x0];
	_ =	sdelay $0x2  }
0xb9: {  	s31 =	sshll.u32 s1, $0xD;
	s1 =	sshrl.u32 s1, $0x2  }
0xba: {  	s3 =	sand.u32 $0x4000, s31;
	s1 =	sadd.s32 s1, s30  }
0xbb: {  	s0 =	sor.u32 s3, s0;
	s1 =	sshll.u32 s1, $0x11  }
0xbc: {  	s0 =	sor.u32 s1, s0  }
0xbd: {  	s0 =	sadd.s32 $0x8F2B, s0  }
0xbe: {  	[sflag:s0] =	ssyncadd.remote.s32 $0x1  }
0xbf: {  	_ =	sfence.sel $0xFFFF  }
0xc0: {  	[dreg:$0x0] =	wrdreg $0xFFFFFFFF;
	(pc) =	sbr.abs _section_cstart, $3  }
0xc1: {  	[dreg:$0x1] =	wrdreg $0xFFFFFFFF  }
0xc2: {  	_ =	task.clear_ibuf [dreg:s7], $0x2FFFF;
	_ =	strace $0x9FFFFFFF  }
0xc3: {  	(tm) =	ssettm $0x7FFFFFFF  }
tec
execute0_lowered:
.L_overlay_start_1:
0x0: {  	(tag) =	ssettag $0x1  }
0x1: {  	s0 =	rddreg [dreg:$0x0]  }
0x2: {  	s20 =	rddreg [dreg:$0x1]  }
0x3: {  	s1 =	rddreg [dreg:$0x2];
	s3 =	simm.s32 $0x0  }
0x4: {  	s2 =	srdreg.scid;
	s10 =	stileid.u32;
	s11 =	simm.s32 $0x9  }
0x5: {  	s31 =	simm.s32 $0x800;
	s14 =	simm.s32 $0xA;
	[dreg:$0x4] =	wrdreg s0  }
0x6: {  	s15 =	simm.s32 $0x0;
	[smem:$0x7FF] =	sst s3;
	s5 =	sand.u32 $0x1, s2  }
0x7: {  	s6 =	sshll.u32 s10, $0x4;
	s4 =	sadd.s32 $0x2400, s20;
	s9 =	smul.u32 $0x14000, s10  }
0x8: {  	s2 =	sshll.u32 s2, $0x8;
	s21 =	sadd.s32 $0x22400, s20;
	s23 =	smul.u32 $0x50000, s10  }
0x9: {  	s26 =	sshll.u32 s10, $0xF;
	s30 =	sshll.u32 s10, $0x6;
	_ =	strace $0x8000004A  }
0xa: {  	s7 =	smul.u32 $0x140000, s5;
	s8 =	sand.u32 $0x70, s6;
	[dreg:$0x5] =	wrdreg s4  }
0xb: {  	s4 =	sadd.s32 $0x2A400, s20;
	[dreg:$0x7] =	wrdreg s21;
	s2 =	sor.u32 s6, s2  }
0xc: {  	s22 =	ssub.s32 $0x2, s5;
	s5 =	sshll.u32 s5, $0x13;
	[dreg:$0x6] =	wrdreg s31  }
0xd: {  	s8 =	sadd.s32 s8, s20;
	s2 =	sand.u32 $0x180, s2;
	s24 =	sshrl.u32 s22, $0x1  }
0xe: {  	s25 =	sshrl.u32 s23, $0x2;
	s29 =	sor.u32 s26, s5;
	s7 =	sadd.s32 s9, s7  }
.Ltmp0:
0xf: {  	s2 =	sadd.s32 s2, s8;
	s6 =	ssub.s32 s22, s24;
	(pc) =	sbr.rel .LBB2_1-.Ltmp0, $4  }
0x10: {  	[dreg:$0xb] =	wrdreg s29;
	s7 =	sshrl.u32 s7, $0x3;
	s2 =	sadd.s32 $0x2A000, s2  }
0x11: {  	s28 =	smax.u32 s6, $0x1;
	s0 =	sadd.s32 s7, s20;
	[dreg:$0x8] =	wrdreg s2  }
0x12: {  	s2 =	sadd.s32 s25, s1;
	[dreg:$0xa] =	wrdreg s28;
	s0 =	sadd.s32 $0x52400, s0  }
0x13: {  	s12 =	sor.u32 $0x1C09, s30;
	s13 =	sshrl.u32 s2, $0x3;
	[dreg:$0x9] =	wrdreg s0  }
.LBB2_4:
0x14: {  	[sflag:s2] =	ssyncadd.s32 @!p2 $0xFFFFEC00  }
0x15: {  	_ =	swait.ge @!p5 [sflag:s0], $0x1400  }
0x16: {  	[sflag:s0] =	ssyncset.done @!p5 $0x0  }
0x17: {  	s2 =	simm.s32 @!p5 $0xE00;
	[sflag:s0] =	ssyncadd.s32 @!p5 $0xFFFFEC00;
	s0 =	simm.s32 @!p5 $0xA  }
0x18: {  	[spmem:s1] =	stream.indirect.scatter.add.f32 @!p5 [tilespmem:s21], [sflag:$0xA], $0x80, s2, s20, $0xb8;
	[tilespmem:$0x1F080] =	vst v63  }
0x19: {  	_ =	swait.ge @!p5 [sflag:s0], $0x1400  }
0x1a: {  	[sflag:s0] =	ssyncset.done @!p5 $0x0  }
0x1b: {  	s2 =	simm.s32 @!p3 $0x6;
	[sflag:s0] =	ssyncadd.s32 @!p5 $0xFFFFEC00  }
0x1c: {  	_ =	swait.ge @!p3 [sflag:s2], $0x1400  }
0x1d: {  	[sflag:s2] =	ssyncset.done @!p3 $0x0  }
0x1e: {  	s0 =	simm.s32 @!p3 $0xE80;
	[sflag:s2] =	ssyncadd.s32 @!p3 $0xFFFFEC00;
	s2 =	simm.s32 @!p3 $0xA  }
0x1f: {  	[spmem:s1] =	stream.indirect.scatter.add.f32 @!p3 [tilespmem:s23], [sflag:$0xA], $0x80, s0, s22, $0xb8;
	[tilespmem:$0x1F080] =	vst v63  }
0x20: {  	_ =	swait.ge @!p3 [sflag:s2], $0x1400  }
0x21: {  	[sflag:s2] =	ssyncset.done @!p3 $0x0  }
0x22: {  	s0 =	simm.s32 @!p4 $0x7;
	[sflag:s2] =	ssyncadd.s32 @!p3 $0xFFFFEC00  }
0x23: {  	_ =	swait.ge @!p4 [sflag:s0], $0x1400  }
0x24: {  	[sflag:s0] =	ssyncset.done @!p4 $0x0  }
0x25: {  	s2 =	simm.s32 @!p4 $0xF00;
	[sflag:s0] =	ssyncadd.s32 @!p4 $0xFFFFEC00;
	s0 =	simm.s32 @!p4 $0xA  }
0x26: {  	[spmem:s1] =	stream.indirect.scatter.add.f32 @!p4 [tilespmem:s25], [sflag:$0xA], $0x80, s2, s24, $0xb8;
	[tilespmem:$0x1F080] =	vst v63  }
0x27: {  	_ =	swait.ge @!p4 [sflag:s0], $0x1400  }
0x28: {  	[sflag:s0] =	ssyncset.done @!p4 $0x0  }
0x29: {  	s2 =	simm.s32 @!p0 $0x8;
	[sflag:s0] =	ssyncadd.s32 @!p4 $0xFFFFEC00  }
0x2a: {  	_ =	swait.ge @!p0 [sflag:s2], $0x1400  }
0x2b: {  	[sflag:s2] =	ssyncset.done @!p0 $0x0  }
0x2c: {  	s0 =	simm.s32 @!p0 $0xF80;
	[sflag:s2] =	ssyncadd.s32 @!p0 $0xFFFFEC00;
	s2 =	simm.s32 @!p0 $0x9  }
0x2d: {  	[spmem:s1] =	stream.indirect.scatter.add.f32 @!p0 [tilespmem:s28], [sflag:$0x9], $0x80, s0, s26, $0xb8;
	[tilespmem:$0x1F080] =	vst v63  }
0x2e: {  	_ =	swait.ge @!p0 [sflag:s2], $0x1400  }
0x2f: {  	[sflag:s2] =	ssyncset.done @!p0 $0x0  }
0x30: {  	[sflag:s2] =	ssyncadd.s32 @!p0 $0xFFFFEC00  }
.LBB2_5:
0x31: {  	[bflag:$0x0] =	sbarrier.arrive $0xFFFF  }
0x32: {  	s0 =	rddreg [dreg:$0x9]  }
0x33: {  	[hbm:s0], [sflag:s12] =	dma.local [spmem:s13], $0x2800  }
0x34: {  	_ =	swait.ge [sflag:s11], $0x2800  }
0x35: {  	s15 =	sadd.s32 $0x1, s15;
	s31 =	rddreg [dreg:$0xa]  }
0x36: {  	p0 =	sne.s32 s15, s31  }
.Ltmp1:
0x37: {  	_ = 	snop;
	(pc) =	sbr.rel @!p0 .LBB2_6-.Ltmp1, $3  }
0x38: {  	_ =	sdelay $0x1  }
0x39: {  	[sflag:s11] =	ssyncset.done $0x0  }
0x3a: {  	[sflag:s11] =	ssyncadd.s32 $0xFFFFD800  }
.LBB2_1:
0x3b: {  	s0 =	rddreg [dreg:$0x8];
	s2 =	simm.s32 $0x1000  }
0x3c: {  	[tilespmem:s2], [sflag:$0x9] =	stream.linear.gather [hbm4b:s0+s3], $0x80, $0x38;
	[tilespmem:$0x1F080] =	vst v63  }
0x3d: {  	_ =	swait.ge [sflag:s11], $0x80  }
0x3e: {  	[sflag:s11] =	ssyncset.done $0x0  }
0x3f: {  	s29 =	rddreg [dreg:$0x7];
	[sflag:s11] =	ssyncadd.s32 $0xFFFFFF80  }
0x40: {  	[spmem:s13], [sflag:s12] =	dma.local [hbm:s29], $0x2800  }
0x41: {  	_ =	swait.ge [sflag:s11], $0x2800  }
0x42: {  	[sflag:s11] =	ssyncset.done $0x0  }
0x43: {  	[sflag:s11] =	ssyncadd.s32 $0xFFFFD800  }
0x44: {  	[bflag:$0x0] =	sbarrier.arrive $0xFFFF  }
0x45: {  	v0 =	vld [tilespmem:$0x1000];
	_ =	sdelay $0x4  }
0x46: {  	v0 =	vxor.u32 $0x80000000, v0  }
0x47: {  	(xrf0) =	vmax.scan.msk.u32 $0xffff, v0;
	_ =	sdelay $0x5  }
0x48: {  	v0, _, _ =	vpop (xrf0)  }
0x49: {  	(v2sf) =	vpush v0, $0xF;
	_ =	sdelay $0xe  }
0x4a: {  	s0 =	spop (v2sf)  }
0x4b: {  	s30 =	sadd.s32 $0x8000000F, s0  }
0x4c: {  	s5 =	sand.u32 $0xF, s30  }
0x4d: {  	s31 =	sshra.s32 s30, $0x1F;
	p1 =	slt.s32 s30, $0x1;
	p0 =	sne.s32 s5, $0x0  }
0x4e: {  	s5 =	sshrl.u32 s31, $0x1C;
	p0 =	por !p1, !p0  }
0x4f: {  	s2 =	sadd.s32 s5, s30;
	s5 =	simm.s32 $0x1;
	p0 =	por !p0, !p0  }
0x50: {  	s2 =	sshra.s32 s2, $0x4;
	s5 =	simm.s32 @!p0 $0x0  }
0x51: {  	s17 =	ssub.s32 s2, s5  }
0x52: {  	p0 =	slt.s32 s17, $0x1  }
.Ltmp2:
0x53: {  	_ = 	snop;
	(pc) =	sbr.rel @p0 .LBB2_5-.Ltmp2, $1  }
0x54: {  	_ =	sdelay $0x3  }
0x55: {  	s2 =	rddreg [dreg:$0x4]  }
0x56: {  	s8 =	rddreg [dreg:$0xb];
	s16 =	sxor.u32 $0x80000000, s0  }
0x57: {  	s5 =	sshrl.u32 s8, $0x3;
	p5 =	sle.s32 s16, $0x1;
	p6 =	sle.s32 s16, $0x2  }
0x58: {  	p1 =	sle.s32 s16, $0x3;
	p2 =	sle.s32 s16, $0x0;
	s2 =	sadd.s32 s2, s5  }
0x59: {  	[tilespmem:s3], [sflag:$0xA] =	stream.linear.gather [hbm4b:s2+s3], $0x800, $0x38;
	[tilespmem:$0x1F080] =	vst v63  }
0x5a: {  	p3 =	sle.s32 s16, $0x4;
	p4 =	sle.s32 s16, $0x5;
	_ =	swait.ge [sflag:s14], $0x800  }
0x5b: {  	p0 =	sle.s32 s16, $0x6;
	s24 =	rddreg [dreg:$0x5];
	[sflag:s14] =	ssyncset.done $0x0  }
0x5c: {  	s25 =	rddreg [dreg:$0x6];
	[sflag:s14] =	ssyncadd.s32 $0xFFFFF800;
	s0 =	sadd.s32 s24, s5  }
0x5d: {  	[tilespmem:s25], [sflag:$0xA] =	stream.linear.gather [hbm4b:s0+s3], $0x800, $0x38;
	[tilespmem:$0x1F080] =	vst v63  }
0x5e: {  	s10 =	simm.s32 @!p5 $0x2480;
	s7 =	simm.s32 @!p6 $0x3880;
	_ =	swait.ge [sflag:s14], $0x800  }
0x5f: {  	s6 =	simm.s32 @!p2 $0x1080;
	s18 =	simm.s32 @!p5 $0x28;
	[sflag:s14] =	ssyncset.done $0x0  }
0x60: {  	s2 =	simm.s32 @!p2 $0x28;
	s5 =	simm.s32 @!p2 $0x0;
	[sflag:s14] =	ssyncadd.s32 $0xFFFFF800  }
0x61: {  	[tilespmem:s6], [sflag:$0x1] =	stream.indirect.gather @!p2 [hbm4b:s4+s2], $0x80, s5, s2, $0xb8;
	[tilespmem:$0x1F080] =	vst v63  }
0x62: {  	s28 =	simm.s32 @!p6 $0x28;
	s26 =	simm.s32 @!p1 $0x4C80;
	s0 =	simm.s32 @!p5 $0x80  }
0x63: {  	[tilespmem:s10], [sflag:$0x2] =	stream.indirect.gather @!p5 [hbm4b:s4+s18], $0x80, s0, s18, $0xb8;
	[tilespmem:$0x1F080] =	vst v63  }
0x64: {  	s20 =	simm.s32 @!p3 $0x6080;
	s5 =	simm.s32 @!p4 $0x0;
	s0 =	simm.s32 @!p6 $0x100  }
0x65: {  	[tilespmem:s7], [sflag:$0x3] =	stream.indirect.gather @!p6 [hbm4b:s4+s28], $0x80, s0, s28, $0xb8;
	[tilespmem:$0x1F080] =	vst v63  }
0x66: {  	s25 =	simm.s32 @!p1 $0x28;
	s5 =	simm.s32 @p4 $0x1;
	s0 =	simm.s32 @!p1 $0x180  }
0x67: {  	[tilespmem:s26], [sflag:$0x4] =	stream.indirect.gather @!p1 [hbm4b:s4+s25], $0x80, s0, s25, $0xb8;
	[tilespmem:$0x1F080] =	vst v63  }
0x68: {  	s21 =	simm.s32 @!p3 $0x28;
	[smem:$0x7F9] =	sst s5;
	s5 =	simm.s32 @!p3 $0x200  }
0x69: {  	[tilespmem:s20], [sflag:$0x5] =	stream.indirect.gather @!p3 [hbm4b:s4+s21], $0x80, s5, s21, $0xb8;
	[tilespmem:$0x1F080] =	vst v63  }
0x6a: {  	s22 =	simm.s32 @!p4 $0x28;
	s23 =	simm.s32 @!p4 $0x7480;
	s0 =	simm.s32 @!p4 $0x280  }
0x6b: {  	[tilespmem:s23], [sflag:$0x6] =	stream.indirect.gather @!p4 [hbm4b:s4+s22], $0x80, s0, s22, $0xb8;
	[tilespmem:$0x1F080] =	vst v63  }
0x6c: {  	s0 =	simm.s32 @!p0 $0x0  }
0x6d: {  	s0 =	simm.s32 @p0 $0x1  }
0x6e: {  	[smem:$0x7FA] =	sst s0  }
0x6f: {  	p4 =	sle.s32 s16, $0x7;
	s9 =	sld [smem:$0x7FA]  }
0x70: {  	s19 =	simm.s32 @!p0 $0x8880;
	s24 =	simm.s32 @!p0 $0x28;
	s0 =	simm.s32 @!p4 $0x0  }
0x71: {  	s5 =	simm.s32 @!p0 $0x300;
	p0 =	por p4, p4;
	s0 =	simm.s32 @p4 $0x1  }
0x72: {  	[smem:$0x7FB] =	sst s0;
	s0 =	simm.s32 @!p4 $0x28;
	p4 =	seq.s32 s9, $0x1  }
0x73: {  	[tilespmem:s19], [sflag:$0x7] =	stream.indirect.gather @!p4 [hbm4b:s4+s24], $0x80, s5, s24, $0xb8;
	[tilespmem:$0x1F080] =	vst v63  }
0x74: {  	s30 =	simm.s32 @!p2 $0x1;
	s29 =	simm.s32 @!p0 $0x380;
	s5 =	simm.s32 @!p0 $0x9C80  }
0x75: {  	[tilespmem:s5], [sflag:$0x8] =	stream.indirect.gather @!p0 [hbm4b:s4+s0], $0x80, s29, s0, $0xb8;
	[tilespmem:$0x1F080] =	vst v63  }
0x76: {  	_ =	swait.ge @!p2 [sflag:s30], $0x1400  }
0x77: {  	[sflag:s30] =	ssyncset.done @!p2 $0x0  }
0x78: {  	s31 =	simm.s32 @!p2 $0x800;
	s29 =	simm.s32 @!p2 $0xA;
	[sflag:s30] =	ssyncadd.s32 @!p2 $0xFFFFEC00  }
0x79: {  	[spmem:s1] =	stream.indirect.scatter.add.f32 @!p2 [tilespmem:s6], [sflag:$0xA], $0x80, s31, s2, $0xb8;
	[tilespmem:$0x1F080] =	vst v63  }
0x7a: {  	_ =	swait.ge @!p2 [sflag:s29], $0x1400  }
0x7b: {  	[sflag:s29] =	ssyncset.done @!p2 $0x0  }
0x7c: {  	[sflag:s29] =	ssyncadd.s32 @!p2 $0xFFFFEC00;
	s29 =	simm.s32 @!p5 $0x2;
	p2 =	sle.s32 s16, $0x8  }
0x7d: {  	s2 =	simm.s32 @!p2 $0x28;
	s6 =	simm.s32 @!p2 $0x1080;
	s30 =	simm.s32 @!p2 $0x400  }
0x7e: {  	[tilespmem:s6], [sflag:$0x1] =	stream.indirect.gather @!p2 [hbm4b:s4+s2], $0x80, s30, s2, $0xb8;
	[tilespmem:$0x1F080] =	vst v63  }
0x7f: {  	_ =	swait.ge @!p5 [sflag:s29], $0x1400  }
0x80: {  	[sflag:s29] =	ssyncset.done @!p5 $0x0  }
0x81: {  	s31 =	simm.s32 @!p5 $0x880;
	s30 =	simm.s32 @!p5 $0xA;
	[sflag:s29] =	ssyncadd.s32 @!p5 $0xFFFFEC00  }
0x82: {  	[spmem:s1] =	stream.indirect.scatter.add.f32 @!p5 [tilespmem:s10], [sflag:$0xA], $0x80, s31, s18, $0xb8;
	[tilespmem:$0x1F080] =	vst v63  }
0x83: {  	_ =	swait.ge @!p5 [sflag:s30], $0x1400  }
0x84: {  	[sflag:s30] =	ssyncset.done @!p5 $0x0  }
0x85: {  	s29 =	simm.s32 @!p6 $0x3;
	[sflag:s30] =	ssyncadd.s32 @!p5 $0xFFFFEC00;
	p5 =	sle.s32 s16, $0x9  }
0x86: {  	s10 =	simm.s32 @!p5 $0x28;
	s18 =	simm.s32 @!p5 $0x2480;
	s30 =	simm.s32 @!p5 $0x480  }
0x87: {  	[tilespmem:s18], [sflag:$0x2] =	stream.indirect.gather @!p5 [hbm4b:s4+s10], $0x80, s30, s10, $0xb8;
	[tilespmem:$0x1F080] =	vst v63  }
0x88: {  	_ =	swait.ge @!p6 [sflag:s29], $0x1400  }
0x89: {  	[sflag:s29] =	ssyncset.done @!p6 $0x0  }
0x8a: {  	s31 =	simm.s32 @!p6 $0x900;
	s30 =	simm.s32 @!p6 $0xA;
	[sflag:s29] =	ssyncadd.s32 @!p6 $0xFFFFEC00  }
0x8b: {  	[spmem:s1] =	stream.indirect.scatter.add.f32 @!p6 [tilespmem:s7], [sflag:$0xA], $0x80, s31, s28, $0xb8;
	[tilespmem:$0x1F080] =	vst v63  }
0x8c: {  	_ =	swait.ge @!p6 [sflag:s30], $0x1400  }
0x8d: {  	[sflag:s30] =	ssyncset.done @!p6 $0x0  }
0x8e: {  	s7 =	simm.s32 @!p1 $0x4;
	[sflag:s30] =	ssyncadd.s32 @!p6 $0xFFFFEC00;
	p6 =	sle.s32 s16, $0xA  }
0x8f: {  	s29 =	simm.s32 @!p6 $0x28;
	s30 =	simm.s32 @!p6 $0x3880;
	s28 =	simm.s32 @!p6 $0x500  }
0x90: {  	[tilespmem:s30], [sflag:$0x3] =	stream.indirect.gather @!p6 [hbm4b:s4+s29], $0x80, s28, s29, $0xb8;
	[tilespmem:$0x1F080] =	vst v63  }
0x91: {  	_ =	swait.ge @!p1 [sflag:s7], $0x1400  }
0x92: {  	p0 =	sle.s32 s16, $0xB;
	s31 =	simm.s32 @!p1 $0x980;
	[sflag:s7] =	ssyncset.done @!p1 $0x0  }
0x93: {  	s28 =	simm.s32 @!p1 $0xA;
	[sflag:s7] =	ssyncadd.s32 @!p1 $0xFFFFEC00;
	s7 =	simm.s32 @!p0 $0x0  }
0x94: {  	[spmem:s1] =	stream.indirect.scatter.add.f32 @!p1 [tilespmem:s26], [sflag:$0xA], $0x80, s31, s25, $0xb8;
	[tilespmem:$0x1F080] =	vst v63  }
0x95: {  	s7 =	simm.s32 @p0 $0x1;
	s31 =	simm.s32 @!p0 $0x4C80;
	_ =	swait.ge @!p1 [sflag:s28], $0x1400  }
0x96: {  	s25 =	simm.s32 @!p3 $0x5;
	s26 =	simm.s32 @!p0 $0x580;
	[sflag:s28] =	ssyncset.done @!p1 $0x0  }
0x97: {  	[smem:$0x7FC] =	sst s7;
	s7 =	simm.s32 @!p0 $0x28;
	[sflag:s28] =	ssyncadd.s32 @!p1 $0xFFFFEC00  }
0x98: {  	[tilespmem:s31], [sflag:$0x4] =	stream.indirect.gather @!p0 [hbm4b:s4+s7], $0x80, s26, s7, $0xb8;
	[tilespmem:$0x1F080] =	vst v63  }
0x99: {  	_ =	swait.ge @!p3 [sflag:s25], $0x1400  }
0x9a: {  	s28 =	simm.s32 @!p3 $0xA;
	[sflag:s25] =	ssyncset.done @!p3 $0x0  }
0x9b: {  	p1 =	sle.s32 s16, $0xC;
	s26 =	simm.s32 @!p3 $0xA00;
	[sflag:s25] =	ssyncadd.s32 @!p3 $0xFFFFEC00  }
0x9c: {  	[spmem:s1] =	stream.indirect.scatter.add.f32 @!p3 [tilespmem:s20], [sflag:$0xA], $0x80, s26, s21, $0xb8;
	[tilespmem:$0x1F080] =	vst v63  }
0x9d: {  	s9 =	simm.s32 @!p1 $0x0;
	_ =	swait.ge @!p3 [sflag:s28], $0x1400  }
0x9e: {  	s25 =	simm.s32 @!p1 $0x600;
	[sflag:s28] =	ssyncset.done @!p3 $0x0;
	s26 =	sld [smem:$0x7F9]  }
0x9f: {  	s20 =	simm.s32 @!p1 $0x28;
	s21 =	simm.s32 @!p1 $0x6080;
	[sflag:s28] =	ssyncadd.s32 @!p3 $0xFFFFEC00  }
0xa0: {  	[tilespmem:s21], [sflag:$0x5] =	stream.indirect.gather @!p1 [hbm4b:s4+s20], $0x80, s25, s20, $0xb8;
	[tilespmem:$0x1F080] =	vst v63  }
0xa1: {  	s9 =	simm.s32 @p1 $0x1;
	p0 =	seq.s32 s26, $0x1  }
0xa2: {  	[smem:$0x7FD] =	sst s9;
	s26 =	simm.s32 @!p0 $0x6  }
0xa3: {  	_ =	swait.ge @!p0 [sflag:s26], $0x1400  }
0xa4: {  	[sflag:s26] =	ssyncset.done @!p0 $0x0  }
0xa5: {  	s25 =	simm.s32 @!p0 $0xA80;
	[sflag:s26] =	ssyncadd.s32 @!p0 $0xFFFFEC00;
	s26 =	simm.s32 @!p0 $0xA  }
0xa6: {  	[spmem:s1] =	stream.indirect.scatter.add.f32 @!p0 [tilespmem:s23], [sflag:$0xA], $0x80, s25, s22, $0xb8;
	[tilespmem:$0x1F080] =	vst v63  }
0xa7: {  	_ =	swait.ge @!p0 [sflag:s26], $0x1400  }
0xa8: {  	[sflag:s26] =	ssyncset.done @!p0 $0x0  }
0xa9: {  	p3 =	sle.s32 s16, $0xD;
	[sflag:s26] =	ssyncadd.s32 @!p0 $0xFFFFEC00;
	s26 =	sld [smem:$0x7FA]  }
0xaa: {  	s22 =	simm.s32 @!p3 $0x28;
	s23 =	simm.s32 @!p3 $0x7480;
	s25 =	simm.s32 @!p3 $0x680  }
0xab: {  	[tilespmem:s23], [sflag:$0x6] =	stream.indirect.gather @!p3 [hbm4b:s4+s22], $0x80, s25, s22, $0xb8;
	[tilespmem:$0x1F080] =	vst v63  }
0xac: {  	p0 =	seq.s32 s26, $0x1  }
0xad: {  	s26 =	simm.s32 @!p0 $0x7  }
0xae: {  	_ =	swait.ge @!p0 [sflag:s26], $0x1400  }
0xaf: {  	[sflag:s26] =	ssyncset.done @!p0 $0x0  }
0xb0: {  	s25 =	simm.s32 @!p0 $0xB00;
	[sflag:s26] =	ssyncadd.s32 @!p0 $0xFFFFEC00;
	s26 =	simm.s32 @!p0 $0xA  }
0xb1: {  	[spmem:s1] =	stream.indirect.scatter.add.f32 @!p0 [tilespmem:s19], [sflag:$0xA], $0x80, s25, s24, $0xb8;
	[tilespmem:$0x1F080] =	vst v63  }
0xb2: {  	_ =	swait.ge @!p0 [sflag:s26], $0x1400  }
0xb3: {  	[sflag:s26] =	ssyncset.done @!p0 $0x0  }
0xb4: {  	p4 =	sle.s32 s16, $0xE;
	[sflag:s26] =	ssyncadd.s32 @!p0 $0xFFFFEC00;
	s26 =	sld [smem:$0x7FB]  }
0xb5: {  	s24 =	simm.s32 @!p4 $0x28;
	s25 =	simm.s32 @!p4 $0x8880;
	s19 =	simm.s32 @!p4 $0x700  }
0xb6: {  	[tilespmem:s25], [sflag:$0x7] =	stream.indirect.gather @!p4 [hbm4b:s4+s24], $0x80, s19, s24, $0xb8;
	[tilespmem:$0x1F080] =	vst v63  }
0xb7: {  	p1 =	seq.s32 s26, $0x1  }
0xb8: {  	s26 =	simm.s32 @!p1 $0x8  }
0xb9: {  	_ =	swait.ge @!p1 [sflag:s26], $0x1400  }
0xba: {  	[sflag:s26] =	ssyncset.done @!p1 $0x0  }
0xbb: {  	s19 =	simm.s32 @!p1 $0xB80;
	[sflag:s26] =	ssyncadd.s32 @!p1 $0xFFFFEC00;
	s26 =	simm.s32 @!p1 $0xA  }
0xbc: {  	[spmem:s1] =	stream.indirect.scatter.add.f32 @!p1 [tilespmem:s5], [sflag:$0xA], $0x80, s19, s0, $0xb8;
	[tilespmem:$0x1F080] =	vst v63  }
0xbd: {  	p0 =	sle.s32 s16, $0xF;
	_ =	swait.ge @!p1 [sflag:s26], $0x1400  }
0xbe: {  	s28 =	simm.s32 @!p0 $0x9C80;
	s0 =	simm.s32 @!p0 $0x780;
	[sflag:s26] =	ssyncset.done @!p1 $0x0  }
0xbf: {  	s5 =	simm.s32 @!p2 $0x1;
	[sflag:s26] =	ssyncadd.s32 @!p1 $0xFFFFEC00;
	s26 =	simm.s32 @!p0 $0x28  }
0xc0: {  	[tilespmem:s28], [sflag:$0x8] =	stream.indirect.gather @!p0 [hbm4b:s4+s26], $0x80, s0, s26, $0xb8;
	[tilespmem:$0x1F080] =	vst v63  }
0xc1: {  	_ =	swait.ge @!p2 [sflag:s5], $0x1400  }
0xc2: {  	[sflag:s5] =	ssyncset.done @!p2 $0x0  }
0xc3: {  	s0 =	simm.s32 @!p2 $0xC00;
	[sflag:s5] =	ssyncadd.s32 @!p2 $0xFFFFEC00;
	s5 =	simm.s32 @!p2 $0xA  }
0xc4: {  	[spmem:s1] =	stream.indirect.scatter.add.f32 @!p2 [tilespmem:s6], [sflag:$0xA], $0x80, s0, s2, $0xb8;
	[tilespmem:$0x1F080] =	vst v63  }
0xc5: {  	_ =	swait.ge @!p2 [sflag:s5], $0x1400  }
0xc6: {  	[sflag:s5] =	ssyncset.done @!p2 $0x0  }
0xc7: {  	s0 =	simm.s32 @!p5 $0x2;
	[sflag:s5] =	ssyncadd.s32 @!p2 $0xFFFFEC00  }
0xc8: {  	s9 =	sld [smem:$0x7FC];
	_ =	swait.ge @!p5 [sflag:s0], $0x1400  }
0xc9: {  	[sflag:s0] =	ssyncset.done @!p5 $0x0  }
0xca: {  	s2 =	simm.s32 @!p5 $0xC80;
	[sflag:s0] =	ssyncadd.s32 @!p5 $0xFFFFEC00;
	s0 =	simm.s32 @!p5 $0xA  }
0xcb: {  	[spmem:s1] =	stream.indirect.scatter.add.f32 @!p5 [tilespmem:s18], [sflag:$0xA], $0x80, s2, s10, $0xb8;
	[tilespmem:$0x1F080] =	vst v63  }
0xcc: {  	_ =	swait.ge @!p5 [sflag:s0], $0x1400  }
0xcd: {  	[sflag:s0] =	ssyncset.done @!p5 $0x0  }
0xce: {  	[sflag:s0] =	ssyncadd.s32 @!p5 $0xFFFFEC00;
	s0 =	simm.s32 @!p6 $0x3  }
0xcf: {  	s19 =	sld [smem:$0x7FD];
	_ =	swait.ge @!p6 [sflag:s0], $0x1400  }
0xd0: {  	[sflag:s0] =	ssyncset.done @!p6 $0x0  }
0xd1: {  	s2 =	simm.s32 @!p6 $0xD00;
	[sflag:s0] =	ssyncadd.s32 @!p6 $0xFFFFEC00;
	s0 =	simm.s32 @!p6 $0xA  }
0xd2: {  	[spmem:s1] =	stream.indirect.scatter.add.f32 @!p6 [tilespmem:s30], [sflag:$0xA], $0x80, s2, s29, $0xb8;
	[tilespmem:$0x1F080] =	vst v63  }
0xd3: {  	_ =	swait.ge @!p6 [sflag:s0], $0x1400  }
0xd4: {  	p2 =	seq.s32 s9, $0x1;
	[sflag:s0] =	ssyncset.done @!p6 $0x0  }
0xd5: {  	s17 =	sadd.s32 $0xFFFFFFFF, s17;
	s2 =	simm.s32 @!p2 $0x4;
	[sflag:s0] =	ssyncadd.s32 @!p6 $0xFFFFEC00  }
0xd6: {  	p1 =	sne.s32 s17, $0x0;
	_ =	swait.ge @!p2 [sflag:s2], $0x1400  }
.Ltmp3:
0xd7: {  	[sflag:s2] =	ssyncset.done @!p2 $0x0;
	(pc) =	sbr.rel @!p1 .LBB2_4-.Ltmp3, $4  }
0xd8: {  	s0 =	simm.s32 @!p2 $0xD80;
	[sflag:s2] =	ssyncadd.s32 @!p2 $0xFFFFEC00;
	s2 =	simm.s32 @!p2 $0xA  }
0xd9: {  	[spmem:s1] =	stream.indirect.scatter.add.f32 @!p2 [tilespmem:s31], [sflag:$0xA], $0x80, s0, s7, $0xb8;
	[tilespmem:$0x1F080] =	vst v63  }
0xda: {  	s18 =	simm.s32 $0x1F;
	p5 =	seq.s32 s19, $0x1;
	_ =	swait.ge @!p2 [sflag:s2], $0x1400  }
0xdb: {  	s19 =	smov.u32 s8;
	s0 =	simm.s32 @!p5 $0x5;
	[sflag:s2] =	ssyncset.done @!p2 $0x0  }
.LBB2_3:
0xdc: {  	s17 =	sadd.s32 $0xFFFFFFFF, s17  }
0xdd: {  	p1 =	sne.s32 s17, $0x0  }
0xde: {  	[sflag:s2] =	ssyncadd.s32 @!p2 $0xFFFFEC00;
	s2 =	simm.s32 @!p1 $0x0  }
0xdf: {  	s2 =	simm.s32 @p1 $0x1  }
0xe0: {  	[smem:$0x7F8] =	sst s2  }
0xe1: {  	_ =	swait.ge @!p5 [sflag:s0], $0x1400  }
0xe2: {  	[sflag:s0] =	ssyncset.done @!p5 $0x0  }
0xe3: {  	s2 =	simm.s32 @!p5 $0xE00;
	[sflag:s0] =	ssyncadd.s32 @!p5 $0xFFFFEC00;
	s0 =	simm.s32 @!p5 $0xA  }
0xe4: {  	[spmem:s1] =	stream.indirect.scatter.add.f32 @!p5 [tilespmem:s21], [sflag:$0xA], $0x80, s2, s20, $0xb8;
	[tilespmem:$0x1F080] =	vst v63  }
0xe5: {  	_ =	swait.ge @!p5 [sflag:s0], $0x1400  }
0xe6: {  	[sflag:s0] =	ssyncset.done @!p5 $0x0  }
0xe7: {  	s2 =	simm.s32 @!p3 $0x6;
	[sflag:s0] =	ssyncadd.s32 @!p5 $0xFFFFEC00  }
0xe8: {  	_ =	swait.ge @!p3 [sflag:s2], $0x1400  }
0xe9: {  	[sflag:s2] =	ssyncset.done @!p3 $0x0  }
0xea: {  	s0 =	simm.s32 @!p3 $0xE80;
	[sflag:s2] =	ssyncadd.s32 @!p3 $0xFFFFEC00;
	s2 =	simm.s32 @!p3 $0xA  }
0xeb: {  	[spmem:s1] =	stream.indirect.scatter.add.f32 @!p3 [tilespmem:s23], [sflag:$0xA], $0x80, s0, s22, $0xb8;
	[tilespmem:$0x1F080] =	vst v63  }
0xec: {  	_ =	swait.ge @!p3 [sflag:s2], $0x1400  }
0xed: {  	[sflag:s2] =	ssyncset.done @!p3 $0x0  }
0xee: {  	s19 =	sadd.s32 $0x800, s19;
	s0 =	simm.s32 @!p4 $0x7;
	[sflag:s2] =	ssyncadd.s32 @!p3 $0xFFFFEC00  }
0xef: {  	s5 =	sadd.s32 $0xFFFFFFF1, s18;
	s10 =	sadd.s32 $0xFFFFFFF4, s18;
	_ =	swait.ge @!p4 [sflag:s0], $0x1400  }
0xf0: {  	s31 =	sadd.s32 $0xFFFFFFF6, s18;
	s8 =	sadd.s32 $0xFFFFFFF7, s18;
	[sflag:s0] =	ssyncset.done @!p4 $0x0  }
0xf1: {  	s2 =	simm.s32 @!p4 $0xF00;
	[sflag:s0] =	ssyncadd.s32 @!p4 $0xFFFFEC00;
	s0 =	simm.s32 @!p4 $0xA  }
0xf2: {  	[spmem:s1] =	stream.indirect.scatter.add.f32 @!p4 [tilespmem:s25], [sflag:$0xA], $0x80, s2, s24, $0xb8;
	[tilespmem:$0x1F080] =	vst v63  }
0xf3: {  	s9 =	sadd.s32 $0xFFFFFFF8, s18;
	s7 =	sshrl.u32 s19, $0x3;
	_ =	swait.ge @!p4 [sflag:s0], $0x1400  }
0xf4: {  	p1 =	sge.s32 s31, s16;
	s21 =	sadd.s32 $0xFFFFFFF2, s18;
	[sflag:s0] =	ssyncset.done @!p4 $0x0  }
0xf5: {  	p2 =	sge.s32 s21, s16;
	s2 =	simm.s32 @!p0 $0x8;
	[sflag:s0] =	ssyncadd.s32 @!p4 $0xFFFFEC00  }
0xf6: {  	s21 =	simm.s32 @!p2 $0x80;
	p5 =	sge.s32 s5, s16;
	_ =	swait.ge @!p0 [sflag:s2], $0x1400  }
0xf7: {  	s29 =	simm.s32 @!p5 $0x28;
	s5 =	simm.s32 @!p5 $0x0;
	[sflag:s2] =	ssyncset.done @!p0 $0x0  }
0xf8: {  	s0 =	simm.s32 @!p0 $0xF80;
	[sflag:s2] =	ssyncadd.s32 @!p0 $0xFFFFEC00;
	s2 =	simm.s32 @!p0 $0x9  }
0xf9: {  	[spmem:s1] =	stream.indirect.scatter.add.f32 @!p0 [tilespmem:s28], [sflag:$0x9], $0x80, s0, s26, $0xb8;
	[tilespmem:$0x1F080] =	vst v63  }
0xfa: {  	s30 =	simm.s32 @!p5 $0x1080;
	s22 =	sadd.s32 $0xFFFFFFF3, s18;
	_ =	swait.ge @!p0 [sflag:s2], $0x1400  }
0xfb: {  	p3 =	sge.s32 s22, s16;
	s6 =	rddreg [dreg:$0x4];
	[sflag:s2] =	ssyncset.done @!p0 $0x0  }
0xfc: {  	s22 =	simm.s32 @!p1 $0x28;
	[sflag:s2] =	ssyncadd.s32 @!p0 $0xFFFFEC00;
	s23 =	sadd.s32 s6, s7  }
0xfd: {  	[tilespmem:s3], [sflag:$0xA] =	stream.linear.gather [hbm4b:s23+s3], $0x800, $0x38;
	[tilespmem:$0x1F080] =	vst v63  }
0xfe: {  	p4 =	sge.s32 s10, s16;
	s10 =	simm.s32 @!p3 $0x28;
	_ =	swait.ge [sflag:s14], $0x800  }
0xff: {  	s26 =	sadd.s32 $0xFFFFFFF5, s18;
	s24 =	rddreg [dreg:$0x5];
	[sflag:s14] =	ssyncset.done $0x0  }
0x100: {  	s25 =	rddreg [dreg:$0x6];
	[sflag:s14] =	ssyncadd.s32 $0xFFFFF800;
	s6 =	sadd.s32 s24, s7  }
0x101: {  	[tilespmem:s25], [sflag:$0xA] =	stream.linear.gather [hbm4b:s6+s3], $0x800, $0x38;
	[tilespmem:$0x1F080] =	vst v63  }
0x102: {  	s0 =	simm.s32 @!p2 $0x2480;
	p6 =	sge.s32 s26, s16;
	_ =	swait.ge [sflag:s14], $0x800  }
0x103: {  	s20 =	simm.s32 @!p6 $0x6080;
	s2 =	simm.s32 @!p3 $0x3880;
	[sflag:s14] =	ssyncset.done $0x0  }
0x104: {  	p0 =	sge.s32 s8, s16;
	s23 =	simm.s32 @!p4 $0x180;
	[sflag:s14] =	ssyncadd.s32 $0xFFFFF800  }
0x105: {  	[tilespmem:s30], [sflag:$0x1] =	stream.indirect.gather @!p5 [hbm4b:s4+s29], $0x80, s5, s29, $0xb8;
	[tilespmem:$0x1F080] =	vst v63  }
0x106: {  	s31 =	simm.s32 @!p0 $0x300;
	s7 =	simm.s32 @!p2 $0x28;
	s6 =	simm.s32 @!p1 $0x0  }
0x107: {  	[tilespmem:s0], [sflag:$0x2] =	stream.indirect.gather @!p2 [hbm4b:s4+s7], $0x80, s21, s7, $0xb8;
	[tilespmem:$0x1F080] =	vst v63  }
0x108: {  	s8 =	simm.s32 @!p0 $0x0;
	s6 =	simm.s32 @p1 $0x1;
	s5 =	simm.s32 @!p3 $0x100  }
0x109: {  	[tilespmem:s2], [sflag:$0x3] =	stream.indirect.gather @!p3 [hbm4b:s4+s10], $0x80, s5, s10, $0xb8;
	[tilespmem:$0x1F080] =	vst v63  }
0x10a: {  	[smem:$0x7F4] =	sst s6;
	s6 =	simm.s32 @!p4 $0x4C80;
	s5 =	simm.s32 @!p4 $0x28  }
0x10b: {  	[tilespmem:s6], [sflag:$0x4] =	stream.indirect.gather @!p4 [hbm4b:s4+s5], $0x80, s23, s5, $0xb8;
	[tilespmem:$0x1F080] =	vst v63  }
0x10c: {  	s8 =	simm.s32 @p0 $0x1;
	s24 =	simm.s32 @!p6 $0x200;
	s21 =	simm.s32 @!p6 $0x28  }
0x10d: {  	[tilespmem:s20], [sflag:$0x5] =	stream.indirect.gather @!p6 [hbm4b:s4+s21], $0x80, s24, s21, $0xb8;
	[tilespmem:$0x1F080] =	vst v63  }
0x10e: {  	s25 =	simm.s32 @!p1 $0x280;
	s23 =	simm.s32 @!p1 $0x7480;
	s24 =	simm.s32 @!p0 $0x8880  }
0x10f: {  	[tilespmem:s23], [sflag:$0x6] =	stream.indirect.gather @!p1 [hbm4b:s4+s22], $0x80, s25, s22, $0xb8;
	[tilespmem:$0x1F080] =	vst v63  }
0x110: {  	s25 =	simm.s32 @!p0 $0x28;
	p1 =	por p0, p0;
	p0 =	sge.s32 s9, s16  }
0x111: {  	[smem:$0x7F5] =	sst s8;
	s8 =	simm.s32 @!p0 $0x0  }
0x112: {  	s26 =	simm.s32 @!p0 $0x28;
	s28 =	simm.s32 @!p0 $0x9C80;
	s8 =	simm.s32 @p0 $0x1  }
0x113: {  	[tilespmem:s24], [sflag:$0x7] =	stream.indirect.gather @!p1 [hbm4b:s4+s25], $0x80, s31, s25, $0xb8;
	[tilespmem:$0x1F080] =	vst v63  }
0x114: {  	s31 =	simm.s32 @!p5 $0x1;
	[smem:$0x7F6] =	sst s8;
	s8 =	simm.s32 @!p0 $0x380  }
0x115: {  	[tilespmem:s28], [sflag:$0x8] =	stream.indirect.gather @!p0 [hbm4b:s4+s26], $0x80, s8, s26, $0xb8;
	[tilespmem:$0x1F080] =	vst v63  }
0x116: {  	_ =	swait.ge @!p5 [sflag:s31], $0x1400  }
0x117: {  	[sflag:s31] =	ssyncset.done @!p5 $0x0  }
0x118: {  	s9 =	simm.s32 @!p5 $0x800;
	[sflag:s31] =	ssyncadd.s32 @!p5 $0xFFFFEC00;
	s31 =	sadd.s32 $0xFFFFFFF9, s18  }
0x119: {  	[spmem:s1] =	stream.indirect.scatter.add.f32 @!p5 [tilespmem:s30], [sflag:$0xA], $0x80, s9, s29, $0xb8;
	[tilespmem:$0x1F080] =	vst v63  }
0x11a: {  	p0 =	sge.s32 s31, s16  }
0x11b: {  	s8 =	simm.s32 @!p5 $0xA;
	s9 =	simm.s32 @!p0 $0x0  }
0x11c: {  	_ =	swait.ge @!p5 [sflag:s8], $0x1400;
	s29 =	simm.s32 @!p0 $0x28;
	s9 =	simm.s32 @p0 $0x1  }
0x11d: {  	s30 =	simm.s32 @!p0 $0x1080;
	[sflag:s8] =	ssyncset.done @!p5 $0x0;
	[smem:$0x7F7] =	sst s9  }
0x11e: {  	s9 =	simm.s32 @!p2 $0x2;
	[sflag:s8] =	ssyncadd.s32 @!p5 $0xFFFFEC00;
	s8 =	simm.s32 @!p0 $0x400  }
0x11f: {  	[tilespmem:s30], [sflag:$0x1] =	stream.indirect.gather @!p0 [hbm4b:s4+s29], $0x80, s8, s29, $0xb8;
	[tilespmem:$0x1F080] =	vst v63  }
0x120: {  	_ =	swait.ge @!p2 [sflag:s9], $0x1400  }
0x121: {  	s31 =	simm.s32 @!p2 $0x880;
	[sflag:s9] =	ssyncset.done @!p2 $0x0  }
0x122: {  	s8 =	simm.s32 @!p2 $0xA;
	[sflag:s9] =	ssyncadd.s32 @!p2 $0xFFFFEC00;
	s9 =	sadd.s32 $0xFFFFFFFA, s18  }
0x123: {  	[spmem:s1] =	stream.indirect.scatter.add.f32 @!p2 [tilespmem:s0], [sflag:$0xA], $0x80, s31, s7, $0xb8;
	[tilespmem:$0x1F080] =	vst v63  }
0x124: {  	p5 =	sge.s32 s9, s16;
	_ =	swait.ge @!p2 [sflag:s8], $0x1400  }
0x125: {  	s7 =	simm.s32 @!p3 $0x3;
	s31 =	simm.s32 @!p5 $0x28;
	[sflag:s8] =	ssyncset.done @!p2 $0x0  }
0x126: {  	s0 =	simm.s32 @!p5 $0x2480;
	[sflag:s8] =	ssyncadd.s32 @!p2 $0xFFFFEC00;
	s8 =	simm.s32 @!p5 $0x480  }
0x127: {  	[tilespmem:s0], [sflag:$0x2] =	stream.indirect.gather @!p5 [hbm4b:s4+s31], $0x80, s8, s31, $0xb8;
	[tilespmem:$0x1F080] =	vst v63  }
0x128: {  	_ =	swait.ge @!p3 [sflag:s7], $0x1400  }
0x129: {  	s9 =	simm.s32 @!p3 $0x900;
	[sflag:s7] =	ssyncset.done @!p3 $0x0  }
0x12a: {  	s8 =	simm.s32 @!p3 $0xA;
	[sflag:s7] =	ssyncadd.s32 @!p3 $0xFFFFEC00;
	s7 =	sadd.s32 $0xFFFFFFFB, s18  }
0x12b: {  	[spmem:s1] =	stream.indirect.scatter.add.f32 @!p3 [tilespmem:s2], [sflag:$0xA], $0x80, s9, s10, $0xb8;
	[tilespmem:$0x1F080] =	vst v63  }
0x12c: {  	p2 =	sge.s32 s7, s16;
	_ =	swait.ge @!p3 [sflag:s8], $0x1400  }
0x12d: {  	s7 =	simm.s32 @!p4 $0x4;
	s2 =	simm.s32 @!p2 $0x28;
	[sflag:s8] =	ssyncset.done @!p3 $0x0  }
0x12e: {  	s10 =	simm.s32 @!p2 $0x3880;
	[sflag:s8] =	ssyncadd.s32 @!p3 $0xFFFFEC00;
	s8 =	simm.s32 @!p2 $0x500  }
0x12f: {  	[tilespmem:s10], [sflag:$0x3] =	stream.indirect.gather @!p2 [hbm4b:s4+s2], $0x80, s8, s2, $0xb8;
	[tilespmem:$0x1F080] =	vst v63  }
0x130: {  	_ =	swait.ge @!p4 [sflag:s7], $0x1400  }
0x131: {  	[sflag:s7] =	ssyncset.done @!p4 $0x0  }
0x132: {  	s9 =	simm.s32 @!p4 $0x980;
	[sflag:s7] =	ssyncadd.s32 @!p4 $0xFFFFEC00;
	s7 =	sadd.s32 $0xFFFFFFFC, s18  }
0x133: {  	[spmem:s1] =	stream.indirect.scatter.add.f32 @!p4 [tilespmem:s6], [sflag:$0xA], $0x80, s9, s5, $0xb8;
	[tilespmem:$0x1F080] =	vst v63  }
0x134: {  	p0 =	sge.s32 s7, s16  }
0x135: {  	s8 =	simm.s32 @!p4 $0xA;
	s5 =	simm.s32 @!p0 $0x0  }
0x136: {  	s7 =	simm.s32 @!p6 $0x5;
	_ =	swait.ge @!p4 [sflag:s8], $0x1400;
	s5 =	simm.s32 @p0 $0x1  }
0x137: {  	s6 =	simm.s32 @!p0 $0x28;
	[sflag:s8] =	ssyncset.done @!p4 $0x0;
	[smem:$0x7FC] =	sst s5  }
0x138: {  	s5 =	simm.s32 @!p0 $0x4C80;
	[sflag:s8] =	ssyncadd.s32 @!p4 $0xFFFFEC00;
	s8 =	simm.s32 @!p0 $0x580  }
0x139: {  	[tilespmem:s5], [sflag:$0x4] =	stream.indirect.gather @!p0 [hbm4b:s4+s6], $0x80, s8, s6, $0xb8;
	[tilespmem:$0x1F080] =	vst v63  }
0x13a: {  	_ =	swait.ge @!p6 [sflag:s7], $0x1400  }
0x13b: {  	[sflag:s7] =	ssyncset.done @!p6 $0x0  }
0x13c: {  	s9 =	simm.s32 @!p6 $0xA;
	s8 =	simm.s32 @!p6 $0xA00;
	[sflag:s7] =	ssyncadd.s32 @!p6 $0xFFFFEC00  }
0x13d: {  	[spmem:s1] =	stream.indirect.scatter.add.f32 @!p6 [tilespmem:s20], [sflag:$0xA], $0x80, s8, s21, $0xb8;
	[tilespmem:$0x1F080] =	vst v63  }
0x13e: {  	_ =	swait.ge @!p6 [sflag:s9], $0x1400  }
0x13f: {  	s7 =	sadd.s32 $0xFFFFFFFD, s18;
	[sflag:s9] =	ssyncset.done @!p6 $0x0  }
0x140: {  	p1 =	sge.s32 s7, s16;
	[sflag:s9] =	ssyncadd.s32 @!p6 $0xFFFFEC00;
	s9 =	sld [smem:$0x7F4]  }
0x141: {  	s20 =	simm.s32 @!p1 $0x28;
	s21 =	simm.s32 @!p1 $0x6080;
	s7 =	simm.s32 @!p1 $0x600  }
0x142: {  	[tilespmem:s21], [sflag:$0x5] =	stream.indirect.gather @!p1 [hbm4b:s4+s20], $0x80, s7, s20, $0xb8;
	[tilespmem:$0x1F080] =	vst v63  }
0x143: {  	p0 =	seq.s32 s9, $0x1  }
0x144: {  	s8 =	simm.s32 @!p0 $0x6  }
0x145: {  	_ =	swait.ge @!p0 [sflag:s8], $0x1400  }
0x146: {  	s9 =	sadd.s32 $0xFFFFFFFE, s18;
	[sflag:s8] =	ssyncset.done @!p0 $0x0  }
0x147: {  	s7 =	simm.s32 @!p0 $0xA80;
	[sflag:s8] =	ssyncadd.s32 @!p0 $0xFFFFEC00;
	s8 =	simm.s32 @!p0 $0xA  }
0x148: {  	[spmem:s1] =	stream.indirect.scatter.add.f32 @!p0 [tilespmem:s23], [sflag:$0xA], $0x80, s7, s22, $0xb8;
	[tilespmem:$0x1F080] =	vst v63  }
0x149: {  	p3 =	sge.s32 s9, s16;
	_ =	swait.ge @!p0 [sflag:s8], $0x1400  }
0x14a: {  	s22 =	simm.s32 @!p3 $0x28;
	[sflag:s8] =	ssyncset.done @!p0 $0x0;
	s9 =	sld [smem:$0x7F5]  }
0x14b: {  	s23 =	simm.s32 @!p3 $0x7480;
	s7 =	simm.s32 @!p3 $0x680;
	[sflag:s8] =	ssyncadd.s32 @!p0 $0xFFFFEC00  }
0x14c: {  	[tilespmem:s23], [sflag:$0x6] =	stream.indirect.gather @!p3 [hbm4b:s4+s22], $0x80, s7, s22, $0xb8;
	[tilespmem:$0x1F080] =	vst v63  }
0x14d: {  	p0 =	seq.s32 s9, $0x1  }
0x14e: {  	s8 =	simm.s32 @!p0 $0x7  }
0x14f: {  	_ =	swait.ge @!p0 [sflag:s8], $0x1400  }
0x150: {  	s9 =	sadd.s32 $0xFFFFFFFF, s18;
	[sflag:s8] =	ssyncset.done @!p0 $0x0  }
0x151: {  	s7 =	simm.s32 @!p0 $0xB00;
	[sflag:s8] =	ssyncadd.s32 @!p0 $0xFFFFEC00;
	s8 =	simm.s32 @!p0 $0xA  }
0x152: {  	[spmem:s1] =	stream.indirect.scatter.add.f32 @!p0 [tilespmem:s24], [sflag:$0xA], $0x80, s7, s25, $0xb8;
	[tilespmem:$0x1F080] =	vst v63  }
0x153: {  	p4 =	sge.s32 s9, s16;
	_ =	swait.ge @!p0 [sflag:s8], $0x1400  }
0x154: {  	s24 =	simm.s32 @!p4 $0x28;
	[sflag:s8] =	ssyncset.done @!p0 $0x0;
	s9 =	sld [smem:$0x7F6]  }
0x155: {  	s25 =	simm.s32 @!p4 $0x8880;
	s7 =	simm.s32 @!p4 $0x700;
	[sflag:s8] =	ssyncadd.s32 @!p0 $0xFFFFEC00  }
0x156: {  	[tilespmem:s25], [sflag:$0x7] =	stream.indirect.gather @!p4 [hbm4b:s4+s24], $0x80, s7, s24, $0xb8;
	[tilespmem:$0x1F080] =	vst v63  }
0x157: {  	p6 =	seq.s32 s9, $0x1  }
0x158: {  	s8 =	simm.s32 @!p6 $0x8  }
0x159: {  	_ =	swait.ge @!p6 [sflag:s8], $0x1400  }
0x15a: {  	[sflag:s8] =	ssyncset.done @!p6 $0x0  }
0x15b: {  	s7 =	simm.s32 @!p6 $0xB80;
	[sflag:s8] =	ssyncadd.s32 @!p6 $0xFFFFEC00;
	s8 =	simm.s32 @!p6 $0xA  }
0x15c: {  	[spmem:s1] =	stream.indirect.scatter.add.f32 @!p6 [tilespmem:s28], [sflag:$0xA], $0x80, s7, s26, $0xb8;
	[tilespmem:$0x1F080] =	vst v63  }
0x15d: {  	p0 =	sge.s32 s18, s16;
	_ =	swait.ge @!p6 [sflag:s8], $0x1400  }
0x15e: {  	s26 =	simm.s32 @!p0 $0x28;
	[sflag:s8] =	ssyncset.done @!p6 $0x0;
	s9 =	sld [smem:$0x7F7]  }
0x15f: {  	s28 =	simm.s32 @!p0 $0x9C80;
	s7 =	simm.s32 @!p0 $0x780;
	[sflag:s8] =	ssyncadd.s32 @!p6 $0xFFFFEC00  }
0x160: {  	[tilespmem:s28], [sflag:$0x8] =	stream.indirect.gather @!p0 [hbm4b:s4+s26], $0x80, s7, s26, $0xb8;
	[tilespmem:$0x1F080] =	vst v63  }
0x161: {  	p6 =	seq.s32 s9, $0x1  }
0x162: {  	s8 =	simm.s32 @!p6 $0x1  }
0x163: {  	_ =	swait.ge @!p6 [sflag:s8], $0x1400  }
0x164: {  	[sflag:s8] =	ssyncset.done @!p6 $0x0  }
0x165: {  	s7 =	simm.s32 @!p6 $0xC00;
	[sflag:s8] =	ssyncadd.s32 @!p6 $0xFFFFEC00;
	s8 =	simm.s32 @!p6 $0xA  }
0x166: {  	[spmem:s1] =	stream.indirect.scatter.add.f32 @!p6 [tilespmem:s30], [sflag:$0xA], $0x80, s7, s29, $0xb8;
	[tilespmem:$0x1F080] =	vst v63  }
0x167: {  	_ =	swait.ge @!p6 [sflag:s8], $0x1400  }
0x168: {  	[sflag:s8] =	ssyncset.done @!p6 $0x0  }
0x169: {  	s7 =	simm.s32 @!p5 $0x2;
	[sflag:s8] =	ssyncadd.s32 @!p6 $0xFFFFEC00  }
0x16a: {  	_ =	swait.ge @!p5 [sflag:s7], $0x1400  }
0x16b: {  	[sflag:s7] =	ssyncset.done @!p5 $0x0  }
0x16c: {  	s8 =	simm.s32 @!p5 $0xC80;
	[sflag:s7] =	ssyncadd.s32 @!p5 $0xFFFFEC00;
	s7 =	simm.s32 @!p5 $0xA  }
0x16d: {  	[spmem:s1] =	stream.indirect.scatter.add.f32 @!p5 [tilespmem:s0], [sflag:$0xA], $0x80, s8, s31, $0xb8;
	[tilespmem:$0x1F080] =	vst v63  }
0x16e: {  	_ =	swait.ge @!p5 [sflag:s7], $0x1400  }
0x16f: {  	[sflag:s7] =	ssyncset.done @!p5 $0x0  }
0x170: {  	s0 =	simm.s32 @!p2 $0x3;
	[sflag:s7] =	ssyncadd.s32 @!p5 $0xFFFFEC00  }
0x171: {  	_ =	swait.ge @!p2 [sflag:s0], $0x1400  }
0x172: {  	[sflag:s0] =	ssyncset.done @!p2 $0x0  }
0x173: {  	s7 =	simm.s32 @!p2 $0xD00;
	[sflag:s0] =	ssyncadd.s32 @!p2 $0xFFFFEC00;
	s0 =	simm.s32 @!p2 $0xA  }
0x174: {  	[spmem:s1] =	stream.indirect.scatter.add.f32 @!p2 [tilespmem:s10], [sflag:$0xA], $0x80, s7, s2, $0xb8;
	[tilespmem:$0x1F080] =	vst v63  }
0x175: {  	_ =	swait.ge @!p2 [sflag:s0], $0x1400  }
0x176: {  	s30 =	sld [smem:$0x7FC];
	_ =	sdelay $0x2  }
0x177: {  	p5 =	por p1, p1;
	[sflag:s0] =	ssyncset.done @!p2 $0x0;
	p1 =	seq.s32 s30, $0x1  }
0x178: {  	[sflag:s0] =	ssyncadd.s32 @!p2 $0xFFFFEC00;
	s2 =	simm.s32 @!p1 $0x4  }
0x179: {  	_ =	swait.ge @!p1 [sflag:s2], $0x1400  }
0x17a: {  	[sflag:s2] =	ssyncset.done @!p1 $0x0  }
0x17b: {  	s0 =	simm.s32 @!p1 $0xD80;
	[sflag:s2] =	ssyncadd.s32 @!p1 $0xFFFFEC00;
	s2 =	simm.s32 @!p1 $0xA  }
0x17c: {  	[spmem:s1] =	stream.indirect.scatter.add.f32 @!p1 [tilespmem:s5], [sflag:$0xA], $0x80, s0, s6, $0xb8;
	[tilespmem:$0x1F080] =	vst v63  }
0x17d: {  	_ =	swait.ge @!p1 [sflag:s2], $0x1400  }
0x17e: {  	s31 =	sld [smem:$0x7F8];
	_ =	sdelay $0x2  }
0x17f: {  	p2 =	por p1, p1;
	[sflag:s2] =	ssyncset.done @!p1 $0x0;
	p1 =	seq.s32 s31, $0x1  }
.Ltmp4:
0x180: {  	_ = 	snop;
	(pc) =	sbr.rel @p1 .LBB2_3-.Ltmp4, $2  }
0x181: {  	_ =	sdelay $0x2  }
0x182: {  	s18 =	sadd.s32 $0x10, s18;
	s0 =	simm.s32 @!p5 $0x5  }
.Ltmp5:
0x183: {  	_ = 	snop;
	(pc) =	sbr.rel .LBB2_4-.Ltmp5, $1  }
0x184: {  	_ =	sdelay $0x3  }
.LBB2_6:
0x185: {  	_ =	sfence.sel $0x180000  }
0x186: {  	[bflag:$0x0] =	sbarrier.arrive $0xFFFF  }
0x187: {  	_ =	strace $0x9000004A  }
0x188: {  	s0 =	stileid.u32;
	[bflag:$0x2] =	sbarrier.arrive $0xFFFF  }
0x189: {  	p0 =	sne.s32 s0, $0x0;
	s0 =	rddreg [dreg:$0x3]  }
0x18a: {  	s0 =	sadd.s32 @!p0 $0x100000, s0  }
0x18b: {  	[sflag:s0] =	ssyncadd.tile.s32 @!p0 $0x1;
	_ =	shalt  }
.Lfunc_end2:
_tile_overlayer_lowered:
.L_overlay_start_2:
0x18c: {  	(tag) =	ssettag $0x2  }
0x18d: {  	s0 =	rddreg [dreg:$0x0];
	s2 =	stileid.u32  }
0x18e: {  	s1 =	rddreg [dreg:$0x1];
	p0 =	sne.s32 s2, $0x0  }
0x18f: {  	s3 =	rddreg [dreg:$0x2];
	[bflag:$0x3] =	sbarrier.arrive $0xFFFF;
	s2 =	simm.s32 @!p0 $0x1C09  }
0x190: {  	[timem:s3], [sflag:s2] =	dma.local @!p0 [hbm:s0], s1  }
0x191: {  	s0 =	simm.s32 @!p0 $0x9  }
0x192: {  	_ =	swait.ge @!p0 [sflag:s0], s1  }
0x193: {  	s1 =	ssub.s32 @!p0 $0x0, s1;
	[sflag:s0] =	ssyncset.done @!p0 $0x0  }
0x194: {  	[sflag:s0] =	ssyncadd.s32 @!p0 s1  }
0x195: {  	[bflag:$0x3] =	sbarrier.arrive $0xFFFF  }
0x196: {  	_ =	shalt  }

</sc_bundles>
